<compile_context>
chip_gen: v7x
topology: tpu7x:2x2x1
jax: 0.10.2.dev20260603
libtpu: 0.0.44.dev20260713+nightly
codegen_flags: <defaults>
</compile_context>

<pallas_src>
import jax
import jax.numpy as jnp
from jax import lax
from jax.experimental import pallas as pl
from jax.experimental.pallas import tpu as pltpu
from jax.experimental.pallas import tpu_sc as plsc

_N, _T, _C = 4096, 512, 16
_NC, _NS, _L = 2, 16, 16
_NW = _NC * _NS

_SC_ROWS = 2304
_TC_ROWS = _N - _SC_ROWS
_ROWS_PER_W = _SC_ROWS // _NW
_CHUNK_ROWS = 4
_CHUNK_ELEMS = _CHUNK_ROWS * _T
_NCHUNKS = _ROWS_PER_W // _CHUNK_ROWS
_GPR = _T // _L

_TC_BN = 64
_TC_GRID = _TC_ROWS // _TC_BN

_A0, _A1, _A2 = 0.4, 0.3, 0.3
_INV_T = 1.0 / _T


def _sc_body(logp_hbm, y_hbm, tl_hbm, out_hbm,
             buf0, buf1, ybuf0, ybuf1, tlbuf0, tlbuf1, accbuf, sem0, sem1):
    cid = lax.axis_index("c")
    sid = lax.axis_index("s")
    wid = sid * _NC + cid
    row0 = wid * _ROWS_PER_W

    bufs = (buf0, buf1)
    ybufs = (ybuf0, ybuf1)
    tlbufs = (tlbuf0, tlbuf1)
    sems = (sem0, sem1)

    lanes = lax.iota(jnp.int32, _L)
    lanes_f = lanes.astype(jnp.float32)

    def start(ci):
        p = ci & 1
        r0 = row0 + ci * _CHUNK_ROWS
        d0 = pltpu.async_copy(logp_hbm.at[pl.ds(r0, _CHUNK_ROWS)], bufs[p], sems[p])
        d1 = pltpu.async_copy(y_hbm.at[pl.ds(r0, _CHUNK_ROWS)], ybufs[p], sems[p])
        d2 = pltpu.async_copy(tl_hbm.at[pl.ds(r0, _CHUNK_ROWS)], tlbufs[p], sems[p])
        return (d0, d1, d2)

    def process(ci, acc):
        p = ci & 1
        buf, ybuf, tlbuf = bufs[p], ybufs[p], tlbufs[p]

        def group_body(g, acc):
            r = lax.shift_right_logical(g, 5)
            tbase = lax.shift_left(g & (_GPR - 1), 4)
            y = ybuf[r, pl.ds(tbase, _L)]
            tl = tlbuf[r, pl.ds(tbase, _L)]
            t = tbase + lanes
            rv = jnp.full((_L,), r, dtype=jnp.int32)
            v = plsc.load_gather(buf, [rv, y, t])
            p_corr = jnp.exp(v)
            tf = (tbase.astype(jnp.float32) + lanes_f) * _INV_T
            tlf = tl.astype(jnp.float32) * _INV_T
            a1 = 1.0 - tf
            w1 = a1 - a1 * tlf
            w2 = (a1 * a1) * (tlf * tlf)
            return acc + (p_corr * (_A2 * w2 - _A1 * w1) - _A0 * v - _A2 * w2)

        return lax.fori_loop(0, _CHUNK_ELEMS // _L, group_body, acc)

    acc = jnp.zeros((_L,), jnp.float32)
    inflight = start(0)
    for ci in range(_NCHUNKS):
        nxt = start(ci + 1) if ci + 1 < _NCHUNKS else None
        for d in inflight:
            d.wait()
        acc = process(ci, acc)
        inflight = nxt

    accbuf[...] = acc
    pltpu.sync_copy(accbuf, out_hbm.at[wid])


@jax.jit
def _partials(logp, y, tl):
    mesh = plsc.VectorSubcoreMesh(core_axis_name="c", subcore_axis_name="s")
    return pl.kernel(
        _sc_body,
        out_type=jax.ShapeDtypeStruct((_NW, _L), jnp.float32),
        mesh=mesh,
        scratch_types=[
            pltpu.VMEM((_CHUNK_ROWS, _C, _T), jnp.float32),
            pltpu.VMEM((_CHUNK_ROWS, _C, _T), jnp.float32),
            pltpu.VMEM((_CHUNK_ROWS, _T), jnp.int32),
            pltpu.VMEM((_CHUNK_ROWS, _T), jnp.int32),
            pltpu.VMEM((_CHUNK_ROWS, _T), jnp.int32),
            pltpu.VMEM((_CHUNK_ROWS, _T), jnp.int32),
            pltpu.VMEM((_L,), jnp.float32),
            pltpu.SemaphoreType.DMA,
            pltpu.SemaphoreType.DMA,
        ],
        compiler_params=pltpu.CompilerParams(needs_layout_passes=False),
    )(logp, y, tl)


def _tc_body(logp_ref, y_ref, tl_ref, out_ref):
    i = pl.program_id(0)

    @pl.when(i == 0)
    def _():
        out_ref[...] = jnp.zeros_like(out_ref)

    logp_blk = logp_ref[...]
    y_blk = y_ref[...]
    tl_blk = tl_ref[...]
    cls = lax.broadcasted_iota(jnp.int32, (1, _C, 1), 1)
    mask = y_blk[:, None, :] == cls
    v = jnp.sum(jnp.where(mask, logp_blk, 0.0), axis=1)
    p_corr = jnp.exp(v)
    tf = lax.broadcasted_iota(jnp.int32, (_TC_BN, _T), 1).astype(jnp.float32) * _INV_T
    tlf = tl_blk.astype(jnp.float32) * _INV_T
    a1 = 1.0 - tf
    w1 = a1 - a1 * tlf
    w2 = (a1 * a1) * (tlf * tlf)
    contrib = p_corr * (_A2 * w2 - _A1 * w1) - _A0 * v - _A2 * w2
    out_ref[...] = out_ref[...] + jnp.sum(contrib).reshape(1, 1)


@jax.jit
def _tc_partial(logp, y, tl):
    blk0 = _SC_ROWS // _TC_BN
    return pl.pallas_call(
        _tc_body,
        grid=(_TC_GRID,),
        in_specs=[
            pl.BlockSpec((_TC_BN, _C, _T), lambda i: (blk0 + i, 0, 0)),
            pl.BlockSpec((_TC_BN, _T), lambda i: (blk0 + i, 0)),
            pl.BlockSpec((_TC_BN, _T), lambda i: (blk0 + i, 0)),
        ],
        out_specs=pl.BlockSpec((1, 1), lambda i: (0, 0)),
        out_shape=jax.ShapeDtypeStruct((1, 1), jnp.float32),
    )(logp, y, tl)


def kernel(log_class_probabilities, timestamps_left, y_true):
    logp_t = jnp.transpose(log_class_probabilities, (0, 2, 1))
    part_sc = _partials(logp_t, y_true, timestamps_left)
    part_tc = _tc_partial(logp_t, y_true, timestamps_left)
    return (jnp.sum(part_sc) + part_tc[0, 0]) * (1.0 / _N)

# --- scband reference (transcript-rebuilt; emitter-appended) ---
"""Pipeline reference for scband-stopping-time-proximity-loss-75857712381993 (READ-ONLY COPY).

The authoritative reference and input builder live on the scoring server;
editing this copy changes nothing except your own understanding.
"""

import jax, jax.numpy as jnp
import numpy as np

ALPHAS = [0.4, 0.3, 0.3, 0.0]

def setup_inputs(seed: int = 0) -> dict:
    key = jax.random.key(seed)
    k1, k2, k3 = jax.random.split(key, 3)
    N, T, C = 4096, 512, 16
    log_class_probabilities = jax.random.normal(k1, (N, T, C), dtype=jnp.float32)
    timestamps_left = jax.random.randint(k2, (N, T), 0, 512, dtype=jnp.int32)
    y_true = jax.random.randint(k3, (N, T), 0, C, dtype=jnp.int32)
    return {
        'log_class_probabilities': log_class_probabilities,
        'timestamps_left': timestamps_left,
        'y_true': y_true,
    }

def _probability_correct_class(log_class_probabilities, y_true):
    # exp of log-prob gathered at the true class for each (n, t)
    logp_true = jnp.take_along_axis(log_class_probabilities, y_true[..., None].astype(jnp.int32), axis=2)[..., 0]
    return jnp.exp(logp_true)

def reference(log_class_probabilities, timestamps_left, y_true):
    N, T, C = log_class_probabilities.shape
    alphas = ALPHAS
    # NLLLoss(reduction='none', weight=None): -logp at true class
    logp_true = jnp.take_along_axis(log_class_probabilities, y_true[..., None].astype(jnp.int32), axis=2)[..., 0]
    cross_entropy = -logp_true  # [N, T]
    classification_loss = cross_entropy.sum(axis=1).mean(axis=0)
    t = jnp.ones((N, T), dtype=jnp.float32) * jnp.arange(T, dtype=jnp.float32)
    tl = timestamps_left.astype(jnp.float32)
    p_correct = jnp.exp(logp_true)
    earliness_reward = p_correct * (1.0 - t / T) * (1.0 - tl / T)
    earliness_reward = earliness_reward.sum(axis=1).mean(axis=0)
    p_wrong = 1.0 - p_correct
    wrong_pred_penalty = p_wrong * (1.0 - t / T) ** 2 * (tl / T) ** 2
    wrong_pred_penalty = wrong_pred_penalty.sum(axis=1).mean(axis=0)
    # alphas[3] == 0 -> proximity_reward branch skipped (proximity_reward = 0)
    loss = alphas[0] * classification_loss - alphas[1] * earliness_reward - alphas[2] * wrong_pred_penalty
    return loss

if __name__ == "__main__":
    import jax
    _d = setup_inputs()
    print(jax.jit(kernel)(*tuple(_d.values())))

</pallas_src>

<mosaic_0001>
#map = affine_map<(d0, d1) -> (0, 0, 0)>
#map1 = affine_map<(d0, d1) -> (0, 0)>
module attributes {stable_mosaic.version = 14 : i64} {
  func.func @_sc_body(%arg0: i32, %arg1: i32, %arg2: memref<4096x16x512xf32, #tpu.memory_space<hbm>>, %arg3: memref<4096x512xi32, #tpu.memory_space<hbm>>, %arg4: memref<4096x512xi32, #tpu.memory_space<hbm>>, %arg5: memref<32x16xf32, #tpu.memory_space<hbm>>, %arg6: memref<4x16x512xf32, #tpu.memory_space<vmem>>, %arg7: memref<4x16x512xf32, #tpu.memory_space<vmem>>, %arg8: memref<4x512xi32, #tpu.memory_space<vmem>>, %arg9: memref<4x512xi32, #tpu.memory_space<vmem>>, %arg10: memref<4x512xi32, #tpu.memory_space<vmem>>, %arg11: memref<4x512xi32, #tpu.memory_space<vmem>>, %arg12: memref<16xf32, #tpu.memory_space<vmem>>, %arg13: memref<!tpu.dma_semaphore, #tpu.memory_space<semaphore_mem>>, %arg14: memref<!tpu.dma_semaphore, #tpu.memory_space<semaphore_mem>>) attributes {dimension_semantics = [#tpu.dimension_semantics<core_parallel>, #tpu.dimension_semantics<subcore_parallel>], iteration_bounds = array<i64: 2, 16>, scalar_prefetch = 0 : i64, scratch_operands = 9 : i64, tpu.core_type = #tpu.core_type<sc_vector_subcore>, window_params = [{transform_indices = #map}, {transform_indices = #map1}, {transform_indices = #map1}, {transform_indices = #map1}]} {
    %mul3A = arith.constant 2 : i32
    %mul3A_0 = arith.muli %arg1, %mul3A : i32
    %add3A = arith.addi %mul3A_0, %arg0 : i32
    %mul3A_1 = arith.constant 72 : i32
    %mul3A_2 = arith.muli %add3A, %mul3A_1 : i32
    %iota3A = tpu.iota {dimensions = array<i32: 0>} : vector<16xi32>
    %convert_element_type3A = arith.sitofp %iota3A : vector<16xi32> to vector<16xf32>
    %broadcast_in_dim3A = arith.constant 0.000000e+00 : f32
    %broadcast_in_dim3A_3 = vector.broadcast %broadcast_in_dim3A : f32 to vector<16xf32>
    %add3A_4 = arith.constant 0 : i32
    %add3A_5 = arith.addi %mul3A_2, %add3A_4 : i32
    %dma_start3A = arith.constant 0 : i32
    %dma_start3A_6 = arith.constant 0 : i32
    %dma_start3A_7 = tpu.memref_slice %arg2[%add3A_5, %dma_start3A, %dma_start3A_6] : memref<4096x16x512xf32, #tpu.memory_space<hbm>> -> memref<4x16x512xf32, #tpu.memory_space<hbm>>
    %dma_start3A_8 = arith.constant 0 : i32
    %dma_start3A_9 = arith.constant 0 : i32
    %dma_start3A_10 = tpu.memref_slice %arg2[%add3A_5, %dma_start3A_8, %dma_start3A_9] : memref<4096x16x512xf32, #tpu.memory_space<hbm>> -> memref<4x16x512xf32, #tpu.memory_space<hbm>>
    tpu.enqueue_dma source(%dma_start3A_10 : memref<4x16x512xf32, #tpu.memory_space<hbm>>) target(%arg6 : memref<4x16x512xf32, #tpu.memory_space<vmem>>) target_semaphore(%arg13 : memref<!tpu.dma_semaphore, #tpu.memory_space<semaphore_mem>>)
    %dma_start3A_11 = arith.constant 0 : i32
    %dma_start3A_12 = tpu.memref_slice %arg3[%add3A_5, %dma_start3A_11] : memref<4096x512xi32, #tpu.memory_space<hbm>> -> memref<4x512xi32, #tpu.memory_space<hbm>>
    %dma_start3A_13 = arith.constant 0 : i32
    %dma_start3A_14 = tpu.memref_slice %arg3[%add3A_5, %dma_start3A_13] : memref<4096x512xi32, #tpu.memory_space<hbm>> -> memref<4x512xi32, #tpu.memory_space<hbm>>
    tpu.enqueue_dma source(%dma_start3A_14 : memref<4x512xi32, #tpu.memory_space<hbm>>) target(%arg8 : memref<4x512xi32, #tpu.memory_space<vmem>>) target_semaphore(%arg13 : memref<!tpu.dma_semaphore, #tpu.memory_space<semaphore_mem>>)
    %dma_start3A_15 = arith.constant 0 : i32
    %dma_start3A_16 = tpu.memref_slice %arg4[%add3A_5, %dma_start3A_15] : memref<4096x512xi32, #tpu.memory_space<hbm>> -> memref<4x512xi32, #tpu.memory_space<hbm>>
    %dma_start3A_17 = arith.constant 0 : i32
    %dma_start3A_18 = tpu.memref_slice %arg4[%add3A_5, %dma_start3A_17] : memref<4096x512xi32, #tpu.memory_space<hbm>> -> memref<4x512xi32, #tpu.memory_space<hbm>>
    tpu.enqueue_dma source(%dma_start3A_18 : memref<4x512xi32, #tpu.memory_space<hbm>>) target(%arg10 : memref<4x512xi32, #tpu.memory_space<vmem>>) target_semaphore(%arg13 : memref<!tpu.dma_semaphore, #tpu.memory_space<semaphore_mem>>)
    %add3A_19 = arith.constant 4 : i32
    %add3A_20 = arith.addi %mul3A_2, %add3A_19 : i32
    %dma_start3A_21 = arith.constant 0 : i32
    %dma_start3A_22 = arith.constant 0 : i32
    %dma_start3A_23 = tpu.memref_slice %arg2[%add3A_20, %dma_start3A_21, %dma_start3A_22] : memref<4096x16x512xf32, #tpu.memory_space<hbm>> -> memref<4x16x512xf32, #tpu.memory_space<hbm>>
    %dma_start3A_24 = arith.constant 0 : i32
    %dma_start3A_25 = arith.constant 0 : i32
    %dma_start3A_26 = tpu.memref_slice %arg2[%add3A_20, %dma_start3A_24, %dma_start3A_25] : memref<4096x16x512xf32, #tpu.memory_space<hbm>> -> memref<4x16x512xf32, #tpu.memory_space<hbm>>
    tpu.enqueue_dma source(%dma_start3A_26 : memref<4x16x512xf32, #tpu.memory_space<hbm>>) target(%arg7 : memref<4x16x512xf32, #tpu.memory_space<vmem>>) target_semaphore(%arg14 : memref<!tpu.dma_semaphore, #tpu.memory_space<semaphore_mem>>)
    %dma_start3A_27 = arith.constant 0 : i32
    %dma_start3A_28 = tpu.memref_slice %arg3[%add3A_20, %dma_start3A_27] : memref<4096x512xi32, #tpu.memory_space<hbm>> -> memref<4x512xi32, #tpu.memory_space<hbm>>
    %dma_start3A_29 = arith.constant 0 : i32
    %dma_start3A_30 = tpu.memref_slice %arg3[%add3A_20, %dma_start3A_29] : memref<4096x512xi32, #tpu.memory_space<hbm>> -> memref<4x512xi32, #tpu.memory_space<hbm>>
    tpu.enqueue_dma source(%dma_start3A_30 : memref<4x512xi32, #tpu.memory_space<hbm>>) target(%arg9 : memref<4x512xi32, #tpu.memory_space<vmem>>) target_semaphore(%arg14 : memref<!tpu.dma_semaphore, #tpu.memory_space<semaphore_mem>>)
    %dma_start3A_31 = arith.constant 0 : i32
    %dma_start3A_32 = tpu.memref_slice %arg4[%add3A_20, %dma_start3A_31] : memref<4096x512xi32, #tpu.memory_space<hbm>> -> memref<4x512xi32, #tpu.memory_space<hbm>>
    %dma_start3A_33 = arith.constant 0 : i32
    %dma_start3A_34 = tpu.memref_slice %arg4[%add3A_20, %dma_start3A_33] : memref<4096x512xi32, #tpu.memory_space<hbm>> -> memref<4x512xi32, #tpu.memory_space<hbm>>
    tpu.enqueue_dma source(%dma_start3A_34 : memref<4x512xi32, #tpu.memory_space<hbm>>) target(%arg11 : memref<4x512xi32, #tpu.memory_space<vmem>>) target_semaphore(%arg14 : memref<!tpu.dma_semaphore, #tpu.memory_space<semaphore_mem>>)
    %dma_wait3A = arith.constant 0 : i32
    %dma_wait3A_35 = arith.constant 0 : i32
    %dma_wait3A_36 = tpu.memref_slice %arg2[%add3A_5, %dma_wait3A, %dma_wait3A_35] : memref<4096x16x512xf32, #tpu.memory_space<hbm>> -> memref<4x16x512xf32, #tpu.memory_space<hbm>>
    %dma_wait3A_37 = arith.constant 0 : i32
    %dma_wait3A_38 = arith.constant 0 : i32
    %dma_wait3A_39 = tpu.memref_slice %arg2[%add3A_5, %dma_wait3A_37, %dma_wait3A_38] : memref<4096x16x512xf32, #tpu.memory_space<hbm>> -> memref<4x16x512xf32, #tpu.memory_space<hbm>>
    tpu.wait_dma2 semaphore(%arg13 : memref<!tpu.dma_semaphore, #tpu.memory_space<semaphore_mem>>) src(%dma_wait3A_39 : memref<4x16x512xf32, #tpu.memory_space<hbm>>) dst(%arg6 : memref<4x16x512xf32, #tpu.memory_space<vmem>>)
    %dma_wait3A_40 = arith.constant 0 : i32
    %dma_wait3A_41 = tpu.memref_slice %arg3[%add3A_5, %dma_wait3A_40] : memref<4096x512xi32, #tpu.memory_space<hbm>> -> memref<4x512xi32, #tpu.memory_space<hbm>>
    %dma_wait3A_42 = arith.constant 0 : i32
    %dma_wait3A_43 = tpu.memref_slice %arg3[%add3A_5, %dma_wait3A_42] : memref<4096x512xi32, #tpu.memory_space<hbm>> -> memref<4x512xi32, #tpu.memory_space<hbm>>
    tpu.wait_dma2 semaphore(%arg13 : memref<!tpu.dma_semaphore, #tpu.memory_space<semaphore_mem>>) src(%dma_wait3A_43 : memref<4x512xi32, #tpu.memory_space<hbm>>) dst(%arg8 : memref<4x512xi32, #tpu.memory_space<vmem>>)
    %dma_wait3A_44 = arith.constant 0 : i32
    %dma_wait3A_45 = tpu.memref_slice %arg4[%add3A_5, %dma_wait3A_44] : memref<4096x512xi32, #tpu.memory_space<hbm>> -> memref<4x512xi32, #tpu.memory_space<hbm>>
    %dma_wait3A_46 = arith.constant 0 : i32
    %dma_wait3A_47 = tpu.memref_slice %arg4[%add3A_5, %dma_wait3A_46] : memref<4096x512xi32, #tpu.memory_space<hbm>> -> memref<4x512xi32, #tpu.memory_space<hbm>>
    tpu.wait_dma2 semaphore(%arg13 : memref<!tpu.dma_semaphore, #tpu.memory_space<semaphore_mem>>) src(%dma_wait3A_47 : memref<4x512xi32, #tpu.memory_space<hbm>>) dst(%arg10 : memref<4x512xi32, #tpu.memory_space<vmem>>)
    %scan3A = arith.constant 0 : i32
    %scan3A_48 = arith.constant 128 : i32
    %scan3A_49 = arith.addi %scan3A, %scan3A_48 : i32
    %scan3A_50 = arith.constant 1 : i32
    %scan3A_51 = scf.for %scan3A_650 = %scan3A to %scan3A_49 step %scan3A_50 iter_args(%scan3A_651 = %broadcast_in_dim3A_3) -> (vector<16xf32>)  : i32 {
      %shift_right_logical3A = arith.constant 5 : i32
      %shift_right_logical3A_652 = arith.shrui %scan3A_650, %shift_right_logical3A : i32
      %and3A = arith.constant 31 : i32
      %and3A_653 = arith.andi %scan3A_650, %and3A : i32
      %shift_left3A = arith.constant 4 : i32
      %shift_left3A_654 = arith.shli %and3A_653, %shift_left3A : i32
      %get3A = arith.index_cast %shift_right_logical3A_652 : i32 to index
      %get3A_655 = arith.index_cast %shift_left3A_654 : i32 to index
      %get3A_656 = tpu.vector_load %arg8[%get3A, %get3A_655] {strides = array<i32>} : memref<4x512xi32, #tpu.memory_space<vmem>>, vector<16xi32>,
      %get3A_657 = arith.index_cast %shift_right_logical3A_652 : i32 to index
      %get3A_658 = arith.index_cast %shift_left3A_654 : i32 to index
      %get3A_659 = tpu.vector_load %arg10[%get3A_657, %get3A_658] {strides = array<i32>} : memref<4x512xi32, #tpu.memory_space<vmem>>, vector<16xi32>,
      %add3A_660 = vector.broadcast %shift_left3A_654 : i32 to vector<16xi32>
      %add3A_661 = arith.addi %add3A_660, %iota3A : vector<16xi32>
      %broadcast_in_dim3A_662 = vector.broadcast %shift_right_logical3A_652 : i32 to vector<16xi32>
      %gather3A = tpu.vector_load_idx %arg6[%broadcast_in_dim3A_662, %get3A_656, %add3A_661] : memref<4x16x512xf32, #tpu.memory_space<vmem>>[vector<16xi32>, vector<16xi32>, vector<16xi32>], vector<16xf32>,
      %exp3A = math.exp %gather3A : vector<16xf32>
      %convert_element_type3A_663 = arith.sitofp %shift_left3A_654 : i32 to f32
      %add3A_664 = vector.broadcast %convert_element_type3A_663 : f32 to vector<16xf32>
      %add3A_665 = arith.addf %add3A_664, %convert_element_type3A : vector<16xf32>
      %mul3A_666 = arith.constant 0.001953125 : f32
      %mul3A_667 = vector.broadcast %mul3A_666 : f32 to vector<16xf32>
      %mul3A_668 = arith.mulf %add3A_665, %mul3A_667 : vector<16xf32>
      %convert_element_type3A_669 = arith.sitofp %get3A_659 : vector<16xi32> to vector<16xf32>
      %mul3A_670 = arith.constant 0.001953125 : f32
      %mul3A_671 = vector.broadcast %mul3A_670 : f32 to vector<16xf32>
      %mul3A_672 = arith.mulf %convert_element_type3A_669, %mul3A_671 : vector<16xf32>
      %sub3A = arith.constant 1.000000e+00 : f32
      %sub3A_673 = vector.broadcast %sub3A : f32 to vector<16xf32>
      %sub3A_674 = arith.subf %sub3A_673, %mul3A_668 : vector<16xf32>
      %mul3A_675 = arith.mulf %sub3A_674, %mul3A_672 : vector<16xf32>
      %sub3A_676 = arith.subf %sub3A_674, %mul3A_675 : vector<16xf32>
      %mul3A_677 = arith.mulf %sub3A_674, %sub3A_674 : vector<16xf32>
      %mul3A_678 = arith.mulf %mul3A_672, %mul3A_672 : vector<16xf32>
      %mul3A_679 = arith.mulf %mul3A_677, %mul3A_678 : vector<16xf32>
      %mul3A_680 = arith.constant 3.000000e-01 : f32
      %mul3A_681 = vector.broadcast %mul3A_680 : f32 to vector<16xf32>
      %mul3A_682 = arith.mulf %mul3A_681, %mul3A_679 : vector<16xf32>
      %mul3A_683 = arith.constant 3.000000e-01 : f32
      %mul3A_684 = vector.broadcast %mul3A_683 : f32 to vector<16xf32>
      %mul3A_685 = arith.mulf %mul3A_684, %sub3A_676 : vector<16xf32>
      %sub3A_686 = arith.subf %mul3A_682, %mul3A_685 : vector<16xf32>
      %mul3A_687 = arith.mulf %exp3A, %sub3A_686 : vector<16xf32>
      %mul3A_688 = arith.constant 4.000000e-01 : f32
      %mul3A_689 = vector.broadcast %mul3A_688 : f32 to vector<16xf32>
      %mul3A_690 = arith.mulf %mul3A_689, %gather3A : vector<16xf32>
      %sub3A_691 = arith.subf %mul3A_687, %mul3A_690 : vector<16xf32>
      %mul3A_692 = arith.constant 3.000000e-01 : f32
      %mul3A_693 = vector.broadcast %mul3A_692 : f32 to vector<16xf32>
      %mul3A_694 = arith.mulf %mul3A_693, %mul3A_679 : vector<16xf32>
      %sub3A_695 = arith.subf %sub3A_691, %mul3A_694 : vector<16xf32>
      %add3A_696 = arith.addf %scan3A_651, %sub3A_695 : vector<16xf32>
      scf.yield %add3A_696 : vector<16xf32>
    }
    %scan3A_52 = arith.constant 128 : i32
    %add3A_53 = arith.constant 8 : i32
    %add3A_54 = arith.addi %mul3A_2, %add3A_53 : i32
    %dma_start3A_55 = arith.constant 0 : i32
    %dma_start3A_56 = arith.constant 0 : i32
    %dma_start3A_57 = tpu.memref_slice %arg2[%add3A_54, %dma_start3A_55, %dma_start3A_56] : memref<4096x16x512xf32, #tpu.memory_space<hbm>> -> memref<4x16x512xf32, #tpu.memory_space<hbm>>
    %dma_start3A_58 = arith.constant 0 : i32
    %dma_start3A_59 = arith.constant 0 : i32
    %dma_start3A_60 = tpu.memref_slice %arg2[%add3A_54, %dma_start3A_58, %dma_start3A_59] : memref<4096x16x512xf32, #tpu.memory_space<hbm>> -> memref<4x16x512xf32, #tpu.memory_space<hbm>>
    tpu.enqueue_dma source(%dma_start3A_60 : memref<4x16x512xf32, #tpu.memory_space<hbm>>) target(%arg6 : memref<4x16x512xf32, #tpu.memory_space<vmem>>) target_semaphore(%arg13 : memref<!tpu.dma_semaphore, #tpu.memory_space<semaphore_mem>>)
    %dma_start3A_61 = arith.constant 0 : i32
    %dma_start3A_62 = tpu.memref_slice %arg3[%add3A_54, %dma_start3A_61] : memref<4096x512xi32, #tpu.memory_space<hbm>> -> memref<4x512xi32, #tpu.memory_space<hbm>>
    %dma_start3A_63 = arith.constant 0 : i32
    %dma_start3A_64 = tpu.memref_slice %arg3[%add3A_54, %dma_start3A_63] : memref<4096x512xi32, #tpu.memory_space<hbm>> -> memref<4x512xi32, #tpu.memory_space<hbm>>
    tpu.enqueue_dma source(%dma_start3A_64 : memref<4x512xi32, #tpu.memory_space<hbm>>) target(%arg8 : memref<4x512xi32, #tpu.memory_space<vmem>>) target_semaphore(%arg13 : memref<!tpu.dma_semaphore, #tpu.memory_space<semaphore_mem>>)
    %dma_start3A_65 = arith.constant 0 : i32
    %dma_start3A_66 = tpu.memref_slice %arg4[%add3A_54, %dma_start3A_65] : memref<4096x512xi32, #tpu.memory_space<hbm>> -> memref<4x512xi32, #tpu.memory_space<hbm>>
    %dma_start3A_67 = arith.constant 0 : i32
    %dma_start3A_68 = tpu.memref_slice %arg4[%add3A_54, %dma_start3A_67] : memref<4096x512xi32, #tpu.memory_space<hbm>> -> memref<4x512xi32, #tpu.memory_space<hbm>>
    tpu.enqueue_dma source(%dma_start3A_68 : memref<4x512xi32, #tpu.memory_space<hbm>>) target(%arg10 : memref<4x512xi32, #tpu.memory_space<vmem>>) target_semaphore(%arg13 : memref<!tpu.dma_semaphore, #tpu.memory_space<semaphore_mem>>)
    %dma_wait3A_69 = arith.constant 0 : i32
    %dma_wait3A_70 = arith.constant 0 : i32
    %dma_wait3A_71 = tpu.memref_slice %arg2[%add3A_20, %dma_wait3A_69, %dma_wait3A_70] : memref<4096x16x512xf32, #tpu.memory_space<hbm>> -> memref<4x16x512xf32, #tpu.memory_space<hbm>>
    %dma_wait3A_72 = arith.constant 0 : i32
    %dma_wait3A_73 = arith.constant 0 : i32
    %dma_wait3A_74 = tpu.memref_slice %arg2[%add3A_20, %dma_wait3A_72, %dma_wait3A_73] : memref<4096x16x512xf32, #tpu.memory_space<hbm>> -> memref<4x16x512xf32, #tpu.memory_space<hbm>>
    tpu.wait_dma2 semaphore(%arg14 : memref<!tpu.dma_semaphore, #tpu.memory_space<semaphore_mem>>) src(%dma_wait3A_74 : memref<4x16x512xf32, #tpu.memory_space<hbm>>) dst(%arg7 : memref<4x16x512xf32, #tpu.memory_space<vmem>>)
    %dma_wait3A_75 = arith.constant 0 : i32
    %dma_wait3A_76 = tpu.memref_slice %arg3[%add3A_20, %dma_wait3A_75] : memref<4096x512xi32, #tpu.memory_space<hbm>> -> memref<4x512xi32, #tpu.memory_space<hbm>>
    %dma_wait3A_77 = arith.constant 0 : i32
    %dma_wait3A_78 = tpu.memref_slice %arg3[%add3A_20, %dma_wait3A_77] : memref<4096x512xi32, #tpu.memory_space<hbm>> -> memref<4x512xi32, #tpu.memory_space<hbm>>
    tpu.wait_dma2 semaphore(%arg14 : memref<!tpu.dma_semaphore, #tpu.memory_space<semaphore_mem>>) src(%dma_wait3A_78 : memref<4x512xi32, #tpu.memory_space<hbm>>) dst(%arg9 : memref<4x512xi32, #tpu.memory_space<vmem>>)
    %dma_wait3A_79 = arith.constant 0 : i32
    %dma_wait3A_80 = tpu.memref_slice %arg4[%add3A_20, %dma_wait3A_79] : memref<4096x512xi32, #tpu.memory_space<hbm>> -> memref<4x512xi32, #tpu.memory_space<hbm>>
    %dma_wait3A_81 = arith.constant 0 : i32
    %dma_wait3A_82 = tpu.memref_slice %arg4[%add3A_20, %dma_wait3A_81] : memref<4096x512xi32, #tpu.memory_space<hbm>> -> memref<4x512xi32, #tpu.memory_space<hbm>>
    tpu.wait_dma2 semaphore(%arg14 : memref<!tpu.dma_semaphore, #tpu.memory_space<semaphore_mem>>) src(%dma_wait3A_82 : memref<4x512xi32, #tpu.memory_space<hbm>>) dst(%arg11 : memref<4x512xi32, #tpu.memory_space<vmem>>)
    %scan3A_83 = arith.constant 0 : i32
    %scan3A_84 = arith.constant 128 : i32
    %scan3A_85 = arith.addi %scan3A_83, %scan3A_84 : i32
    %scan3A_86 = arith.constant 1 : i32
    %scan3A_87 = scf.for %scan3A_650 = %scan3A_83 to %scan3A_85 step %scan3A_86 iter_args(%scan3A_651 = %scan3A_51) -> (vector<16xf32>)  : i32 {
      %shift_right_logical3A = arith.constant 5 : i32
      %shift_right_logical3A_652 = arith.shrui %scan3A_650, %shift_right_logical3A : i32
      %and3A = arith.constant 31 : i32
      %and3A_653 = arith.andi %scan3A_650, %and3A : i32
      %shift_left3A = arith.constant 4 : i32
      %shift_left3A_654 = arith.shli %and3A_653, %shift_left3A : i32
      %get3A = arith.index_cast %shift_right_logical3A_652 : i32 to index
      %get3A_655 = arith.index_cast %shift_left3A_654 : i32 to index
      %get3A_656 = tpu.vector_load %arg9[%get3A, %get3A_655] {strides = array<i32>} : memref<4x512xi32, #tpu.memory_space<vmem>>, vector<16xi32>,
      %get3A_657 = arith.index_cast %shift_right_logical3A_652 : i32 to index
      %get3A_658 = arith.index_cast %shift_left3A_654 : i32 to index
      %get3A_659 = tpu.vector_load %arg11[%get3A_657, %get3A_658] {strides = array<i32>} : memref<4x512xi32, #tpu.memory_space<vmem>>, vector<16xi32>,
      %add3A_660 = vector.broadcast %shift_left3A_654 : i32 to vector<16xi32>
      %add3A_661 = arith.addi %add3A_660, %iota3A : vector<16xi32>
      %broadcast_in_dim3A_662 = vector.broadcast %shift_right_logical3A_652 : i32 to vector<16xi32>
      %gather3A = tpu.vector_load_idx %arg7[%broadcast_in_dim3A_662, %get3A_656, %add3A_661] : memref<4x16x512xf32, #tpu.memory_space<vmem>>[vector<16xi32>, vector<16xi32>, vector<16xi32>], vector<16xf32>,
      %exp3A = math.exp %gather3A : vector<16xf32>
      %convert_element_type3A_663 = arith.sitofp %shift_left3A_654 : i32 to f32
      %add3A_664 = vector.broadcast %convert_element_type3A_663 : f32 to vector<16xf32>
      %add3A_665 = arith.addf %add3A_664, %convert_element_type3A : vector<16xf32>
      %mul3A_666 = arith.constant 0.001953125 : f32
      %mul3A_667 = vector.broadcast %mul3A_666 : f32 to vector<16xf32>
      %mul3A_668 = arith.mulf %add3A_665, %mul3A_667 : vector<16xf32>
      %convert_element_type3A_669 = arith.sitofp %get3A_659 : vector<16xi32> to vector<16xf32>
      %mul3A_670 = arith.constant 0.001953125 : f32
      %mul3A_671 = vector.broadcast %mul3A_670 : f32 to vector<16xf32>
      %mul3A_672 = arith.mulf %convert_element_type3A_669, %mul3A_671 : vector<16xf32>
      %sub3A = arith.constant 1.000000e+00 : f32
      %sub3A_673 = vector.broadcast %sub3A : f32 to vector<16xf32>
      %sub3A_674 = arith.subf %sub3A_673, %mul3A_668 : vector<16xf32>
      %mul3A_675 = arith.mulf %sub3A_674, %mul3A_672 : vector<16xf32>
      %sub3A_676 = arith.subf %sub3A_674, %mul3A_675 : vector<16xf32>
      %mul3A_677 = arith.mulf %sub3A_674, %sub3A_674 : vector<16xf32>
      %mul3A_678 = arith.mulf %mul3A_672, %mul3A_672 : vector<16xf32>
      %mul3A_679 = arith.mulf %mul3A_677, %mul3A_678 : vector<16xf32>
      %mul3A_680 = arith.constant 3.000000e-01 : f32
      %mul3A_681 = vector.broadcast %mul3A_680 : f32 to vector<16xf32>
      %mul3A_682 = arith.mulf %mul3A_681, %mul3A_679 : vector<16xf32>
      %mul3A_683 = arith.constant 3.000000e-01 : f32
      %mul3A_684 = vector.broadcast %mul3A_683 : f32 to vector<16xf32>
      %mul3A_685 = arith.mulf %mul3A_684, %sub3A_676 : vector<16xf32>
      %sub3A_686 = arith.subf %mul3A_682, %mul3A_685 : vector<16xf32>
      %mul3A_687 = arith.mulf %exp3A, %sub3A_686 : vector<16xf32>
      %mul3A_688 = arith.constant 4.000000e-01 : f32
      %mul3A_689 = vector.broadcast %mul3A_688 : f32 to vector<16xf32>
      %mul3A_690 = arith.mulf %mul3A_689, %gather3A : vector<16xf32>
      %sub3A_691 = arith.subf %mul3A_687, %mul3A_690 : vector<16xf32>
      %mul3A_692 = arith.constant 3.000000e-01 : f32
      %mul3A_693 = vector.broadcast %mul3A_692 : f32 to vector<16xf32>
      %mul3A_694 = arith.mulf %mul3A_693, %mul3A_679 : vector<16xf32>
      %sub3A_695 = arith.subf %sub3A_691, %mul3A_694 : vector<16xf32>
      %add3A_696 = arith.addf %scan3A_651, %sub3A_695 : vector<16xf32>
      scf.yield %add3A_696 : vector<16xf32>
    }
    %scan3A_88 = arith.constant 128 : i32
    %add3A_89 = arith.constant 12 : i32
    %add3A_90 = arith.addi %mul3A_2, %add3A_89 : i32
    %dma_start3A_91 = arith.constant 0 : i32
    %dma_start3A_92 = arith.constant 0 : i32
    %dma_start3A_93 = tpu.memref_slice %arg2[%add3A_90, %dma_start3A_91, %dma_start3A_92] : memref<4096x16x512xf32, #tpu.memory_space<hbm>> -> memref<4x16x512xf32, #tpu.memory_space<hbm>>
    %dma_start3A_94 = arith.constant 0 : i32
    %dma_start3A_95 = arith.constant 0 : i32
    %dma_start3A_96 = tpu.memref_slice %arg2[%add3A_90, %dma_start3A_94, %dma_start3A_95] : memref<4096x16x512xf32, #tpu.memory_space<hbm>> -> memref<4x16x512xf32, #tpu.memory_space<hbm>>
    tpu.enqueue_dma source(%dma_start3A_96 : memref<4x16x512xf32, #tpu.memory_space<hbm>>) target(%arg7 : memref<4x16x512xf32, #tpu.memory_space<vmem>>) target_semaphore(%arg14 : memref<!tpu.dma_semaphore, #tpu.memory_space<semaphore_mem>>)
    %dma_start3A_97 = arith.constant 0 : i32
    %dma_start3A_98 = tpu.memref_slice %arg3[%add3A_90, %dma_start3A_97] : memref<4096x512xi32, #tpu.memory_space<hbm>> -> memref<4x512xi32, #tpu.memory_space<hbm>>
    %dma_start3A_99 = arith.constant 0 : i32
    %dma_start3A_100 = tpu.memref_slice %arg3[%add3A_90, %dma_start3A_99] : memref<4096x512xi32, #tpu.memory_space<hbm>> -> memref<4x512xi32, #tpu.memory_space<hbm>>
    tpu.enqueue_dma source(%dma_start3A_100 : memref<4x512xi32, #tpu.memory_space<hbm>>) target(%arg9 : memref<4x512xi32, #tpu.memory_space<vmem>>) target_semaphore(%arg14 : memref<!tpu.dma_semaphore, #tpu.memory_space<semaphore_mem>>)
    %dma_start3A_101 = arith.constant 0 : i32
    %dma_start3A_102 = tpu.memref_slice %arg4[%add3A_90, %dma_start3A_101] : memref<4096x512xi32, #tpu.memory_space<hbm>> -> memref<4x512xi32, #tpu.memory_space<hbm>>
    %dma_start3A_103 = arith.constant 0 : i32
    %dma_start3A_104 = tpu.memref_slice %arg4[%add3A_90, %dma_start3A_103] : memref<4096x512xi32, #tpu.memory_space<hbm>> -> memref<4x512xi32, #tpu.memory_space<hbm>>
    tpu.enqueue_dma source(%dma_start3A_104 : memref<4x512xi32, #tpu.memory_space<hbm>>) target(%arg11 : memref<4x512xi32, #tpu.memory_space<vmem>>) target_semaphore(%arg14 : memref<!tpu.dma_semaphore, #tpu.memory_space<semaphore_mem>>)
    %dma_wait3A_105 = arith.constant 0 : i32
    %dma_wait3A_106 = arith.constant 0 : i32
    %dma_wait3A_107 = tpu.memref_slice %arg2[%add3A_54, %dma_wait3A_105, %dma_wait3A_106] : memref<4096x16x512xf32, #tpu.memory_space<hbm>> -> memref<4x16x512xf32, #tpu.memory_space<hbm>>
    %dma_wait3A_108 = arith.constant 0 : i32
    %dma_wait3A_109 = arith.constant 0 : i32
    %dma_wait3A_110 = tpu.memref_slice %arg2[%add3A_54, %dma_wait3A_108, %dma_wait3A_109] : memref<4096x16x512xf32, #tpu.memory_space<hbm>> -> memref<4x16x512xf32, #tpu.memory_space<hbm>>
    tpu.wait_dma2 semaphore(%arg13 : memref<!tpu.dma_semaphore, #tpu.memory_space<semaphore_mem>>) src(%dma_wait3A_110 : memref<4x16x512xf32, #tpu.memory_space<hbm>>) dst(%arg6 : memref<4x16x512xf32, #tpu.memory_space<vmem>>)
    %dma_wait3A_111 = arith.constant 0 : i32
    %dma_wait3A_112 = tpu.memref_slice %arg3[%add3A_54, %dma_wait3A_111] : memref<4096x512xi32, #tpu.memory_space<hbm>> -> memref<4x512xi32, #tpu.memory_space<hbm>>
    %dma_wait3A_113 = arith.constant 0 : i32
    %dma_wait3A_114 = tpu.memref_slice %arg3[%add3A_54, %dma_wait3A_113] : memref<4096x512xi32, #tpu.memory_space<hbm>> -> memref<4x512xi32, #tpu.memory_space<hbm>>
    tpu.wait_dma2 semaphore(%arg13 : memref<!tpu.dma_semaphore, #tpu.memory_space<semaphore_mem>>) src(%dma_wait3A_114 : memref<4x512xi32, #tpu.memory_space<hbm>>) dst(%arg8 : memref<4x512xi32, #tpu.memory_space<vmem>>)
    %dma_wait3A_115 = arith.constant 0 : i32
    %dma_wait3A_116 = tpu.memref_slice %arg4[%add3A_54, %dma_wait3A_115] : memref<4096x512xi32, #tpu.memory_space<hbm>> -> memref<4x512xi32, #tpu.memory_space<hbm>>
    %dma_wait3A_117 = arith.constant 0 : i32
    %dma_wait3A_118 = tpu.memref_slice %arg4[%add3A_54, %dma_wait3A_117] : memref<4096x512xi32, #tpu.memory_space<hbm>> -> memref<4x512xi32, #tpu.memory_space<hbm>>
    tpu.wait_dma2 semaphore(%arg13 : memref<!tpu.dma_semaphore, #tpu.memory_space<semaphore_mem>>) src(%dma_wait3A_118 : memref<4x512xi32, #tpu.memory_space<hbm>>) dst(%arg10 : memref<4x512xi32, #tpu.memory_space<vmem>>)
    %scan3A_119 = arith.constant 0 : i32
    %scan3A_120 = arith.constant 128 : i32
    %scan3A_121 = arith.addi %scan3A_119, %scan3A_120 : i32
    %scan3A_122 = arith.constant 1 : i32
    %scan3A_123 = scf.for %scan3A_650 = %scan3A_119 to %scan3A_121 step %scan3A_122 iter_args(%scan3A_651 = %scan3A_87) -> (vector<16xf32>)  : i32 {
      %shift_right_logical3A = arith.constant 5 : i32
      %shift_right_logical3A_652 = arith.shrui %scan3A_650, %shift_right_logical3A : i32
      %and3A = arith.constant 31 : i32
      %and3A_653 = arith.andi %scan3A_650, %and3A : i32
      %shift_left3A = arith.constant 4 : i32
      %shift_left3A_654 = arith.shli %and3A_653, %shift_left3A : i32
      %get3A = arith.index_cast %shift_right_logical3A_652 : i32 to index
      %get3A_655 = arith.index_cast %shift_left3A_654 : i32 to index
      %get3A_656 = tpu.vector_load %arg8[%get3A, %get3A_655] {strides = array<i32>} : memref<4x512xi32, #tpu.memory_space<vmem>>, vector<16xi32>,
      %get3A_657 = arith.index_cast %shift_right_logical3A_652 : i32 to index
      %get3A_658 = arith.index_cast %shift_left3A_654 : i32 to index
      %get3A_659 = tpu.vector_load %arg10[%get3A_657, %get3A_658] {strides = array<i32>} : memref<4x512xi32, #tpu.memory_space<vmem>>, vector<16xi32>,
      %add3A_660 = vector.broadcast %shift_left3A_654 : i32 to vector<16xi32>
      %add3A_661 = arith.addi %add3A_660, %iota3A : vector<16xi32>
      %broadcast_in_dim3A_662 = vector.broadcast %shift_right_logical3A_652 : i32 to vector<16xi32>
      %gather3A = tpu.vector_load_idx %arg6[%broadcast_in_dim3A_662, %get3A_656, %add3A_661] : memref<4x16x512xf32, #tpu.memory_space<vmem>>[vector<16xi32>, vector<16xi32>, vector<16xi32>], vector<16xf32>,
      %exp3A = math.exp %gather3A : vector<16xf32>
      %convert_element_type3A_663 = arith.sitofp %shift_left3A_654 : i32 to f32
      %add3A_664 = vector.broadcast %convert_element_type3A_663 : f32 to vector<16xf32>
      %add3A_665 = arith.addf %add3A_664, %convert_element_type3A : vector<16xf32>
      %mul3A_666 = arith.constant 0.001953125 : f32
      %mul3A_667 = vector.broadcast %mul3A_666 : f32 to vector<16xf32>
      %mul3A_668 = arith.mulf %add3A_665, %mul3A_667 : vector<16xf32>
      %convert_element_type3A_669 = arith.sitofp %get3A_659 : vector<16xi32> to vector<16xf32>
      %mul3A_670 = arith.constant 0.001953125 : f32
      %mul3A_671 = vector.broadcast %mul3A_670 : f32 to vector<16xf32>
      %mul3A_672 = arith.mulf %convert_element_type3A_669, %mul3A_671 : vector<16xf32>
      %sub3A = arith.constant 1.000000e+00 : f32
      %sub3A_673 = vector.broadcast %sub3A : f32 to vector<16xf32>
      %sub3A_674 = arith.subf %sub3A_673, %mul3A_668 : vector<16xf32>
      %mul3A_675 = arith.mulf %sub3A_674, %mul3A_672 : vector<16xf32>
      %sub3A_676 = arith.subf %sub3A_674, %mul3A_675 : vector<16xf32>
      %mul3A_677 = arith.mulf %sub3A_674, %sub3A_674 : vector<16xf32>
      %mul3A_678 = arith.mulf %mul3A_672, %mul3A_672 : vector<16xf32>
      %mul3A_679 = arith.mulf %mul3A_677, %mul3A_678 : vector<16xf32>
      %mul3A_680 = arith.constant 3.000000e-01 : f32
      %mul3A_681 = vector.broadcast %mul3A_680 : f32 to vector<16xf32>
      %mul3A_682 = arith.mulf %mul3A_681, %mul3A_679 : vector<16xf32>
      %mul3A_683 = arith.constant 3.000000e-01 : f32
      %mul3A_684 = vector.broadcast %mul3A_683 : f32 to vector<16xf32>
      %mul3A_685 = arith.mulf %mul3A_684, %sub3A_676 : vector<16xf32>
      %sub3A_686 = arith.subf %mul3A_682, %mul3A_685 : vector<16xf32>
      %mul3A_687 = arith.mulf %exp3A, %sub3A_686 : vector<16xf32>
      %mul3A_688 = arith.constant 4.000000e-01 : f32
      %mul3A_689 = vector.broadcast %mul3A_688 : f32 to vector<16xf32>
      %mul3A_690 = arith.mulf %mul3A_689, %gather3A : vector<16xf32>
      %sub3A_691 = arith.subf %mul3A_687, %mul3A_690 : vector<16xf32>
      %mul3A_692 = arith.constant 3.000000e-01 : f32
      %mul3A_693 = vector.broadcast %mul3A_692 : f32 to vector<16xf32>
      %mul3A_694 = arith.mulf %mul3A_693, %mul3A_679 : vector<16xf32>
      %sub3A_695 = arith.subf %sub3A_691, %mul3A_694 : vector<16xf32>
      %add3A_696 = arith.addf %scan3A_651, %sub3A_695 : vector<16xf32>
      scf.yield %add3A_696 : vector<16xf32>
    }
    %scan3A_124 = arith.constant 128 : i32
    %add3A_125 = arith.constant 16 : i32
    %add3A_126 = arith.addi %mul3A_2, %add3A_125 : i32
    %dma_start3A_127 = arith.constant 0 : i32
    %dma_start3A_128 = arith.constant 0 : i32
    %dma_start3A_129 = tpu.memref_slice %arg2[%add3A_126, %dma_start3A_127, %dma_start3A_128] : memref<4096x16x512xf32, #tpu.memory_space<hbm>> -> memref<4x16x512xf32, #tpu.memory_space<hbm>>
    %dma_start3A_130 = arith.constant 0 : i32
    %dma_start3A_131 = arith.constant 0 : i32
    %dma_start3A_132 = tpu.memref_slice %arg2[%add3A_126, %dma_start3A_130, %dma_start3A_131] : memref<4096x16x512xf32, #tpu.memory_space<hbm>> -> memref<4x16x512xf32, #tpu.memory_space<hbm>>
    tpu.enqueue_dma source(%dma_start3A_132 : memref<4x16x512xf32, #tpu.memory_space<hbm>>) target(%arg6 : memref<4x16x512xf32, #tpu.memory_space<vmem>>) target_semaphore(%arg13 : memref<!tpu.dma_semaphore, #tpu.memory_space<semaphore_mem>>)
    %dma_start3A_133 = arith.constant 0 : i32
    %dma_start3A_134 = tpu.memref_slice %arg3[%add3A_126, %dma_start3A_133] : memref<4096x512xi32, #tpu.memory_space<hbm>> -> memref<4x512xi32, #tpu.memory_space<hbm>>
    %dma_start3A_135 = arith.constant 0 : i32
    %dma_start3A_136 = tpu.memref_slice %arg3[%add3A_126, %dma_start3A_135] : memref<4096x512xi32, #tpu.memory_space<hbm>> -> memref<4x512xi32, #tpu.memory_space<hbm>>
    tpu.enqueue_dma source(%dma_start3A_136 : memref<4x512xi32, #tpu.memory_space<hbm>>) target(%arg8 : memref<4x512xi32, #tpu.memory_space<vmem>>) target_semaphore(%arg13 : memref<!tpu.dma_semaphore, #tpu.memory_space<semaphore_mem>>)
    %dma_start3A_137 = arith.constant 0 : i32
    %dma_start3A_138 = tpu.memref_slice %arg4[%add3A_126, %dma_start3A_137] : memref<4096x512xi32, #tpu.memory_space<hbm>> -> memref<4x512xi32, #tpu.memory_space<hbm>>
    %dma_start3A_139 = arith.constant 0 : i32
    %dma_start3A_140 = tpu.memref_slice %arg4[%add3A_126, %dma_start3A_139] : memref<4096x512xi32, #tpu.memory_space<hbm>> -> memref<4x512xi32, #tpu.memory_space<hbm>>
    tpu.enqueue_dma source(%dma_start3A_140 : memref<4x512xi32, #tpu.memory_space<hbm>>) target(%arg10 : memref<4x512xi32, #tpu.memory_space<vmem>>) target_semaphore(%arg13 : memref<!tpu.dma_semaphore, #tpu.memory_space<semaphore_mem>>)
    %dma_wait3A_141 = arith.constant 0 : i32
    %dma_wait3A_142 = arith.constant 0 : i32
    %dma_wait3A_143 = tpu.memref_slice %arg2[%add3A_90, %dma_wait3A_141, %dma_wait3A_142] : memref<4096x16x512xf32, #tpu.memory_space<hbm>> -> memref<4x16x512xf32, #tpu.memory_space<hbm>>
    %dma_wait3A_144 = arith.constant 0 : i32
    %dma_wait3A_145 = arith.constant 0 : i32
    %dma_wait3A_146 = tpu.memref_slice %arg2[%add3A_90, %dma_wait3A_144, %dma_wait3A_145] : memref<4096x16x512xf32, #tpu.memory_space<hbm>> -> memref<4x16x512xf32, #tpu.memory_space<hbm>>
    tpu.wait_dma2 semaphore(%arg14 : memref<!tpu.dma_semaphore, #tpu.memory_space<semaphore_mem>>) src(%dma_wait3A_146 : memref<4x16x512xf32, #tpu.memory_space<hbm>>) dst(%arg7 : memref<4x16x512xf32, #tpu.memory_space<vmem>>)
    %dma_wait3A_147 = arith.constant 0 : i32
    %dma_wait3A_148 = tpu.memref_slice %arg3[%add3A_90, %dma_wait3A_147] : memref<4096x512xi32, #tpu.memory_space<hbm>> -> memref<4x512xi32, #tpu.memory_space<hbm>>
    %dma_wait3A_149 = arith.constant 0 : i32
    %dma_wait3A_150 = tpu.memref_slice %arg3[%add3A_90, %dma_wait3A_149] : memref<4096x512xi32, #tpu.memory_space<hbm>> -> memref<4x512xi32, #tpu.memory_space<hbm>>
    tpu.wait_dma2 semaphore(%arg14 : memref<!tpu.dma_semaphore, #tpu.memory_space<semaphore_mem>>) src(%dma_wait3A_150 : memref<4x512xi32, #tpu.memory_space<hbm>>) dst(%arg9 : memref<4x512xi32, #tpu.memory_space<vmem>>)
    %dma_wait3A_151 = arith.constant 0 : i32
    %dma_wait3A_152 = tpu.memref_slice %arg4[%add3A_90, %dma_wait3A_151] : memref<4096x512xi32, #tpu.memory_space<hbm>> -> memref<4x512xi32, #tpu.memory_space<hbm>>
    %dma_wait3A_153 = arith.constant 0 : i32
    %dma_wait3A_154 = tpu.memref_slice %arg4[%add3A_90, %dma_wait3A_153] : memref<4096x512xi32, #tpu.memory_space<hbm>> -> memref<4x512xi32, #tpu.memory_space<hbm>>
    tpu.wait_dma2 semaphore(%arg14 : memref<!tpu.dma_semaphore, #tpu.memory_space<semaphore_mem>>) src(%dma_wait3A_154 : memref<4x512xi32, #tpu.memory_space<hbm>>) dst(%arg11 : memref<4x512xi32, #tpu.memory_space<vmem>>)
    %scan3A_155 = arith.constant 0 : i32
    %scan3A_156 = arith.constant 128 : i32
    %scan3A_157 = arith.addi %scan3A_155, %scan3A_156 : i32
    %scan3A_158 = arith.constant 1 : i32
    %scan3A_159 = scf.for %scan3A_650 = %scan3A_155 to %scan3A_157 step %scan3A_158 iter_args(%scan3A_651 = %scan3A_123) -> (vector<16xf32>)  : i32 {
      %shift_right_logical3A = arith.constant 5 : i32
      %shift_right_logical3A_652 = arith.shrui %scan3A_650, %shift_right_logical3A : i32
      %and3A = arith.constant 31 : i32
      %and3A_653 = arith.andi %scan3A_650, %and3A : i32
      %shift_left3A = arith.constant 4 : i32
      %shift_left3A_654 = arith.shli %and3A_653, %shift_left3A : i32
      %get3A = arith.index_cast %shift_right_logical3A_652 : i32 to index
      %get3A_655 = arith.index_cast %shift_left3A_654 : i32 to index
      %get3A_656 = tpu.vector_load %arg9[%get3A, %get3A_655] {strides = array<i32>} : memref<4x512xi32, #tpu.memory_space<vmem>>, vector<16xi32>,
      %get3A_657 = arith.index_cast %shift_right_logical3A_652 : i32 to index
      %get3A_658 = arith.index_cast %shift_left3A_654 : i32 to index
      %get3A_659 = tpu.vector_load %arg11[%get3A_657, %get3A_658] {strides = array<i32>} : memref<4x512xi32, #tpu.memory_space<vmem>>, vector<16xi32>,
      %add3A_660 = vector.broadcast %shift_left3A_654 : i32 to vector<16xi32>
      %add3A_661 = arith.addi %add3A_660, %iota3A : vector<16xi32>
      %broadcast_in_dim3A_662 = vector.broadcast %shift_right_logical3A_652 : i32 to vector<16xi32>
      %gather3A = tpu.vector_load_idx %arg7[%broadcast_in_dim3A_662, %get3A_656, %add3A_661] : memref<4x16x512xf32, #tpu.memory_space<vmem>>[vector<16xi32>, vector<16xi32>, vector<16xi32>], vector<16xf32>,
      %exp3A = math.exp %gather3A : vector<16xf32>
      %convert_element_type3A_663 = arith.sitofp %shift_left3A_654 : i32 to f32
      %add3A_664 = vector.broadcast %convert_element_type3A_663 : f32 to vector<16xf32>
      %add3A_665 = arith.addf %add3A_664, %convert_element_type3A : vector<16xf32>
      %mul3A_666 = arith.constant 0.001953125 : f32
      %mul3A_667 = vector.broadcast %mul3A_666 : f32 to vector<16xf32>
      %mul3A_668 = arith.mulf %add3A_665, %mul3A_667 : vector<16xf32>
      %convert_element_type3A_669 = arith.sitofp %get3A_659 : vector<16xi32> to vector<16xf32>
      %mul3A_670 = arith.constant 0.001953125 : f32
      %mul3A_671 = vector.broadcast %mul3A_670 : f32 to vector<16xf32>
      %mul3A_672 = arith.mulf %convert_element_type3A_669, %mul3A_671 : vector<16xf32>
      %sub3A = arith.constant 1.000000e+00 : f32
      %sub3A_673 = vector.broadcast %sub3A : f32 to vector<16xf32>
      %sub3A_674 = arith.subf %sub3A_673, %mul3A_668 : vector<16xf32>
      %mul3A_675 = arith.mulf %sub3A_674, %mul3A_672 : vector<16xf32>
      %sub3A_676 = arith.subf %sub3A_674, %mul3A_675 : vector<16xf32>
      %mul3A_677 = arith.mulf %sub3A_674, %sub3A_674 : vector<16xf32>
      %mul3A_678 = arith.mulf %mul3A_672, %mul3A_672 : vector<16xf32>
      %mul3A_679 = arith.mulf %mul3A_677, %mul3A_678 : vector<16xf32>
      %mul3A_680 = arith.constant 3.000000e-01 : f32
      %mul3A_681 = vector.broadcast %mul3A_680 : f32 to vector<16xf32>
      %mul3A_682 = arith.mulf %mul3A_681, %mul3A_679 : vector<16xf32>
      %mul3A_683 = arith.constant 3.000000e-01 : f32
      %mul3A_684 = vector.broadcast %mul3A_683 : f32 to vector<16xf32>
      %mul3A_685 = arith.mulf %mul3A_684, %sub3A_676 : vector<16xf32>
      %sub3A_686 = arith.subf %mul3A_682, %mul3A_685 : vector<16xf32>
      %mul3A_687 = arith.mulf %exp3A, %sub3A_686 : vector<16xf32>
      %mul3A_688 = arith.constant 4.000000e-01 : f32
      %mul3A_689 = vector.broadcast %mul3A_688 : f32 to vector<16xf32>
      %mul3A_690 = arith.mulf %mul3A_689, %gather3A : vector<16xf32>
      %sub3A_691 = arith.subf %mul3A_687, %mul3A_690 : vector<16xf32>
      %mul3A_692 = arith.constant 3.000000e-01 : f32
      %mul3A_693 = vector.broadcast %mul3A_692 : f32 to vector<16xf32>
      %mul3A_694 = arith.mulf %mul3A_693, %mul3A_679 : vector<16xf32>
      %sub3A_695 = arith.subf %sub3A_691, %mul3A_694 : vector<16xf32>
      %add3A_696 = arith.addf %scan3A_651, %sub3A_695 : vector<16xf32>
      scf.yield %add3A_696 : vector<16xf32>
    }
    %scan3A_160 = arith.constant 128 : i32
    %add3A_161 = arith.constant 20 : i32
    %add3A_162 = arith.addi %mul3A_2, %add3A_161 : i32
    %dma_start3A_163 = arith.constant 0 : i32
    %dma_start3A_164 = arith.constant 0 : i32
    %dma_start3A_165 = tpu.memref_slice %arg2[%add3A_162, %dma_start3A_163, %dma_start3A_164] : memref<4096x16x512xf32, #tpu.memory_space<hbm>> -> memref<4x16x512xf32, #tpu.memory_space<hbm>>
    %dma_start3A_166 = arith.constant 0 : i32
    %dma_start3A_167 = arith.constant 0 : i32
    %dma_start3A_168 = tpu.memref_slice %arg2[%add3A_162, %dma_start3A_166, %dma_start3A_167] : memref<4096x16x512xf32, #tpu.memory_space<hbm>> -> memref<4x16x512xf32, #tpu.memory_space<hbm>>
    tpu.enqueue_dma source(%dma_start3A_168 : memref<4x16x512xf32, #tpu.memory_space<hbm>>) target(%arg7 : memref<4x16x512xf32, #tpu.memory_space<vmem>>) target_semaphore(%arg14 : memref<!tpu.dma_semaphore, #tpu.memory_space<semaphore_mem>>)
    %dma_start3A_169 = arith.constant 0 : i32
    %dma_start3A_170 = tpu.memref_slice %arg3[%add3A_162, %dma_start3A_169] : memref<4096x512xi32, #tpu.memory_space<hbm>> -> memref<4x512xi32, #tpu.memory_space<hbm>>
    %dma_start3A_171 = arith.constant 0 : i32
    %dma_start3A_172 = tpu.memref_slice %arg3[%add3A_162, %dma_start3A_171] : memref<4096x512xi32, #tpu.memory_space<hbm>> -> memref<4x512xi32, #tpu.memory_space<hbm>>
    tpu.enqueue_dma source(%dma_start3A_172 : memref<4x512xi32, #tpu.memory_space<hbm>>) target(%arg9 : memref<4x512xi32, #tpu.memory_space<vmem>>) target_semaphore(%arg14 : memref<!tpu.dma_semaphore, #tpu.memory_space<semaphore_mem>>)
    %dma_start3A_173 = arith.constant 0 : i32
    %dma_start3A_174 = tpu.memref_slice %arg4[%add3A_162, %dma_start3A_173] : memref<4096x512xi32, #tpu.memory_space<hbm>> -> memref<4x512xi32, #tpu.memory_space<hbm>>
    %dma_start3A_175 = arith.constant 0 : i32
    %dma_start3A_176 = tpu.memref_slice %arg4[%add3A_162, %dma_start3A_175] : memref<4096x512xi32, #tpu.memory_space<hbm>> -> memref<4x512xi32, #tpu.memory_space<hbm>>
    tpu.enqueue_dma source(%dma_start3A_176 : memref<4x512xi32, #tpu.memory_space<hbm>>) target(%arg11 : memref<4x512xi32, #tpu.memory_space<vmem>>) target_semaphore(%arg14 : memref<!tpu.dma_semaphore, #tpu.memory_space<semaphore_mem>>)
    %dma_wait3A_177 = arith.constant 0 : i32
    %dma_wait3A_178 = arith.constant 0 : i32
    %dma_wait3A_179 = tpu.memref_slice %arg2[%add3A_126, %dma_wait3A_177, %dma_wait3A_178] : memref<4096x16x512xf32, #tpu.memory_space<hbm>> -> memref<4x16x512xf32, #tpu.memory_space<hbm>>
    %dma_wait3A_180 = arith.constant 0 : i32
    %dma_wait3A_181 = arith.constant 0 : i32
    %dma_wait3A_182 = tpu.memref_slice %arg2[%add3A_126, %dma_wait3A_180, %dma_wait3A_181] : memref<4096x16x512xf32, #tpu.memory_space<hbm>> -> memref<4x16x512xf32, #tpu.memory_space<hbm>>
    tpu.wait_dma2 semaphore(%arg13 : memref<!tpu.dma_semaphore, #tpu.memory_space<semaphore_mem>>) src(%dma_wait3A_182 : memref<4x16x512xf32, #tpu.memory_space<hbm>>) dst(%arg6 : memref<4x16x512xf32, #tpu.memory_space<vmem>>)
    %dma_wait3A_183 = arith.constant 0 : i32
    %dma_wait3A_184 = tpu.memref_slice %arg3[%add3A_126, %dma_wait3A_183] : memref<4096x512xi32, #tpu.memory_space<hbm>> -> memref<4x512xi32, #tpu.memory_space<hbm>>
    %dma_wait3A_185 = arith.constant 0 : i32
    %dma_wait3A_186 = tpu.memref_slice %arg3[%add3A_126, %dma_wait3A_185] : memref<4096x512xi32, #tpu.memory_space<hbm>> -> memref<4x512xi32, #tpu.memory_space<hbm>>
    tpu.wait_dma2 semaphore(%arg13 : memref<!tpu.dma_semaphore, #tpu.memory_space<semaphore_mem>>) src(%dma_wait3A_186 : memref<4x512xi32, #tpu.memory_space<hbm>>) dst(%arg8 : memref<4x512xi32, #tpu.memory_space<vmem>>)
    %dma_wait3A_187 = arith.constant 0 : i32
    %dma_wait3A_188 = tpu.memref_slice %arg4[%add3A_126, %dma_wait3A_187] : memref<4096x512xi32, #tpu.memory_space<hbm>> -> memref<4x512xi32, #tpu.memory_space<hbm>>
    %dma_wait3A_189 = arith.constant 0 : i32
    %dma_wait3A_190 = tpu.memref_slice %arg4[%add3A_126, %dma_wait3A_189] : memref<4096x512xi32, #tpu.memory_space<hbm>> -> memref<4x512xi32, #tpu.memory_space<hbm>>
    tpu.wait_dma2 semaphore(%arg13 : memref<!tpu.dma_semaphore, #tpu.memory_space<semaphore_mem>>) src(%dma_wait3A_190 : memref<4x512xi32, #tpu.memory_space<hbm>>) dst(%arg10 : memref<4x512xi32, #tpu.memory_space<vmem>>)
    %scan3A_191 = arith.constant 0 : i32
    %scan3A_192 = arith.constant 128 : i32
    %scan3A_193 = arith.addi %scan3A_191, %scan3A_192 : i32
    %scan3A_194 = arith.constant 1 : i32
    %scan3A_195 = scf.for %scan3A_650 = %scan3A_191 to %scan3A_193 step %scan3A_194 iter_args(%scan3A_651 = %scan3A_159) -> (vector<16xf32>)  : i32 {
      %shift_right_logical3A = arith.constant 5 : i32
      %shift_right_logical3A_652 = arith.shrui %scan3A_650, %shift_right_logical3A : i32
      %and3A = arith.constant 31 : i32
      %and3A_653 = arith.andi %scan3A_650, %and3A : i32
      %shift_left3A = arith.constant 4 : i32
      %shift_left3A_654 = arith.shli %and3A_653, %shift_left3A : i32
      %get3A = arith.index_cast %shift_right_logical3A_652 : i32 to index
      %get3A_655 = arith.index_cast %shift_left3A_654 : i32 to index
      %get3A_656 = tpu.vector_load %arg8[%get3A, %get3A_655] {strides = array<i32>} : memref<4x512xi32, #tpu.memory_space<vmem>>, vector<16xi32>,
      %get3A_657 = arith.index_cast %shift_right_logical3A_652 : i32 to index
      %get3A_658 = arith.index_cast %shift_left3A_654 : i32 to index
      %get3A_659 = tpu.vector_load %arg10[%get3A_657, %get3A_658] {strides = array<i32>} : memref<4x512xi32, #tpu.memory_space<vmem>>, vector<16xi32>,
      %add3A_660 = vector.broadcast %shift_left3A_654 : i32 to vector<16xi32>
      %add3A_661 = arith.addi %add3A_660, %iota3A : vector<16xi32>
      %broadcast_in_dim3A_662 = vector.broadcast %shift_right_logical3A_652 : i32 to vector<16xi32>
      %gather3A = tpu.vector_load_idx %arg6[%broadcast_in_dim3A_662, %get3A_656, %add3A_661] : memref<4x16x512xf32, #tpu.memory_space<vmem>>[vector<16xi32>, vector<16xi32>, vector<16xi32>], vector<16xf32>,
      %exp3A = math.exp %gather3A : vector<16xf32>
      %convert_element_type3A_663 = arith.sitofp %shift_left3A_654 : i32 to f32
      %add3A_664 = vector.broadcast %convert_element_type3A_663 : f32 to vector<16xf32>
      %add3A_665 = arith.addf %add3A_664, %convert_element_type3A : vector<16xf32>
      %mul3A_666 = arith.constant 0.001953125 : f32
      %mul3A_667 = vector.broadcast %mul3A_666 : f32 to vector<16xf32>
      %mul3A_668 = arith.mulf %add3A_665, %mul3A_667 : vector<16xf32>
      %convert_element_type3A_669 = arith.sitofp %get3A_659 : vector<16xi32> to vector<16xf32>
      %mul3A_670 = arith.constant 0.001953125 : f32
      %mul3A_671 = vector.broadcast %mul3A_670 : f32 to vector<16xf32>
      %mul3A_672 = arith.mulf %convert_element_type3A_669, %mul3A_671 : vector<16xf32>
      %sub3A = arith.constant 1.000000e+00 : f32
      %sub3A_673 = vector.broadcast %sub3A : f32 to vector<16xf32>
      %sub3A_674 = arith.subf %sub3A_673, %mul3A_668 : vector<16xf32>
      %mul3A_675 = arith.mulf %sub3A_674, %mul3A_672 : vector<16xf32>
      %sub3A_676 = arith.subf %sub3A_674, %mul3A_675 : vector<16xf32>
      %mul3A_677 = arith.mulf %sub3A_674, %sub3A_674 : vector<16xf32>
      %mul3A_678 = arith.mulf %mul3A_672, %mul3A_672 : vector<16xf32>
      %mul3A_679 = arith.mulf %mul3A_677, %mul3A_678 : vector<16xf32>
      %mul3A_680 = arith.constant 3.000000e-01 : f32
      %mul3A_681 = vector.broadcast %mul3A_680 : f32 to vector<16xf32>
      %mul3A_682 = arith.mulf %mul3A_681, %mul3A_679 : vector<16xf32>
      %mul3A_683 = arith.constant 3.000000e-01 : f32
      %mul3A_684 = vector.broadcast %mul3A_683 : f32 to vector<16xf32>
      %mul3A_685 = arith.mulf %mul3A_684, %sub3A_676 : vector<16xf32>
      %sub3A_686 = arith.subf %mul3A_682, %mul3A_685 : vector<16xf32>
      %mul3A_687 = arith.mulf %exp3A, %sub3A_686 : vector<16xf32>
      %mul3A_688 = arith.constant 4.000000e-01 : f32
      %mul3A_689 = vector.broadcast %mul3A_688 : f32 to vector<16xf32>
      %mul3A_690 = arith.mulf %mul3A_689, %gather3A : vector<16xf32>
      %sub3A_691 = arith.subf %mul3A_687, %mul3A_690 : vector<16xf32>
      %mul3A_692 = arith.constant 3.000000e-01 : f32
      %mul3A_693 = vector.broadcast %mul3A_692 : f32 to vector<16xf32>
      %mul3A_694 = arith.mulf %mul3A_693, %mul3A_679 : vector<16xf32>
      %sub3A_695 = arith.subf %sub3A_691, %mul3A_694 : vector<16xf32>
      %add3A_696 = arith.addf %scan3A_651, %sub3A_695 : vector<16xf32>
      scf.yield %add3A_696 : vector<16xf32>
    }
    %scan3A_196 = arith.constant 128 : i32
    %add3A_197 = arith.constant 24 : i32
    %add3A_198 = arith.addi %mul3A_2, %add3A_197 : i32
    %dma_start3A_199 = arith.constant 0 : i32
    %dma_start3A_200 = arith.constant 0 : i32
    %dma_start3A_201 = tpu.memref_slice %arg2[%add3A_198, %dma_start3A_199, %dma_start3A_200] : memref<4096x16x512xf32, #tpu.memory_space<hbm>> -> memref<4x16x512xf32, #tpu.memory_space<hbm>>
    %dma_start3A_202 = arith.constant 0 : i32
    %dma_start3A_203 = arith.constant 0 : i32
    %dma_start3A_204 = tpu.memref_slice %arg2[%add3A_198, %dma_start3A_202, %dma_start3A_203] : memref<4096x16x512xf32, #tpu.memory_space<hbm>> -> memref<4x16x512xf32, #tpu.memory_space<hbm>>
    tpu.enqueue_dma source(%dma_start3A_204 : memref<4x16x512xf32, #tpu.memory_space<hbm>>) target(%arg6 : memref<4x16x512xf32, #tpu.memory_space<vmem>>) target_semaphore(%arg13 : memref<!tpu.dma_semaphore, #tpu.memory_space<semaphore_mem>>)
    %dma_start3A_205 = arith.constant 0 : i32
    %dma_start3A_206 = tpu.memref_slice %arg3[%add3A_198, %dma_start3A_205] : memref<4096x512xi32, #tpu.memory_space<hbm>> -> memref<4x512xi32, #tpu.memory_space<hbm>>
    %dma_start3A_207 = arith.constant 0 : i32
    %dma_start3A_208 = tpu.memref_slice %arg3[%add3A_198, %dma_start3A_207] : memref<4096x512xi32, #tpu.memory_space<hbm>> -> memref<4x512xi32, #tpu.memory_space<hbm>>
    tpu.enqueue_dma source(%dma_start3A_208 : memref<4x512xi32, #tpu.memory_space<hbm>>) target(%arg8 : memref<4x512xi32, #tpu.memory_space<vmem>>) target_semaphore(%arg13 : memref<!tpu.dma_semaphore, #tpu.memory_space<semaphore_mem>>)
    %dma_start3A_209 = arith.constant 0 : i32
    %dma_start3A_210 = tpu.memref_slice %arg4[%add3A_198, %dma_start3A_209] : memref<4096x512xi32, #tpu.memory_space<hbm>> -> memref<4x512xi32, #tpu.memory_space<hbm>>
    %dma_start3A_211 = arith.constant 0 : i32
    %dma_start3A_212 = tpu.memref_slice %arg4[%add3A_198, %dma_start3A_211] : memref<4096x512xi32, #tpu.memory_space<hbm>> -> memref<4x512xi32, #tpu.memory_space<hbm>>
    tpu.enqueue_dma source(%dma_start3A_212 : memref<4x512xi32, #tpu.memory_space<hbm>>) target(%arg10 : memref<4x512xi32, #tpu.memory_space<vmem>>) target_semaphore(%arg13 : memref<!tpu.dma_semaphore, #tpu.memory_space<semaphore_mem>>)
    %dma_wait3A_213 = arith.constant 0 : i32
    %dma_wait3A_214 = arith.constant 0 : i32
    %dma_wait3A_215 = tpu.memref_slice %arg2[%add3A_162, %dma_wait3A_213, %dma_wait3A_214] : memref<4096x16x512xf32, #tpu.memory_space<hbm>> -> memref<4x16x512xf32, #tpu.memory_space<hbm>>
    %dma_wait3A_216 = arith.constant 0 : i32
    %dma_wait3A_217 = arith.constant 0 : i32
    %dma_wait3A_218 = tpu.memref_slice %arg2[%add3A_162, %dma_wait3A_216, %dma_wait3A_217] : memref<4096x16x512xf32, #tpu.memory_space<hbm>> -> memref<4x16x512xf32, #tpu.memory_space<hbm>>
    tpu.wait_dma2 semaphore(%arg14 : memref<!tpu.dma_semaphore, #tpu.memory_space<semaphore_mem>>) src(%dma_wait3A_218 : memref<4x16x512xf32, #tpu.memory_space<hbm>>) dst(%arg7 : memref<4x16x512xf32, #tpu.memory_space<vmem>>)
    %dma_wait3A_219 = arith.constant 0 : i32
    %dma_wait3A_220 = tpu.memref_slice %arg3[%add3A_162, %dma_wait3A_219] : memref<4096x512xi32, #tpu.memory_space<hbm>> -> memref<4x512xi32, #tpu.memory_space<hbm>>
    %dma_wait3A_221 = arith.constant 0 : i32
    %dma_wait3A_222 = tpu.memref_slice %arg3[%add3A_162, %dma_wait3A_221] : memref<4096x512xi32, #tpu.memory_space<hbm>> -> memref<4x512xi32, #tpu.memory_space<hbm>>
    tpu.wait_dma2 semaphore(%arg14 : memref<!tpu.dma_semaphore, #tpu.memory_space<semaphore_mem>>) src(%dma_wait3A_222 : memref<4x512xi32, #tpu.memory_space<hbm>>) dst(%arg9 : memref<4x512xi32, #tpu.memory_space<vmem>>)
    %dma_wait3A_223 = arith.constant 0 : i32
    %dma_wait3A_224 = tpu.memref_slice %arg4[%add3A_162, %dma_wait3A_223] : memref<4096x512xi32, #tpu.memory_space<hbm>> -> memref<4x512xi32, #tpu.memory_space<hbm>>
    %dma_wait3A_225 = arith.constant 0 : i32
    %dma_wait3A_226 = tpu.memref_slice %arg4[%add3A_162, %dma_wait3A_225] : memref<4096x512xi32, #tpu.memory_space<hbm>> -> memref<4x512xi32, #tpu.memory_space<hbm>>
    tpu.wait_dma2 semaphore(%arg14 : memref<!tpu.dma_semaphore, #tpu.memory_space<semaphore_mem>>) src(%dma_wait3A_226 : memref<4x512xi32, #tpu.memory_space<hbm>>) dst(%arg11 : memref<4x512xi32, #tpu.memory_space<vmem>>)
    %scan3A_227 = arith.constant 0 : i32
    %scan3A_228 = arith.constant 128 : i32
    %scan3A_229 = arith.addi %scan3A_227, %scan3A_228 : i32
    %scan3A_230 = arith.constant 1 : i32
    %scan3A_231 = scf.for %scan3A_650 = %scan3A_227 to %scan3A_229 step %scan3A_230 iter_args(%scan3A_651 = %scan3A_195) -> (vector<16xf32>)  : i32 {
      %shift_right_logical3A = arith.constant 5 : i32
      %shift_right_logical3A_652 = arith.shrui %scan3A_650, %shift_right_logical3A : i32
      %and3A = arith.constant 31 : i32
      %and3A_653 = arith.andi %scan3A_650, %and3A : i32
      %shift_left3A = arith.constant 4 : i32
      %shift_left3A_654 = arith.shli %and3A_653, %shift_left3A : i32
      %get3A = arith.index_cast %shift_right_logical3A_652 : i32 to index
      %get3A_655 = arith.index_cast %shift_left3A_654 : i32 to index
      %get3A_656 = tpu.vector_load %arg9[%get3A, %get3A_655] {strides = array<i32>} : memref<4x512xi32, #tpu.memory_space<vmem>>, vector<16xi32>,
      %get3A_657 = arith.index_cast %shift_right_logical3A_652 : i32 to index
      %get3A_658 = arith.index_cast %shift_left3A_654 : i32 to index
      %get3A_659 = tpu.vector_load %arg11[%get3A_657, %get3A_658] {strides = array<i32>} : memref<4x512xi32, #tpu.memory_space<vmem>>, vector<16xi32>,
      %add3A_660 = vector.broadcast %shift_left3A_654 : i32 to vector<16xi32>
      %add3A_661 = arith.addi %add3A_660, %iota3A : vector<16xi32>
      %broadcast_in_dim3A_662 = vector.broadcast %shift_right_logical3A_652 : i32 to vector<16xi32>
      %gather3A = tpu.vector_load_idx %arg7[%broadcast_in_dim3A_662, %get3A_656, %add3A_661] : memref<4x16x512xf32, #tpu.memory_space<vmem>>[vector<16xi32>, vector<16xi32>, vector<16xi32>], vector<16xf32>,
      %exp3A = math.exp %gather3A : vector<16xf32>
      %convert_element_type3A_663 = arith.sitofp %shift_left3A_654 : i32 to f32
      %add3A_664 = vector.broadcast %convert_element_type3A_663 : f32 to vector<16xf32>
      %add3A_665 = arith.addf %add3A_664, %convert_element_type3A : vector<16xf32>
      %mul3A_666 = arith.constant 0.001953125 : f32
      %mul3A_667 = vector.broadcast %mul3A_666 : f32 to vector<16xf32>
      %mul3A_668 = arith.mulf %add3A_665, %mul3A_667 : vector<16xf32>
      %convert_element_type3A_669 = arith.sitofp %get3A_659 : vector<16xi32> to vector<16xf32>
      %mul3A_670 = arith.constant 0.001953125 : f32
      %mul3A_671 = vector.broadcast %mul3A_670 : f32 to vector<16xf32>
      %mul3A_672 = arith.mulf %convert_element_type3A_669, %mul3A_671 : vector<16xf32>
      %sub3A = arith.constant 1.000000e+00 : f32
      %sub3A_673 = vector.broadcast %sub3A : f32 to vector<16xf32>
      %sub3A_674 = arith.subf %sub3A_673, %mul3A_668 : vector<16xf32>
      %mul3A_675 = arith.mulf %sub3A_674, %mul3A_672 : vector<16xf32>
      %sub3A_676 = arith.subf %sub3A_674, %mul3A_675 : vector<16xf32>
      %mul3A_677 = arith.mulf %sub3A_674, %sub3A_674 : vector<16xf32>
      %mul3A_678 = arith.mulf %mul3A_672, %mul3A_672 : vector<16xf32>
      %mul3A_679 = arith.mulf %mul3A_677, %mul3A_678 : vector<16xf32>
      %mul3A_680 = arith.constant 3.000000e-01 : f32
      %mul3A_681 = vector.broadcast %mul3A_680 : f32 to vector<16xf32>
      %mul3A_682 = arith.mulf %mul3A_681, %mul3A_679 : vector<16xf32>
      %mul3A_683 = arith.constant 3.000000e-01 : f32
      %mul3A_684 = vector.broadcast %mul3A_683 : f32 to vector<16xf32>
      %mul3A_685 = arith.mulf %mul3A_684, %sub3A_676 : vector<16xf32>
      %sub3A_686 = arith.subf %mul3A_682, %mul3A_685 : vector<16xf32>
      %mul3A_687 = arith.mulf %exp3A, %sub3A_686 : vector<16xf32>
      %mul3A_688 = arith.constant 4.000000e-01 : f32
      %mul3A_689 = vector.broadcast %mul3A_688 : f32 to vector<16xf32>
      %mul3A_690 = arith.mulf %mul3A_689, %gather3A : vector<16xf32>
      %sub3A_691 = arith.subf %mul3A_687, %mul3A_690 : vector<16xf32>
      %mul3A_692 = arith.constant 3.000000e-01 : f32
      %mul3A_693 = vector.broadcast %mul3A_692 : f32 to vector<16xf32>
      %mul3A_694 = arith.mulf %mul3A_693, %mul3A_679 : vector<16xf32>
      %sub3A_695 = arith.subf %sub3A_691, %mul3A_694 : vector<16xf32>
      %add3A_696 = arith.addf %scan3A_651, %sub3A_695 : vector<16xf32>
      scf.yield %add3A_696 : vector<16xf32>
    }
    %scan3A_232 = arith.constant 128 : i32
    %add3A_233 = arith.constant 28 : i32
    %add3A_234 = arith.addi %mul3A_2, %add3A_233 : i32
    %dma_start3A_235 = arith.constant 0 : i32
    %dma_start3A_236 = arith.constant 0 : i32
    %dma_start3A_237 = tpu.memref_slice %arg2[%add3A_234, %dma_start3A_235, %dma_start3A_236] : memref<4096x16x512xf32, #tpu.memory_space<hbm>> -> memref<4x16x512xf32, #tpu.memory_space<hbm>>
    %dma_start3A_238 = arith.constant 0 : i32
    %dma_start3A_239 = arith.constant 0 : i32
    %dma_start3A_240 = tpu.memref_slice %arg2[%add3A_234, %dma_start3A_238, %dma_start3A_239] : memref<4096x16x512xf32, #tpu.memory_space<hbm>> -> memref<4x16x512xf32, #tpu.memory_space<hbm>>
    tpu.enqueue_dma source(%dma_start3A_240 : memref<4x16x512xf32, #tpu.memory_space<hbm>>) target(%arg7 : memref<4x16x512xf32, #tpu.memory_space<vmem>>) target_semaphore(%arg14 : memref<!tpu.dma_semaphore, #tpu.memory_space<semaphore_mem>>)
    %dma_start3A_241 = arith.constant 0 : i32
    %dma_start3A_242 = tpu.memref_slice %arg3[%add3A_234, %dma_start3A_241] : memref<4096x512xi32, #tpu.memory_space<hbm>> -> memref<4x512xi32, #tpu.memory_space<hbm>>
    %dma_start3A_243 = arith.constant 0 : i32
    %dma_start3A_244 = tpu.memref_slice %arg3[%add3A_234, %dma_start3A_243] : memref<4096x512xi32, #tpu.memory_space<hbm>> -> memref<4x512xi32, #tpu.memory_space<hbm>>
    tpu.enqueue_dma source(%dma_start3A_244 : memref<4x512xi32, #tpu.memory_space<hbm>>) target(%arg9 : memref<4x512xi32, #tpu.memory_space<vmem>>) target_semaphore(%arg14 : memref<!tpu.dma_semaphore, #tpu.memory_space<semaphore_mem>>)
    %dma_start3A_245 = arith.constant 0 : i32
    %dma_start3A_246 = tpu.memref_slice %arg4[%add3A_234, %dma_start3A_245] : memref<4096x512xi32, #tpu.memory_space<hbm>> -> memref<4x512xi32, #tpu.memory_space<hbm>>
    %dma_start3A_247 = arith.constant 0 : i32
    %dma_start3A_248 = tpu.memref_slice %arg4[%add3A_234, %dma_start3A_247] : memref<4096x512xi32, #tpu.memory_space<hbm>> -> memref<4x512xi32, #tpu.memory_space<hbm>>
    tpu.enqueue_dma source(%dma_start3A_248 : memref<4x512xi32, #tpu.memory_space<hbm>>) target(%arg11 : memref<4x512xi32, #tpu.memory_space<vmem>>) target_semaphore(%arg14 : memref<!tpu.dma_semaphore, #tpu.memory_space<semaphore_mem>>)
    %dma_wait3A_249 = arith.constant 0 : i32
    %dma_wait3A_250 = arith.constant 0 : i32
    %dma_wait3A_251 = tpu.memref_slice %arg2[%add3A_198, %dma_wait3A_249, %dma_wait3A_250] : memref<4096x16x512xf32, #tpu.memory_space<hbm>> -> memref<4x16x512xf32, #tpu.memory_space<hbm>>
    %dma_wait3A_252 = arith.constant 0 : i32
    %dma_wait3A_253 = arith.constant 0 : i32
    %dma_wait3A_254 = tpu.memref_slice %arg2[%add3A_198, %dma_wait3A_252, %dma_wait3A_253] : memref<4096x16x512xf32, #tpu.memory_space<hbm>> -> memref<4x16x512xf32, #tpu.memory_space<hbm>>
    tpu.wait_dma2 semaphore(%arg13 : memref<!tpu.dma_semaphore, #tpu.memory_space<semaphore_mem>>) src(%dma_wait3A_254 : memref<4x16x512xf32, #tpu.memory_space<hbm>>) dst(%arg6 : memref<4x16x512xf32, #tpu.memory_space<vmem>>)
    %dma_wait3A_255 = arith.constant 0 : i32
    %dma_wait3A_256 = tpu.memref_slice %arg3[%add3A_198, %dma_wait3A_255] : memref<4096x512xi32, #tpu.memory_space<hbm>> -> memref<4x512xi32, #tpu.memory_space<hbm>>
    %dma_wait3A_257 = arith.constant 0 : i32
    %dma_wait3A_258 = tpu.memref_slice %arg3[%add3A_198, %dma_wait3A_257] : memref<4096x512xi32, #tpu.memory_space<hbm>> -> memref<4x512xi32, #tpu.memory_space<hbm>>
    tpu.wait_dma2 semaphore(%arg13 : memref<!tpu.dma_semaphore, #tpu.memory_space<semaphore_mem>>) src(%dma_wait3A_258 : memref<4x512xi32, #tpu.memory_space<hbm>>) dst(%arg8 : memref<4x512xi32, #tpu.memory_space<vmem>>)
    %dma_wait3A_259 = arith.constant 0 : i32
    %dma_wait3A_260 = tpu.memref_slice %arg4[%add3A_198, %dma_wait3A_259] : memref<4096x512xi32, #tpu.memory_space<hbm>> -> memref<4x512xi32, #tpu.memory_space<hbm>>
    %dma_wait3A_261 = arith.constant 0 : i32
    %dma_wait3A_262 = tpu.memref_slice %arg4[%add3A_198, %dma_wait3A_261] : memref<4096x512xi32, #tpu.memory_space<hbm>> -> memref<4x512xi32, #tpu.memory_space<hbm>>
    tpu.wait_dma2 semaphore(%arg13 : memref<!tpu.dma_semaphore, #tpu.memory_space<semaphore_mem>>) src(%dma_wait3A_262 : memref<4x512xi32, #tpu.memory_space<hbm>>) dst(%arg10 : memref<4x512xi32, #tpu.memory_space<vmem>>)
    %scan3A_263 = arith.constant 0 : i32
    %scan3A_264 = arith.constant 128 : i32
    %scan3A_265 = arith.addi %scan3A_263, %scan3A_264 : i32
    %scan3A_266 = arith.constant 1 : i32
    %scan3A_267 = scf.for %scan3A_650 = %scan3A_263 to %scan3A_265 step %scan3A_266 iter_args(%scan3A_651 = %scan3A_231) -> (vector<16xf32>)  : i32 {
      %shift_right_logical3A = arith.constant 5 : i32
      %shift_right_logical3A_652 = arith.shrui %scan3A_650, %shift_right_logical3A : i32
      %and3A = arith.constant 31 : i32
      %and3A_653 = arith.andi %scan3A_650, %and3A : i32
      %shift_left3A = arith.constant 4 : i32
      %shift_left3A_654 = arith.shli %and3A_653, %shift_left3A : i32
      %get3A = arith.index_cast %shift_right_logical3A_652 : i32 to index
      %get3A_655 = arith.index_cast %shift_left3A_654 : i32 to index
      %get3A_656 = tpu.vector_load %arg8[%get3A, %get3A_655] {strides = array<i32>} : memref<4x512xi32, #tpu.memory_space<vmem>>, vector<16xi32>,
      %get3A_657 = arith.index_cast %shift_right_logical3A_652 : i32 to index
      %get3A_658 = arith.index_cast %shift_left3A_654 : i32 to index
      %get3A_659 = tpu.vector_load %arg10[%get3A_657, %get3A_658] {strides = array<i32>} : memref<4x512xi32, #tpu.memory_space<vmem>>, vector<16xi32>,
      %add3A_660 = vector.broadcast %shift_left3A_654 : i32 to vector<16xi32>
      %add3A_661 = arith.addi %add3A_660, %iota3A : vector<16xi32>
      %broadcast_in_dim3A_662 = vector.broadcast %shift_right_logical3A_652 : i32 to vector<16xi32>
      %gather3A = tpu.vector_load_idx %arg6[%broadcast_in_dim3A_662, %get3A_656, %add3A_661] : memref<4x16x512xf32, #tpu.memory_space<vmem>>[vector<16xi32>, vector<16xi32>, vector<16xi32>], vector<16xf32>,
      %exp3A = math.exp %gather3A : vector<16xf32>
      %convert_element_type3A_663 = arith.sitofp %shift_left3A_654 : i32 to f32
      %add3A_664 = vector.broadcast %convert_element_type3A_663 : f32 to vector<16xf32>
      %add3A_665 = arith.addf %add3A_664, %convert_element_type3A : vector<16xf32>
      %mul3A_666 = arith.constant 0.001953125 : f32
      %mul3A_667 = vector.broadcast %mul3A_666 : f32 to vector<16xf32>
      %mul3A_668 = arith.mulf %add3A_665, %mul3A_667 : vector<16xf32>
      %convert_element_type3A_669 = arith.sitofp %get3A_659 : vector<16xi32> to vector<16xf32>
      %mul3A_670 = arith.constant 0.001953125 : f32
      %mul3A_671 = vector.broadcast %mul3A_670 : f32 to vector<16xf32>
      %mul3A_672 = arith.mulf %convert_element_type3A_669, %mul3A_671 : vector<16xf32>
      %sub3A = arith.constant 1.000000e+00 : f32
      %sub3A_673 = vector.broadcast %sub3A : f32 to vector<16xf32>
      %sub3A_674 = arith.subf %sub3A_673, %mul3A_668 : vector<16xf32>
      %mul3A_675 = arith.mulf %sub3A_674, %mul3A_672 : vector<16xf32>
      %sub3A_676 = arith.subf %sub3A_674, %mul3A_675 : vector<16xf32>
      %mul3A_677 = arith.mulf %sub3A_674, %sub3A_674 : vector<16xf32>
      %mul3A_678 = arith.mulf %mul3A_672, %mul3A_672 : vector<16xf32>
      %mul3A_679 = arith.mulf %mul3A_677, %mul3A_678 : vector<16xf32>
      %mul3A_680 = arith.constant 3.000000e-01 : f32
      %mul3A_681 = vector.broadcast %mul3A_680 : f32 to vector<16xf32>
      %mul3A_682 = arith.mulf %mul3A_681, %mul3A_679 : vector<16xf32>
      %mul3A_683 = arith.constant 3.000000e-01 : f32
      %mul3A_684 = vector.broadcast %mul3A_683 : f32 to vector<16xf32>
      %mul3A_685 = arith.mulf %mul3A_684, %sub3A_676 : vector<16xf32>
      %sub3A_686 = arith.subf %mul3A_682, %mul3A_685 : vector<16xf32>
      %mul3A_687 = arith.mulf %exp3A, %sub3A_686 : vector<16xf32>
      %mul3A_688 = arith.constant 4.000000e-01 : f32
      %mul3A_689 = vector.broadcast %mul3A_688 : f32 to vector<16xf32>
      %mul3A_690 = arith.mulf %mul3A_689, %gather3A : vector<16xf32>
      %sub3A_691 = arith.subf %mul3A_687, %mul3A_690 : vector<16xf32>
      %mul3A_692 = arith.constant 3.000000e-01 : f32
      %mul3A_693 = vector.broadcast %mul3A_692 : f32 to vector<16xf32>
      %mul3A_694 = arith.mulf %mul3A_693, %mul3A_679 : vector<16xf32>
      %sub3A_695 = arith.subf %sub3A_691, %mul3A_694 : vector<16xf32>
      %add3A_696 = arith.addf %scan3A_651, %sub3A_695 : vector<16xf32>
      scf.yield %add3A_696 : vector<16xf32>
    }
    %scan3A_268 = arith.constant 128 : i32
    %add3A_269 = arith.constant 32 : i32
    %add3A_270 = arith.addi %mul3A_2, %add3A_269 : i32
    %dma_start3A_271 = arith.constant 0 : i32
    %dma_start3A_272 = arith.constant 0 : i32
    %dma_start3A_273 = tpu.memref_slice %arg2[%add3A_270, %dma_start3A_271, %dma_start3A_272] : memref<4096x16x512xf32, #tpu.memory_space<hbm>> -> memref<4x16x512xf32, #tpu.memory_space<hbm>>
    %dma_start3A_274 = arith.constant 0 : i32
    %dma_start3A_275 = arith.constant 0 : i32
    %dma_start3A_276 = tpu.memref_slice %arg2[%add3A_270, %dma_start3A_274, %dma_start3A_275] : memref<4096x16x512xf32, #tpu.memory_space<hbm>> -> memref<4x16x512xf32, #tpu.memory_space<hbm>>
    tpu.enqueue_dma source(%dma_start3A_276 : memref<4x16x512xf32, #tpu.memory_space<hbm>>) target(%arg6 : memref<4x16x512xf32, #tpu.memory_space<vmem>>) target_semaphore(%arg13 : memref<!tpu.dma_semaphore, #tpu.memory_space<semaphore_mem>>)
    %dma_start3A_277 = arith.constant 0 : i32
    %dma_start3A_278 = tpu.memref_slice %arg3[%add3A_270, %dma_start3A_277] : memref<4096x512xi32, #tpu.memory_space<hbm>> -> memref<4x512xi32, #tpu.memory_space<hbm>>
    %dma_start3A_279 = arith.constant 0 : i32
    %dma_start3A_280 = tpu.memref_slice %arg3[%add3A_270, %dma_start3A_279] : memref<4096x512xi32, #tpu.memory_space<hbm>> -> memref<4x512xi32, #tpu.memory_space<hbm>>
    tpu.enqueue_dma source(%dma_start3A_280 : memref<4x512xi32, #tpu.memory_space<hbm>>) target(%arg8 : memref<4x512xi32, #tpu.memory_space<vmem>>) target_semaphore(%arg13 : memref<!tpu.dma_semaphore, #tpu.memory_space<semaphore_mem>>)
    %dma_start3A_281 = arith.constant 0 : i32
    %dma_start3A_282 = tpu.memref_slice %arg4[%add3A_270, %dma_start3A_281] : memref<4096x512xi32, #tpu.memory_space<hbm>> -> memref<4x512xi32, #tpu.memory_space<hbm>>
    %dma_start3A_283 = arith.constant 0 : i32
    %dma_start3A_284 = tpu.memref_slice %arg4[%add3A_270, %dma_start3A_283] : memref<4096x512xi32, #tpu.memory_space<hbm>> -> memref<4x512xi32, #tpu.memory_space<hbm>>
    tpu.enqueue_dma source(%dma_start3A_284 : memref<4x512xi32, #tpu.memory_space<hbm>>) target(%arg10 : memref<4x512xi32, #tpu.memory_space<vmem>>) target_semaphore(%arg13 : memref<!tpu.dma_semaphore, #tpu.memory_space<semaphore_mem>>)
    %dma_wait3A_285 = arith.constant 0 : i32
    %dma_wait3A_286 = arith.constant 0 : i32
    %dma_wait3A_287 = tpu.memref_slice %arg2[%add3A_234, %dma_wait3A_285, %dma_wait3A_286] : memref<4096x16x512xf32, #tpu.memory_space<hbm>> -> memref<4x16x512xf32, #tpu.memory_space<hbm>>
    %dma_wait3A_288 = arith.constant 0 : i32
    %dma_wait3A_289 = arith.constant 0 : i32
    %dma_wait3A_290 = tpu.memref_slice %arg2[%add3A_234, %dma_wait3A_288, %dma_wait3A_289] : memref<4096x16x512xf32, #tpu.memory_space<hbm>> -> memref<4x16x512xf32, #tpu.memory_space<hbm>>
    tpu.wait_dma2 semaphore(%arg14 : memref<!tpu.dma_semaphore, #tpu.memory_space<semaphore_mem>>) src(%dma_wait3A_290 : memref<4x16x512xf32, #tpu.memory_space<hbm>>) dst(%arg7 : memref<4x16x512xf32, #tpu.memory_space<vmem>>)
    %dma_wait3A_291 = arith.constant 0 : i32
    %dma_wait3A_292 = tpu.memref_slice %arg3[%add3A_234, %dma_wait3A_291] : memref<4096x512xi32, #tpu.memory_space<hbm>> -> memref<4x512xi32, #tpu.memory_space<hbm>>
    %dma_wait3A_293 = arith.constant 0 : i32
    %dma_wait3A_294 = tpu.memref_slice %arg3[%add3A_234, %dma_wait3A_293] : memref<4096x512xi32, #tpu.memory_space<hbm>> -> memref<4x512xi32, #tpu.memory_space<hbm>>
    tpu.wait_dma2 semaphore(%arg14 : memref<!tpu.dma_semaphore, #tpu.memory_space<semaphore_mem>>) src(%dma_wait3A_294 : memref<4x512xi32, #tpu.memory_space<hbm>>) dst(%arg9 : memref<4x512xi32, #tpu.memory_space<vmem>>)
    %dma_wait3A_295 = arith.constant 0 : i32
    %dma_wait3A_296 = tpu.memref_slice %arg4[%add3A_234, %dma_wait3A_295] : memref<4096x512xi32, #tpu.memory_space<hbm>> -> memref<4x512xi32, #tpu.memory_space<hbm>>
    %dma_wait3A_297 = arith.constant 0 : i32
    %dma_wait3A_298 = tpu.memref_slice %arg4[%add3A_234, %dma_wait3A_297] : memref<4096x512xi32, #tpu.memory_space<hbm>> -> memref<4x512xi32, #tpu.memory_space<hbm>>
    tpu.wait_dma2 semaphore(%arg14 : memref<!tpu.dma_semaphore, #tpu.memory_space<semaphore_mem>>) src(%dma_wait3A_298 : memref<4x512xi32, #tpu.memory_space<hbm>>) dst(%arg11 : memref<4x512xi32, #tpu.memory_space<vmem>>)
    %scan3A_299 = arith.constant 0 : i32
    %scan3A_300 = arith.constant 128 : i32
    %scan3A_301 = arith.addi %scan3A_299, %scan3A_300 : i32
    %scan3A_302 = arith.constant 1 : i32
    %scan3A_303 = scf.for %scan3A_650 = %scan3A_299 to %scan3A_301 step %scan3A_302 iter_args(%scan3A_651 = %scan3A_267) -> (vector<16xf32>)  : i32 {
      %shift_right_logical3A = arith.constant 5 : i32
      %shift_right_logical3A_652 = arith.shrui %scan3A_650, %shift_right_logical3A : i32
      %and3A = arith.constant 31 : i32
      %and3A_653 = arith.andi %scan3A_650, %and3A : i32
      %shift_left3A = arith.constant 4 : i32
      %shift_left3A_654 = arith.shli %and3A_653, %shift_left3A : i32
      %get3A = arith.index_cast %shift_right_logical3A_652 : i32 to index
      %get3A_655 = arith.index_cast %shift_left3A_654 : i32 to index
      %get3A_656 = tpu.vector_load %arg9[%get3A, %get3A_655] {strides = array<i32>} : memref<4x512xi32, #tpu.memory_space<vmem>>, vector<16xi32>,
      %get3A_657 = arith.index_cast %shift_right_logical3A_652 : i32 to index
      %get3A_658 = arith.index_cast %shift_left3A_654 : i32 to index
      %get3A_659 = tpu.vector_load %arg11[%get3A_657, %get3A_658] {strides = array<i32>} : memref<4x512xi32, #tpu.memory_space<vmem>>, vector<16xi32>,
      %add3A_660 = vector.broadcast %shift_left3A_654 : i32 to vector<16xi32>
      %add3A_661 = arith.addi %add3A_660, %iota3A : vector<16xi32>
      %broadcast_in_dim3A_662 = vector.broadcast %shift_right_logical3A_652 : i32 to vector<16xi32>
      %gather3A = tpu.vector_load_idx %arg7[%broadcast_in_dim3A_662, %get3A_656, %add3A_661] : memref<4x16x512xf32, #tpu.memory_space<vmem>>[vector<16xi32>, vector<16xi32>, vector<16xi32>], vector<16xf32>,
      %exp3A = math.exp %gather3A : vector<16xf32>
      %convert_element_type3A_663 = arith.sitofp %shift_left3A_654 : i32 to f32
      %add3A_664 = vector.broadcast %convert_element_type3A_663 : f32 to vector<16xf32>
      %add3A_665 = arith.addf %add3A_664, %convert_element_type3A : vector<16xf32>
      %mul3A_666 = arith.constant 0.001953125 : f32
      %mul3A_667 = vector.broadcast %mul3A_666 : f32 to vector<16xf32>
      %mul3A_668 = arith.mulf %add3A_665, %mul3A_667 : vector<16xf32>
      %convert_element_type3A_669 = arith.sitofp %get3A_659 : vector<16xi32> to vector<16xf32>
      %mul3A_670 = arith.constant 0.001953125 : f32
      %mul3A_671 = vector.broadcast %mul3A_670 : f32 to vector<16xf32>
      %mul3A_672 = arith.mulf %convert_element_type3A_669, %mul3A_671 : vector<16xf32>
      %sub3A = arith.constant 1.000000e+00 : f32
      %sub3A_673 = vector.broadcast %sub3A : f32 to vector<16xf32>
      %sub3A_674 = arith.subf %sub3A_673, %mul3A_668 : vector<16xf32>
      %mul3A_675 = arith.mulf %sub3A_674, %mul3A_672 : vector<16xf32>
      %sub3A_676 = arith.subf %sub3A_674, %mul3A_675 : vector<16xf32>
      %mul3A_677 = arith.mulf %sub3A_674, %sub3A_674 : vector<16xf32>
      %mul3A_678 = arith.mulf %mul3A_672, %mul3A_672 : vector<16xf32>
      %mul3A_679 = arith.mulf %mul3A_677, %mul3A_678 : vector<16xf32>
      %mul3A_680 = arith.constant 3.000000e-01 : f32
      %mul3A_681 = vector.broadcast %mul3A_680 : f32 to vector<16xf32>
      %mul3A_682 = arith.mulf %mul3A_681, %mul3A_679 : vector<16xf32>
      %mul3A_683 = arith.constant 3.000000e-01 : f32
      %mul3A_684 = vector.broadcast %mul3A_683 : f32 to vector<16xf32>
      %mul3A_685 = arith.mulf %mul3A_684, %sub3A_676 : vector<16xf32>
      %sub3A_686 = arith.subf %mul3A_682, %mul3A_685 : vector<16xf32>
      %mul3A_687 = arith.mulf %exp3A, %sub3A_686 : vector<16xf32>
      %mul3A_688 = arith.constant 4.000000e-01 : f32
      %mul3A_689 = vector.broadcast %mul3A_688 : f32 to vector<16xf32>
      %mul3A_690 = arith.mulf %mul3A_689, %gather3A : vector<16xf32>
      %sub3A_691 = arith.subf %mul3A_687, %mul3A_690 : vector<16xf32>
      %mul3A_692 = arith.constant 3.000000e-01 : f32
      %mul3A_693 = vector.broadcast %mul3A_692 : f32 to vector<16xf32>
      %mul3A_694 = arith.mulf %mul3A_693, %mul3A_679 : vector<16xf32>
      %sub3A_695 = arith.subf %sub3A_691, %mul3A_694 : vector<16xf32>
      %add3A_696 = arith.addf %scan3A_651, %sub3A_695 : vector<16xf32>
      scf.yield %add3A_696 : vector<16xf32>
    }
    %scan3A_304 = arith.constant 128 : i32
    %add3A_305 = arith.constant 36 : i32
    %add3A_306 = arith.addi %mul3A_2, %add3A_305 : i32
    %dma_start3A_307 = arith.constant 0 : i32
    %dma_start3A_308 = arith.constant 0 : i32
    %dma_start3A_309 = tpu.memref_slice %arg2[%add3A_306, %dma_start3A_307, %dma_start3A_308] : memref<4096x16x512xf32, #tpu.memory_space<hbm>> -> memref<4x16x512xf32, #tpu.memory_space<hbm>>
    %dma_start3A_310 = arith.constant 0 : i32
    %dma_start3A_311 = arith.constant 0 : i32
    %dma_start3A_312 = tpu.memref_slice %arg2[%add3A_306, %dma_start3A_310, %dma_start3A_311] : memref<4096x16x512xf32, #tpu.memory_space<hbm>> -> memref<4x16x512xf32, #tpu.memory_space<hbm>>
    tpu.enqueue_dma source(%dma_start3A_312 : memref<4x16x512xf32, #tpu.memory_space<hbm>>) target(%arg7 : memref<4x16x512xf32, #tpu.memory_space<vmem>>) target_semaphore(%arg14 : memref<!tpu.dma_semaphore, #tpu.memory_space<semaphore_mem>>)
    %dma_start3A_313 = arith.constant 0 : i32
    %dma_start3A_314 = tpu.memref_slice %arg3[%add3A_306, %dma_start3A_313] : memref<4096x512xi32, #tpu.memory_space<hbm>> -> memref<4x512xi32, #tpu.memory_space<hbm>>
    %dma_start3A_315 = arith.constant 0 : i32
    %dma_start3A_316 = tpu.memref_slice %arg3[%add3A_306, %dma_start3A_315] : memref<4096x512xi32, #tpu.memory_space<hbm>> -> memref<4x512xi32, #tpu.memory_space<hbm>>
    tpu.enqueue_dma source(%dma_start3A_316 : memref<4x512xi32, #tpu.memory_space<hbm>>) target(%arg9 : memref<4x512xi32, #tpu.memory_space<vmem>>) target_semaphore(%arg14 : memref<!tpu.dma_semaphore, #tpu.memory_space<semaphore_mem>>)
    %dma_start3A_317 = arith.constant 0 : i32
    %dma_start3A_318 = tpu.memref_slice %arg4[%add3A_306, %dma_start3A_317] : memref<4096x512xi32, #tpu.memory_space<hbm>> -> memref<4x512xi32, #tpu.memory_space<hbm>>
    %dma_start3A_319 = arith.constant 0 : i32
    %dma_start3A_320 = tpu.memref_slice %arg4[%add3A_306, %dma_start3A_319] : memref<4096x512xi32, #tpu.memory_space<hbm>> -> memref<4x512xi32, #tpu.memory_space<hbm>>
    tpu.enqueue_dma source(%dma_start3A_320 : memref<4x512xi32, #tpu.memory_space<hbm>>) target(%arg11 : memref<4x512xi32, #tpu.memory_space<vmem>>) target_semaphore(%arg14 : memref<!tpu.dma_semaphore, #tpu.memory_space<semaphore_mem>>)
    %dma_wait3A_321 = arith.constant 0 : i32
    %dma_wait3A_322 = arith.constant 0 : i32
    %dma_wait3A_323 = tpu.memref_slice %arg2[%add3A_270, %dma_wait3A_321, %dma_wait3A_322] : memref<4096x16x512xf32, #tpu.memory_space<hbm>> -> memref<4x16x512xf32, #tpu.memory_space<hbm>>
    %dma_wait3A_324 = arith.constant 0 : i32
    %dma_wait3A_325 = arith.constant 0 : i32
    %dma_wait3A_326 = tpu.memref_slice %arg2[%add3A_270, %dma_wait3A_324, %dma_wait3A_325] : memref<4096x16x512xf32, #tpu.memory_space<hbm>> -> memref<4x16x512xf32, #tpu.memory_space<hbm>>
    tpu.wait_dma2 semaphore(%arg13 : memref<!tpu.dma_semaphore, #tpu.memory_space<semaphore_mem>>) src(%dma_wait3A_326 : memref<4x16x512xf32, #tpu.memory_space<hbm>>) dst(%arg6 : memref<4x16x512xf32, #tpu.memory_space<vmem>>)
    %dma_wait3A_327 = arith.constant 0 : i32
    %dma_wait3A_328 = tpu.memref_slice %arg3[%add3A_270, %dma_wait3A_327] : memref<4096x512xi32, #tpu.memory_space<hbm>> -> memref<4x512xi32, #tpu.memory_space<hbm>>
    %dma_wait3A_329 = arith.constant 0 : i32
    %dma_wait3A_330 = tpu.memref_slice %arg3[%add3A_270, %dma_wait3A_329] : memref<4096x512xi32, #tpu.memory_space<hbm>> -> memref<4x512xi32, #tpu.memory_space<hbm>>
    tpu.wait_dma2 semaphore(%arg13 : memref<!tpu.dma_semaphore, #tpu.memory_space<semaphore_mem>>) src(%dma_wait3A_330 : memref<4x512xi32, #tpu.memory_space<hbm>>) dst(%arg8 : memref<4x512xi32, #tpu.memory_space<vmem>>)
    %dma_wait3A_331 = arith.constant 0 : i32
    %dma_wait3A_332 = tpu.memref_slice %arg4[%add3A_270, %dma_wait3A_331] : memref<4096x512xi32, #tpu.memory_space<hbm>> -> memref<4x512xi32, #tpu.memory_space<hbm>>
    %dma_wait3A_333 = arith.constant 0 : i32
    %dma_wait3A_334 = tpu.memref_slice %arg4[%add3A_270, %dma_wait3A_333] : memref<4096x512xi32, #tpu.memory_space<hbm>> -> memref<4x512xi32, #tpu.memory_space<hbm>>
    tpu.wait_dma2 semaphore(%arg13 : memref<!tpu.dma_semaphore, #tpu.memory_space<semaphore_mem>>) src(%dma_wait3A_334 : memref<4x512xi32, #tpu.memory_space<hbm>>) dst(%arg10 : memref<4x512xi32, #tpu.memory_space<vmem>>)
    %scan3A_335 = arith.constant 0 : i32
    %scan3A_336 = arith.constant 128 : i32
    %scan3A_337 = arith.addi %scan3A_335, %scan3A_336 : i32
    %scan3A_338 = arith.constant 1 : i32
    %scan3A_339 = scf.for %scan3A_650 = %scan3A_335 to %scan3A_337 step %scan3A_338 iter_args(%scan3A_651 = %scan3A_303) -> (vector<16xf32>)  : i32 {
      %shift_right_logical3A = arith.constant 5 : i32
      %shift_right_logical3A_652 = arith.shrui %scan3A_650, %shift_right_logical3A : i32
      %and3A = arith.constant 31 : i32
      %and3A_653 = arith.andi %scan3A_650, %and3A : i32
      %shift_left3A = arith.constant 4 : i32
      %shift_left3A_654 = arith.shli %and3A_653, %shift_left3A : i32
      %get3A = arith.index_cast %shift_right_logical3A_652 : i32 to index
      %get3A_655 = arith.index_cast %shift_left3A_654 : i32 to index
      %get3A_656 = tpu.vector_load %arg8[%get3A, %get3A_655] {strides = array<i32>} : memref<4x512xi32, #tpu.memory_space<vmem>>, vector<16xi32>,
      %get3A_657 = arith.index_cast %shift_right_logical3A_652 : i32 to index
      %get3A_658 = arith.index_cast %shift_left3A_654 : i32 to index
      %get3A_659 = tpu.vector_load %arg10[%get3A_657, %get3A_658] {strides = array<i32>} : memref<4x512xi32, #tpu.memory_space<vmem>>, vector<16xi32>,
      %add3A_660 = vector.broadcast %shift_left3A_654 : i32 to vector<16xi32>
      %add3A_661 = arith.addi %add3A_660, %iota3A : vector<16xi32>
      %broadcast_in_dim3A_662 = vector.broadcast %shift_right_logical3A_652 : i32 to vector<16xi32>
      %gather3A = tpu.vector_load_idx %arg6[%broadcast_in_dim3A_662, %get3A_656, %add3A_661] : memref<4x16x512xf32, #tpu.memory_space<vmem>>[vector<16xi32>, vector<16xi32>, vector<16xi32>], vector<16xf32>,
      %exp3A = math.exp %gather3A : vector<16xf32>
      %convert_element_type3A_663 = arith.sitofp %shift_left3A_654 : i32 to f32
      %add3A_664 = vector.broadcast %convert_element_type3A_663 : f32 to vector<16xf32>
      %add3A_665 = arith.addf %add3A_664, %convert_element_type3A : vector<16xf32>
      %mul3A_666 = arith.constant 0.001953125 : f32
      %mul3A_667 = vector.broadcast %mul3A_666 : f32 to vector<16xf32>
      %mul3A_668 = arith.mulf %add3A_665, %mul3A_667 : vector<16xf32>
      %convert_element_type3A_669 = arith.sitofp %get3A_659 : vector<16xi32> to vector<16xf32>
      %mul3A_670 = arith.constant 0.001953125 : f32
      %mul3A_671 = vector.broadcast %mul3A_670 : f32 to vector<16xf32>
      %mul3A_672 = arith.mulf %convert_element_type3A_669, %mul3A_671 : vector<16xf32>
      %sub3A = arith.constant 1.000000e+00 : f32
      %sub3A_673 = vector.broadcast %sub3A : f32 to vector<16xf32>
      %sub3A_674 = arith.subf %sub3A_673, %mul3A_668 : vector<16xf32>
      %mul3A_675 = arith.mulf %sub3A_674, %mul3A_672 : vector<16xf32>
      %sub3A_676 = arith.subf %sub3A_674, %mul3A_675 : vector<16xf32>
      %mul3A_677 = arith.mulf %sub3A_674, %sub3A_674 : vector<16xf32>
      %mul3A_678 = arith.mulf %mul3A_672, %mul3A_672 : vector<16xf32>
      %mul3A_679 = arith.mulf %mul3A_677, %mul3A_678 : vector<16xf32>
      %mul3A_680 = arith.constant 3.000000e-01 : f32
      %mul3A_681 = vector.broadcast %mul3A_680 : f32 to vector<16xf32>
      %mul3A_682 = arith.mulf %mul3A_681, %mul3A_679 : vector<16xf32>
      %mul3A_683 = arith.constant 3.000000e-01 : f32
      %mul3A_684 = vector.broadcast %mul3A_683 : f32 to vector<16xf32>
      %mul3A_685 = arith.mulf %mul3A_684, %sub3A_676 : vector<16xf32>
      %sub3A_686 = arith.subf %mul3A_682, %mul3A_685 : vector<16xf32>
      %mul3A_687 = arith.mulf %exp3A, %sub3A_686 : vector<16xf32>
      %mul3A_688 = arith.constant 4.000000e-01 : f32
      %mul3A_689 = vector.broadcast %mul3A_688 : f32 to vector<16xf32>
      %mul3A_690 = arith.mulf %mul3A_689, %gather3A : vector<16xf32>
      %sub3A_691 = arith.subf %mul3A_687, %mul3A_690 : vector<16xf32>
      %mul3A_692 = arith.constant 3.000000e-01 : f32
      %mul3A_693 = vector.broadcast %mul3A_692 : f32 to vector<16xf32>
      %mul3A_694 = arith.mulf %mul3A_693, %mul3A_679 : vector<16xf32>
      %sub3A_695 = arith.subf %sub3A_691, %mul3A_694 : vector<16xf32>
      %add3A_696 = arith.addf %scan3A_651, %sub3A_695 : vector<16xf32>
      scf.yield %add3A_696 : vector<16xf32>
    }
    %scan3A_340 = arith.constant 128 : i32
    %add3A_341 = arith.constant 40 : i32
    %add3A_342 = arith.addi %mul3A_2, %add3A_341 : i32
    %dma_start3A_343 = arith.constant 0 : i32
    %dma_start3A_344 = arith.constant 0 : i32
    %dma_start3A_345 = tpu.memref_slice %arg2[%add3A_342, %dma_start3A_343, %dma_start3A_344] : memref<4096x16x512xf32, #tpu.memory_space<hbm>> -> memref<4x16x512xf32, #tpu.memory_space<hbm>>
    %dma_start3A_346 = arith.constant 0 : i32
    %dma_start3A_347 = arith.constant 0 : i32
    %dma_start3A_348 = tpu.memref_slice %arg2[%add3A_342, %dma_start3A_346, %dma_start3A_347] : memref<4096x16x512xf32, #tpu.memory_space<hbm>> -> memref<4x16x512xf32, #tpu.memory_space<hbm>>
    tpu.enqueue_dma source(%dma_start3A_348 : memref<4x16x512xf32, #tpu.memory_space<hbm>>) target(%arg6 : memref<4x16x512xf32, #tpu.memory_space<vmem>>) target_semaphore(%arg13 : memref<!tpu.dma_semaphore, #tpu.memory_space<semaphore_mem>>)
    %dma_start3A_349 = arith.constant 0 : i32
    %dma_start3A_350 = tpu.memref_slice %arg3[%add3A_342, %dma_start3A_349] : memref<4096x512xi32, #tpu.memory_space<hbm>> -> memref<4x512xi32, #tpu.memory_space<hbm>>
    %dma_start3A_351 = arith.constant 0 : i32
    %dma_start3A_352 = tpu.memref_slice %arg3[%add3A_342, %dma_start3A_351] : memref<4096x512xi32, #tpu.memory_space<hbm>> -> memref<4x512xi32, #tpu.memory_space<hbm>>
    tpu.enqueue_dma source(%dma_start3A_352 : memref<4x512xi32, #tpu.memory_space<hbm>>) target(%arg8 : memref<4x512xi32, #tpu.memory_space<vmem>>) target_semaphore(%arg13 : memref<!tpu.dma_semaphore, #tpu.memory_space<semaphore_mem>>)
    %dma_start3A_353 = arith.constant 0 : i32
    %dma_start3A_354 = tpu.memref_slice %arg4[%add3A_342, %dma_start3A_353] : memref<4096x512xi32, #tpu.memory_space<hbm>> -> memref<4x512xi32, #tpu.memory_space<hbm>>
    %dma_start3A_355 = arith.constant 0 : i32
    %dma_start3A_356 = tpu.memref_slice %arg4[%add3A_342, %dma_start3A_355] : memref<4096x512xi32, #tpu.memory_space<hbm>> -> memref<4x512xi32, #tpu.memory_space<hbm>>
    tpu.enqueue_dma source(%dma_start3A_356 : memref<4x512xi32, #tpu.memory_space<hbm>>) target(%arg10 : memref<4x512xi32, #tpu.memory_space<vmem>>) target_semaphore(%arg13 : memref<!tpu.dma_semaphore, #tpu.memory_space<semaphore_mem>>)
    %dma_wait3A_357 = arith.constant 0 : i32
    %dma_wait3A_358 = arith.constant 0 : i32
    %dma_wait3A_359 = tpu.memref_slice %arg2[%add3A_306, %dma_wait3A_357, %dma_wait3A_358] : memref<4096x16x512xf32, #tpu.memory_space<hbm>> -> memref<4x16x512xf32, #tpu.memory_space<hbm>>
    %dma_wait3A_360 = arith.constant 0 : i32
    %dma_wait3A_361 = arith.constant 0 : i32
    %dma_wait3A_362 = tpu.memref_slice %arg2[%add3A_306, %dma_wait3A_360, %dma_wait3A_361] : memref<4096x16x512xf32, #tpu.memory_space<hbm>> -> memref<4x16x512xf32, #tpu.memory_space<hbm>>
    tpu.wait_dma2 semaphore(%arg14 : memref<!tpu.dma_semaphore, #tpu.memory_space<semaphore_mem>>) src(%dma_wait3A_362 : memref<4x16x512xf32, #tpu.memory_space<hbm>>) dst(%arg7 : memref<4x16x512xf32, #tpu.memory_space<vmem>>)
    %dma_wait3A_363 = arith.constant 0 : i32
    %dma_wait3A_364 = tpu.memref_slice %arg3[%add3A_306, %dma_wait3A_363] : memref<4096x512xi32, #tpu.memory_space<hbm>> -> memref<4x512xi32, #tpu.memory_space<hbm>>
    %dma_wait3A_365 = arith.constant 0 : i32
    %dma_wait3A_366 = tpu.memref_slice %arg3[%add3A_306, %dma_wait3A_365] : memref<4096x512xi32, #tpu.memory_space<hbm>> -> memref<4x512xi32, #tpu.memory_space<hbm>>
    tpu.wait_dma2 semaphore(%arg14 : memref<!tpu.dma_semaphore, #tpu.memory_space<semaphore_mem>>) src(%dma_wait3A_366 : memref<4x512xi32, #tpu.memory_space<hbm>>) dst(%arg9 : memref<4x512xi32, #tpu.memory_space<vmem>>)
    %dma_wait3A_367 = arith.constant 0 : i32
    %dma_wait3A_368 = tpu.memref_slice %arg4[%add3A_306, %dma_wait3A_367] : memref<4096x512xi32, #tpu.memory_space<hbm>> -> memref<4x512xi32, #tpu.memory_space<hbm>>
    %dma_wait3A_369 = arith.constant 0 : i32
    %dma_wait3A_370 = tpu.memref_slice %arg4[%add3A_306, %dma_wait3A_369] : memref<4096x512xi32, #tpu.memory_space<hbm>> -> memref<4x512xi32, #tpu.memory_space<hbm>>
    tpu.wait_dma2 semaphore(%arg14 : memref<!tpu.dma_semaphore, #tpu.memory_space<semaphore_mem>>) src(%dma_wait3A_370 : memref<4x512xi32, #tpu.memory_space<hbm>>) dst(%arg11 : memref<4x512xi32, #tpu.memory_space<vmem>>)
    %scan3A_371 = arith.constant 0 : i32
    %scan3A_372 = arith.constant 128 : i32
    %scan3A_373 = arith.addi %scan3A_371, %scan3A_372 : i32
    %scan3A_374 = arith.constant 1 : i32
    %scan3A_375 = scf.for %scan3A_650 = %scan3A_371 to %scan3A_373 step %scan3A_374 iter_args(%scan3A_651 = %scan3A_339) -> (vector<16xf32>)  : i32 {
      %shift_right_logical3A = arith.constant 5 : i32
      %shift_right_logical3A_652 = arith.shrui %scan3A_650, %shift_right_logical3A : i32
      %and3A = arith.constant 31 : i32
      %and3A_653 = arith.andi %scan3A_650, %and3A : i32
      %shift_left3A = arith.constant 4 : i32
      %shift_left3A_654 = arith.shli %and3A_653, %shift_left3A : i32
      %get3A = arith.index_cast %shift_right_logical3A_652 : i32 to index
      %get3A_655 = arith.index_cast %shift_left3A_654 : i32 to index
      %get3A_656 = tpu.vector_load %arg9[%get3A, %get3A_655] {strides = array<i32>} : memref<4x512xi32, #tpu.memory_space<vmem>>, vector<16xi32>,
      %get3A_657 = arith.index_cast %shift_right_logical3A_652 : i32 to index
      %get3A_658 = arith.index_cast %shift_left3A_654 : i32 to index
      %get3A_659 = tpu.vector_load %arg11[%get3A_657, %get3A_658] {strides = array<i32>} : memref<4x512xi32, #tpu.memory_space<vmem>>, vector<16xi32>,
      %add3A_660 = vector.broadcast %shift_left3A_654 : i32 to vector<16xi32>
      %add3A_661 = arith.addi %add3A_660, %iota3A : vector<16xi32>
      %broadcast_in_dim3A_662 = vector.broadcast %shift_right_logical3A_652 : i32 to vector<16xi32>
      %gather3A = tpu.vector_load_idx %arg7[%broadcast_in_dim3A_662, %get3A_656, %add3A_661] : memref<4x16x512xf32, #tpu.memory_space<vmem>>[vector<16xi32>, vector<16xi32>, vector<16xi32>], vector<16xf32>,
      %exp3A = math.exp %gather3A : vector<16xf32>
      %convert_element_type3A_663 = arith.sitofp %shift_left3A_654 : i32 to f32
      %add3A_664 = vector.broadcast %convert_element_type3A_663 : f32 to vector<16xf32>
      %add3A_665 = arith.addf %add3A_664, %convert_element_type3A : vector<16xf32>
      %mul3A_666 = arith.constant 0.001953125 : f32
      %mul3A_667 = vector.broadcast %mul3A_666 : f32 to vector<16xf32>
      %mul3A_668 = arith.mulf %add3A_665, %mul3A_667 : vector<16xf32>
      %convert_element_type3A_669 = arith.sitofp %get3A_659 : vector<16xi32> to vector<16xf32>
      %mul3A_670 = arith.constant 0.001953125 : f32
      %mul3A_671 = vector.broadcast %mul3A_670 : f32 to vector<16xf32>
      %mul3A_672 = arith.mulf %convert_element_type3A_669, %mul3A_671 : vector<16xf32>
      %sub3A = arith.constant 1.000000e+00 : f32
      %sub3A_673 = vector.broadcast %sub3A : f32 to vector<16xf32>
      %sub3A_674 = arith.subf %sub3A_673, %mul3A_668 : vector<16xf32>
      %mul3A_675 = arith.mulf %sub3A_674, %mul3A_672 : vector<16xf32>
      %sub3A_676 = arith.subf %sub3A_674, %mul3A_675 : vector<16xf32>
      %mul3A_677 = arith.mulf %sub3A_674, %sub3A_674 : vector<16xf32>
      %mul3A_678 = arith.mulf %mul3A_672, %mul3A_672 : vector<16xf32>
      %mul3A_679 = arith.mulf %mul3A_677, %mul3A_678 : vector<16xf32>
      %mul3A_680 = arith.constant 3.000000e-01 : f32
      %mul3A_681 = vector.broadcast %mul3A_680 : f32 to vector<16xf32>
      %mul3A_682 = arith.mulf %mul3A_681, %mul3A_679 : vector<16xf32>
      %mul3A_683 = arith.constant 3.000000e-01 : f32
      %mul3A_684 = vector.broadcast %mul3A_683 : f32 to vector<16xf32>
      %mul3A_685 = arith.mulf %mul3A_684, %sub3A_676 : vector<16xf32>
      %sub3A_686 = arith.subf %mul3A_682, %mul3A_685 : vector<16xf32>
      %mul3A_687 = arith.mulf %exp3A, %sub3A_686 : vector<16xf32>
      %mul3A_688 = arith.constant 4.000000e-01 : f32
      %mul3A_689 = vector.broadcast %mul3A_688 : f32 to vector<16xf32>
      %mul3A_690 = arith.mulf %mul3A_689, %gather3A : vector<16xf32>
      %sub3A_691 = arith.subf %mul3A_687, %mul3A_690 : vector<16xf32>
      %mul3A_692 = arith.constant 3.000000e-01 : f32
      %mul3A_693 = vector.broadcast %mul3A_692 : f32 to vector<16xf32>
      %mul3A_694 = arith.mulf %mul3A_693, %mul3A_679 : vector<16xf32>
      %sub3A_695 = arith.subf %sub3A_691, %mul3A_694 : vector<16xf32>
      %add3A_696 = arith.addf %scan3A_651, %sub3A_695 : vector<16xf32>
      scf.yield %add3A_696 : vector<16xf32>
    }
    %scan3A_376 = arith.constant 128 : i32
    %add3A_377 = arith.constant 44 : i32
    %add3A_378 = arith.addi %mul3A_2, %add3A_377 : i32
    %dma_start3A_379 = arith.constant 0 : i32
    %dma_start3A_380 = arith.constant 0 : i32
    %dma_start3A_381 = tpu.memref_slice %arg2[%add3A_378, %dma_start3A_379, %dma_start3A_380] : memref<4096x16x512xf32, #tpu.memory_space<hbm>> -> memref<4x16x512xf32, #tpu.memory_space<hbm>>
    %dma_start3A_382 = arith.constant 0 : i32
    %dma_start3A_383 = arith.constant 0 : i32
    %dma_start3A_384 = tpu.memref_slice %arg2[%add3A_378, %dma_start3A_382, %dma_start3A_383] : memref<4096x16x512xf32, #tpu.memory_space<hbm>> -> memref<4x16x512xf32, #tpu.memory_space<hbm>>
    tpu.enqueue_dma source(%dma_start3A_384 : memref<4x16x512xf32, #tpu.memory_space<hbm>>) target(%arg7 : memref<4x16x512xf32, #tpu.memory_space<vmem>>) target_semaphore(%arg14 : memref<!tpu.dma_semaphore, #tpu.memory_space<semaphore_mem>>)
    %dma_start3A_385 = arith.constant 0 : i32
    %dma_start3A_386 = tpu.memref_slice %arg3[%add3A_378, %dma_start3A_385] : memref<4096x512xi32, #tpu.memory_space<hbm>> -> memref<4x512xi32, #tpu.memory_space<hbm>>
    %dma_start3A_387 = arith.constant 0 : i32
    %dma_start3A_388 = tpu.memref_slice %arg3[%add3A_378, %dma_start3A_387] : memref<4096x512xi32, #tpu.memory_space<hbm>> -> memref<4x512xi32, #tpu.memory_space<hbm>>
    tpu.enqueue_dma source(%dma_start3A_388 : memref<4x512xi32, #tpu.memory_space<hbm>>) target(%arg9 : memref<4x512xi32, #tpu.memory_space<vmem>>) target_semaphore(%arg14 : memref<!tpu.dma_semaphore, #tpu.memory_space<semaphore_mem>>)
    %dma_start3A_389 = arith.constant 0 : i32
    %dma_start3A_390 = tpu.memref_slice %arg4[%add3A_378, %dma_start3A_389] : memref<4096x512xi32, #tpu.memory_space<hbm>> -> memref<4x512xi32, #tpu.memory_space<hbm>>
    %dma_start3A_391 = arith.constant 0 : i32
    %dma_start3A_392 = tpu.memref_slice %arg4[%add3A_378, %dma_start3A_391] : memref<4096x512xi32, #tpu.memory_space<hbm>> -> memref<4x512xi32, #tpu.memory_space<hbm>>
    tpu.enqueue_dma source(%dma_start3A_392 : memref<4x512xi32, #tpu.memory_space<hbm>>) target(%arg11 : memref<4x512xi32, #tpu.memory_space<vmem>>) target_semaphore(%arg14 : memref<!tpu.dma_semaphore, #tpu.memory_space<semaphore_mem>>)
    %dma_wait3A_393 = arith.constant 0 : i32
    %dma_wait3A_394 = arith.constant 0 : i32
    %dma_wait3A_395 = tpu.memref_slice %arg2[%add3A_342, %dma_wait3A_393, %dma_wait3A_394] : memref<4096x16x512xf32, #tpu.memory_space<hbm>> -> memref<4x16x512xf32, #tpu.memory_space<hbm>>
    %dma_wait3A_396 = arith.constant 0 : i32
    %dma_wait3A_397 = arith.constant 0 : i32
    %dma_wait3A_398 = tpu.memref_slice %arg2[%add3A_342, %dma_wait3A_396, %dma_wait3A_397] : memref<4096x16x512xf32, #tpu.memory_space<hbm>> -> memref<4x16x512xf32, #tpu.memory_space<hbm>>
    tpu.wait_dma2 semaphore(%arg13 : memref<!tpu.dma_semaphore, #tpu.memory_space<semaphore_mem>>) src(%dma_wait3A_398 : memref<4x16x512xf32, #tpu.memory_space<hbm>>) dst(%arg6 : memref<4x16x512xf32, #tpu.memory_space<vmem>>)
    %dma_wait3A_399 = arith.constant 0 : i32
    %dma_wait3A_400 = tpu.memref_slice %arg3[%add3A_342, %dma_wait3A_399] : memref<4096x512xi32, #tpu.memory_space<hbm>> -> memref<4x512xi32, #tpu.memory_space<hbm>>
    %dma_wait3A_401 = arith.constant 0 : i32
    %dma_wait3A_402 = tpu.memref_slice %arg3[%add3A_342, %dma_wait3A_401] : memref<4096x512xi32, #tpu.memory_space<hbm>> -> memref<4x512xi32, #tpu.memory_space<hbm>>
    tpu.wait_dma2 semaphore(%arg13 : memref<!tpu.dma_semaphore, #tpu.memory_space<semaphore_mem>>) src(%dma_wait3A_402 : memref<4x512xi32, #tpu.memory_space<hbm>>) dst(%arg8 : memref<4x512xi32, #tpu.memory_space<vmem>>)
    %dma_wait3A_403 = arith.constant 0 : i32
    %dma_wait3A_404 = tpu.memref_slice %arg4[%add3A_342, %dma_wait3A_403] : memref<4096x512xi32, #tpu.memory_space<hbm>> -> memref<4x512xi32, #tpu.memory_space<hbm>>
    %dma_wait3A_405 = arith.constant 0 : i32
    %dma_wait3A_406 = tpu.memref_slice %arg4[%add3A_342, %dma_wait3A_405] : memref<4096x512xi32, #tpu.memory_space<hbm>> -> memref<4x512xi32, #tpu.memory_space<hbm>>
    tpu.wait_dma2 semaphore(%arg13 : memref<!tpu.dma_semaphore, #tpu.memory_space<semaphore_mem>>) src(%dma_wait3A_406 : memref<4x512xi32, #tpu.memory_space<hbm>>) dst(%arg10 : memref<4x512xi32, #tpu.memory_space<vmem>>)
    %scan3A_407 = arith.constant 0 : i32
    %scan3A_408 = arith.constant 128 : i32
    %scan3A_409 = arith.addi %scan3A_407, %scan3A_408 : i32
    %scan3A_410 = arith.constant 1 : i32
    %scan3A_411 = scf.for %scan3A_650 = %scan3A_407 to %scan3A_409 step %scan3A_410 iter_args(%scan3A_651 = %scan3A_375) -> (vector<16xf32>)  : i32 {
      %shift_right_logical3A = arith.constant 5 : i32
      %shift_right_logical3A_652 = arith.shrui %scan3A_650, %shift_right_logical3A : i32
      %and3A = arith.constant 31 : i32
      %and3A_653 = arith.andi %scan3A_650, %and3A : i32
      %shift_left3A = arith.constant 4 : i32
      %shift_left3A_654 = arith.shli %and3A_653, %shift_left3A : i32
      %get3A = arith.index_cast %shift_right_logical3A_652 : i32 to index
      %get3A_655 = arith.index_cast %shift_left3A_654 : i32 to index
      %get3A_656 = tpu.vector_load %arg8[%get3A, %get3A_655] {strides = array<i32>} : memref<4x512xi32, #tpu.memory_space<vmem>>, vector<16xi32>,
      %get3A_657 = arith.index_cast %shift_right_logical3A_652 : i32 to index
      %get3A_658 = arith.index_cast %shift_left3A_654 : i32 to index
      %get3A_659 = tpu.vector_load %arg10[%get3A_657, %get3A_658] {strides = array<i32>} : memref<4x512xi32, #tpu.memory_space<vmem>>, vector<16xi32>,
      %add3A_660 = vector.broadcast %shift_left3A_654 : i32 to vector<16xi32>
      %add3A_661 = arith.addi %add3A_660, %iota3A : vector<16xi32>
      %broadcast_in_dim3A_662 = vector.broadcast %shift_right_logical3A_652 : i32 to vector<16xi32>
      %gather3A = tpu.vector_load_idx %arg6[%broadcast_in_dim3A_662, %get3A_656, %add3A_661] : memref<4x16x512xf32, #tpu.memory_space<vmem>>[vector<16xi32>, vector<16xi32>, vector<16xi32>], vector<16xf32>,
      %exp3A = math.exp %gather3A : vector<16xf32>
      %convert_element_type3A_663 = arith.sitofp %shift_left3A_654 : i32 to f32
      %add3A_664 = vector.broadcast %convert_element_type3A_663 : f32 to vector<16xf32>
      %add3A_665 = arith.addf %add3A_664, %convert_element_type3A : vector<16xf32>
      %mul3A_666 = arith.constant 0.001953125 : f32
      %mul3A_667 = vector.broadcast %mul3A_666 : f32 to vector<16xf32>
      %mul3A_668 = arith.mulf %add3A_665, %mul3A_667 : vector<16xf32>
      %convert_element_type3A_669 = arith.sitofp %get3A_659 : vector<16xi32> to vector<16xf32>
      %mul3A_670 = arith.constant 0.001953125 : f32
      %mul3A_671 = vector.broadcast %mul3A_670 : f32 to vector<16xf32>
      %mul3A_672 = arith.mulf %convert_element_type3A_669, %mul3A_671 : vector<16xf32>
      %sub3A = arith.constant 1.000000e+00 : f32
      %sub3A_673 = vector.broadcast %sub3A : f32 to vector<16xf32>
      %sub3A_674 = arith.subf %sub3A_673, %mul3A_668 : vector<16xf32>
      %mul3A_675 = arith.mulf %sub3A_674, %mul3A_672 : vector<16xf32>
      %sub3A_676 = arith.subf %sub3A_674, %mul3A_675 : vector<16xf32>
      %mul3A_677 = arith.mulf %sub3A_674, %sub3A_674 : vector<16xf32>
      %mul3A_678 = arith.mulf %mul3A_672, %mul3A_672 : vector<16xf32>
      %mul3A_679 = arith.mulf %mul3A_677, %mul3A_678 : vector<16xf32>
      %mul3A_680 = arith.constant 3.000000e-01 : f32
      %mul3A_681 = vector.broadcast %mul3A_680 : f32 to vector<16xf32>
      %mul3A_682 = arith.mulf %mul3A_681, %mul3A_679 : vector<16xf32>
      %mul3A_683 = arith.constant 3.000000e-01 : f32
      %mul3A_684 = vector.broadcast %mul3A_683 : f32 to vector<16xf32>
      %mul3A_685 = arith.mulf %mul3A_684, %sub3A_676 : vector<16xf32>
      %sub3A_686 = arith.subf %mul3A_682, %mul3A_685 : vector<16xf32>
      %mul3A_687 = arith.mulf %exp3A, %sub3A_686 : vector<16xf32>
      %mul3A_688 = arith.constant 4.000000e-01 : f32
      %mul3A_689 = vector.broadcast %mul3A_688 : f32 to vector<16xf32>
      %mul3A_690 = arith.mulf %mul3A_689, %gather3A : vector<16xf32>
      %sub3A_691 = arith.subf %mul3A_687, %mul3A_690 : vector<16xf32>
      %mul3A_692 = arith.constant 3.000000e-01 : f32
      %mul3A_693 = vector.broadcast %mul3A_692 : f32 to vector<16xf32>
      %mul3A_694 = arith.mulf %mul3A_693, %mul3A_679 : vector<16xf32>
      %sub3A_695 = arith.subf %sub3A_691, %mul3A_694 : vector<16xf32>
      %add3A_696 = arith.addf %scan3A_651, %sub3A_695 : vector<16xf32>
      scf.yield %add3A_696 : vector<16xf32>
    }
    %scan3A_412 = arith.constant 128 : i32
    %add3A_413 = arith.constant 48 : i32
    %add3A_414 = arith.addi %mul3A_2, %add3A_413 : i32
    %dma_start3A_415 = arith.constant 0 : i32
    %dma_start3A_416 = arith.constant 0 : i32
    %dma_start3A_417 = tpu.memref_slice %arg2[%add3A_414, %dma_start3A_415, %dma_start3A_416] : memref<4096x16x512xf32, #tpu.memory_space<hbm>> -> memref<4x16x512xf32, #tpu.memory_space<hbm>>
    %dma_start3A_418 = arith.constant 0 : i32
    %dma_start3A_419 = arith.constant 0 : i32
    %dma_start3A_420 = tpu.memref_slice %arg2[%add3A_414, %dma_start3A_418, %dma_start3A_419] : memref<4096x16x512xf32, #tpu.memory_space<hbm>> -> memref<4x16x512xf32, #tpu.memory_space<hbm>>
    tpu.enqueue_dma source(%dma_start3A_420 : memref<4x16x512xf32, #tpu.memory_space<hbm>>) target(%arg6 : memref<4x16x512xf32, #tpu.memory_space<vmem>>) target_semaphore(%arg13 : memref<!tpu.dma_semaphore, #tpu.memory_space<semaphore_mem>>)
    %dma_start3A_421 = arith.constant 0 : i32
    %dma_start3A_422 = tpu.memref_slice %arg3[%add3A_414, %dma_start3A_421] : memref<4096x512xi32, #tpu.memory_space<hbm>> -> memref<4x512xi32, #tpu.memory_space<hbm>>
    %dma_start3A_423 = arith.constant 0 : i32
    %dma_start3A_424 = tpu.memref_slice %arg3[%add3A_414, %dma_start3A_423] : memref<4096x512xi32, #tpu.memory_space<hbm>> -> memref<4x512xi32, #tpu.memory_space<hbm>>
    tpu.enqueue_dma source(%dma_start3A_424 : memref<4x512xi32, #tpu.memory_space<hbm>>) target(%arg8 : memref<4x512xi32, #tpu.memory_space<vmem>>) target_semaphore(%arg13 : memref<!tpu.dma_semaphore, #tpu.memory_space<semaphore_mem>>)
    %dma_start3A_425 = arith.constant 0 : i32
    %dma_start3A_426 = tpu.memref_slice %arg4[%add3A_414, %dma_start3A_425] : memref<4096x512xi32, #tpu.memory_space<hbm>> -> memref<4x512xi32, #tpu.memory_space<hbm>>
    %dma_start3A_427 = arith.constant 0 : i32
    %dma_start3A_428 = tpu.memref_slice %arg4[%add3A_414, %dma_start3A_427] : memref<4096x512xi32, #tpu.memory_space<hbm>> -> memref<4x512xi32, #tpu.memory_space<hbm>>
    tpu.enqueue_dma source(%dma_start3A_428 : memref<4x512xi32, #tpu.memory_space<hbm>>) target(%arg10 : memref<4x512xi32, #tpu.memory_space<vmem>>) target_semaphore(%arg13 : memref<!tpu.dma_semaphore, #tpu.memory_space<semaphore_mem>>)
    %dma_wait3A_429 = arith.constant 0 : i32
    %dma_wait3A_430 = arith.constant 0 : i32
    %dma_wait3A_431 = tpu.memref_slice %arg2[%add3A_378, %dma_wait3A_429, %dma_wait3A_430] : memref<4096x16x512xf32, #tpu.memory_space<hbm>> -> memref<4x16x512xf32, #tpu.memory_space<hbm>>
    %dma_wait3A_432 = arith.constant 0 : i32
    %dma_wait3A_433 = arith.constant 0 : i32
    %dma_wait3A_434 = tpu.memref_slice %arg2[%add3A_378, %dma_wait3A_432, %dma_wait3A_433] : memref<4096x16x512xf32, #tpu.memory_space<hbm>> -> memref<4x16x512xf32, #tpu.memory_space<hbm>>
    tpu.wait_dma2 semaphore(%arg14 : memref<!tpu.dma_semaphore, #tpu.memory_space<semaphore_mem>>) src(%dma_wait3A_434 : memref<4x16x512xf32, #tpu.memory_space<hbm>>) dst(%arg7 : memref<4x16x512xf32, #tpu.memory_space<vmem>>)
    %dma_wait3A_435 = arith.constant 0 : i32
    %dma_wait3A_436 = tpu.memref_slice %arg3[%add3A_378, %dma_wait3A_435] : memref<4096x512xi32, #tpu.memory_space<hbm>> -> memref<4x512xi32, #tpu.memory_space<hbm>>
    %dma_wait3A_437 = arith.constant 0 : i32
    %dma_wait3A_438 = tpu.memref_slice %arg3[%add3A_378, %dma_wait3A_437] : memref<4096x512xi32, #tpu.memory_space<hbm>> -> memref<4x512xi32, #tpu.memory_space<hbm>>
    tpu.wait_dma2 semaphore(%arg14 : memref<!tpu.dma_semaphore, #tpu.memory_space<semaphore_mem>>) src(%dma_wait3A_438 : memref<4x512xi32, #tpu.memory_space<hbm>>) dst(%arg9 : memref<4x512xi32, #tpu.memory_space<vmem>>)
    %dma_wait3A_439 = arith.constant 0 : i32
    %dma_wait3A_440 = tpu.memref_slice %arg4[%add3A_378, %dma_wait3A_439] : memref<4096x512xi32, #tpu.memory_space<hbm>> -> memref<4x512xi32, #tpu.memory_space<hbm>>
    %dma_wait3A_441 = arith.constant 0 : i32
    %dma_wait3A_442 = tpu.memref_slice %arg4[%add3A_378, %dma_wait3A_441] : memref<4096x512xi32, #tpu.memory_space<hbm>> -> memref<4x512xi32, #tpu.memory_space<hbm>>
    tpu.wait_dma2 semaphore(%arg14 : memref<!tpu.dma_semaphore, #tpu.memory_space<semaphore_mem>>) src(%dma_wait3A_442 : memref<4x512xi32, #tpu.memory_space<hbm>>) dst(%arg11 : memref<4x512xi32, #tpu.memory_space<vmem>>)
    %scan3A_443 = arith.constant 0 : i32
    %scan3A_444 = arith.constant 128 : i32
    %scan3A_445 = arith.addi %scan3A_443, %scan3A_444 : i32
    %scan3A_446 = arith.constant 1 : i32
    %scan3A_447 = scf.for %scan3A_650 = %scan3A_443 to %scan3A_445 step %scan3A_446 iter_args(%scan3A_651 = %scan3A_411) -> (vector<16xf32>)  : i32 {
      %shift_right_logical3A = arith.constant 5 : i32
      %shift_right_logical3A_652 = arith.shrui %scan3A_650, %shift_right_logical3A : i32
      %and3A = arith.constant 31 : i32
      %and3A_653 = arith.andi %scan3A_650, %and3A : i32
      %shift_left3A = arith.constant 4 : i32
      %shift_left3A_654 = arith.shli %and3A_653, %shift_left3A : i32
      %get3A = arith.index_cast %shift_right_logical3A_652 : i32 to index
      %get3A_655 = arith.index_cast %shift_left3A_654 : i32 to index
      %get3A_656 = tpu.vector_load %arg9[%get3A, %get3A_655] {strides = array<i32>} : memref<4x512xi32, #tpu.memory_space<vmem>>, vector<16xi32>,
      %get3A_657 = arith.index_cast %shift_right_logical3A_652 : i32 to index
      %get3A_658 = arith.index_cast %shift_left3A_654 : i32 to index
      %get3A_659 = tpu.vector_load %arg11[%get3A_657, %get3A_658] {strides = array<i32>} : memref<4x512xi32, #tpu.memory_space<vmem>>, vector<16xi32>,
      %add3A_660 = vector.broadcast %shift_left3A_654 : i32 to vector<16xi32>
      %add3A_661 = arith.addi %add3A_660, %iota3A : vector<16xi32>
      %broadcast_in_dim3A_662 = vector.broadcast %shift_right_logical3A_652 : i32 to vector<16xi32>
      %gather3A = tpu.vector_load_idx %arg7[%broadcast_in_dim3A_662, %get3A_656, %add3A_661] : memref<4x16x512xf32, #tpu.memory_space<vmem>>[vector<16xi32>, vector<16xi32>, vector<16xi32>], vector<16xf32>,
      %exp3A = math.exp %gather3A : vector<16xf32>
      %convert_element_type3A_663 = arith.sitofp %shift_left3A_654 : i32 to f32
      %add3A_664 = vector.broadcast %convert_element_type3A_663 : f32 to vector<16xf32>
      %add3A_665 = arith.addf %add3A_664, %convert_element_type3A : vector<16xf32>
      %mul3A_666 = arith.constant 0.001953125 : f32
      %mul3A_667 = vector.broadcast %mul3A_666 : f32 to vector<16xf32>
      %mul3A_668 = arith.mulf %add3A_665, %mul3A_667 : vector<16xf32>
      %convert_element_type3A_669 = arith.sitofp %get3A_659 : vector<16xi32> to vector<16xf32>
      %mul3A_670 = arith.constant 0.001953125 : f32
      %mul3A_671 = vector.broadcast %mul3A_670 : f32 to vector<16xf32>
      %mul3A_672 = arith.mulf %convert_element_type3A_669, %mul3A_671 : vector<16xf32>
      %sub3A = arith.constant 1.000000e+00 : f32
      %sub3A_673 = vector.broadcast %sub3A : f32 to vector<16xf32>
      %sub3A_674 = arith.subf %sub3A_673, %mul3A_668 : vector<16xf32>
      %mul3A_675 = arith.mulf %sub3A_674, %mul3A_672 : vector<16xf32>
      %sub3A_676 = arith.subf %sub3A_674, %mul3A_675 : vector<16xf32>
      %mul3A_677 = arith.mulf %sub3A_674, %sub3A_674 : vector<16xf32>
      %mul3A_678 = arith.mulf %mul3A_672, %mul3A_672 : vector<16xf32>
      %mul3A_679 = arith.mulf %mul3A_677, %mul3A_678 : vector<16xf32>
      %mul3A_680 = arith.constant 3.000000e-01 : f32
      %mul3A_681 = vector.broadcast %mul3A_680 : f32 to vector<16xf32>
      %mul3A_682 = arith.mulf %mul3A_681, %mul3A_679 : vector<16xf32>
      %mul3A_683 = arith.constant 3.000000e-01 : f32
      %mul3A_684 = vector.broadcast %mul3A_683 : f32 to vector<16xf32>
      %mul3A_685 = arith.mulf %mul3A_684, %sub3A_676 : vector<16xf32>
      %sub3A_686 = arith.subf %mul3A_682, %mul3A_685 : vector<16xf32>
      %mul3A_687 = arith.mulf %exp3A, %sub3A_686 : vector<16xf32>
      %mul3A_688 = arith.constant 4.000000e-01 : f32
      %mul3A_689 = vector.broadcast %mul3A_688 : f32 to vector<16xf32>
      %mul3A_690 = arith.mulf %mul3A_689, %gather3A : vector<16xf32>
      %sub3A_691 = arith.subf %mul3A_687, %mul3A_690 : vector<16xf32>
      %mul3A_692 = arith.constant 3.000000e-01 : f32
      %mul3A_693 = vector.broadcast %mul3A_692 : f32 to vector<16xf32>
      %mul3A_694 = arith.mulf %mul3A_693, %mul3A_679 : vector<16xf32>
      %sub3A_695 = arith.subf %sub3A_691, %mul3A_694 : vector<16xf32>
      %add3A_696 = arith.addf %scan3A_651, %sub3A_695 : vector<16xf32>
      scf.yield %add3A_696 : vector<16xf32>
    }
    %scan3A_448 = arith.constant 128 : i32
    %add3A_449 = arith.constant 52 : i32
    %add3A_450 = arith.addi %mul3A_2, %add3A_449 : i32
    %dma_start3A_451 = arith.constant 0 : i32
    %dma_start3A_452 = arith.constant 0 : i32
    %dma_start3A_453 = tpu.memref_slice %arg2[%add3A_450, %dma_start3A_451, %dma_start3A_452] : memref<4096x16x512xf32, #tpu.memory_space<hbm>> -> memref<4x16x512xf32, #tpu.memory_space<hbm>>
    %dma_start3A_454 = arith.constant 0 : i32
    %dma_start3A_455 = arith.constant 0 : i32
    %dma_start3A_456 = tpu.memref_slice %arg2[%add3A_450, %dma_start3A_454, %dma_start3A_455] : memref<4096x16x512xf32, #tpu.memory_space<hbm>> -> memref<4x16x512xf32, #tpu.memory_space<hbm>>
    tpu.enqueue_dma source(%dma_start3A_456 : memref<4x16x512xf32, #tpu.memory_space<hbm>>) target(%arg7 : memref<4x16x512xf32, #tpu.memory_space<vmem>>) target_semaphore(%arg14 : memref<!tpu.dma_semaphore, #tpu.memory_space<semaphore_mem>>)
    %dma_start3A_457 = arith.constant 0 : i32
    %dma_start3A_458 = tpu.memref_slice %arg3[%add3A_450, %dma_start3A_457] : memref<4096x512xi32, #tpu.memory_space<hbm>> -> memref<4x512xi32, #tpu.memory_space<hbm>>
    %dma_start3A_459 = arith.constant 0 : i32
    %dma_start3A_460 = tpu.memref_slice %arg3[%add3A_450, %dma_start3A_459] : memref<4096x512xi32, #tpu.memory_space<hbm>> -> memref<4x512xi32, #tpu.memory_space<hbm>>
    tpu.enqueue_dma source(%dma_start3A_460 : memref<4x512xi32, #tpu.memory_space<hbm>>) target(%arg9 : memref<4x512xi32, #tpu.memory_space<vmem>>) target_semaphore(%arg14 : memref<!tpu.dma_semaphore, #tpu.memory_space<semaphore_mem>>)
    %dma_start3A_461 = arith.constant 0 : i32
    %dma_start3A_462 = tpu.memref_slice %arg4[%add3A_450, %dma_start3A_461] : memref<4096x512xi32, #tpu.memory_space<hbm>> -> memref<4x512xi32, #tpu.memory_space<hbm>>
    %dma_start3A_463 = arith.constant 0 : i32
    %dma_start3A_464 = tpu.memref_slice %arg4[%add3A_450, %dma_start3A_463] : memref<4096x512xi32, #tpu.memory_space<hbm>> -> memref<4x512xi32, #tpu.memory_space<hbm>>
    tpu.enqueue_dma source(%dma_start3A_464 : memref<4x512xi32, #tpu.memory_space<hbm>>) target(%arg11 : memref<4x512xi32, #tpu.memory_space<vmem>>) target_semaphore(%arg14 : memref<!tpu.dma_semaphore, #tpu.memory_space<semaphore_mem>>)
    %dma_wait3A_465 = arith.constant 0 : i32
    %dma_wait3A_466 = arith.constant 0 : i32
    %dma_wait3A_467 = tpu.memref_slice %arg2[%add3A_414, %dma_wait3A_465, %dma_wait3A_466] : memref<4096x16x512xf32, #tpu.memory_space<hbm>> -> memref<4x16x512xf32, #tpu.memory_space<hbm>>
    %dma_wait3A_468 = arith.constant 0 : i32
    %dma_wait3A_469 = arith.constant 0 : i32
    %dma_wait3A_470 = tpu.memref_slice %arg2[%add3A_414, %dma_wait3A_468, %dma_wait3A_469] : memref<4096x16x512xf32, #tpu.memory_space<hbm>> -> memref<4x16x512xf32, #tpu.memory_space<hbm>>
    tpu.wait_dma2 semaphore(%arg13 : memref<!tpu.dma_semaphore, #tpu.memory_space<semaphore_mem>>) src(%dma_wait3A_470 : memref<4x16x512xf32, #tpu.memory_space<hbm>>) dst(%arg6 : memref<4x16x512xf32, #tpu.memory_space<vmem>>)
    %dma_wait3A_471 = arith.constant 0 : i32
    %dma_wait3A_472 = tpu.memref_slice %arg3[%add3A_414, %dma_wait3A_471] : memref<4096x512xi32, #tpu.memory_space<hbm>> -> memref<4x512xi32, #tpu.memory_space<hbm>>
    %dma_wait3A_473 = arith.constant 0 : i32
    %dma_wait3A_474 = tpu.memref_slice %arg3[%add3A_414, %dma_wait3A_473] : memref<4096x512xi32, #tpu.memory_space<hbm>> -> memref<4x512xi32, #tpu.memory_space<hbm>>
    tpu.wait_dma2 semaphore(%arg13 : memref<!tpu.dma_semaphore, #tpu.memory_space<semaphore_mem>>) src(%dma_wait3A_474 : memref<4x512xi32, #tpu.memory_space<hbm>>) dst(%arg8 : memref<4x512xi32, #tpu.memory_space<vmem>>)
    %dma_wait3A_475 = arith.constant 0 : i32
    %dma_wait3A_476 = tpu.memref_slice %arg4[%add3A_414, %dma_wait3A_475] : memref<4096x512xi32, #tpu.memory_space<hbm>> -> memref<4x512xi32, #tpu.memory_space<hbm>>
    %dma_wait3A_477 = arith.constant 0 : i32
    %dma_wait3A_478 = tpu.memref_slice %arg4[%add3A_414, %dma_wait3A_477] : memref<4096x512xi32, #tpu.memory_space<hbm>> -> memref<4x512xi32, #tpu.memory_space<hbm>>
    tpu.wait_dma2 semaphore(%arg13 : memref<!tpu.dma_semaphore, #tpu.memory_space<semaphore_mem>>) src(%dma_wait3A_478 : memref<4x512xi32, #tpu.memory_space<hbm>>) dst(%arg10 : memref<4x512xi32, #tpu.memory_space<vmem>>)
    %scan3A_479 = arith.constant 0 : i32
    %scan3A_480 = arith.constant 128 : i32
    %scan3A_481 = arith.addi %scan3A_479, %scan3A_480 : i32
    %scan3A_482 = arith.constant 1 : i32
    %scan3A_483 = scf.for %scan3A_650 = %scan3A_479 to %scan3A_481 step %scan3A_482 iter_args(%scan3A_651 = %scan3A_447) -> (vector<16xf32>)  : i32 {
      %shift_right_logical3A = arith.constant 5 : i32
      %shift_right_logical3A_652 = arith.shrui %scan3A_650, %shift_right_logical3A : i32
      %and3A = arith.constant 31 : i32
      %and3A_653 = arith.andi %scan3A_650, %and3A : i32
      %shift_left3A = arith.constant 4 : i32
      %shift_left3A_654 = arith.shli %and3A_653, %shift_left3A : i32
      %get3A = arith.index_cast %shift_right_logical3A_652 : i32 to index
      %get3A_655 = arith.index_cast %shift_left3A_654 : i32 to index
      %get3A_656 = tpu.vector_load %arg8[%get3A, %get3A_655] {strides = array<i32>} : memref<4x512xi32, #tpu.memory_space<vmem>>, vector<16xi32>,
      %get3A_657 = arith.index_cast %shift_right_logical3A_652 : i32 to index
      %get3A_658 = arith.index_cast %shift_left3A_654 : i32 to index
      %get3A_659 = tpu.vector_load %arg10[%get3A_657, %get3A_658] {strides = array<i32>} : memref<4x512xi32, #tpu.memory_space<vmem>>, vector<16xi32>,
      %add3A_660 = vector.broadcast %shift_left3A_654 : i32 to vector<16xi32>
      %add3A_661 = arith.addi %add3A_660, %iota3A : vector<16xi32>
      %broadcast_in_dim3A_662 = vector.broadcast %shift_right_logical3A_652 : i32 to vector<16xi32>
      %gather3A = tpu.vector_load_idx %arg6[%broadcast_in_dim3A_662, %get3A_656, %add3A_661] : memref<4x16x512xf32, #tpu.memory_space<vmem>>[vector<16xi32>, vector<16xi32>, vector<16xi32>], vector<16xf32>,
      %exp3A = math.exp %gather3A : vector<16xf32>
      %convert_element_type3A_663 = arith.sitofp %shift_left3A_654 : i32 to f32
      %add3A_664 = vector.broadcast %convert_element_type3A_663 : f32 to vector<16xf32>
      %add3A_665 = arith.addf %add3A_664, %convert_element_type3A : vector<16xf32>
      %mul3A_666 = arith.constant 0.001953125 : f32
      %mul3A_667 = vector.broadcast %mul3A_666 : f32 to vector<16xf32>
      %mul3A_668 = arith.mulf %add3A_665, %mul3A_667 : vector<16xf32>
      %convert_element_type3A_669 = arith.sitofp %get3A_659 : vector<16xi32> to vector<16xf32>
      %mul3A_670 = arith.constant 0.001953125 : f32
      %mul3A_671 = vector.broadcast %mul3A_670 : f32 to vector<16xf32>
      %mul3A_672 = arith.mulf %convert_element_type3A_669, %mul3A_671 : vector<16xf32>
      %sub3A = arith.constant 1.000000e+00 : f32
      %sub3A_673 = vector.broadcast %sub3A : f32 to vector<16xf32>
      %sub3A_674 = arith.subf %sub3A_673, %mul3A_668 : vector<16xf32>
      %mul3A_675 = arith.mulf %sub3A_674, %mul3A_672 : vector<16xf32>
      %sub3A_676 = arith.subf %sub3A_674, %mul3A_675 : vector<16xf32>
      %mul3A_677 = arith.mulf %sub3A_674, %sub3A_674 : vector<16xf32>
      %mul3A_678 = arith.mulf %mul3A_672, %mul3A_672 : vector<16xf32>
      %mul3A_679 = arith.mulf %mul3A_677, %mul3A_678 : vector<16xf32>
      %mul3A_680 = arith.constant 3.000000e-01 : f32
      %mul3A_681 = vector.broadcast %mul3A_680 : f32 to vector<16xf32>
      %mul3A_682 = arith.mulf %mul3A_681, %mul3A_679 : vector<16xf32>
      %mul3A_683 = arith.constant 3.000000e-01 : f32
      %mul3A_684 = vector.broadcast %mul3A_683 : f32 to vector<16xf32>
      %mul3A_685 = arith.mulf %mul3A_684, %sub3A_676 : vector<16xf32>
      %sub3A_686 = arith.subf %mul3A_682, %mul3A_685 : vector<16xf32>
      %mul3A_687 = arith.mulf %exp3A, %sub3A_686 : vector<16xf32>
      %mul3A_688 = arith.constant 4.000000e-01 : f32
      %mul3A_689 = vector.broadcast %mul3A_688 : f32 to vector<16xf32>
      %mul3A_690 = arith.mulf %mul3A_689, %gather3A : vector<16xf32>
      %sub3A_691 = arith.subf %mul3A_687, %mul3A_690 : vector<16xf32>
      %mul3A_692 = arith.constant 3.000000e-01 : f32
      %mul3A_693 = vector.broadcast %mul3A_692 : f32 to vector<16xf32>
      %mul3A_694 = arith.mulf %mul3A_693, %mul3A_679 : vector<16xf32>
      %sub3A_695 = arith.subf %sub3A_691, %mul3A_694 : vector<16xf32>
      %add3A_696 = arith.addf %scan3A_651, %sub3A_695 : vector<16xf32>
      scf.yield %add3A_696 : vector<16xf32>
    }
    %scan3A_484 = arith.constant 128 : i32
    %add3A_485 = arith.constant 56 : i32
    %add3A_486 = arith.addi %mul3A_2, %add3A_485 : i32
    %dma_start3A_487 = arith.constant 0 : i32
    %dma_start3A_488 = arith.constant 0 : i32
    %dma_start3A_489 = tpu.memref_slice %arg2[%add3A_486, %dma_start3A_487, %dma_start3A_488] : memref<4096x16x512xf32, #tpu.memory_space<hbm>> -> memref<4x16x512xf32, #tpu.memory_space<hbm>>
    %dma_start3A_490 = arith.constant 0 : i32
    %dma_start3A_491 = arith.constant 0 : i32
    %dma_start3A_492 = tpu.memref_slice %arg2[%add3A_486, %dma_start3A_490, %dma_start3A_491] : memref<4096x16x512xf32, #tpu.memory_space<hbm>> -> memref<4x16x512xf32, #tpu.memory_space<hbm>>
    tpu.enqueue_dma source(%dma_start3A_492 : memref<4x16x512xf32, #tpu.memory_space<hbm>>) target(%arg6 : memref<4x16x512xf32, #tpu.memory_space<vmem>>) target_semaphore(%arg13 : memref<!tpu.dma_semaphore, #tpu.memory_space<semaphore_mem>>)
    %dma_start3A_493 = arith.constant 0 : i32
    %dma_start3A_494 = tpu.memref_slice %arg3[%add3A_486, %dma_start3A_493] : memref<4096x512xi32, #tpu.memory_space<hbm>> -> memref<4x512xi32, #tpu.memory_space<hbm>>
    %dma_start3A_495 = arith.constant 0 : i32
    %dma_start3A_496 = tpu.memref_slice %arg3[%add3A_486, %dma_start3A_495] : memref<4096x512xi32, #tpu.memory_space<hbm>> -> memref<4x512xi32, #tpu.memory_space<hbm>>
    tpu.enqueue_dma source(%dma_start3A_496 : memref<4x512xi32, #tpu.memory_space<hbm>>) target(%arg8 : memref<4x512xi32, #tpu.memory_space<vmem>>) target_semaphore(%arg13 : memref<!tpu.dma_semaphore, #tpu.memory_space<semaphore_mem>>)
    %dma_start3A_497 = arith.constant 0 : i32
    %dma_start3A_498 = tpu.memref_slice %arg4[%add3A_486, %dma_start3A_497] : memref<4096x512xi32, #tpu.memory_space<hbm>> -> memref<4x512xi32, #tpu.memory_space<hbm>>
    %dma_start3A_499 = arith.constant 0 : i32
    %dma_start3A_500 = tpu.memref_slice %arg4[%add3A_486, %dma_start3A_499] : memref<4096x512xi32, #tpu.memory_space<hbm>> -> memref<4x512xi32, #tpu.memory_space<hbm>>
    tpu.enqueue_dma source(%dma_start3A_500 : memref<4x512xi32, #tpu.memory_space<hbm>>) target(%arg10 : memref<4x512xi32, #tpu.memory_space<vmem>>) target_semaphore(%arg13 : memref<!tpu.dma_semaphore, #tpu.memory_space<semaphore_mem>>)
    %dma_wait3A_501 = arith.constant 0 : i32
    %dma_wait3A_502 = arith.constant 0 : i32
    %dma_wait3A_503 = tpu.memref_slice %arg2[%add3A_450, %dma_wait3A_501, %dma_wait3A_502] : memref<4096x16x512xf32, #tpu.memory_space<hbm>> -> memref<4x16x512xf32, #tpu.memory_space<hbm>>
    %dma_wait3A_504 = arith.constant 0 : i32
    %dma_wait3A_505 = arith.constant 0 : i32
    %dma_wait3A_506 = tpu.memref_slice %arg2[%add3A_450, %dma_wait3A_504, %dma_wait3A_505] : memref<4096x16x512xf32, #tpu.memory_space<hbm>> -> memref<4x16x512xf32, #tpu.memory_space<hbm>>
    tpu.wait_dma2 semaphore(%arg14 : memref<!tpu.dma_semaphore, #tpu.memory_space<semaphore_mem>>) src(%dma_wait3A_506 : memref<4x16x512xf32, #tpu.memory_space<hbm>>) dst(%arg7 : memref<4x16x512xf32, #tpu.memory_space<vmem>>)
    %dma_wait3A_507 = arith.constant 0 : i32
    %dma_wait3A_508 = tpu.memref_slice %arg3[%add3A_450, %dma_wait3A_507] : memref<4096x512xi32, #tpu.memory_space<hbm>> -> memref<4x512xi32, #tpu.memory_space<hbm>>
    %dma_wait3A_509 = arith.constant 0 : i32
    %dma_wait3A_510 = tpu.memref_slice %arg3[%add3A_450, %dma_wait3A_509] : memref<4096x512xi32, #tpu.memory_space<hbm>> -> memref<4x512xi32, #tpu.memory_space<hbm>>
    tpu.wait_dma2 semaphore(%arg14 : memref<!tpu.dma_semaphore, #tpu.memory_space<semaphore_mem>>) src(%dma_wait3A_510 : memref<4x512xi32, #tpu.memory_space<hbm>>) dst(%arg9 : memref<4x512xi32, #tpu.memory_space<vmem>>)
    %dma_wait3A_511 = arith.constant 0 : i32
    %dma_wait3A_512 = tpu.memref_slice %arg4[%add3A_450, %dma_wait3A_511] : memref<4096x512xi32, #tpu.memory_space<hbm>> -> memref<4x512xi32, #tpu.memory_space<hbm>>
    %dma_wait3A_513 = arith.constant 0 : i32
    %dma_wait3A_514 = tpu.memref_slice %arg4[%add3A_450, %dma_wait3A_513] : memref<4096x512xi32, #tpu.memory_space<hbm>> -> memref<4x512xi32, #tpu.memory_space<hbm>>
    tpu.wait_dma2 semaphore(%arg14 : memref<!tpu.dma_semaphore, #tpu.memory_space<semaphore_mem>>) src(%dma_wait3A_514 : memref<4x512xi32, #tpu.memory_space<hbm>>) dst(%arg11 : memref<4x512xi32, #tpu.memory_space<vmem>>)
    %scan3A_515 = arith.constant 0 : i32
    %scan3A_516 = arith.constant 128 : i32
    %scan3A_517 = arith.addi %scan3A_515, %scan3A_516 : i32
    %scan3A_518 = arith.constant 1 : i32
    %scan3A_519 = scf.for %scan3A_650 = %scan3A_515 to %scan3A_517 step %scan3A_518 iter_args(%scan3A_651 = %scan3A_483) -> (vector<16xf32>)  : i32 {
      %shift_right_logical3A = arith.constant 5 : i32
      %shift_right_logical3A_652 = arith.shrui %scan3A_650, %shift_right_logical3A : i32
      %and3A = arith.constant 31 : i32
      %and3A_653 = arith.andi %scan3A_650, %and3A : i32
      %shift_left3A = arith.constant 4 : i32
      %shift_left3A_654 = arith.shli %and3A_653, %shift_left3A : i32
      %get3A = arith.index_cast %shift_right_logical3A_652 : i32 to index
      %get3A_655 = arith.index_cast %shift_left3A_654 : i32 to index
      %get3A_656 = tpu.vector_load %arg9[%get3A, %get3A_655] {strides = array<i32>} : memref<4x512xi32, #tpu.memory_space<vmem>>, vector<16xi32>,
      %get3A_657 = arith.index_cast %shift_right_logical3A_652 : i32 to index
      %get3A_658 = arith.index_cast %shift_left3A_654 : i32 to index
      %get3A_659 = tpu.vector_load %arg11[%get3A_657, %get3A_658] {strides = array<i32>} : memref<4x512xi32, #tpu.memory_space<vmem>>, vector<16xi32>,
      %add3A_660 = vector.broadcast %shift_left3A_654 : i32 to vector<16xi32>
      %add3A_661 = arith.addi %add3A_660, %iota3A : vector<16xi32>
      %broadcast_in_dim3A_662 = vector.broadcast %shift_right_logical3A_652 : i32 to vector<16xi32>
      %gather3A = tpu.vector_load_idx %arg7[%broadcast_in_dim3A_662, %get3A_656, %add3A_661] : memref<4x16x512xf32, #tpu.memory_space<vmem>>[vector<16xi32>, vector<16xi32>, vector<16xi32>], vector<16xf32>,
      %exp3A = math.exp %gather3A : vector<16xf32>
      %convert_element_type3A_663 = arith.sitofp %shift_left3A_654 : i32 to f32
      %add3A_664 = vector.broadcast %convert_element_type3A_663 : f32 to vector<16xf32>
      %add3A_665 = arith.addf %add3A_664, %convert_element_type3A : vector<16xf32>
      %mul3A_666 = arith.constant 0.001953125 : f32
      %mul3A_667 = vector.broadcast %mul3A_666 : f32 to vector<16xf32>
      %mul3A_668 = arith.mulf %add3A_665, %mul3A_667 : vector<16xf32>
      %convert_element_type3A_669 = arith.sitofp %get3A_659 : vector<16xi32> to vector<16xf32>
      %mul3A_670 = arith.constant 0.001953125 : f32
      %mul3A_671 = vector.broadcast %mul3A_670 : f32 to vector<16xf32>
      %mul3A_672 = arith.mulf %convert_element_type3A_669, %mul3A_671 : vector<16xf32>
      %sub3A = arith.constant 1.000000e+00 : f32
      %sub3A_673 = vector.broadcast %sub3A : f32 to vector<16xf32>
      %sub3A_674 = arith.subf %sub3A_673, %mul3A_668 : vector<16xf32>
      %mul3A_675 = arith.mulf %sub3A_674, %mul3A_672 : vector<16xf32>
      %sub3A_676 = arith.subf %sub3A_674, %mul3A_675 : vector<16xf32>
      %mul3A_677 = arith.mulf %sub3A_674, %sub3A_674 : vector<16xf32>
      %mul3A_678 = arith.mulf %mul3A_672, %mul3A_672 : vector<16xf32>
      %mul3A_679 = arith.mulf %mul3A_677, %mul3A_678 : vector<16xf32>
      %mul3A_680 = arith.constant 3.000000e-01 : f32
      %mul3A_681 = vector.broadcast %mul3A_680 : f32 to vector<16xf32>
      %mul3A_682 = arith.mulf %mul3A_681, %mul3A_679 : vector<16xf32>
      %mul3A_683 = arith.constant 3.000000e-01 : f32
      %mul3A_684 = vector.broadcast %mul3A_683 : f32 to vector<16xf32>
      %mul3A_685 = arith.mulf %mul3A_684, %sub3A_676 : vector<16xf32>
      %sub3A_686 = arith.subf %mul3A_682, %mul3A_685 : vector<16xf32>
      %mul3A_687 = arith.mulf %exp3A, %sub3A_686 : vector<16xf32>
      %mul3A_688 = arith.constant 4.000000e-01 : f32
      %mul3A_689 = vector.broadcast %mul3A_688 : f32 to vector<16xf32>
      %mul3A_690 = arith.mulf %mul3A_689, %gather3A : vector<16xf32>
      %sub3A_691 = arith.subf %mul3A_687, %mul3A_690 : vector<16xf32>
      %mul3A_692 = arith.constant 3.000000e-01 : f32
      %mul3A_693 = vector.broadcast %mul3A_692 : f32 to vector<16xf32>
      %mul3A_694 = arith.mulf %mul3A_693, %mul3A_679 : vector<16xf32>
      %sub3A_695 = arith.subf %sub3A_691, %mul3A_694 : vector<16xf32>
      %add3A_696 = arith.addf %scan3A_651, %sub3A_695 : vector<16xf32>
      scf.yield %add3A_696 : vector<16xf32>
    }
    %scan3A_520 = arith.constant 128 : i32
    %add3A_521 = arith.constant 60 : i32
    %add3A_522 = arith.addi %mul3A_2, %add3A_521 : i32
    %dma_start3A_523 = arith.constant 0 : i32
    %dma_start3A_524 = arith.constant 0 : i32
    %dma_start3A_525 = tpu.memref_slice %arg2[%add3A_522, %dma_start3A_523, %dma_start3A_524] : memref<4096x16x512xf32, #tpu.memory_space<hbm>> -> memref<4x16x512xf32, #tpu.memory_space<hbm>>
    %dma_start3A_526 = arith.constant 0 : i32
    %dma_start3A_527 = arith.constant 0 : i32
    %dma_start3A_528 = tpu.memref_slice %arg2[%add3A_522, %dma_start3A_526, %dma_start3A_527] : memref<4096x16x512xf32, #tpu.memory_space<hbm>> -> memref<4x16x512xf32, #tpu.memory_space<hbm>>
    tpu.enqueue_dma source(%dma_start3A_528 : memref<4x16x512xf32, #tpu.memory_space<hbm>>) target(%arg7 : memref<4x16x512xf32, #tpu.memory_space<vmem>>) target_semaphore(%arg14 : memref<!tpu.dma_semaphore, #tpu.memory_space<semaphore_mem>>)
    %dma_start3A_529 = arith.constant 0 : i32
    %dma_start3A_530 = tpu.memref_slice %arg3[%add3A_522, %dma_start3A_529] : memref<4096x512xi32, #tpu.memory_space<hbm>> -> memref<4x512xi32, #tpu.memory_space<hbm>>
    %dma_start3A_531 = arith.constant 0 : i32
    %dma_start3A_532 = tpu.memref_slice %arg3[%add3A_522, %dma_start3A_531] : memref<4096x512xi32, #tpu.memory_space<hbm>> -> memref<4x512xi32, #tpu.memory_space<hbm>>
    tpu.enqueue_dma source(%dma_start3A_532 : memref<4x512xi32, #tpu.memory_space<hbm>>) target(%arg9 : memref<4x512xi32, #tpu.memory_space<vmem>>) target_semaphore(%arg14 : memref<!tpu.dma_semaphore, #tpu.memory_space<semaphore_mem>>)
    %dma_start3A_533 = arith.constant 0 : i32
    %dma_start3A_534 = tpu.memref_slice %arg4[%add3A_522, %dma_start3A_533] : memref<4096x512xi32, #tpu.memory_space<hbm>> -> memref<4x512xi32, #tpu.memory_space<hbm>>
    %dma_start3A_535 = arith.constant 0 : i32
    %dma_start3A_536 = tpu.memref_slice %arg4[%add3A_522, %dma_start3A_535] : memref<4096x512xi32, #tpu.memory_space<hbm>> -> memref<4x512xi32, #tpu.memory_space<hbm>>
    tpu.enqueue_dma source(%dma_start3A_536 : memref<4x512xi32, #tpu.memory_space<hbm>>) target(%arg11 : memref<4x512xi32, #tpu.memory_space<vmem>>) target_semaphore(%arg14 : memref<!tpu.dma_semaphore, #tpu.memory_space<semaphore_mem>>)
    %dma_wait3A_537 = arith.constant 0 : i32
    %dma_wait3A_538 = arith.constant 0 : i32
    %dma_wait3A_539 = tpu.memref_slice %arg2[%add3A_486, %dma_wait3A_537, %dma_wait3A_538] : memref<4096x16x512xf32, #tpu.memory_space<hbm>> -> memref<4x16x512xf32, #tpu.memory_space<hbm>>
    %dma_wait3A_540 = arith.constant 0 : i32
    %dma_wait3A_541 = arith.constant 0 : i32
    %dma_wait3A_542 = tpu.memref_slice %arg2[%add3A_486, %dma_wait3A_540, %dma_wait3A_541] : memref<4096x16x512xf32, #tpu.memory_space<hbm>> -> memref<4x16x512xf32, #tpu.memory_space<hbm>>
    tpu.wait_dma2 semaphore(%arg13 : memref<!tpu.dma_semaphore, #tpu.memory_space<semaphore_mem>>) src(%dma_wait3A_542 : memref<4x16x512xf32, #tpu.memory_space<hbm>>) dst(%arg6 : memref<4x16x512xf32, #tpu.memory_space<vmem>>)
    %dma_wait3A_543 = arith.constant 0 : i32
    %dma_wait3A_544 = tpu.memref_slice %arg3[%add3A_486, %dma_wait3A_543] : memref<4096x512xi32, #tpu.memory_space<hbm>> -> memref<4x512xi32, #tpu.memory_space<hbm>>
    %dma_wait3A_545 = arith.constant 0 : i32
    %dma_wait3A_546 = tpu.memref_slice %arg3[%add3A_486, %dma_wait3A_545] : memref<4096x512xi32, #tpu.memory_space<hbm>> -> memref<4x512xi32, #tpu.memory_space<hbm>>
    tpu.wait_dma2 semaphore(%arg13 : memref<!tpu.dma_semaphore, #tpu.memory_space<semaphore_mem>>) src(%dma_wait3A_546 : memref<4x512xi32, #tpu.memory_space<hbm>>) dst(%arg8 : memref<4x512xi32, #tpu.memory_space<vmem>>)
    %dma_wait3A_547 = arith.constant 0 : i32
    %dma_wait3A_548 = tpu.memref_slice %arg4[%add3A_486, %dma_wait3A_547] : memref<4096x512xi32, #tpu.memory_space<hbm>> -> memref<4x512xi32, #tpu.memory_space<hbm>>
    %dma_wait3A_549 = arith.constant 0 : i32
    %dma_wait3A_550 = tpu.memref_slice %arg4[%add3A_486, %dma_wait3A_549] : memref<4096x512xi32, #tpu.memory_space<hbm>> -> memref<4x512xi32, #tpu.memory_space<hbm>>
    tpu.wait_dma2 semaphore(%arg13 : memref<!tpu.dma_semaphore, #tpu.memory_space<semaphore_mem>>) src(%dma_wait3A_550 : memref<4x512xi32, #tpu.memory_space<hbm>>) dst(%arg10 : memref<4x512xi32, #tpu.memory_space<vmem>>)
    %scan3A_551 = arith.constant 0 : i32
    %scan3A_552 = arith.constant 128 : i32
    %scan3A_553 = arith.addi %scan3A_551, %scan3A_552 : i32
    %scan3A_554 = arith.constant 1 : i32
    %scan3A_555 = scf.for %scan3A_650 = %scan3A_551 to %scan3A_553 step %scan3A_554 iter_args(%scan3A_651 = %scan3A_519) -> (vector<16xf32>)  : i32 {
      %shift_right_logical3A = arith.constant 5 : i32
      %shift_right_logical3A_652 = arith.shrui %scan3A_650, %shift_right_logical3A : i32
      %and3A = arith.constant 31 : i32
      %and3A_653 = arith.andi %scan3A_650, %and3A : i32
      %shift_left3A = arith.constant 4 : i32
      %shift_left3A_654 = arith.shli %and3A_653, %shift_left3A : i32
      %get3A = arith.index_cast %shift_right_logical3A_652 : i32 to index
      %get3A_655 = arith.index_cast %shift_left3A_654 : i32 to index
      %get3A_656 = tpu.vector_load %arg8[%get3A, %get3A_655] {strides = array<i32>} : memref<4x512xi32, #tpu.memory_space<vmem>>, vector<16xi32>,
      %get3A_657 = arith.index_cast %shift_right_logical3A_652 : i32 to index
      %get3A_658 = arith.index_cast %shift_left3A_654 : i32 to index
      %get3A_659 = tpu.vector_load %arg10[%get3A_657, %get3A_658] {strides = array<i32>} : memref<4x512xi32, #tpu.memory_space<vmem>>, vector<16xi32>,
      %add3A_660 = vector.broadcast %shift_left3A_654 : i32 to vector<16xi32>
      %add3A_661 = arith.addi %add3A_660, %iota3A : vector<16xi32>
      %broadcast_in_dim3A_662 = vector.broadcast %shift_right_logical3A_652 : i32 to vector<16xi32>
      %gather3A = tpu.vector_load_idx %arg6[%broadcast_in_dim3A_662, %get3A_656, %add3A_661] : memref<4x16x512xf32, #tpu.memory_space<vmem>>[vector<16xi32>, vector<16xi32>, vector<16xi32>], vector<16xf32>,
      %exp3A = math.exp %gather3A : vector<16xf32>
      %convert_element_type3A_663 = arith.sitofp %shift_left3A_654 : i32 to f32
      %add3A_664 = vector.broadcast %convert_element_type3A_663 : f32 to vector<16xf32>
      %add3A_665 = arith.addf %add3A_664, %convert_element_type3A : vector<16xf32>
      %mul3A_666 = arith.constant 0.001953125 : f32
      %mul3A_667 = vector.broadcast %mul3A_666 : f32 to vector<16xf32>
      %mul3A_668 = arith.mulf %add3A_665, %mul3A_667 : vector<16xf32>
      %convert_element_type3A_669 = arith.sitofp %get3A_659 : vector<16xi32> to vector<16xf32>
      %mul3A_670 = arith.constant 0.001953125 : f32
      %mul3A_671 = vector.broadcast %mul3A_670 : f32 to vector<16xf32>
      %mul3A_672 = arith.mulf %convert_element_type3A_669, %mul3A_671 : vector<16xf32>
      %sub3A = arith.constant 1.000000e+00 : f32
      %sub3A_673 = vector.broadcast %sub3A : f32 to vector<16xf32>
      %sub3A_674 = arith.subf %sub3A_673, %mul3A_668 : vector<16xf32>
      %mul3A_675 = arith.mulf %sub3A_674, %mul3A_672 : vector<16xf32>
      %sub3A_676 = arith.subf %sub3A_674, %mul3A_675 : vector<16xf32>
      %mul3A_677 = arith.mulf %sub3A_674, %sub3A_674 : vector<16xf32>
      %mul3A_678 = arith.mulf %mul3A_672, %mul3A_672 : vector<16xf32>
      %mul3A_679 = arith.mulf %mul3A_677, %mul3A_678 : vector<16xf32>
      %mul3A_680 = arith.constant 3.000000e-01 : f32
      %mul3A_681 = vector.broadcast %mul3A_680 : f32 to vector<16xf32>
      %mul3A_682 = arith.mulf %mul3A_681, %mul3A_679 : vector<16xf32>
      %mul3A_683 = arith.constant 3.000000e-01 : f32
      %mul3A_684 = vector.broadcast %mul3A_683 : f32 to vector<16xf32>
      %mul3A_685 = arith.mulf %mul3A_684, %sub3A_676 : vector<16xf32>
      %sub3A_686 = arith.subf %mul3A_682, %mul3A_685 : vector<16xf32>
      %mul3A_687 = arith.mulf %exp3A, %sub3A_686 : vector<16xf32>
      %mul3A_688 = arith.constant 4.000000e-01 : f32
      %mul3A_689 = vector.broadcast %mul3A_688 : f32 to vector<16xf32>
      %mul3A_690 = arith.mulf %mul3A_689, %gather3A : vector<16xf32>
      %sub3A_691 = arith.subf %mul3A_687, %mul3A_690 : vector<16xf32>
      %mul3A_692 = arith.constant 3.000000e-01 : f32
      %mul3A_693 = vector.broadcast %mul3A_692 : f32 to vector<16xf32>
      %mul3A_694 = arith.mulf %mul3A_693, %mul3A_679 : vector<16xf32>
      %sub3A_695 = arith.subf %sub3A_691, %mul3A_694 : vector<16xf32>
      %add3A_696 = arith.addf %scan3A_651, %sub3A_695 : vector<16xf32>
      scf.yield %add3A_696 : vector<16xf32>
    }
    %scan3A_556 = arith.constant 128 : i32
    %add3A_557 = arith.constant 64 : i32
    %add3A_558 = arith.addi %mul3A_2, %add3A_557 : i32
    %dma_start3A_559 = arith.constant 0 : i32
    %dma_start3A_560 = arith.constant 0 : i32
    %dma_start3A_561 = tpu.memref_slice %arg2[%add3A_558, %dma_start3A_559, %dma_start3A_560] : memref<4096x16x512xf32, #tpu.memory_space<hbm>> -> memref<4x16x512xf32, #tpu.memory_space<hbm>>
    %dma_start3A_562 = arith.constant 0 : i32
    %dma_start3A_563 = arith.constant 0 : i32
    %dma_start3A_564 = tpu.memref_slice %arg2[%add3A_558, %dma_start3A_562, %dma_start3A_563] : memref<4096x16x512xf32, #tpu.memory_space<hbm>> -> memref<4x16x512xf32, #tpu.memory_space<hbm>>
    tpu.enqueue_dma source(%dma_start3A_564 : memref<4x16x512xf32, #tpu.memory_space<hbm>>) target(%arg6 : memref<4x16x512xf32, #tpu.memory_space<vmem>>) target_semaphore(%arg13 : memref<!tpu.dma_semaphore, #tpu.memory_space<semaphore_mem>>)
    %dma_start3A_565 = arith.constant 0 : i32
    %dma_start3A_566 = tpu.memref_slice %arg3[%add3A_558, %dma_start3A_565] : memref<4096x512xi32, #tpu.memory_space<hbm>> -> memref<4x512xi32, #tpu.memory_space<hbm>>
    %dma_start3A_567 = arith.constant 0 : i32
    %dma_start3A_568 = tpu.memref_slice %arg3[%add3A_558, %dma_start3A_567] : memref<4096x512xi32, #tpu.memory_space<hbm>> -> memref<4x512xi32, #tpu.memory_space<hbm>>
    tpu.enqueue_dma source(%dma_start3A_568 : memref<4x512xi32, #tpu.memory_space<hbm>>) target(%arg8 : memref<4x512xi32, #tpu.memory_space<vmem>>) target_semaphore(%arg13 : memref<!tpu.dma_semaphore, #tpu.memory_space<semaphore_mem>>)
    %dma_start3A_569 = arith.constant 0 : i32
    %dma_start3A_570 = tpu.memref_slice %arg4[%add3A_558, %dma_start3A_569] : memref<4096x512xi32, #tpu.memory_space<hbm>> -> memref<4x512xi32, #tpu.memory_space<hbm>>
    %dma_start3A_571 = arith.constant 0 : i32
    %dma_start3A_572 = tpu.memref_slice %arg4[%add3A_558, %dma_start3A_571] : memref<4096x512xi32, #tpu.memory_space<hbm>> -> memref<4x512xi32, #tpu.memory_space<hbm>>
    tpu.enqueue_dma source(%dma_start3A_572 : memref<4x512xi32, #tpu.memory_space<hbm>>) target(%arg10 : memref<4x512xi32, #tpu.memory_space<vmem>>) target_semaphore(%arg13 : memref<!tpu.dma_semaphore, #tpu.memory_space<semaphore_mem>>)
    %dma_wait3A_573 = arith.constant 0 : i32
    %dma_wait3A_574 = arith.constant 0 : i32
    %dma_wait3A_575 = tpu.memref_slice %arg2[%add3A_522, %dma_wait3A_573, %dma_wait3A_574] : memref<4096x16x512xf32, #tpu.memory_space<hbm>> -> memref<4x16x512xf32, #tpu.memory_space<hbm>>
    %dma_wait3A_576 = arith.constant 0 : i32
    %dma_wait3A_577 = arith.constant 0 : i32
    %dma_wait3A_578 = tpu.memref_slice %arg2[%add3A_522, %dma_wait3A_576, %dma_wait3A_577] : memref<4096x16x512xf32, #tpu.memory_space<hbm>> -> memref<4x16x512xf32, #tpu.memory_space<hbm>>
    tpu.wait_dma2 semaphore(%arg14 : memref<!tpu.dma_semaphore, #tpu.memory_space<semaphore_mem>>) src(%dma_wait3A_578 : memref<4x16x512xf32, #tpu.memory_space<hbm>>) dst(%arg7 : memref<4x16x512xf32, #tpu.memory_space<vmem>>)
    %dma_wait3A_579 = arith.constant 0 : i32
    %dma_wait3A_580 = tpu.memref_slice %arg3[%add3A_522, %dma_wait3A_579] : memref<4096x512xi32, #tpu.memory_space<hbm>> -> memref<4x512xi32, #tpu.memory_space<hbm>>
    %dma_wait3A_581 = arith.constant 0 : i32
    %dma_wait3A_582 = tpu.memref_slice %arg3[%add3A_522, %dma_wait3A_581] : memref<4096x512xi32, #tpu.memory_space<hbm>> -> memref<4x512xi32, #tpu.memory_space<hbm>>
    tpu.wait_dma2 semaphore(%arg14 : memref<!tpu.dma_semaphore, #tpu.memory_space<semaphore_mem>>) src(%dma_wait3A_582 : memref<4x512xi32, #tpu.memory_space<hbm>>) dst(%arg9 : memref<4x512xi32, #tpu.memory_space<vmem>>)
    %dma_wait3A_583 = arith.constant 0 : i32
    %dma_wait3A_584 = tpu.memref_slice %arg4[%add3A_522, %dma_wait3A_583] : memref<4096x512xi32, #tpu.memory_space<hbm>> -> memref<4x512xi32, #tpu.memory_space<hbm>>
    %dma_wait3A_585 = arith.constant 0 : i32
    %dma_wait3A_586 = tpu.memref_slice %arg4[%add3A_522, %dma_wait3A_585] : memref<4096x512xi32, #tpu.memory_space<hbm>> -> memref<4x512xi32, #tpu.memory_space<hbm>>
    tpu.wait_dma2 semaphore(%arg14 : memref<!tpu.dma_semaphore, #tpu.memory_space<semaphore_mem>>) src(%dma_wait3A_586 : memref<4x512xi32, #tpu.memory_space<hbm>>) dst(%arg11 : memref<4x512xi32, #tpu.memory_space<vmem>>)
    %scan3A_587 = arith.constant 0 : i32
    %scan3A_588 = arith.constant 128 : i32
    %scan3A_589 = arith.addi %scan3A_587, %scan3A_588 : i32
    %scan3A_590 = arith.constant 1 : i32
    %scan3A_591 = scf.for %scan3A_650 = %scan3A_587 to %scan3A_589 step %scan3A_590 iter_args(%scan3A_651 = %scan3A_555) -> (vector<16xf32>)  : i32 {
      %shift_right_logical3A = arith.constant 5 : i32
      %shift_right_logical3A_652 = arith.shrui %scan3A_650, %shift_right_logical3A : i32
      %and3A = arith.constant 31 : i32
      %and3A_653 = arith.andi %scan3A_650, %and3A : i32
      %shift_left3A = arith.constant 4 : i32
      %shift_left3A_654 = arith.shli %and3A_653, %shift_left3A : i32
      %get3A = arith.index_cast %shift_right_logical3A_652 : i32 to index
      %get3A_655 = arith.index_cast %shift_left3A_654 : i32 to index
      %get3A_656 = tpu.vector_load %arg9[%get3A, %get3A_655] {strides = array<i32>} : memref<4x512xi32, #tpu.memory_space<vmem>>, vector<16xi32>,
      %get3A_657 = arith.index_cast %shift_right_logical3A_652 : i32 to index
      %get3A_658 = arith.index_cast %shift_left3A_654 : i32 to index
      %get3A_659 = tpu.vector_load %arg11[%get3A_657, %get3A_658] {strides = array<i32>} : memref<4x512xi32, #tpu.memory_space<vmem>>, vector<16xi32>,
      %add3A_660 = vector.broadcast %shift_left3A_654 : i32 to vector<16xi32>
      %add3A_661 = arith.addi %add3A_660, %iota3A : vector<16xi32>
      %broadcast_in_dim3A_662 = vector.broadcast %shift_right_logical3A_652 : i32 to vector<16xi32>
      %gather3A = tpu.vector_load_idx %arg7[%broadcast_in_dim3A_662, %get3A_656, %add3A_661] : memref<4x16x512xf32, #tpu.memory_space<vmem>>[vector<16xi32>, vector<16xi32>, vector<16xi32>], vector<16xf32>,
      %exp3A = math.exp %gather3A : vector<16xf32>
      %convert_element_type3A_663 = arith.sitofp %shift_left3A_654 : i32 to f32
      %add3A_664 = vector.broadcast %convert_element_type3A_663 : f32 to vector<16xf32>
      %add3A_665 = arith.addf %add3A_664, %convert_element_type3A : vector<16xf32>
      %mul3A_666 = arith.constant 0.001953125 : f32
      %mul3A_667 = vector.broadcast %mul3A_666 : f32 to vector<16xf32>
      %mul3A_668 = arith.mulf %add3A_665, %mul3A_667 : vector<16xf32>
      %convert_element_type3A_669 = arith.sitofp %get3A_659 : vector<16xi32> to vector<16xf32>
      %mul3A_670 = arith.constant 0.001953125 : f32
      %mul3A_671 = vector.broadcast %mul3A_670 : f32 to vector<16xf32>
      %mul3A_672 = arith.mulf %convert_element_type3A_669, %mul3A_671 : vector<16xf32>
      %sub3A = arith.constant 1.000000e+00 : f32
      %sub3A_673 = vector.broadcast %sub3A : f32 to vector<16xf32>
      %sub3A_674 = arith.subf %sub3A_673, %mul3A_668 : vector<16xf32>
      %mul3A_675 = arith.mulf %sub3A_674, %mul3A_672 : vector<16xf32>
      %sub3A_676 = arith.subf %sub3A_674, %mul3A_675 : vector<16xf32>
      %mul3A_677 = arith.mulf %sub3A_674, %sub3A_674 : vector<16xf32>
      %mul3A_678 = arith.mulf %mul3A_672, %mul3A_672 : vector<16xf32>
      %mul3A_679 = arith.mulf %mul3A_677, %mul3A_678 : vector<16xf32>
      %mul3A_680 = arith.constant 3.000000e-01 : f32
      %mul3A_681 = vector.broadcast %mul3A_680 : f32 to vector<16xf32>
      %mul3A_682 = arith.mulf %mul3A_681, %mul3A_679 : vector<16xf32>
      %mul3A_683 = arith.constant 3.000000e-01 : f32
      %mul3A_684 = vector.broadcast %mul3A_683 : f32 to vector<16xf32>
      %mul3A_685 = arith.mulf %mul3A_684, %sub3A_676 : vector<16xf32>
      %sub3A_686 = arith.subf %mul3A_682, %mul3A_685 : vector<16xf32>
      %mul3A_687 = arith.mulf %exp3A, %sub3A_686 : vector<16xf32>
      %mul3A_688 = arith.constant 4.000000e-01 : f32
      %mul3A_689 = vector.broadcast %mul3A_688 : f32 to vector<16xf32>
      %mul3A_690 = arith.mulf %mul3A_689, %gather3A : vector<16xf32>
      %sub3A_691 = arith.subf %mul3A_687, %mul3A_690 : vector<16xf32>
      %mul3A_692 = arith.constant 3.000000e-01 : f32
      %mul3A_693 = vector.broadcast %mul3A_692 : f32 to vector<16xf32>
      %mul3A_694 = arith.mulf %mul3A_693, %mul3A_679 : vector<16xf32>
      %sub3A_695 = arith.subf %sub3A_691, %mul3A_694 : vector<16xf32>
      %add3A_696 = arith.addf %scan3A_651, %sub3A_695 : vector<16xf32>
      scf.yield %add3A_696 : vector<16xf32>
    }
    %scan3A_592 = arith.constant 128 : i32
    %add3A_593 = arith.constant 68 : i32
    %add3A_594 = arith.addi %mul3A_2, %add3A_593 : i32
    %dma_start3A_595 = arith.constant 0 : i32
    %dma_start3A_596 = arith.constant 0 : i32
    %dma_start3A_597 = tpu.memref_slice %arg2[%add3A_594, %dma_start3A_595, %dma_start3A_596] : memref<4096x16x512xf32, #tpu.memory_space<hbm>> -> memref<4x16x512xf32, #tpu.memory_space<hbm>>
    %dma_start3A_598 = arith.constant 0 : i32
    %dma_start3A_599 = arith.constant 0 : i32
    %dma_start3A_600 = tpu.memref_slice %arg2[%add3A_594, %dma_start3A_598, %dma_start3A_599] : memref<4096x16x512xf32, #tpu.memory_space<hbm>> -> memref<4x16x512xf32, #tpu.memory_space<hbm>>
    tpu.enqueue_dma source(%dma_start3A_600 : memref<4x16x512xf32, #tpu.memory_space<hbm>>) target(%arg7 : memref<4x16x512xf32, #tpu.memory_space<vmem>>) target_semaphore(%arg14 : memref<!tpu.dma_semaphore, #tpu.memory_space<semaphore_mem>>)
    %dma_start3A_601 = arith.constant 0 : i32
    %dma_start3A_602 = tpu.memref_slice %arg3[%add3A_594, %dma_start3A_601] : memref<4096x512xi32, #tpu.memory_space<hbm>> -> memref<4x512xi32, #tpu.memory_space<hbm>>
    %dma_start3A_603 = arith.constant 0 : i32
    %dma_start3A_604 = tpu.memref_slice %arg3[%add3A_594, %dma_start3A_603] : memref<4096x512xi32, #tpu.memory_space<hbm>> -> memref<4x512xi32, #tpu.memory_space<hbm>>
    tpu.enqueue_dma source(%dma_start3A_604 : memref<4x512xi32, #tpu.memory_space<hbm>>) target(%arg9 : memref<4x512xi32, #tpu.memory_space<vmem>>) target_semaphore(%arg14 : memref<!tpu.dma_semaphore, #tpu.memory_space<semaphore_mem>>)
    %dma_start3A_605 = arith.constant 0 : i32
    %dma_start3A_606 = tpu.memref_slice %arg4[%add3A_594, %dma_start3A_605] : memref<4096x512xi32, #tpu.memory_space<hbm>> -> memref<4x512xi32, #tpu.memory_space<hbm>>
    %dma_start3A_607 = arith.constant 0 : i32
    %dma_start3A_608 = tpu.memref_slice %arg4[%add3A_594, %dma_start3A_607] : memref<4096x512xi32, #tpu.memory_space<hbm>> -> memref<4x512xi32, #tpu.memory_space<hbm>>
    tpu.enqueue_dma source(%dma_start3A_608 : memref<4x512xi32, #tpu.memory_space<hbm>>) target(%arg11 : memref<4x512xi32, #tpu.memory_space<vmem>>) target_semaphore(%arg14 : memref<!tpu.dma_semaphore, #tpu.memory_space<semaphore_mem>>)
    %dma_wait3A_609 = arith.constant 0 : i32
    %dma_wait3A_610 = arith.constant 0 : i32
    %dma_wait3A_611 = tpu.memref_slice %arg2[%add3A_558, %dma_wait3A_609, %dma_wait3A_610] : memref<4096x16x512xf32, #tpu.memory_space<hbm>> -> memref<4x16x512xf32, #tpu.memory_space<hbm>>
    %dma_wait3A_612 = arith.constant 0 : i32
    %dma_wait3A_613 = arith.constant 0 : i32
    %dma_wait3A_614 = tpu.memref_slice %arg2[%add3A_558, %dma_wait3A_612, %dma_wait3A_613] : memref<4096x16x512xf32, #tpu.memory_space<hbm>> -> memref<4x16x512xf32, #tpu.memory_space<hbm>>
    tpu.wait_dma2 semaphore(%arg13 : memref<!tpu.dma_semaphore, #tpu.memory_space<semaphore_mem>>) src(%dma_wait3A_614 : memref<4x16x512xf32, #tpu.memory_space<hbm>>) dst(%arg6 : memref<4x16x512xf32, #tpu.memory_space<vmem>>)
    %dma_wait3A_615 = arith.constant 0 : i32
    %dma_wait3A_616 = tpu.memref_slice %arg3[%add3A_558, %dma_wait3A_615] : memref<4096x512xi32, #tpu.memory_space<hbm>> -> memref<4x512xi32, #tpu.memory_space<hbm>>
    %dma_wait3A_617 = arith.constant 0 : i32
    %dma_wait3A_618 = tpu.memref_slice %arg3[%add3A_558, %dma_wait3A_617] : memref<4096x512xi32, #tpu.memory_space<hbm>> -> memref<4x512xi32, #tpu.memory_space<hbm>>
    tpu.wait_dma2 semaphore(%arg13 : memref<!tpu.dma_semaphore, #tpu.memory_space<semaphore_mem>>) src(%dma_wait3A_618 : memref<4x512xi32, #tpu.memory_space<hbm>>) dst(%arg8 : memref<4x512xi32, #tpu.memory_space<vmem>>)
    %dma_wait3A_619 = arith.constant 0 : i32
    %dma_wait3A_620 = tpu.memref_slice %arg4[%add3A_558, %dma_wait3A_619] : memref<4096x512xi32, #tpu.memory_space<hbm>> -> memref<4x512xi32, #tpu.memory_space<hbm>>
    %dma_wait3A_621 = arith.constant 0 : i32
    %dma_wait3A_622 = tpu.memref_slice %arg4[%add3A_558, %dma_wait3A_621] : memref<4096x512xi32, #tpu.memory_space<hbm>> -> memref<4x512xi32, #tpu.memory_space<hbm>>
    tpu.wait_dma2 semaphore(%arg13 : memref<!tpu.dma_semaphore, #tpu.memory_space<semaphore_mem>>) src(%dma_wait3A_622 : memref<4x512xi32, #tpu.memory_space<hbm>>) dst(%arg10 : memref<4x512xi32, #tpu.memory_space<vmem>>)
    %scan3A_623 = arith.constant 0 : i32
    %scan3A_624 = arith.constant 128 : i32
    %scan3A_625 = arith.addi %scan3A_623, %scan3A_624 : i32
    %scan3A_626 = arith.constant 1 : i32
    %scan3A_627 = scf.for %scan3A_650 = %scan3A_623 to %scan3A_625 step %scan3A_626 iter_args(%scan3A_651 = %scan3A_591) -> (vector<16xf32>)  : i32 {
      %shift_right_logical3A = arith.constant 5 : i32
      %shift_right_logical3A_652 = arith.shrui %scan3A_650, %shift_right_logical3A : i32
      %and3A = arith.constant 31 : i32
      %and3A_653 = arith.andi %scan3A_650, %and3A : i32
      %shift_left3A = arith.constant 4 : i32
      %shift_left3A_654 = arith.shli %and3A_653, %shift_left3A : i32
      %get3A = arith.index_cast %shift_right_logical3A_652 : i32 to index
      %get3A_655 = arith.index_cast %shift_left3A_654 : i32 to index
      %get3A_656 = tpu.vector_load %arg8[%get3A, %get3A_655] {strides = array<i32>} : memref<4x512xi32, #tpu.memory_space<vmem>>, vector<16xi32>,
      %get3A_657 = arith.index_cast %shift_right_logical3A_652 : i32 to index
      %get3A_658 = arith.index_cast %shift_left3A_654 : i32 to index
      %get3A_659 = tpu.vector_load %arg10[%get3A_657, %get3A_658] {strides = array<i32>} : memref<4x512xi32, #tpu.memory_space<vmem>>, vector<16xi32>,
      %add3A_660 = vector.broadcast %shift_left3A_654 : i32 to vector<16xi32>
      %add3A_661 = arith.addi %add3A_660, %iota3A : vector<16xi32>
      %broadcast_in_dim3A_662 = vector.broadcast %shift_right_logical3A_652 : i32 to vector<16xi32>
      %gather3A = tpu.vector_load_idx %arg6[%broadcast_in_dim3A_662, %get3A_656, %add3A_661] : memref<4x16x512xf32, #tpu.memory_space<vmem>>[vector<16xi32>, vector<16xi32>, vector<16xi32>], vector<16xf32>,
      %exp3A = math.exp %gather3A : vector<16xf32>
      %convert_element_type3A_663 = arith.sitofp %shift_left3A_654 : i32 to f32
      %add3A_664 = vector.broadcast %convert_element_type3A_663 : f32 to vector<16xf32>
      %add3A_665 = arith.addf %add3A_664, %convert_element_type3A : vector<16xf32>
      %mul3A_666 = arith.constant 0.001953125 : f32
      %mul3A_667 = vector.broadcast %mul3A_666 : f32 to vector<16xf32>
      %mul3A_668 = arith.mulf %add3A_665, %mul3A_667 : vector<16xf32>
      %convert_element_type3A_669 = arith.sitofp %get3A_659 : vector<16xi32> to vector<16xf32>
      %mul3A_670 = arith.constant 0.001953125 : f32
      %mul3A_671 = vector.broadcast %mul3A_670 : f32 to vector<16xf32>
      %mul3A_672 = arith.mulf %convert_element_type3A_669, %mul3A_671 : vector<16xf32>
      %sub3A = arith.constant 1.000000e+00 : f32
      %sub3A_673 = vector.broadcast %sub3A : f32 to vector<16xf32>
      %sub3A_674 = arith.subf %sub3A_673, %mul3A_668 : vector<16xf32>
      %mul3A_675 = arith.mulf %sub3A_674, %mul3A_672 : vector<16xf32>
      %sub3A_676 = arith.subf %sub3A_674, %mul3A_675 : vector<16xf32>
      %mul3A_677 = arith.mulf %sub3A_674, %sub3A_674 : vector<16xf32>
      %mul3A_678 = arith.mulf %mul3A_672, %mul3A_672 : vector<16xf32>
      %mul3A_679 = arith.mulf %mul3A_677, %mul3A_678 : vector<16xf32>
      %mul3A_680 = arith.constant 3.000000e-01 : f32
      %mul3A_681 = vector.broadcast %mul3A_680 : f32 to vector<16xf32>
      %mul3A_682 = arith.mulf %mul3A_681, %mul3A_679 : vector<16xf32>
      %mul3A_683 = arith.constant 3.000000e-01 : f32
      %mul3A_684 = vector.broadcast %mul3A_683 : f32 to vector<16xf32>
      %mul3A_685 = arith.mulf %mul3A_684, %sub3A_676 : vector<16xf32>
      %sub3A_686 = arith.subf %mul3A_682, %mul3A_685 : vector<16xf32>
      %mul3A_687 = arith.mulf %exp3A, %sub3A_686 : vector<16xf32>
      %mul3A_688 = arith.constant 4.000000e-01 : f32
      %mul3A_689 = vector.broadcast %mul3A_688 : f32 to vector<16xf32>
      %mul3A_690 = arith.mulf %mul3A_689, %gather3A : vector<16xf32>
      %sub3A_691 = arith.subf %mul3A_687, %mul3A_690 : vector<16xf32>
      %mul3A_692 = arith.constant 3.000000e-01 : f32
      %mul3A_693 = vector.broadcast %mul3A_692 : f32 to vector<16xf32>
      %mul3A_694 = arith.mulf %mul3A_693, %mul3A_679 : vector<16xf32>
      %sub3A_695 = arith.subf %sub3A_691, %mul3A_694 : vector<16xf32>
      %add3A_696 = arith.addf %scan3A_651, %sub3A_695 : vector<16xf32>
      scf.yield %add3A_696 : vector<16xf32>
    }
    %scan3A_628 = arith.constant 128 : i32
    %dma_wait3A_629 = arith.constant 0 : i32
    %dma_wait3A_630 = arith.constant 0 : i32
    %dma_wait3A_631 = tpu.memref_slice %arg2[%add3A_594, %dma_wait3A_629, %dma_wait3A_630] : memref<4096x16x512xf32, #tpu.memory_space<hbm>> -> memref<4x16x512xf32, #tpu.memory_space<hbm>>
    %dma_wait3A_632 = arith.constant 0 : i32
    %dma_wait3A_633 = arith.constant 0 : i32
    %dma_wait3A_634 = tpu.memref_slice %arg2[%add3A_594, %dma_wait3A_632, %dma_wait3A_633] : memref<4096x16x512xf32, #tpu.memory_space<hbm>> -> memref<4x16x512xf32, #tpu.memory_space<hbm>>
    tpu.wait_dma2 semaphore(%arg14 : memref<!tpu.dma_semaphore, #tpu.memory_space<semaphore_mem>>) src(%dma_wait3A_634 : memref<4x16x512xf32, #tpu.memory_space<hbm>>) dst(%arg7 : memref<4x16x512xf32, #tpu.memory_space<vmem>>)
    %dma_wait3A_635 = arith.constant 0 : i32
    %dma_wait3A_636 = tpu.memref_slice %arg3[%add3A_594, %dma_wait3A_635] : memref<4096x512xi32, #tpu.memory_space<hbm>> -> memref<4x512xi32, #tpu.memory_space<hbm>>
    %dma_wait3A_637 = arith.constant 0 : i32
    %dma_wait3A_638 = tpu.memref_slice %arg3[%add3A_594, %dma_wait3A_637] : memref<4096x512xi32, #tpu.memory_space<hbm>> -> memref<4x512xi32, #tpu.memory_space<hbm>>
    tpu.wait_dma2 semaphore(%arg14 : memref<!tpu.dma_semaphore, #tpu.memory_space<semaphore_mem>>) src(%dma_wait3A_638 : memref<4x512xi32, #tpu.memory_space<hbm>>) dst(%arg9 : memref<4x512xi32, #tpu.memory_space<vmem>>)
    %dma_wait3A_639 = arith.constant 0 : i32
    %dma_wait3A_640 = tpu.memref_slice %arg4[%add3A_594, %dma_wait3A_639] : memref<4096x512xi32, #tpu.memory_space<hbm>> -> memref<4x512xi32, #tpu.memory_space<hbm>>
    %dma_wait3A_641 = arith.constant 0 : i32
    %dma_wait3A_642 = tpu.memref_slice %arg4[%add3A_594, %dma_wait3A_641] : memref<4096x512xi32, #tpu.memory_space<hbm>> -> memref<4x512xi32, #tpu.memory_space<hbm>>
    tpu.wait_dma2 semaphore(%arg14 : memref<!tpu.dma_semaphore, #tpu.memory_space<semaphore_mem>>) src(%dma_wait3A_642 : memref<4x512xi32, #tpu.memory_space<hbm>>) dst(%arg11 : memref<4x512xi32, #tpu.memory_space<vmem>>)
    %scan3A_643 = arith.constant 0 : i32
    %scan3A_644 = arith.constant 128 : i32
    %scan3A_645 = arith.addi %scan3A_643, %scan3A_644 : i32
    %scan3A_646 = arith.constant 1 : i32
    %scan3A_647 = scf.for %scan3A_650 = %scan3A_643 to %scan3A_645 step %scan3A_646 iter_args(%scan3A_651 = %scan3A_627) -> (vector<16xf32>)  : i32 {
      %shift_right_logical3A = arith.constant 5 : i32
      %shift_right_logical3A_652 = arith.shrui %scan3A_650, %shift_right_logical3A : i32
      %and3A = arith.constant 31 : i32
      %and3A_653 = arith.andi %scan3A_650, %and3A : i32
      %shift_left3A = arith.constant 4 : i32
      %shift_left3A_654 = arith.shli %and3A_653, %shift_left3A : i32
      %get3A = arith.index_cast %shift_right_logical3A_652 : i32 to index
      %get3A_655 = arith.index_cast %shift_left3A_654 : i32 to index
      %get3A_656 = tpu.vector_load %arg9[%get3A, %get3A_655] {strides = array<i32>} : memref<4x512xi32, #tpu.memory_space<vmem>>, vector<16xi32>,
      %get3A_657 = arith.index_cast %shift_right_logical3A_652 : i32 to index
      %get3A_658 = arith.index_cast %shift_left3A_654 : i32 to index
      %get3A_659 = tpu.vector_load %arg11[%get3A_657, %get3A_658] {strides = array<i32>} : memref<4x512xi32, #tpu.memory_space<vmem>>, vector<16xi32>,
      %add3A_660 = vector.broadcast %shift_left3A_654 : i32 to vector<16xi32>
      %add3A_661 = arith.addi %add3A_660, %iota3A : vector<16xi32>
      %broadcast_in_dim3A_662 = vector.broadcast %shift_right_logical3A_652 : i32 to vector<16xi32>
      %gather3A = tpu.vector_load_idx %arg7[%broadcast_in_dim3A_662, %get3A_656, %add3A_661] : memref<4x16x512xf32, #tpu.memory_space<vmem>>[vector<16xi32>, vector<16xi32>, vector<16xi32>], vector<16xf32>,
      %exp3A = math.exp %gather3A : vector<16xf32>
      %convert_element_type3A_663 = arith.sitofp %shift_left3A_654 : i32 to f32
      %add3A_664 = vector.broadcast %convert_element_type3A_663 : f32 to vector<16xf32>
      %add3A_665 = arith.addf %add3A_664, %convert_element_type3A : vector<16xf32>
      %mul3A_666 = arith.constant 0.001953125 : f32
      %mul3A_667 = vector.broadcast %mul3A_666 : f32 to vector<16xf32>
      %mul3A_668 = arith.mulf %add3A_665, %mul3A_667 : vector<16xf32>
      %convert_element_type3A_669 = arith.sitofp %get3A_659 : vector<16xi32> to vector<16xf32>
      %mul3A_670 = arith.constant 0.001953125 : f32
      %mul3A_671 = vector.broadcast %mul3A_670 : f32 to vector<16xf32>
      %mul3A_672 = arith.mulf %convert_element_type3A_669, %mul3A_671 : vector<16xf32>
      %sub3A = arith.constant 1.000000e+00 : f32
      %sub3A_673 = vector.broadcast %sub3A : f32 to vector<16xf32>
      %sub3A_674 = arith.subf %sub3A_673, %mul3A_668 : vector<16xf32>
      %mul3A_675 = arith.mulf %sub3A_674, %mul3A_672 : vector<16xf32>
      %sub3A_676 = arith.subf %sub3A_674, %mul3A_675 : vector<16xf32>
      %mul3A_677 = arith.mulf %sub3A_674, %sub3A_674 : vector<16xf32>
      %mul3A_678 = arith.mulf %mul3A_672, %mul3A_672 : vector<16xf32>
      %mul3A_679 = arith.mulf %mul3A_677, %mul3A_678 : vector<16xf32>
      %mul3A_680 = arith.constant 3.000000e-01 : f32
      %mul3A_681 = vector.broadcast %mul3A_680 : f32 to vector<16xf32>
      %mul3A_682 = arith.mulf %mul3A_681, %mul3A_679 : vector<16xf32>
      %mul3A_683 = arith.constant 3.000000e-01 : f32
      %mul3A_684 = vector.broadcast %mul3A_683 : f32 to vector<16xf32>
      %mul3A_685 = arith.mulf %mul3A_684, %sub3A_676 : vector<16xf32>
      %sub3A_686 = arith.subf %mul3A_682, %mul3A_685 : vector<16xf32>
      %mul3A_687 = arith.mulf %exp3A, %sub3A_686 : vector<16xf32>
      %mul3A_688 = arith.constant 4.000000e-01 : f32
      %mul3A_689 = vector.broadcast %mul3A_688 : f32 to vector<16xf32>
      %mul3A_690 = arith.mulf %mul3A_689, %gather3A : vector<16xf32>
      %sub3A_691 = arith.subf %mul3A_687, %mul3A_690 : vector<16xf32>
      %mul3A_692 = arith.constant 3.000000e-01 : f32
      %mul3A_693 = vector.broadcast %mul3A_692 : f32 to vector<16xf32>
      %mul3A_694 = arith.mulf %mul3A_693, %mul3A_679 : vector<16xf32>
      %sub3A_695 = arith.subf %sub3A_691, %mul3A_694 : vector<16xf32>
      %add3A_696 = arith.addf %scan3A_651, %sub3A_695 : vector<16xf32>
      scf.yield %add3A_696 : vector<16xf32>
    }
    %scan3A_648 = arith.constant 128 : i32
    %swap3A = arith.constant 0 : index
    %swap3A_649 = tpu.vector_load %arg12[%swap3A] {strides = array<i32>} : memref<16xf32, #tpu.memory_space<vmem>>, vector<16xf32>,
    tpu.vector_store %arg12[%swap3A], %scan3A_647 {strides = array<i32>} : memref<16xf32, #tpu.memory_space<vmem>>, vector<16xf32>,
    "tpu.region"() ({
      %run_scoped3A = tpu.sem_alloc : memref<!tpu.dma_semaphore, #tpu.memory_space<semaphore_mem>>
      %dma_start3A_650 = arith.constant 0 : i32
      %dma_start3A_651 = tpu.memref_slice %arg5[%add3A, %dma_start3A_650] : memref<32x16xf32, #tpu.memory_space<hbm>> -> memref<1x16xf32, #tpu.memory_space<hbm>>
      %dma_start3A_652 = tpu.memref_squeeze %dma_start3A_651 : memref<1x16xf32, #tpu.memory_space<hbm>> -> memref<16xf32, #tpu.memory_space<hbm>>
      %dma_start3A_653 = arith.constant 0 : i32
      %dma_start3A_654 = tpu.memref_slice %arg5[%add3A, %dma_start3A_653] : memref<32x16xf32, #tpu.memory_space<hbm>> -> memref<1x16xf32, #tpu.memory_space<hbm>>
      %dma_start3A_655 = tpu.memref_squeeze %dma_start3A_654 : memref<1x16xf32, #tpu.memory_space<hbm>> -> memref<16xf32, #tpu.memory_space<hbm>>
      tpu.enqueue_dma source(%arg12 : memref<16xf32, #tpu.memory_space<vmem>>) target(%dma_start3A_655 : memref<16xf32, #tpu.memory_space<hbm>>) target_semaphore(%run_scoped3A : memref<!tpu.dma_semaphore, #tpu.memory_space<semaphore_mem>>)
      %dma_wait3A_656 = arith.constant 0 : i32
      %dma_wait3A_657 = tpu.memref_slice %arg5[%add3A, %dma_wait3A_656] : memref<32x16xf32, #tpu.memory_space<hbm>> -> memref<1x16xf32, #tpu.memory_space<hbm>>
      %dma_wait3A_658 = tpu.memref_squeeze %dma_wait3A_657 : memref<1x16xf32, #tpu.memory_space<hbm>> -> memref<16xf32, #tpu.memory_space<hbm>>
      %dma_wait3A_659 = arith.constant 0 : i32
      %dma_wait3A_660 = tpu.memref_slice %arg5[%add3A, %dma_wait3A_659] : memref<32x16xf32, #tpu.memory_space<hbm>> -> memref<1x16xf32, #tpu.memory_space<hbm>>
      %dma_wait3A_661 = tpu.memref_squeeze %dma_wait3A_660 : memref<1x16xf32, #tpu.memory_space<hbm>> -> memref<16xf32, #tpu.memory_space<hbm>>
      tpu.wait_dma2 semaphore(%run_scoped3A : memref<!tpu.dma_semaphore, #tpu.memory_space<semaphore_mem>>) src(%arg12 : memref<16xf32, #tpu.memory_space<vmem>>) dst(%dma_wait3A_661 : memref<16xf32, #tpu.memory_space<hbm>>)
      tpu.yield
    }) : () -> ()
    return
  }
}

</mosaic_0001>

<sc_bundles>
// kernel: _partials.3.cloned.1.call-start
scs
__scs_entry_jumppad:
0x0: {  	(pc) =	sbr.rel $0x88, $3  }
0x1: {  	(tag) =	ssettag $0x0;
	lr =	simm.s32 $0x1  }
0x2: {  	[smem:$0x3F9E] =	sst lr;
	_ =	strace $0xD0000000  }
0x3: {  	_ = 	snop  }
0x4: {  	_ = 	snop  }
0x5: {  	_ = 	snop  }
0x6: {  	_ = 	snop  }
0x7: {  	_ = 	snop  }
__scs_overlays_trampoline_lowered:
0x8: {  	[smem:$0x3FAD] =	sst s0  }
0x9: {  	[smem:$0x3FAE] =	sst s1  }
0xa: {  	[smem:$0x3FAF] =	sst s2  }
0xb: {  	[smem:$0x3FB0] =	sst s3  }
0xc: {  	[smem:$0x3FB1] =	sst s4  }
0xd: {  	[smem:$0x3FB2] =	sst s5  }
0xe: {  	[smem:$0x3FB3] =	sst s6  }
0xf: {  	[smem:$0x3FB4] =	sst s7  }
0x10: {  	[smem:$0x3FB5] =	sst s8  }
0x11: {  	[smem:$0x3FB6] =	sst s9;
	s0 =	simm.s32 @!p0 $0x0  }
0x12: {  	s1 =	sld [smem:$0x3F9C];
	s0 =	simm.s32 @p0 $0x1  }
0x13: {  	[smem:$0x3FB7] =	sst s0;
	s0 =	simm.s32 @!p1 $0x0  }
0x14: {  	s2 =	sld [smem:$0x3F9B];
	s0 =	simm.s32 @p1 $0x1  }
0x15: {  	[smem:$0x3FB8] =	sst s0;
	s0 =	simm.s32 @!p2 $0x0  }
0x16: {  	s3 =	sld [smem:$0x3FDB];
	s0 =	simm.s32 @p2 $0x1  }
0x17: {  	s4 =	simm.s32 $0x1BF5;
	[smem:$0x3FBA] =	sst s0  }
0x18: {  	s0 =	sld [smem:$0x3F9D];
	_ =	swait.ge [sflag:s4], $0x0  }
0x19: {  	s7 =	sld [smem:$0x3F9E]  }
0x1a: {  	s8 =	sadd.s32 $0xFFFFE003, lr  }
0x1b: {  	s9 =	sadd.s32 $0xFFFFFEF7, lr;
	s5 =	simm.s32 $0xFFFFFFFF;
	p2 =	slt.u32 s8, $0xFFFFF086  }
0x1c: {  	p1 =	slt.u32 s9, $0xF7A;
	s5 =	simm.s32 @!p2 $0x0  }
0x1d: {  	s5 =	simm.s32 @p1 $0x1;
	p0 =	seq.s32 s7, s2  }
0x1e: {  	s7 =	smul.u32 @!p0 $0xF7A, s2;
	p2 =	seq.s32 @!p0 s5, $0x0  }
0x1f: {  	s9 =	smul.u32 $0xF7A, s1;
	s8 =	simm.s32 @!p0 $0x1BF5;
	p2 =	por !p2, p0  }
0x20: {  	[sflag:s8] =	ssyncset.s32 @!p0 $0xFFFFF086;
	s6 =	sadd.s32 @!p0 s3, s7;
	s7 =	simm.s32 @!p0 $0x108  }
0x21: {  	s3 =	sadd.s32 s3, s9;
	s6 =	sadd.s32 @!p0 $0x88, s6;
	s7 =	simm.s32 @p2 $0x1082  }
0x22: {  	[simem:s7], [sflag:s8] =	dma.local @!p0 [hbm:s6], $0xF7A  }
0x23: {  	s9 =	sor.u32 $0xD0000000, s2;
	s6 =	simm.s32 $0x108;
	_ =	swait.ge @!p0 [sflag:s8], $0x0  }
0x24: {  	s3 =	sadd.s32 $0x88, s3;
	s6 =	simm.s32 @!p1 $0x1082;
	[sflag:s4] =	ssyncset.s32 $0xFFFFF086  }
0x25: {  	[simem:s6], [sflag:s4] =	dma.local [hbm:s3], $0xF7A  }
0x26: {  	[smem:$0x3F9E] =	sst s1;
	(tag) =	ssettag s2;
	_ =	strace s9  }
0x27: {  	s1 =	sld [smem:$0x3FAE]  }
0x28: {  	s2 =	sld [smem:$0x3FAF]  }
0x29: {  	s4 =	sld [smem:$0x3FB1]  }
0x2a: {  	p0 =	seq.s32 s5, $0x0;
	s5 =	sld [smem:$0x3FB2]  }
0x2b: {  	s6 =	sld [smem:$0x3FB3]  }
0x2c: {  	s7 =	sld [smem:$0x3FB4]  }
0x2d: {  	s3 =	simm.s32 $0x108;
	s8 =	sld [smem:$0x3FB5]  }
0x2e: {  	s3 =	simm.s32 @!p0 $0x1082;
	s9 =	sld [smem:$0x3FB6]  }
0x2f: {  	lr =	sadd.s32 s0, s3;
	s0 =	sld [smem:$0x3FAD]  }
0x30: {  	s3 =	sld [smem:$0x3FB0]  }
0x31: {  	[smem:$0x3FB9] =	sst s10  }
0x32: {  	s10 =	sld [smem:$0x3FB7];
	_ =	sdelay $0x3  }
0x33: {  	p0 =	seq.s32 s10, $0x1;
	s10 =	sld [smem:$0x3FB9];
	_ =	sdelay $0x3  }
0x34: {  	[smem:$0x3FB9] =	sst s10  }
0x35: {  	s10 =	sld [smem:$0x3FB8];
	_ =	sdelay $0x3  }
0x36: {  	p1 =	seq.s32 s10, $0x1;
	s10 =	sld [smem:$0x3FB9];
	_ =	sdelay $0x3  }
0x37: {  	[smem:$0x3FB9] =	sst s10  }
0x38: {  	s10 =	sld [smem:$0x3FBA]  }
0x39: {  	_ = 	snop;
	(pc) =	sbr.ind lr, $3  }
0x3a: {  	_ = 	snop  }
0x3b: {  	_ = 	snop  }
0x3c: {  	p2 =	seq.s32 s10, $0x1;
	s10 =	sld [smem:$0x3FB9]  }
0x3d: {  	_ =	shalt  }
0x3e: {  	_ =	shalt  }
0x3f: {  	_ =	shalt  }
0x40: {  	_ =	shalt  }
0x41: {  	_ =	shalt  }
0x42: {  	_ =	shalt  }
0x43: {  	_ =	shalt  }
0x44: {  	_ =	shalt  }
0x45: {  	_ =	shalt  }
0x46: {  	_ =	shalt  }
0x47: {  	_ =	shalt  }
0x48: {  	_ =	shalt  }
0x49: {  	_ =	shalt  }
0x4a: {  	_ =	shalt  }
0x4b: {  	_ =	shalt  }
0x4c: {  	_ =	shalt  }
0x4d: {  	_ =	shalt  }
0x4e: {  	_ =	shalt  }
0x4f: {  	_ =	shalt  }
0x50: {  	_ =	shalt  }
0x51: {  	_ =	shalt  }
0x52: {  	_ =	shalt  }
0x53: {  	_ =	shalt  }
0x54: {  	_ =	shalt  }
0x55: {  	_ =	shalt  }
0x56: {  	_ =	shalt  }
0x57: {  	_ =	shalt  }
0x58: {  	_ =	shalt  }
0x59: {  	_ =	shalt  }
0x5a: {  	_ =	shalt  }
0x5b: {  	_ =	shalt  }
0x5c: {  	_ =	shalt  }
0x5d: {  	_ =	shalt  }
0x5e: {  	_ =	shalt  }
0x5f: {  	_ =	shalt  }
0x60: {  	_ =	shalt  }
0x61: {  	_ =	shalt  }
0x62: {  	_ =	shalt  }
0x63: {  	_ =	shalt  }
0x64: {  	_ =	shalt  }
0x65: {  	_ =	shalt  }
0x66: {  	_ =	shalt  }
0x67: {  	_ =	shalt  }
0x68: {  	_ =	shalt  }
0x69: {  	_ =	shalt  }
0x6a: {  	_ =	shalt  }
0x6b: {  	_ =	shalt  }
0x6c: {  	_ =	shalt  }
0x6d: {  	_ =	shalt  }
0x6e: {  	_ =	shalt  }
0x6f: {  	_ =	shalt  }
0x70: {  	_ =	shalt  }
0x71: {  	_ =	shalt  }
0x72: {  	_ =	shalt  }
0x73: {  	_ =	shalt  }
0x74: {  	_ =	shalt  }
0x75: {  	_ =	shalt  }
0x76: {  	_ =	shalt  }
0x77: {  	_ =	shalt  }
0x78: {  	_ =	shalt  }
0x79: {  	_ =	shalt  }
0x7a: {  	_ =	shalt  }
0x7b: {  	_ =	shalt  }
0x7c: {  	_ =	shalt  }
0x7d: {  	_ =	shalt  }
0x7e: {  	_ =	shalt  }
0x7f: {  	_ =	shalt  }
0x80: {  	_ =	shalt  }
0x81: {  	_ =	shalt  }
0x82: {  	_ =	shalt  }
0x83: {  	_ =	shalt  }
0x84: {  	_ =	shalt  }
0x85: {  	_ =	shalt  }
0x86: {  	_ =	shalt  }
0x87: {  	_ =	shalt  }
.Lfunc_end0:
.L_simem_size_0:
called_computation_lowered:
.L_overlay_start_0:
0x88: {  	s2 =	sld [smem:$0x3FD9]  }
0x89: {  	s3 =	sld [smem:$0x3FFE];
	_ =	sdelay $0x1  }
0x8a: {  	s1 =	srdreg.scid  }
0x8b: {  	s0 =	sand.u32 $0x1, s1  }
0x8c: {  	s17 =	sshll.u32 s0, $0xA;
	s2 =	sadd.s32 s3, s2  }
0x8d: {  	s2 =	sadd.s32 s2, s17  }
0x8e: {  	[smem:$0x3FC5] =	sst s2  }
0x8f: {  	_ = 	snop  }
0x90: {  	s2 =	sld [smem:$0x3FC9]  }
0x91: {  	s18 =	sld [smem:$0x3FC8]  }
0x92: {  	s4 =	sld [smem:$0x3FC7];
	(tm) =	ssettm $0x1  }
0x93: {  	s5 =	sld [smem:$0x3FFB];
	_ =	sdelay $0x3  }
0x94: {  	_ =	strace s5  }
0x95: {  	s5 =	sld [smem:$0x3FFC];
	_ =	sdelay $0x3  }
0x96: {  	_ =	strace s5  }
0x97: {  	s5 =	sld [smem:$0x3FFD];
	_ =	sdelay $0x3  }
0x98: {  	_ =	strace s5  }
0x99: {  	_ =	strace $0x8FFFFFFF  }
0x9a: {  	s19 =	sld [smem:$0x3FDB];
	_ =	sdelay $0x1  }
0x9b: {  	s6 =	simm.s32 $_scs_section_size  }
0x9c: {  	s7 =	simm.s32 $_size__tile_overlayer_lowered;
	s8 =	simm.s32 $_tile_overlayer_lowered  }
0x9d: {  	s22 =	simm.s32 $0x1BFF;
	s21 =	sshll.u32 s8, $0x1;
	s5 =	sadd.s32 s6, s19  }
0x9e: {  	s9 =	simm.s32 $0x0;
	s20 =	sshll.u32 s7, $0x1;
	s7 =	sadd.s32 s21, s5  }
0x9f: {  	[timem:s9], [sflag:s22] =	dma.local [hbm:s7], s20  }
0xa0: {  	_ =	swait.ge [sflag:s22], s20  }
0xa1: {  	s6 =	ssub.s32 $0x0, s20;
	[sflag:s22] =	ssyncset.done $0x0  }
0xa2: {  	[sflag:s22] =	ssyncadd.s32 s6;
	_ =	sdelay $0x1  }
0xa3: {  	s23 =	simm.s32 $0x1B8B  }
0xa4: {  	_ =	swait.ge [sflag:s23], $0x1  }
0xa5: {  	[sflag:s23] =	ssyncset.done $0x0  }
0xa6: {  	s25 =	simm.s32 $0x1B8E;
	s24 =	sld [smem:$0x3FFE];
	[sflag:s23] =	ssyncadd.s32 $0xFFFFFFFF  }
0xa7: {  	s26 =	simm.s32 $execute0_lowered;
	[smem:$0x3FD2] =	sst s25  }
0xa8: {  	s7 =	sshll.u32 s26, $0x1;
	_ =	strace $0x80000046;
	[dreg:$0x1] =	wrdreg $0xFFFFFFFF  }
0xa9: {  	s28 =	simm.s32 $_size_execute0_lowered;
	s5 =	sadd.s32 s5, s7;
	[dreg:$0x0] =	wrdreg $0x0  }
0xaa: {  	s7 =	sshll.u32 s28, $0x1;
	[dreg:$0x2] =	wrdreg s5  }
0xab: {  	[dreg:$0x3] =	wrdreg s7  }
0xac: {  	[dreg:$0x4] =	wrdreg $0xC0  }
0xad: {  	_ =	task [dreg:s9], $0x5FFFF  }
0xae: {  	[dreg:$0x1] =	wrdreg $0xFFFFFFFF  }
0xaf: {  	[dreg:$0x0] =	wrdreg $0x60  }
0xb0: {  	[dreg:$0x2] =	wrdreg s2  }
0xb1: {  	[dreg:$0x3] =	wrdreg s18  }
0xb2: {  	[dreg:$0x4] =	wrdreg s4  }
0xb3: {  	[dreg:$0x5] =	wrdreg s24  }
0xb4: {  	[dreg:$0x6] =	wrdreg $0x9  }
0xb5: {  	_ =	task.clear_ibuf [dreg:s9], $0x7FFFF;
	_ =	strace $0x90000046  }
0xb6: {  	s29 =	simm.s32 $0x9;
	_ =	strace $0x80000048  }
0xb7: {  	_ =	swait.ge [sflag:s29], $0x1  }
0xb8: {  	[sflag:s29] =	ssyncadd.s32 $0xFFFFFFFF  }
0xb9: {  	_ =	strace $0x90000048  }
0xba: {  	_ =	sfence  }
0xbb: {  	s30 =	sld [smem:$0x0];
	_ =	sdelay $0x2  }
0xbc: {  	s31 =	sshll.u32 s1, $0xD;
	s1 =	sshrl.u32 s1, $0x2  }
0xbd: {  	s3 =	sand.u32 $0x4000, s31;
	s1 =	sadd.s32 s1, s30  }
0xbe: {  	s0 =	sor.u32 s3, s0;
	s1 =	sshll.u32 s1, $0x11  }
0xbf: {  	s0 =	sor.u32 s1, s0  }
0xc0: {  	s0 =	sadd.s32 $0x8F2B, s0  }
0xc1: {  	[sflag:s0] =	ssyncadd.remote.s32 $0x1  }
0xc2: {  	_ =	sfence.sel $0xFFFF  }
0xc3: {  	[dreg:$0x0] =	wrdreg $0xFFFFFFFF;
	(pc) =	sbr.abs _section_cstart, $3  }
0xc4: {  	[dreg:$0x1] =	wrdreg $0xFFFFFFFF  }
0xc5: {  	_ =	task.clear_ibuf [dreg:s9], $0x2FFFF;
	_ =	strace $0x9FFFFFFF  }
0xc6: {  	(tm) =	ssettm $0x7FFFFFFF  }
0xc7: {  	_ =	shalt  }
tec
execute0_lowered:
.L_overlay_start_1:
0x0: {  	(tag) =	ssettag $0x1  }
0x1: {  	s0 =	srdreg.scid  }
0x2: {  	s1 =	stileid.u32;
	s4 =	rddreg [dreg:$0x0]  }
0x3: {  	s3 =	rddreg [dreg:$0x3];
	s0 =	sand.u32 $0x1, s0;
	s2 =	sshll.u32 s1, $0x1  }
0x4: {  	s30 =	simm.s32 $0x200;
	s1 =	simm.s32 $0x0;
	s5 =	sor.u32 s0, s2  }
0x5: {  	s31 =	simm.s32 $0x400;
	[smem:$0x7FF] =	sst s1;
	s7 =	smul.u32 $0x48, s5  }
0x6: {  	s6 =	ssub.s32 $0x2, s0;
	s2 =	sshll.u32 s5, $0x4;
	s8 =	smul.u32 $0x12000, s5  }
0x7: {  	s25 =	sshrl.u32 s6, $0x1;
	s14 =	smul.u32 $0x1200, s5;
	s0 =	sadd.s32 s2, s3  }
0x8: {  	s3 =	ssub.s32 s6, s25;
	s13 =	sadd.s32 $0x8, s7;
	s2 =	sadd.s32 s4, s8  }
0x9: {  	s15 =	sadd.s32 $0xC, s7;
	s16 =	sadd.s32 $0x10, s7;
	s17 =	sadd.s32 $0x14, s7  }
0xa: {  	s18 =	sadd.s32 $0x18, s7;
	s19 =	sadd.s32 $0x1C, s7;
	s28 =	smax.u32 s3, $0x1  }
0xb: {  	s3 =	simm.s32 $0x11000;
	s26 =	sshll.u32 s13, $0xA;
	s8 =	sshll.u32 s15, $0xA  }
0xc: {  	s9 =	sshll.u32 s16, $0xA;
	s10 =	sshll.u32 s17, $0xA;
	s12 =	sshll.u32 s18, $0xA  }
0xd: {  	s20 =	sshll.u32 s19, $0xA;
	s13 =	sshll.u32 s13, $0x6;
	s6 =	sadd.s32 s4, s26  }
0xe: {  	s5 =	sadd.s32 s4, s8;
	s11 =	sadd.s32 s4, s10;
	[dreg:$0x5] =	wrdreg s6  }
0xf: {  	s10 =	sadd.s32 $0x30, s7;
	s8 =	sadd.s32 $0x38, s7;
	[dreg:$0x6] =	wrdreg s5  }
0x10: {  	s5 =	sadd.s32 s4, s9;
	[dreg:$0x8] =	wrdreg s11;
	s11 =	sadd.s32 $0x20, s7  }
0x11: {  	s6 =	sshll.u32 s10, $0xA;
	[dreg:$0x7] =	wrdreg s5;
	s5 =	sadd.s32 s4, s12  }
0x12: {  	s21 =	sshll.u32 s11, $0xA;
	[dreg:$0x9] =	wrdreg s5;
	s5 =	sadd.s32 s4, s20  }
0x13: {  	s22 =	sadd.s32 s4, s21;
	s20 =	sadd.s32 $0x24, s7;
	[dreg:$0xa] =	wrdreg s5  }
0x14: {  	s21 =	sadd.s32 $0x28, s7;
	[dreg:$0xb] =	wrdreg s22;
	s23 =	sshll.u32 s20, $0xA  }
0x15: {  	s22 =	sadd.s32 $0x2C, s7;
	s24 =	sshll.u32 s21, $0xA;
	s5 =	sadd.s32 s4, s23  }
0x16: {  	s25 =	sshll.u32 s22, $0xA;
	[dreg:$0xc] =	wrdreg s5;
	s5 =	sadd.s32 s4, s24  }
0x17: {  	s23 =	sshll.u32 s8, $0xA;
	s26 =	sadd.s32 s4, s25;
	[dreg:$0xd] =	wrdreg s5  }
0x18: {  	s12 =	sadd.s32 $0x34, s7;
	s24 =	sadd.s32 s4, s23;
	[dreg:$0xe] =	wrdreg s26  }
0x19: {  	s9 =	sshll.u32 s12, $0xA;
	s5 =	sadd.s32 s4, s6;
	[dreg:$0x11] =	wrdreg s24  }
0x1a: {  	[dreg:$0xf] =	wrdreg s5;
	s5 =	sadd.s32 s4, s9;
	s9 =	sadd.s32 $0x3C, s7  }
0x1b: {  	s6 =	sadd.s32 $0x40, s7;
	s7 =	sadd.s32 $0x44, s7;
	s25 =	sshll.u32 s9, $0xA  }
0x1c: {  	s26 =	sshll.u32 s6, $0xA;
	[dreg:$0x10] =	wrdreg s5;
	s5 =	sadd.s32 s4, s25  }
0x1d: {  	s23 =	sshll.u32 s7, $0xA;
	[dreg:$0x12] =	wrdreg s5;
	s5 =	sadd.s32 s4, s26  }
0x1e: {  	s29 =	sadd.s32 $0x1000, s2;
	s4 =	sadd.s32 s4, s23;
	[dreg:$0x13] =	wrdreg s5  }
0x1f: {  	s10 =	sshll.u32 s10, $0x6;
	s12 =	sshll.u32 s12, $0x6;
	[dreg:$0x14] =	wrdreg s4  }
0x20: {  	s11 =	sshll.u32 s11, $0x6;
	s12 =	sand.u32 $0x7FE00, s12;
	s4 =	rddreg [dreg:$0x1]  }
0x21: {  	s8 =	sshll.u32 s8, $0x6;
	s5 =	rddreg [dreg:$0x2];
	s24 =	sadd.s32 s4, s14  }
0x22: {  	s25 =	sor.u32 $0x40, s14;
	s14 =	sadd.s32 s5, s14;
	[dreg:$0x15] =	wrdreg s24  }
0x23: {  	s6 =	sshll.u32 s6, $0x6;
	[dreg:$0x16] =	wrdreg s14;
	s24 =	sadd.s32 s4, s25  }
0x24: {  	s26 =	sshll.u32 s15, $0x6;
	s25 =	sadd.s32 s5, s25;
	[dreg:$0x17] =	wrdreg s24  }
0x25: {  	s14 =	sand.u32 $0x7FE00, s26;
	s26 =	sadd.s32 s4, s13;
	[dreg:$0x18] =	wrdreg s25  }
0x26: {  	s13 =	sadd.s32 s5, s13;
	[dreg:$0x19] =	wrdreg s26;
	s23 =	sor.u32 $0x40, s14  }
0x27: {  	[dreg:$0x1a] =	wrdreg s13;
	s24 =	sshll.u32 s16, $0x6;
	s26 =	sadd.s32 s4, s23  }
0x28: {  	s25 =	sshll.u32 s17, $0x6;
	s13 =	sadd.s32 s5, s23;
	[dreg:$0x1b] =	wrdreg s26  }
0x29: {  	s16 =	sand.u32 $0x7FE00, s25;
	s17 =	sadd.s32 s4, s24;
	[dreg:$0x1c] =	wrdreg s13  }
0x2a: {  	s14 =	sadd.s32 s5, s24;
	s24 =	sshll.u32 s18, $0x6;
	[dreg:$0x1d] =	wrdreg s17  }
0x2b: {  	[dreg:$0x1e] =	wrdreg s14;
	s13 =	sor.u32 $0x40, s16;
	s16 =	sadd.s32 s4, s24  }
0x2c: {  	s23 =	sshll.u32 s19, $0x6;
	s17 =	sadd.s32 s5, s24;
	[smem:$0x7EC] =	sst s16  }
0x2d: {  	s14 =	sand.u32 $0x7FE00, s23;
	s23 =	sadd.s32 s4, s11;
	[smem:$0x7ED] =	sst s17  }
0x2e: {  	s9 =	sshll.u32 s9, $0x6;
	s11 =	sadd.s32 s5, s11;
	[smem:$0x7F0] =	sst s23  }
0x2f: {  	s18 =	sshll.u32 s20, $0x6;
	s25 =	sadd.s32 s4, s13;
	[smem:$0x7F1] =	sst s11  }
0x30: {  	s13 =	sadd.s32 s5, s13;
	s26 =	sor.u32 $0x40, s14;
	[dreg:$0x1f] =	wrdreg s25  }
0x31: {  	s20 =	sand.u32 $0x7FE00, s18;
	[smem:$0x7EB] =	sst s13;
	s19 =	sadd.s32 s4, s26  }
0x32: {  	s24 =	sor.u32 $0x40, s20;
	s13 =	sadd.s32 s5, s26;
	[smem:$0x7EE] =	sst s19  }
0x33: {  	s7 =	sshll.u32 s7, $0x6;
	s16 =	sadd.s32 s4, s24;
	[smem:$0x7EF] =	sst s13  }
0x34: {  	v0 =	vimm.f32 $1.500000000e+01;
	vm0 =	vcmask $0x300;
	s9 =	sand.u32 $0x7FE00, s9;
	s11 =	sadd.s32 s5, s24;
	[smem:$0x7F2] =	sst s16  }
0x35: {  	vm14 =	vcmask $0x704;
	v0 =	vsel vm0, $0x0, v0;
	s25 =	sshll.u32 s21, $0x6;
	s21 =	sadd.s32 s4, s10;
	[smem:$0x7F3] =	sst s11  }
0x36: {  	vm15 =	vcmask $0xB08;
	v0 =	vsel vm14, $0x3F800000, v0;
	s20 =	sor.u32 $0x40, s12;
	s10 =	sadd.s32 s5, s10;
	[smem:$0x7F8] =	sst s21  }
0x37: {  	vm4 =	vcmask $0xF0C;
	v0 =	vsel vm15, $0x40000000, v0;
	s26 =	sshll.u32 s22, $0x6;
	s22 =	sadd.s32 s4, s20;
	[smem:$0x7F9] =	sst s10  }
0x38: {  	vm5 =	vcmask $0x1310;
	v0 =	vsel vm4, $0x40400000, v0;
	s7 =	sand.u32 $0x7FE00, s7;
	s23 =	sadd.s32 s5, s20;
	[smem:$0x7FA] =	sst s22  }
0x39: {  	vm6 =	vcmask $0x1714;
	v0 =	vsel vm5, $0x40800000, v0;
	s24 =	sadd.s32 s4, s8;
	s8 =	sadd.s32 s5, s8;
	[smem:$0x7FB] =	sst s23  }
0x3a: {  	vm7 =	vcmask $0x1B18;
	v0 =	vsel vm6, $0x40A00000, v0;
	s17 =	sand.u32 $0x7FE00, s26;
	s18 =	sadd.s32 s4, s25;
	[smem:$0x7FC] =	sst s24  }
0x3b: {  	vm8 =	vcmask $0x1F1C;
	v0 =	vsel vm7, $0x40C00000, v0;
	s13 =	sadd.s32 s5, s25;
	[smem:$0x7FD] =	sst s8;
	s25 =	sor.u32 $0x40, s9  }
0x3c: {  	vm9 =	vcmask $0x2320;
	v0 =	vsel vm8, $0x40E00000, v0;
	s22 =	sadd.s32 s4, s6;
	s23 =	sadd.s32 s5, s6;
	s26 =	sor.u32 $0x40, s7  }
0x3d: {  	vm10 =	vcmask $0x2724;
	v0 =	vsel vm9, $0x41000000, v0;
	s6 =	simm.s32 $0x11800;
	s7 =	simm.s32 $0x1;
	s8 =	simm.s32 $0x2  }
0x3e: {  	vm11 =	vcmask $0x2B28;
	v0 =	vsel vm10, $0x41100000, v0;
	s9 =	simm.s32 $0x3;
	s10 =	simm.s32 $0x0;
	[smem:$0x7F4] =	sst s18  }
0x3f: {  	vm12 =	vcmask $0x2F2C;
	v0 =	vsel vm11, $0x41200000, v0;
	[smem:$0x7F5] =	sst s13;
	s11 =	sor.u32 $0x40, s17;
	s20 =	sadd.s32 s4, s25  }
0x40: {  	vm13 =	vcmask $0x3330;
	v0 =	vsel vm12, $0x41300000, v0;
	s21 =	sadd.s32 s5, s25;
	s24 =	sadd.s32 s4, s26;
	s19 =	sadd.s32 s4, s11  }
0x41: {  	vm14 =	vcmask $0x3734;
	v0 =	vsel vm13, $0x41400000, v0;
	s25 =	sadd.s32 s5, s26;
	s11 =	sadd.s32 s5, s11;
	[smem:$0x7F6] =	sst s19  }
0x42: {  	vm15 =	vcmask $0x3B38;
	v1 =	vsel vm14, $0x41500000, v0;
	s26 =	sadd.s32 $0x400, s0;
	s0 =	simm.s32 $0x10000;
	[smem:$0x7F7] =	sst s11  }
0x43: {  	v0 =	vlaneseq.u32;
	v1 =	vsel vm15, $0x41600000, v1;
	s4 =	simm.s32 $0x8000;
	s5 =	simm.s32 $0x10800;
	_ =	strace $0x80000047  }
.LBB2_1:
0x44: {  	[tilespmem:s1], [sflag:$0x1] =	stream.linear.gather [hbm4b:s2+s1], $0x8000, $0x38;
	[tilespmem:$0x12080] =	vst v63  }
0x45: {  	s11 =	rddreg [dreg:$0x15]  }
0x46: {  	[tilespmem:s0], [sflag:$0x1] =	stream.strided.gather [hbm4b:s11+s30], $0x800, s31, s30, $0x38;
	[tilespmem:$0x12080] =	vst v63  }
0x47: {  	s14 =	rddreg [dreg:$0x16]  }
0x48: {  	[tilespmem:s3], [sflag:$0x1] =	stream.strided.gather [hbm4b:s14+s30], $0x800, s31, s30, $0x38;
	[tilespmem:$0x12080] =	vst v63  }
0x49: {  	_ = 	snop  }
0x4a: {  	[tilespmem:s4], [sflag:$0x2] =	stream.linear.gather [hbm4b:s29+s1], $0x8000, $0x38;
	[tilespmem:$0x12080] =	vst v63  }
0x4b: {  	s15 =	rddreg [dreg:$0x17]  }
0x4c: {  	[tilespmem:s5], [sflag:$0x2] =	stream.strided.gather [hbm4b:s15+s30], $0x800, s31, s30, $0x38;
	[tilespmem:$0x12080] =	vst v63  }
0x4d: {  	s16 =	rddreg [dreg:$0x18]  }
0x4e: {  	[tilespmem:s6], [sflag:$0x2] =	stream.strided.gather [hbm4b:s16+s30], $0x800, s31, s30, $0x38;
	[tilespmem:$0x12080] =	vst v63  }
0x4f: {  	_ =	swait.ge [sflag:s7], $0x8000  }
0x50: {  	[sflag:s7] =	ssyncset.done $0x0  }
0x51: {  	[sflag:s7] =	ssyncadd.s32 $0xFFFF8000  }
0x52: {  	_ =	swait.ge [sflag:s7], $0x800  }
0x53: {  	[sflag:s7] =	ssyncset.done $0x0  }
0x54: {  	[sflag:s7] =	ssyncadd.s32 $0xFFFFF800  }
0x55: {  	s17 =	sand.u32 $0x600, s1;
	_ =	swait.ge [sflag:s7], $0x800  }
0x56: {  	s12 =	sand.u32 $0x70, s1;
	s11 =	sadd.s32 $0x0, s17;
	[sflag:s7] =	ssyncset.done $0x0  }
0x57: {  	s11 =	sor.u32 s12, s11;
	[sflag:s7] =	ssyncadd.s32 $0xFFFFF800  }
0x58: {  	v2 =	vld [tilespmem:s11+$0x10000];
	_ =	sdelay $0x3  }
0x59: {  	s18 =	sand.u32 $0x1F0, s1  }
0x5a: {  	v3 =	vmov s18;
	v4 =	vshll.u32 v2, $0x9  }
0x5b: {  	s13 =	simm.s32 $0x40;
	v3 =	vshll.u32 v3, $0x3;
	s14 =	simm.s32 $0x0;
	v4 =	vand.u32 $0xFFFFF000, v4  }
0x5c: {  	s13 =	sand.u32 $0x600, s13;
	v3 =	vand.u32 $0xC00, v3;
	s15 =	simm.s32 $0x10;
	v2 =	vshll.u32 v2, $0x7;
	v4 =	vadd.s32 s14, v4  }
0x5d: {  	v5 =	vor.u32 s18, v0;
	s13 =	sadd.s32 $0x0, s13;
	s19 =	sand.u32 $0x70, s15;
	v2 =	vand.u32 $0x380, v2;
	v3 =	vor.u32 v3, v4  }
0x5e: {  	s14 =	sor.u32 s19, s13;
	v4 =	vand.u32 $0x7F, v5;
	v2 =	vor.u32 v2, v3  }
0x5f: {  	v5 =	vld [tilespmem:s14+$0x10000];
	v2 =	vor.u32 v4, v2;
	_ =	sdelay $0x1  }
0x60: {  	s13 =	sand.u32 $0x1F0, s15  }
0x61: {  	s12 =	scvt.s32.f32 s18;
	v3 =	vmov s13  }
0x62: {  	v4 =	vld [tilespmem:s11+$0x11000];
	v3 =	vshll.u32 v3, $0x3  }
0x63: {  	v6 =	vadd.f32 s12, v1;
	v9 =	vand.u32 $0xC00, v3;
	v7 =	vshll.u32 v5, $0x9;
	v3 =	vld.idx.msk [tilespmem:v2+s1+$0x0], $0xffff  }
0x64: {  	s17 =	simm.s32 $0x0;
	v2 =	vand.u32 $0xFFFFF000, v7  }
0x65: {  	v6 =	vmul.f32 $1.953125000e-03, v6;
	s16 =	simm.s32 $0x80;
	v5 =	vshll.u32 v5, $0x7;
	v2 =	vadd.s32 s17, v2  }
0x66: {  	s18 =	simm.s32 $0x20;
	v8 =	vor.u32 s13, v0;
	s11 =	sand.u32 $0x600, s16;
	v5 =	vand.u32 $0x380, v5;
	v2 =	vor.u32 v9, v2  }
0x67: {  	s19 =	sand.u32 $0x70, s18;
	s11 =	sadd.s32 $0x0, s11;
	v4 =	vcvt.s32.f32 v4;
	v7 =	vand.u32 $0x7F, v8;
	v5 =	vor.u32 v5, v2  }
0x68: {  	s11 =	sor.u32 s19, s11;
	v5 =	vor.u32 v7, v5;
	v7 =	vmul.f32 $1.442695020e+00, v3  }
0x69: {  	v6 =	vsub.f32 $1.000000000e+00, v6;
	v8 =	vld [tilespmem:s11+$0x10000];
	v4 =	vmul.f32 $1.953125000e-03, v4  }
0x6a: {  	(erf) = vpow2.f32 v7  }
0x6b: {  	s12 =	sand.u32 $0x1F0, s18;
	v11 =	vmul.f32 v6, v6;
	v12 =	vmul.f32 v4, v6  }
0x6c: {  	v9 =	vmov s12;
	v2 =	vimm.f32 $0.0e+00;
	v4 =	vmul.f32 v4, v4  }
0x6d: {  	s13 =	scvt.s32.f32 s13;
	v10 =	vshll.u32 v9, $0x3;
	v9 =	vor.u32 s12, v0;
	v14 =	vsub.f32 v6, v12;
	v6 =	vld [tilespmem:s14+$0x11000]  }
0x6e: {  	v10 =	vand.u32 $0xC00, v10;
	v13 =	vshll.u32 v8, $0x9;
	v15 =	vmul.f32 v4, v11;
	v4 =	vld.idx.msk [tilespmem:v5+s1+$0x0], $0xffff  }
0x6f: {  	s15 =	simm.s32 $0x4;
	s16 =	simm.s32 $0x0;
	v11 =	vshll.u32 v8, $0x7;
	v7 =	vadd.f32 s13, v1;
	v5 =	vand.u32 $0xFFFFF000, v13  }
0x70: {  	s14 =	simm.s32 $0x0;
	s13 =	simm.s32 $0x30;
	v8 =	vmul.f32 $3.000000120e-01, v14;
	v12 =	vadd.s32 s16, v5;
	s16 =	simm.s32 $0xC0;
	v5 =	vmul.f32 $3.000000120e-01, v15  }
.LBB2_2:
0x71: {  	p0 =	sne.s32 s15, $0x7F;
	s17 =	sand.u32 $0x600, s16;
	s18 =	sshll.u32 s14, $0x7;
	v13 =	vand.u32 $0x7F, v9;
	v10 =	vor.u32 v10, v12;
	v11 =	vand.u32 $0x380, v11  }
0x72: {  	s19 =	sand.u32 $0x70, s13;
	v7 =	vmul.f32 $1.953125000e-03, v7;
	s17 =	sadd.s32 s18, s17;
	v10 =	vor.u32 v11, v10;
	v8 =	vsub.f32 v5, v8  }
0x73: {  	s17 =	sor.u32 s19, s17;
	v11 =	vor.u32 v13, v10;
	v10 =	vmul.f32 $1.442695020e+00, v4;
	v6 =	vcvt.s32.f32 v6;
	v9 =	vpop (erf)  }
0x74: {  	s18 =	sand.u32 $0x1F0, s13;
	v13 =	vsub.f32 $1.000000000e+00, v7;
	v12 =	vld [tilespmem:s17+$0x10000];
	v7 =	vmul.f32 v8, v9;
	v8 =	vmul.f32 $-4.000000060e-01, v3;
	v3 =	vmovc v4  }
0x75: {  	v9 =	vor.u32 s18, v0;
	v4 =	vmul.f32 $1.953125000e-03, v6;
	(erf) = vpow2.f32 v10  }
0x76: {  	s19 =	scvt.s32.f32 s12;
	s12 =	smov.u32 s18;
	v6 =	vmov s18;
	v14 =	vmul.f32 v13, v13;
	v8 =	vadd.f32 v8, v7  }
.Ltmp0:
0x77: {  	v6 =	vshll.u32 v6, $0x3;
	v15 =	vmul.f32 v4, v13;
	v16 =	vmul.f32 v4, v4;
	(pc) =	sbr.rel @p0 .LBB2_2-.Ltmp0, $4  }
0x78: {  	v7 =	vadd.f32 s19, v1;
	v10 =	vand.u32 $0xC00, v6;
	v4 =	vld.idx.msk [tilespmem:v11+s1+$0x0], $0xffff;
	v5 =	vsub.f32 v8, v5  }
0x79: {  	v8 =	vshll.u32 v12, $0x9;
	v6 =	vld [tilespmem:s11+$0x11000];
	v13 =	vsub.f32 v13, v15;
	v14 =	vmul.f32 v16, v14;
	s11 =	smov.u32 s17  }
0x7a: {  	s13 =	sadd.s32 $0x10, s13;
	s17 =	sshll.u32 s14, $0xD;
	v11 =	vshll.u32 v12, $0x7;
	v8 =	vand.u32 $0xFFFFF000, v8;
	v2 =	vadd.f32 v5, v2  }
0x7b: {  	s16 =	sadd.s32 $0x40, s16;
	s14 =	sshrl.u32 s15, $0x5;
	s15 =	sadd.s32 $0x1, s15;
	v12 =	vadd.s32 s17, v8;
	v5 =	vmul.f32 $3.000000120e-01, v14;
	v8 =	vmul.f32 $3.000000120e-01, v13  }
0x7c: {  	s15 =	sand.u32 $0x600, s16;
	s19 =	sshll.u32 s14, $0x7  }
0x7d: {  	s17 =	sand.u32 $0x70, s13;
	s15 =	sadd.s32 s19, s15  }
0x7e: {  	s15 =	sor.u32 s17, s15  }
0x7f: {  	v13 =	vld [tilespmem:s15+$0x10000];
	_ =	sdelay $0x3  }
0x80: {  	v9 =	vand.u32 $0x7F, v9;
	v10 =	vor.u32 v10, v12;
	s18 =	sand.u32 $0x1F0, s13  }
0x81: {  	v11 =	vand.u32 $0x380, v11;
	v12 =	vmov s18;
	v14 =	vshll.u32 v13, $0x9  }
0x82: {  	v10 =	vor.u32 v11, v10;
	s19 =	sshll.u32 s14, $0xD;
	v11 =	vshll.u32 v12, $0x3;
	v12 =	vand.u32 $0xFFFFF000, v14  }
0x83: {  	v11 =	vand.u32 $0xC00, v11;
	v13 =	vshll.u32 v13, $0x7;
	v12 =	vadd.s32 s19, v12  }
0x84: {  	v14 =	vor.u32 s18, v0;
	v11 =	vor.u32 v11, v12;
	v12 =	vand.u32 $0x380, v13  }
0x85: {  	v9 =	vor.u32 v9, v10;
	v10 =	vand.u32 $0x7F, v14;
	v11 =	vor.u32 v12, v11  }
0x86: {  	v10 =	vor.u32 v10, v11;
	_ =	sdelay $0x3  }
0x87: {  	v9 =	vld.idx.msk [tilespmem:v9+s1+$0x0], $0xffff  }
0x88: {  	v10 =	vld.idx.msk [tilespmem:v10+s1+$0x0], $0xffff;
	_ =	sdelay $0x2  }
0x89: {  	v11 =	vmul.f32 $1.442695020e+00, v4  }
0x8a: {  	v7 =	vmul.f32 $1.953125000e-03, v7;
	v12 =	vmul.f32 $1.442695020e+00, v9  }
0x8b: {  	(erf) = vpow2.f32 v11;
	v11 =	vmul.f32 $1.442695020e+00, v10  }
0x8c: {  	v6 =	vcvt.s32.f32 v6;
	(erf) = vpow2.f32 v12  }
0x8d: {  	v7 =	vsub.f32 $1.000000000e+00, v7;
	(erf) = vpow2.f32 v11  }
0x8e: {  	v6 =	vmul.f32 $1.953125000e-03, v6  }
0x8f: {  	v11 =	vmul.f32 v7, v7  }
0x90: {  	v12 =	vmul.f32 v6, v7;
	v6 =	vmul.f32 v6, v6  }
0x91: {  	s12 =	scvt.s32.f32 s12;
	s16 =	rddreg [dreg:$0x5];
	v14 =	vld [tilespmem:s15+$0x11000];
	s15 =	simm.s32 $0x0  }
0x92: {  	v13 =	vld [tilespmem:s11+$0x11000];
	[tilespmem:s15], [sflag:$0x1] =	stream.linear.gather [hbm4b:s16+s15], $0x8000, $0x38;
	v7 =	vsub.f32 v7, v12;
	v6 =	vmul.f32 v6, v11  }
0x93: {  	s17 =	rddreg [dreg:$0x19];
	v11 =	vpop (erf)  }
0x94: {  	v15 =	vadd.f32 s12, v1;
	[tilespmem:s0], [sflag:$0x1] =	stream.strided.gather [hbm4b:s17+s30], $0x800, s31, s30, $0x38;
	v7 =	vmul.f32 $3.000000120e-01, v7;
	v6 =	vmul.f32 $3.000000120e-01, v6;
	v12 =	vpop (erf);
	[tilespmem:$0x12080] =	vst v63  }
0x95: {  	s18 =	scvt.s32.f32 s18;
	s19 =	rddreg [dreg:$0x1a];
	v16 =	vpop (erf)  }
0x96: {  	v8 =	vsub.f32 v5, v8;
	v15 =	vmul.f32 $1.953125000e-03, v15;
	[tilespmem:s3], [sflag:$0x1] =	stream.strided.gather [hbm4b:s19+s30], $0x800, s31, s30, $0x38;
	v7 =	vsub.f32 v6, v7;
	v17 =	vpop (erf);
	[tilespmem:$0x12080] =	vst v63  }
0x97: {  	v18 =	vadd.f32 s18, v1;
	v13 =	vcvt.s32.f32 v13;
	_ =	swait.ge [sflag:s8], $0x8000  }
0x98: {  	v8 =	vmul.f32 v8, v11;
	v11 =	vsub.f32 $1.000000000e+00, v15;
	v7 =	vmul.f32 v7, v12;
	[sflag:s8] =	ssyncset.done $0x0  }
0x99: {  	v12 =	vmul.f32 $1.953125000e-03, v13;
	v13 =	vmul.f32 $1.953125000e-03, v18;
	[sflag:s8] =	ssyncadd.s32 $0xFFFF8000  }
0x9a: {  	v14 =	vcvt.s32.f32 v14;
	v15 =	vmul.f32 v11, v11;
	_ =	swait.ge [sflag:s8], $0x800  }
0x9b: {  	v62 =	vmul.f32 v12, v11;
	v12 =	vmul.f32 v12, v12;
	v13 =	vsub.f32 $1.000000000e+00, v13;
	[sflag:s8] =	ssyncset.done $0x0  }
0x9c: {  	v3 =	vmul.f32 $-4.000000060e-01, v3;
	v14 =	vmul.f32 $1.953125000e-03, v14;
	[sflag:s8] =	ssyncadd.s32 $0xFFFFF800  }
0x9d: {  	s13 =	sand.u32 $0x600, s15;
	v11 =	vsub.f32 v11, v62;
	v12 =	vmul.f32 v12, v15;
	v15 =	vmul.f32 v13, v13;
	_ =	swait.ge [sflag:s8], $0x800  }
0x9e: {  	s14 =	sand.u32 $0x70, s15;
	s12 =	sadd.s32 $0x0, s13;
	v63 =	vmul.f32 v14, v13;
	v14 =	vmul.f32 v14, v14;
	[sflag:s8] =	ssyncset.done $0x0  }
0x9f: {  	s12 =	sor.u32 s14, s12;
	v3 =	vadd.f32 v3, v8;
	v8 =	vmul.f32 $3.000000120e-01, v12;
	v11 =	vmul.f32 $3.000000120e-01, v11;
	[sflag:s8] =	ssyncadd.s32 $0xFFFFF800  }
0xa0: {  	v4 =	vmul.f32 $-4.000000060e-01, v4;
	v12 =	vsub.f32 v13, v63;
	v13 =	vmul.f32 v14, v15;
	v14 =	vld [tilespmem:s12+$0x10800]  }
0xa1: {  	v3 =	vsub.f32 v3, v5;
	v5 =	vsub.f32 v8, v11  }
0xa2: {  	v4 =	vadd.f32 v4, v7  }
0xa3: {  	v2 =	vadd.f32 v3, v2;
	v3 =	vmul.f32 v5, v16;
	v5 =	vmul.f32 $-4.000000060e-01, v9  }
0xa4: {  	s11 =	sand.u32 $0x1F0, s15;
	v4 =	vsub.f32 v4, v6;
	v7 =	vmul.f32 $3.000000120e-01, v13;
	v11 =	vmul.f32 $3.000000120e-01, v12  }
0xa5: {  	v3 =	vadd.f32 v5, v3;
	v5 =	vmov s11;
	v9 =	vshll.u32 v14, $0x9  }
0xa6: {  	s15 =	simm.s32 $0x40;
	s16 =	simm.s32 $0x0;
	v6 =	vsub.f32 v7, v11;
	v5 =	vshll.u32 v5, $0x3;
	v9 =	vand.u32 $0xFFFFF000, v9  }
0xa7: {  	s13 =	sand.u32 $0x600, s15;
	s17 =	simm.s32 $0x10;
	v5 =	vand.u32 $0xC00, v5;
	v11 =	vshll.u32 v14, $0x7;
	v9 =	vadd.s32 s16, v9  }
0xa8: {  	s13 =	sadd.s32 $0x0, s13;
	s18 =	sand.u32 $0x70, s17;
	v12 =	vor.u32 s11, v0;
	v5 =	vor.u32 v5, v9;
	v9 =	vand.u32 $0x380, v11  }
0xa9: {  	s14 =	sor.u32 s18, s13;
	v11 =	vand.u32 $0x7F, v12;
	v5 =	vor.u32 v9, v5  }
0xaa: {  	v2 =	vadd.f32 v4, v2;
	v3 =	vsub.f32 v3, v8;
	v9 =	vld [tilespmem:s14+$0x10800];
	v4 =	vor.u32 v11, v5  }
0xab: {  	s19 =	sand.u32 $0x1F0, s17;
	v10 =	vmul.f32 $-4.000000060e-01, v10;
	v6 =	vmul.f32 v6, v17  }
0xac: {  	v2 =	vadd.f32 v3, v2;
	v3 =	vmov s19  }
0xad: {  	s11 =	scvt.s32.f32 s11;
	v3 =	vshll.u32 v3, $0x3;
	v5 =	vadd.f32 v10, v6;
	v6 =	vld [tilespmem:s12+$0x11800]  }
0xae: {  	v11 =	vand.u32 $0xC00, v3  }
0xaf: {  	v5 =	vsub.f32 v5, v7;
	v7 =	vadd.f32 s11, v1;
	v8 =	vshll.u32 v9, $0x9;
	v3 =	vld.idx.msk [tilespmem:v4+s4+$0x0], $0xffff  }
0xb0: {  	s15 =	simm.s32 $0x80;
	s16 =	simm.s32 $0x0;
	v10 =	vor.u32 s19, v0;
	v4 =	vand.u32 $0xFFFFF000, v8  }
0xb1: {  	s17 =	simm.s32 $0x20;
	s11 =	sand.u32 $0x600, s15;
	v7 =	vmul.f32 $1.953125000e-03, v7;
	v8 =	vshll.u32 v9, $0x7;
	v4 =	vadd.s32 s16, v4  }
0xb2: {  	s18 =	sand.u32 $0x70, s17;
	s11 =	sadd.s32 $0x0, s11;
	v6 =	vcvt.s32.f32 v6;
	v8 =	vand.u32 $0x380, v8;
	v4 =	vor.u32 v11, v4  }
0xb3: {  	s11 =	sor.u32 s18, s11;
	v2 =	vadd.f32 v5, v2;
	v9 =	vand.u32 $0x7F, v10;
	v4 =	vor.u32 v8, v4  }
0xb4: {  	v5 =	vmul.f32 $1.953125000e-03, v6;
	v8 =	vld [tilespmem:s11+$0x10800];
	v4 =	vor.u32 v9, v4;
	v6 =	vmul.f32 $1.442695020e+00, v3  }
0xb5: {  	v7 =	vsub.f32 $1.000000000e+00, v7  }
0xb6: {  	(erf) = vpow2.f32 v6  }
0xb7: {  	s12 =	sand.u32 $0x1F0, s17;
	v11 =	vmul.f32 v7, v7  }
0xb8: {  	v9 =	vmov s12;
	v12 =	vmul.f32 v5, v7;
	v5 =	vmul.f32 v5, v5  }
0xb9: {  	s13 =	scvt.s32.f32 s19;
	v10 =	vshll.u32 v9, $0x3;
	v9 =	vor.u32 s12, v0;
	v6 =	vshll.u32 v8, $0x9;
	v4 =	vld.idx.msk [tilespmem:v4+s4+$0x0], $0xffff  }
0xba: {  	v13 =	vsub.f32 v7, v12;
	v5 =	vmul.f32 v5, v11;
	v12 =	vand.u32 $0xFFFFF000, v6;
	v6 =	vld [tilespmem:s14+$0x11800]  }
0xbb: {  	s19 =	simm.s32 $0x0;
	s15 =	simm.s32 $0x4;
	v10 =	vand.u32 $0xC00, v10;
	v7 =	vadd.f32 s13, v1;
	v11 =	vshll.u32 v8, $0x7  }
0xbc: {  	s16 =	simm.s32 $0xC0;
	s13 =	simm.s32 $0x30;
	v5 =	vmul.f32 $3.000000120e-01, v5;
	v8 =	vmul.f32 $3.000000120e-01, v13;
	s14 =	simm.s32 $0x0;
	v12 =	vadd.s32 s19, v12  }
.LBB2_4:
0xbd: {  	p0 =	sne.s32 s15, $0x7F;
	s17 =	sand.u32 $0x600, s16;
	s18 =	sshll.u32 s14, $0x7;
	v13 =	vand.u32 $0x7F, v9;
	v10 =	vor.u32 v10, v12;
	v11 =	vand.u32 $0x380, v11  }
0xbe: {  	s19 =	sand.u32 $0x70, s13;
	v7 =	vmul.f32 $1.953125000e-03, v7;
	s17 =	sadd.s32 s18, s17;
	v10 =	vor.u32 v11, v10;
	v8 =	vsub.f32 v5, v8  }
0xbf: {  	s17 =	sor.u32 s19, s17;
	v11 =	vor.u32 v13, v10;
	v10 =	vmul.f32 $1.442695020e+00, v4;
	v6 =	vcvt.s32.f32 v6;
	v9 =	vpop (erf)  }
0xc0: {  	s18 =	sand.u32 $0x1F0, s13;
	v13 =	vsub.f32 $1.000000000e+00, v7;
	v12 =	vld [tilespmem:s17+$0x10800];
	v7 =	vmul.f32 v8, v9;
	v8 =	vmul.f32 $-4.000000060e-01, v3;
	v3 =	vmovc v4  }
0xc1: {  	v9 =	vor.u32 s18, v0;
	v4 =	vmul.f32 $1.953125000e-03, v6;
	(erf) = vpow2.f32 v10  }
0xc2: {  	s19 =	scvt.s32.f32 s12;
	s12 =	smov.u32 s18;
	v6 =	vmov s18;
	v14 =	vmul.f32 v13, v13;
	v8 =	vadd.f32 v8, v7  }
.Ltmp1:
0xc3: {  	v6 =	vshll.u32 v6, $0x3;
	v15 =	vmul.f32 v4, v13;
	v16 =	vmul.f32 v4, v4;
	(pc) =	sbr.rel @p0 .LBB2_4-.Ltmp1, $4  }
0xc4: {  	v7 =	vadd.f32 s19, v1;
	v10 =	vand.u32 $0xC00, v6;
	v4 =	vld.idx.msk [tilespmem:v11+s4+$0x0], $0xffff;
	v5 =	vsub.f32 v8, v5  }
0xc5: {  	v8 =	vshll.u32 v12, $0x9;
	v6 =	vld [tilespmem:s11+$0x11800];
	v13 =	vsub.f32 v13, v15;
	v14 =	vmul.f32 v16, v14;
	s11 =	smov.u32 s17  }
0xc6: {  	s13 =	sadd.s32 $0x10, s13;
	s17 =	sshll.u32 s14, $0xD;
	v11 =	vshll.u32 v12, $0x7;
	v8 =	vand.u32 $0xFFFFF000, v8;
	v2 =	vadd.f32 v5, v2  }
0xc7: {  	s16 =	sadd.s32 $0x40, s16;
	s14 =	sshrl.u32 s15, $0x5;
	s15 =	sadd.s32 $0x1, s15;
	v12 =	vadd.s32 s17, v8;
	v5 =	vmul.f32 $3.000000120e-01, v14;
	v8 =	vmul.f32 $3.000000120e-01, v13  }
0xc8: {  	s15 =	sand.u32 $0x600, s16;
	s19 =	sshll.u32 s14, $0x7  }
0xc9: {  	s17 =	sand.u32 $0x70, s13;
	s15 =	sadd.s32 s19, s15  }
0xca: {  	s15 =	sor.u32 s17, s15  }
0xcb: {  	v13 =	vld [tilespmem:s15+$0x10800];
	_ =	sdelay $0x3  }
0xcc: {  	v9 =	vand.u32 $0x7F, v9;
	v10 =	vor.u32 v10, v12;
	s18 =	sand.u32 $0x1F0, s13  }
0xcd: {  	v11 =	vand.u32 $0x380, v11;
	v12 =	vmov s18;
	v14 =	vshll.u32 v13, $0x9  }
0xce: {  	v10 =	vor.u32 v11, v10;
	s19 =	sshll.u32 s14, $0xD;
	v11 =	vshll.u32 v12, $0x3;
	v12 =	vand.u32 $0xFFFFF000, v14  }
0xcf: {  	v11 =	vand.u32 $0xC00, v11;
	v13 =	vshll.u32 v13, $0x7;
	v12 =	vadd.s32 s19, v12  }
0xd0: {  	v14 =	vor.u32 s18, v0;
	v11 =	vor.u32 v11, v12;
	v12 =	vand.u32 $0x380, v13  }
0xd1: {  	v9 =	vor.u32 v9, v10;
	v10 =	vand.u32 $0x7F, v14;
	v11 =	vor.u32 v12, v11  }
0xd2: {  	v10 =	vor.u32 v10, v11;
	_ =	sdelay $0x3  }
0xd3: {  	v9 =	vld.idx.msk [tilespmem:v9+s4+$0x0], $0xffff  }
0xd4: {  	v10 =	vld.idx.msk [tilespmem:v10+s4+$0x0], $0xffff;
	_ =	sdelay $0x2  }
0xd5: {  	v11 =	vmul.f32 $1.442695020e+00, v4  }
0xd6: {  	v7 =	vmul.f32 $1.953125000e-03, v7;
	v12 =	vmul.f32 $1.442695020e+00, v9  }
0xd7: {  	(erf) = vpow2.f32 v11;
	v11 =	vmul.f32 $1.442695020e+00, v10  }
0xd8: {  	v6 =	vcvt.s32.f32 v6;
	(erf) = vpow2.f32 v12  }
0xd9: {  	v7 =	vsub.f32 $1.000000000e+00, v7;
	(erf) = vpow2.f32 v11  }
0xda: {  	v6 =	vmul.f32 $1.953125000e-03, v6  }
0xdb: {  	v11 =	vmul.f32 v7, v7  }
0xdc: {  	v12 =	vmul.f32 v6, v7;
	v6 =	vmul.f32 v6, v6  }
0xdd: {  	s12 =	scvt.s32.f32 s12;
	s16 =	rddreg [dreg:$0x6];
	v14 =	vld [tilespmem:s15+$0x11800];
	s15 =	simm.s32 $0x0  }
0xde: {  	v13 =	vld [tilespmem:s11+$0x11800];
	[tilespmem:s4], [sflag:$0x2] =	stream.linear.gather [hbm4b:s16+s15], $0x8000, $0x38;
	v7 =	vsub.f32 v7, v12;
	v6 =	vmul.f32 v6, v11  }
0xdf: {  	s17 =	rddreg [dreg:$0x1b];
	v11 =	vpop (erf)  }
0xe0: {  	v15 =	vadd.f32 s12, v1;
	[tilespmem:s5], [sflag:$0x2] =	stream.strided.gather [hbm4b:s17+s30], $0x800, s31, s30, $0x38;
	v7 =	vmul.f32 $3.000000120e-01, v7;
	v6 =	vmul.f32 $3.000000120e-01, v6;
	v12 =	vpop (erf);
	[tilespmem:$0x12080] =	vst v63  }
0xe1: {  	s18 =	scvt.s32.f32 s18;
	s19 =	rddreg [dreg:$0x1c];
	v16 =	vpop (erf)  }
0xe2: {  	v8 =	vsub.f32 v5, v8;
	v15 =	vmul.f32 $1.953125000e-03, v15;
	[tilespmem:s6], [sflag:$0x2] =	stream.strided.gather [hbm4b:s19+s30], $0x800, s31, s30, $0x38;
	v7 =	vsub.f32 v6, v7;
	v17 =	vpop (erf);
	[tilespmem:$0x12080] =	vst v63  }
0xe3: {  	v18 =	vadd.f32 s18, v1;
	v13 =	vcvt.s32.f32 v13;
	_ =	swait.ge [sflag:s7], $0x8000  }
0xe4: {  	v8 =	vmul.f32 v8, v11;
	v11 =	vsub.f32 $1.000000000e+00, v15;
	v7 =	vmul.f32 v7, v12;
	[sflag:s7] =	ssyncset.done $0x0  }
0xe5: {  	v12 =	vmul.f32 $1.953125000e-03, v13;
	v13 =	vmul.f32 $1.953125000e-03, v18;
	[sflag:s7] =	ssyncadd.s32 $0xFFFF8000  }
0xe6: {  	v14 =	vcvt.s32.f32 v14;
	v15 =	vmul.f32 v11, v11;
	_ =	swait.ge [sflag:s7], $0x800  }
0xe7: {  	v62 =	vmul.f32 v12, v11;
	v12 =	vmul.f32 v12, v12;
	v13 =	vsub.f32 $1.000000000e+00, v13;
	[sflag:s7] =	ssyncset.done $0x0  }
0xe8: {  	v3 =	vmul.f32 $-4.000000060e-01, v3;
	v14 =	vmul.f32 $1.953125000e-03, v14;
	[sflag:s7] =	ssyncadd.s32 $0xFFFFF800  }
0xe9: {  	s13 =	sand.u32 $0x600, s15;
	v11 =	vsub.f32 v11, v62;
	v12 =	vmul.f32 v12, v15;
	v15 =	vmul.f32 v13, v13;
	_ =	swait.ge [sflag:s7], $0x800  }
0xea: {  	s14 =	sand.u32 $0x70, s15;
	s12 =	sadd.s32 $0x0, s13;
	v63 =	vmul.f32 v14, v13;
	v14 =	vmul.f32 v14, v14;
	[sflag:s7] =	ssyncset.done $0x0  }
0xeb: {  	s12 =	sor.u32 s14, s12;
	v3 =	vadd.f32 v3, v8;
	v8 =	vmul.f32 $3.000000120e-01, v12;
	v11 =	vmul.f32 $3.000000120e-01, v11;
	[sflag:s7] =	ssyncadd.s32 $0xFFFFF800  }
0xec: {  	v4 =	vmul.f32 $-4.000000060e-01, v4;
	v12 =	vsub.f32 v13, v63;
	v13 =	vmul.f32 v14, v15;
	v14 =	vld [tilespmem:s12+$0x10000]  }
0xed: {  	v3 =	vsub.f32 v3, v5;
	v5 =	vsub.f32 v8, v11  }
0xee: {  	v4 =	vadd.f32 v4, v7  }
0xef: {  	v2 =	vadd.f32 v3, v2;
	v3 =	vmul.f32 v5, v16;
	v5 =	vmul.f32 $-4.000000060e-01, v9  }
0xf0: {  	s11 =	sand.u32 $0x1F0, s15;
	v4 =	vsub.f32 v4, v6;
	v7 =	vmul.f32 $3.000000120e-01, v13;
	v11 =	vmul.f32 $3.000000120e-01, v12  }
0xf1: {  	v3 =	vadd.f32 v5, v3;
	v5 =	vmov s11;
	v9 =	vshll.u32 v14, $0x9  }
0xf2: {  	s15 =	simm.s32 $0x40;
	s16 =	simm.s32 $0x0;
	v6 =	vsub.f32 v7, v11;
	v5 =	vshll.u32 v5, $0x3;
	v9 =	vand.u32 $0xFFFFF000, v9  }
0xf3: {  	s13 =	sand.u32 $0x600, s15;
	s17 =	simm.s32 $0x10;
	v5 =	vand.u32 $0xC00, v5;
	v11 =	vshll.u32 v14, $0x7;
	v9 =	vadd.s32 s16, v9  }
0xf4: {  	s13 =	sadd.s32 $0x0, s13;
	s18 =	sand.u32 $0x70, s17;
	v12 =	vor.u32 s11, v0;
	v5 =	vor.u32 v5, v9;
	v9 =	vand.u32 $0x380, v11  }
0xf5: {  	s14 =	sor.u32 s18, s13;
	v11 =	vand.u32 $0x7F, v12;
	v5 =	vor.u32 v9, v5  }
0xf6: {  	v2 =	vadd.f32 v4, v2;
	v3 =	vsub.f32 v3, v8;
	v9 =	vld [tilespmem:s14+$0x10000];
	v4 =	vor.u32 v11, v5  }
0xf7: {  	s19 =	sand.u32 $0x1F0, s17;
	v10 =	vmul.f32 $-4.000000060e-01, v10;
	v6 =	vmul.f32 v6, v17  }
0xf8: {  	v2 =	vadd.f32 v3, v2;
	v3 =	vmov s19  }
0xf9: {  	s11 =	scvt.s32.f32 s11;
	v3 =	vshll.u32 v3, $0x3;
	v5 =	vadd.f32 v10, v6;
	v6 =	vld [tilespmem:s12+$0x11000]  }
0xfa: {  	v11 =	vand.u32 $0xC00, v3  }
0xfb: {  	v5 =	vsub.f32 v5, v7;
	v7 =	vadd.f32 s11, v1;
	v8 =	vshll.u32 v9, $0x9;
	v3 =	vld.idx.msk [tilespmem:v4+s1+$0x0], $0xffff  }
0xfc: {  	s15 =	simm.s32 $0x80;
	s16 =	simm.s32 $0x0;
	v10 =	vor.u32 s19, v0;
	v4 =	vand.u32 $0xFFFFF000, v8  }
0xfd: {  	s17 =	simm.s32 $0x20;
	s11 =	sand.u32 $0x600, s15;
	v7 =	vmul.f32 $1.953125000e-03, v7;
	v8 =	vshll.u32 v9, $0x7;
	v4 =	vadd.s32 s16, v4  }
0xfe: {  	s18 =	sand.u32 $0x70, s17;
	s11 =	sadd.s32 $0x0, s11;
	v6 =	vcvt.s32.f32 v6;
	v8 =	vand.u32 $0x380, v8;
	v4 =	vor.u32 v11, v4  }
0xff: {  	s11 =	sor.u32 s18, s11;
	v2 =	vadd.f32 v5, v2;
	v9 =	vand.u32 $0x7F, v10;
	v4 =	vor.u32 v8, v4  }
0x100: {  	v5 =	vmul.f32 $1.953125000e-03, v6;
	v8 =	vld [tilespmem:s11+$0x10000];
	v4 =	vor.u32 v9, v4;
	v6 =	vmul.f32 $1.442695020e+00, v3  }
0x101: {  	v7 =	vsub.f32 $1.000000000e+00, v7  }
0x102: {  	(erf) = vpow2.f32 v6  }
0x103: {  	s12 =	sand.u32 $0x1F0, s17;
	v11 =	vmul.f32 v7, v7  }
0x104: {  	v9 =	vmov s12;
	v12 =	vmul.f32 v5, v7;
	v5 =	vmul.f32 v5, v5  }
0x105: {  	s13 =	scvt.s32.f32 s19;
	v10 =	vshll.u32 v9, $0x3;
	v9 =	vor.u32 s12, v0;
	v6 =	vshll.u32 v8, $0x9;
	v4 =	vld.idx.msk [tilespmem:v4+s1+$0x0], $0xffff  }
0x106: {  	v13 =	vsub.f32 v7, v12;
	v5 =	vmul.f32 v5, v11;
	v12 =	vand.u32 $0xFFFFF000, v6;
	v6 =	vld [tilespmem:s14+$0x11000]  }
0x107: {  	s19 =	simm.s32 $0x0;
	s15 =	simm.s32 $0x4;
	v10 =	vand.u32 $0xC00, v10;
	v7 =	vadd.f32 s13, v1;
	v11 =	vshll.u32 v8, $0x7  }
0x108: {  	s16 =	simm.s32 $0xC0;
	s13 =	simm.s32 $0x30;
	v5 =	vmul.f32 $3.000000120e-01, v5;
	v8 =	vmul.f32 $3.000000120e-01, v13;
	s14 =	simm.s32 $0x0;
	v12 =	vadd.s32 s19, v12  }
.LBB2_6:
0x109: {  	p0 =	sne.s32 s15, $0x7F;
	s17 =	sand.u32 $0x600, s16;
	s18 =	sshll.u32 s14, $0x7;
	v13 =	vand.u32 $0x7F, v9;
	v10 =	vor.u32 v10, v12;
	v11 =	vand.u32 $0x380, v11  }
0x10a: {  	s19 =	sand.u32 $0x70, s13;
	v7 =	vmul.f32 $1.953125000e-03, v7;
	s17 =	sadd.s32 s18, s17;
	v10 =	vor.u32 v11, v10;
	v8 =	vsub.f32 v5, v8  }
0x10b: {  	s17 =	sor.u32 s19, s17;
	v11 =	vor.u32 v13, v10;
	v10 =	vmul.f32 $1.442695020e+00, v4;
	v6 =	vcvt.s32.f32 v6;
	v9 =	vpop (erf)  }
0x10c: {  	s18 =	sand.u32 $0x1F0, s13;
	v13 =	vsub.f32 $1.000000000e+00, v7;
	v12 =	vld [tilespmem:s17+$0x10000];
	v7 =	vmul.f32 v8, v9;
	v8 =	vmul.f32 $-4.000000060e-01, v3;
	v3 =	vmovc v4  }
0x10d: {  	v9 =	vor.u32 s18, v0;
	v4 =	vmul.f32 $1.953125000e-03, v6;
	(erf) = vpow2.f32 v10  }
0x10e: {  	s19 =	scvt.s32.f32 s12;
	s12 =	smov.u32 s18;
	v6 =	vmov s18;
	v14 =	vmul.f32 v13, v13;
	v8 =	vadd.f32 v8, v7  }
.Ltmp2:
0x10f: {  	v6 =	vshll.u32 v6, $0x3;
	v15 =	vmul.f32 v4, v13;
	v16 =	vmul.f32 v4, v4;
	(pc) =	sbr.rel @p0 .LBB2_6-.Ltmp2, $4  }
0x110: {  	v7 =	vadd.f32 s19, v1;
	v10 =	vand.u32 $0xC00, v6;
	v4 =	vld.idx.msk [tilespmem:v11+s1+$0x0], $0xffff;
	v5 =	vsub.f32 v8, v5  }
0x111: {  	v8 =	vshll.u32 v12, $0x9;
	v6 =	vld [tilespmem:s11+$0x11000];
	v13 =	vsub.f32 v13, v15;
	v14 =	vmul.f32 v16, v14;
	s11 =	smov.u32 s17  }
0x112: {  	s13 =	sadd.s32 $0x10, s13;
	s17 =	sshll.u32 s14, $0xD;
	v11 =	vshll.u32 v12, $0x7;
	v8 =	vand.u32 $0xFFFFF000, v8;
	v2 =	vadd.f32 v5, v2  }
0x113: {  	s16 =	sadd.s32 $0x40, s16;
	s14 =	sshrl.u32 s15, $0x5;
	s15 =	sadd.s32 $0x1, s15;
	v12 =	vadd.s32 s17, v8;
	v5 =	vmul.f32 $3.000000120e-01, v14;
	v8 =	vmul.f32 $3.000000120e-01, v13  }
0x114: {  	s15 =	sand.u32 $0x600, s16;
	s19 =	sshll.u32 s14, $0x7  }
0x115: {  	s17 =	sand.u32 $0x70, s13;
	s15 =	sadd.s32 s19, s15  }
0x116: {  	s15 =	sor.u32 s17, s15  }
0x117: {  	v13 =	vld [tilespmem:s15+$0x10000];
	_ =	sdelay $0x3  }
0x118: {  	v9 =	vand.u32 $0x7F, v9;
	v10 =	vor.u32 v10, v12;
	s18 =	sand.u32 $0x1F0, s13  }
0x119: {  	v11 =	vand.u32 $0x380, v11;
	v12 =	vmov s18;
	v14 =	vshll.u32 v13, $0x9  }
0x11a: {  	v10 =	vor.u32 v11, v10;
	s19 =	sshll.u32 s14, $0xD;
	v11 =	vshll.u32 v12, $0x3;
	v12 =	vand.u32 $0xFFFFF000, v14  }
0x11b: {  	v11 =	vand.u32 $0xC00, v11;
	v13 =	vshll.u32 v13, $0x7;
	v12 =	vadd.s32 s19, v12  }
0x11c: {  	v14 =	vor.u32 s18, v0;
	v11 =	vor.u32 v11, v12;
	v12 =	vand.u32 $0x380, v13  }
0x11d: {  	v9 =	vor.u32 v9, v10;
	v10 =	vand.u32 $0x7F, v14;
	v11 =	vor.u32 v12, v11  }
0x11e: {  	v10 =	vor.u32 v10, v11;
	_ =	sdelay $0x3  }
0x11f: {  	v9 =	vld.idx.msk [tilespmem:v9+s1+$0x0], $0xffff  }
0x120: {  	v10 =	vld.idx.msk [tilespmem:v10+s1+$0x0], $0xffff;
	_ =	sdelay $0x2  }
0x121: {  	v11 =	vmul.f32 $1.442695020e+00, v4  }
0x122: {  	v7 =	vmul.f32 $1.953125000e-03, v7;
	v12 =	vmul.f32 $1.442695020e+00, v9  }
0x123: {  	(erf) = vpow2.f32 v11;
	v11 =	vmul.f32 $1.442695020e+00, v10  }
0x124: {  	v6 =	vcvt.s32.f32 v6;
	(erf) = vpow2.f32 v12  }
0x125: {  	v7 =	vsub.f32 $1.000000000e+00, v7;
	(erf) = vpow2.f32 v11  }
0x126: {  	v6 =	vmul.f32 $1.953125000e-03, v6  }
0x127: {  	v11 =	vmul.f32 v7, v7  }
0x128: {  	v12 =	vmul.f32 v6, v7;
	v6 =	vmul.f32 v6, v6  }
0x129: {  	s12 =	scvt.s32.f32 s12;
	s16 =	rddreg [dreg:$0x7];
	v14 =	vld [tilespmem:s15+$0x11000];
	s15 =	simm.s32 $0x0  }
0x12a: {  	v13 =	vld [tilespmem:s11+$0x11000];
	[tilespmem:s15], [sflag:$0x1] =	stream.linear.gather [hbm4b:s16+s15], $0x8000, $0x38;
	v7 =	vsub.f32 v7, v12;
	v6 =	vmul.f32 v6, v11  }
0x12b: {  	s17 =	rddreg [dreg:$0x1d];
	v11 =	vpop (erf)  }
0x12c: {  	v15 =	vadd.f32 s12, v1;
	[tilespmem:s0], [sflag:$0x1] =	stream.strided.gather [hbm4b:s17+s30], $0x800, s31, s30, $0x38;
	v7 =	vmul.f32 $3.000000120e-01, v7;
	v6 =	vmul.f32 $3.000000120e-01, v6;
	v12 =	vpop (erf);
	[tilespmem:$0x12080] =	vst v63  }
0x12d: {  	s18 =	scvt.s32.f32 s18;
	s19 =	rddreg [dreg:$0x1e];
	v16 =	vpop (erf)  }
0x12e: {  	v8 =	vsub.f32 v5, v8;
	v15 =	vmul.f32 $1.953125000e-03, v15;
	[tilespmem:s3], [sflag:$0x1] =	stream.strided.gather [hbm4b:s19+s30], $0x800, s31, s30, $0x38;
	v7 =	vsub.f32 v6, v7;
	v17 =	vpop (erf);
	[tilespmem:$0x12080] =	vst v63  }
0x12f: {  	v18 =	vadd.f32 s18, v1;
	v13 =	vcvt.s32.f32 v13;
	_ =	swait.ge [sflag:s8], $0x8000  }
0x130: {  	v8 =	vmul.f32 v8, v11;
	v11 =	vsub.f32 $1.000000000e+00, v15;
	v7 =	vmul.f32 v7, v12;
	[sflag:s8] =	ssyncset.done $0x0  }
0x131: {  	v12 =	vmul.f32 $1.953125000e-03, v13;
	v13 =	vmul.f32 $1.953125000e-03, v18;
	[sflag:s8] =	ssyncadd.s32 $0xFFFF8000  }
0x132: {  	v14 =	vcvt.s32.f32 v14;
	v15 =	vmul.f32 v11, v11;
	_ =	swait.ge [sflag:s8], $0x800  }
0x133: {  	v62 =	vmul.f32 v12, v11;
	v12 =	vmul.f32 v12, v12;
	v13 =	vsub.f32 $1.000000000e+00, v13;
	[sflag:s8] =	ssyncset.done $0x0  }
0x134: {  	v3 =	vmul.f32 $-4.000000060e-01, v3;
	v14 =	vmul.f32 $1.953125000e-03, v14;
	[sflag:s8] =	ssyncadd.s32 $0xFFFFF800  }
0x135: {  	s13 =	sand.u32 $0x600, s15;
	v11 =	vsub.f32 v11, v62;
	v12 =	vmul.f32 v12, v15;
	v15 =	vmul.f32 v13, v13;
	_ =	swait.ge [sflag:s8], $0x800  }
0x136: {  	s14 =	sand.u32 $0x70, s15;
	s12 =	sadd.s32 $0x0, s13;
	v63 =	vmul.f32 v14, v13;
	v14 =	vmul.f32 v14, v14;
	[sflag:s8] =	ssyncset.done $0x0  }
0x137: {  	s12 =	sor.u32 s14, s12;
	v3 =	vadd.f32 v3, v8;
	v8 =	vmul.f32 $3.000000120e-01, v12;
	v11 =	vmul.f32 $3.000000120e-01, v11;
	[sflag:s8] =	ssyncadd.s32 $0xFFFFF800  }
0x138: {  	v4 =	vmul.f32 $-4.000000060e-01, v4;
	v12 =	vsub.f32 v13, v63;
	v13 =	vmul.f32 v14, v15;
	v14 =	vld [tilespmem:s12+$0x10800]  }
0x139: {  	v3 =	vsub.f32 v3, v5;
	v5 =	vsub.f32 v8, v11  }
0x13a: {  	v4 =	vadd.f32 v4, v7  }
0x13b: {  	v2 =	vadd.f32 v3, v2;
	v3 =	vmul.f32 v5, v16;
	v5 =	vmul.f32 $-4.000000060e-01, v9  }
0x13c: {  	s11 =	sand.u32 $0x1F0, s15;
	v4 =	vsub.f32 v4, v6;
	v7 =	vmul.f32 $3.000000120e-01, v13;
	v11 =	vmul.f32 $3.000000120e-01, v12  }
0x13d: {  	v3 =	vadd.f32 v5, v3;
	v5 =	vmov s11;
	v9 =	vshll.u32 v14, $0x9  }
0x13e: {  	s15 =	simm.s32 $0x40;
	s16 =	simm.s32 $0x0;
	v6 =	vsub.f32 v7, v11;
	v5 =	vshll.u32 v5, $0x3;
	v9 =	vand.u32 $0xFFFFF000, v9  }
0x13f: {  	s13 =	sand.u32 $0x600, s15;
	s17 =	simm.s32 $0x10;
	v5 =	vand.u32 $0xC00, v5;
	v11 =	vshll.u32 v14, $0x7;
	v9 =	vadd.s32 s16, v9  }
0x140: {  	s13 =	sadd.s32 $0x0, s13;
	s18 =	sand.u32 $0x70, s17;
	v12 =	vor.u32 s11, v0;
	v5 =	vor.u32 v5, v9;
	v9 =	vand.u32 $0x380, v11  }
0x141: {  	s14 =	sor.u32 s18, s13;
	v11 =	vand.u32 $0x7F, v12;
	v5 =	vor.u32 v9, v5  }
0x142: {  	v2 =	vadd.f32 v4, v2;
	v3 =	vsub.f32 v3, v8;
	v9 =	vld [tilespmem:s14+$0x10800];
	v4 =	vor.u32 v11, v5  }
0x143: {  	s19 =	sand.u32 $0x1F0, s17;
	v10 =	vmul.f32 $-4.000000060e-01, v10;
	v6 =	vmul.f32 v6, v17  }
0x144: {  	v2 =	vadd.f32 v3, v2;
	v3 =	vmov s19  }
0x145: {  	s11 =	scvt.s32.f32 s11;
	v3 =	vshll.u32 v3, $0x3;
	v5 =	vadd.f32 v10, v6;
	v6 =	vld [tilespmem:s12+$0x11800]  }
0x146: {  	v11 =	vand.u32 $0xC00, v3  }
0x147: {  	v5 =	vsub.f32 v5, v7;
	v7 =	vadd.f32 s11, v1;
	v8 =	vshll.u32 v9, $0x9;
	v3 =	vld.idx.msk [tilespmem:v4+s4+$0x0], $0xffff  }
0x148: {  	s15 =	simm.s32 $0x80;
	s16 =	simm.s32 $0x0;
	v10 =	vor.u32 s19, v0;
	v4 =	vand.u32 $0xFFFFF000, v8  }
0x149: {  	s17 =	simm.s32 $0x20;
	s11 =	sand.u32 $0x600, s15;
	v7 =	vmul.f32 $1.953125000e-03, v7;
	v8 =	vshll.u32 v9, $0x7;
	v4 =	vadd.s32 s16, v4  }
0x14a: {  	s18 =	sand.u32 $0x70, s17;
	s11 =	sadd.s32 $0x0, s11;
	v6 =	vcvt.s32.f32 v6;
	v8 =	vand.u32 $0x380, v8;
	v4 =	vor.u32 v11, v4  }
0x14b: {  	s11 =	sor.u32 s18, s11;
	v2 =	vadd.f32 v5, v2;
	v9 =	vand.u32 $0x7F, v10;
	v4 =	vor.u32 v8, v4  }
0x14c: {  	v5 =	vmul.f32 $1.953125000e-03, v6;
	v8 =	vld [tilespmem:s11+$0x10800];
	v4 =	vor.u32 v9, v4;
	v6 =	vmul.f32 $1.442695020e+00, v3  }
0x14d: {  	v7 =	vsub.f32 $1.000000000e+00, v7  }
0x14e: {  	(erf) = vpow2.f32 v6  }
0x14f: {  	s12 =	sand.u32 $0x1F0, s17;
	v11 =	vmul.f32 v7, v7  }
0x150: {  	v9 =	vmov s12;
	v12 =	vmul.f32 v5, v7;
	v5 =	vmul.f32 v5, v5  }
0x151: {  	s13 =	scvt.s32.f32 s19;
	v10 =	vshll.u32 v9, $0x3;
	v9 =	vor.u32 s12, v0;
	v6 =	vshll.u32 v8, $0x9;
	v4 =	vld.idx.msk [tilespmem:v4+s4+$0x0], $0xffff  }
0x152: {  	v13 =	vsub.f32 v7, v12;
	v5 =	vmul.f32 v5, v11;
	v12 =	vand.u32 $0xFFFFF000, v6;
	v6 =	vld [tilespmem:s14+$0x11800]  }
0x153: {  	s19 =	simm.s32 $0x0;
	s15 =	simm.s32 $0x4;
	v10 =	vand.u32 $0xC00, v10;
	v7 =	vadd.f32 s13, v1;
	v11 =	vshll.u32 v8, $0x7  }
0x154: {  	s16 =	simm.s32 $0xC0;
	s13 =	simm.s32 $0x30;
	v5 =	vmul.f32 $3.000000120e-01, v5;
	v8 =	vmul.f32 $3.000000120e-01, v13;
	s14 =	simm.s32 $0x0;
	v12 =	vadd.s32 s19, v12  }
.LBB2_8:
0x155: {  	p0 =	sne.s32 s15, $0x7F;
	s17 =	sand.u32 $0x600, s16;
	s18 =	sshll.u32 s14, $0x7;
	v13 =	vand.u32 $0x7F, v9;
	v10 =	vor.u32 v10, v12;
	v11 =	vand.u32 $0x380, v11  }
0x156: {  	s19 =	sand.u32 $0x70, s13;
	v7 =	vmul.f32 $1.953125000e-03, v7;
	s17 =	sadd.s32 s18, s17;
	v10 =	vor.u32 v11, v10;
	v8 =	vsub.f32 v5, v8  }
0x157: {  	s17 =	sor.u32 s19, s17;
	v11 =	vor.u32 v13, v10;
	v10 =	vmul.f32 $1.442695020e+00, v4;
	v6 =	vcvt.s32.f32 v6;
	v9 =	vpop (erf)  }
0x158: {  	s18 =	sand.u32 $0x1F0, s13;
	v13 =	vsub.f32 $1.000000000e+00, v7;
	v12 =	vld [tilespmem:s17+$0x10800];
	v7 =	vmul.f32 v8, v9;
	v8 =	vmul.f32 $-4.000000060e-01, v3;
	v3 =	vmovc v4  }
0x159: {  	v9 =	vor.u32 s18, v0;
	v4 =	vmul.f32 $1.953125000e-03, v6;
	(erf) = vpow2.f32 v10  }
0x15a: {  	s19 =	scvt.s32.f32 s12;
	s12 =	smov.u32 s18;
	v6 =	vmov s18;
	v14 =	vmul.f32 v13, v13;
	v8 =	vadd.f32 v8, v7  }
.Ltmp3:
0x15b: {  	v6 =	vshll.u32 v6, $0x3;
	v15 =	vmul.f32 v4, v13;
	v16 =	vmul.f32 v4, v4;
	(pc) =	sbr.rel @p0 .LBB2_8-.Ltmp3, $4  }
0x15c: {  	v7 =	vadd.f32 s19, v1;
	v10 =	vand.u32 $0xC00, v6;
	v4 =	vld.idx.msk [tilespmem:v11+s4+$0x0], $0xffff;
	v5 =	vsub.f32 v8, v5  }
0x15d: {  	v8 =	vshll.u32 v12, $0x9;
	v6 =	vld [tilespmem:s11+$0x11800];
	v13 =	vsub.f32 v13, v15;
	v14 =	vmul.f32 v16, v14;
	s11 =	smov.u32 s17  }
0x15e: {  	s13 =	sadd.s32 $0x10, s13;
	s17 =	sshll.u32 s14, $0xD;
	v11 =	vshll.u32 v12, $0x7;
	v8 =	vand.u32 $0xFFFFF000, v8;
	v2 =	vadd.f32 v5, v2  }
0x15f: {  	s16 =	sadd.s32 $0x40, s16;
	s14 =	sshrl.u32 s15, $0x5;
	s15 =	sadd.s32 $0x1, s15;
	v12 =	vadd.s32 s17, v8;
	v5 =	vmul.f32 $3.000000120e-01, v14;
	v8 =	vmul.f32 $3.000000120e-01, v13  }
0x160: {  	s15 =	sand.u32 $0x600, s16;
	s19 =	sshll.u32 s14, $0x7  }
0x161: {  	s17 =	sand.u32 $0x70, s13;
	s15 =	sadd.s32 s19, s15  }
0x162: {  	s15 =	sor.u32 s17, s15  }
0x163: {  	v13 =	vld [tilespmem:s15+$0x10800];
	_ =	sdelay $0x3  }
0x164: {  	v9 =	vand.u32 $0x7F, v9;
	v10 =	vor.u32 v10, v12;
	s18 =	sand.u32 $0x1F0, s13  }
0x165: {  	v11 =	vand.u32 $0x380, v11;
	v12 =	vmov s18;
	v14 =	vshll.u32 v13, $0x9  }
0x166: {  	v10 =	vor.u32 v11, v10;
	s19 =	sshll.u32 s14, $0xD;
	v11 =	vshll.u32 v12, $0x3;
	v12 =	vand.u32 $0xFFFFF000, v14  }
0x167: {  	v11 =	vand.u32 $0xC00, v11;
	v13 =	vshll.u32 v13, $0x7;
	v12 =	vadd.s32 s19, v12  }
0x168: {  	v14 =	vor.u32 s18, v0;
	v11 =	vor.u32 v11, v12;
	v12 =	vand.u32 $0x380, v13  }
0x169: {  	v9 =	vor.u32 v9, v10;
	v10 =	vand.u32 $0x7F, v14;
	v11 =	vor.u32 v12, v11  }
0x16a: {  	v10 =	vor.u32 v10, v11;
	_ =	sdelay $0x3  }
0x16b: {  	v9 =	vld.idx.msk [tilespmem:v9+s4+$0x0], $0xffff  }
0x16c: {  	v10 =	vld.idx.msk [tilespmem:v10+s4+$0x0], $0xffff;
	_ =	sdelay $0x2  }
0x16d: {  	v11 =	vmul.f32 $1.442695020e+00, v4  }
0x16e: {  	v7 =	vmul.f32 $1.953125000e-03, v7;
	v12 =	vmul.f32 $1.442695020e+00, v9  }
0x16f: {  	(erf) = vpow2.f32 v11;
	v11 =	vmul.f32 $1.442695020e+00, v10  }
0x170: {  	v6 =	vcvt.s32.f32 v6;
	(erf) = vpow2.f32 v12  }
0x171: {  	v7 =	vsub.f32 $1.000000000e+00, v7;
	(erf) = vpow2.f32 v11  }
0x172: {  	v6 =	vmul.f32 $1.953125000e-03, v6  }
0x173: {  	v11 =	vmul.f32 v7, v7  }
0x174: {  	s16 =	rddreg [dreg:$0x8];
	v12 =	vmul.f32 v6, v7;
	v6 =	vmul.f32 v6, v6  }
0x175: {  	s12 =	scvt.s32.f32 s12;
	s17 =	rddreg [dreg:$0x1f];
	v14 =	vld [tilespmem:s15+$0x11800];
	s15 =	simm.s32 $0x0  }
0x176: {  	v13 =	vld [tilespmem:s11+$0x11800];
	[tilespmem:s4], [sflag:$0x2] =	stream.linear.gather [hbm4b:s16+s15], $0x8000, $0x38;
	v7 =	vsub.f32 v7, v12;
	v6 =	vmul.f32 v6, v11  }
0x177: {  	s19 =	sld [smem:$0x7EB];
	v11 =	vpop (erf)  }
0x178: {  	v15 =	vadd.f32 s12, v1;
	[tilespmem:s5], [sflag:$0x2] =	stream.strided.gather [hbm4b:s17+s30], $0x800, s31, s30, $0x38;
	v7 =	vmul.f32 $3.000000120e-01, v7;
	v6 =	vmul.f32 $3.000000120e-01, v6;
	v12 =	vpop (erf);
	[tilespmem:$0x12080] =	vst v63  }
0x179: {  	s18 =	scvt.s32.f32 s18;
	v16 =	vpop (erf)  }
0x17a: {  	v8 =	vsub.f32 v5, v8;
	v15 =	vmul.f32 $1.953125000e-03, v15;
	[tilespmem:s6], [sflag:$0x2] =	stream.strided.gather [hbm4b:s19+s30], $0x800, s31, s30, $0x38;
	v7 =	vsub.f32 v6, v7;
	v17 =	vpop (erf);
	[tilespmem:$0x12080] =	vst v63  }
0x17b: {  	v18 =	vadd.f32 s18, v1;
	v13 =	vcvt.s32.f32 v13;
	_ =	swait.ge [sflag:s7], $0x8000  }
0x17c: {  	v8 =	vmul.f32 v8, v11;
	v11 =	vsub.f32 $1.000000000e+00, v15;
	v7 =	vmul.f32 v7, v12;
	[sflag:s7] =	ssyncset.done $0x0  }
0x17d: {  	v12 =	vmul.f32 $1.953125000e-03, v13;
	v13 =	vmul.f32 $1.953125000e-03, v18;
	[sflag:s7] =	ssyncadd.s32 $0xFFFF8000  }
0x17e: {  	v14 =	vcvt.s32.f32 v14;
	v15 =	vmul.f32 v11, v11;
	_ =	swait.ge [sflag:s7], $0x800  }
0x17f: {  	v62 =	vmul.f32 v12, v11;
	v12 =	vmul.f32 v12, v12;
	v13 =	vsub.f32 $1.000000000e+00, v13;
	[sflag:s7] =	ssyncset.done $0x0  }
0x180: {  	v3 =	vmul.f32 $-4.000000060e-01, v3;
	v14 =	vmul.f32 $1.953125000e-03, v14;
	[sflag:s7] =	ssyncadd.s32 $0xFFFFF800  }
0x181: {  	s13 =	sand.u32 $0x600, s15;
	v11 =	vsub.f32 v11, v62;
	v12 =	vmul.f32 v12, v15;
	v15 =	vmul.f32 v13, v13;
	_ =	swait.ge [sflag:s7], $0x800  }
0x182: {  	s14 =	sand.u32 $0x70, s15;
	s12 =	sadd.s32 $0x0, s13;
	v63 =	vmul.f32 v14, v13;
	v14 =	vmul.f32 v14, v14;
	[sflag:s7] =	ssyncset.done $0x0  }
0x183: {  	s12 =	sor.u32 s14, s12;
	v3 =	vadd.f32 v3, v8;
	v8 =	vmul.f32 $3.000000120e-01, v12;
	v11 =	vmul.f32 $3.000000120e-01, v11;
	[sflag:s7] =	ssyncadd.s32 $0xFFFFF800  }
0x184: {  	v4 =	vmul.f32 $-4.000000060e-01, v4;
	v12 =	vsub.f32 v13, v63;
	v13 =	vmul.f32 v14, v15;
	v14 =	vld [tilespmem:s12+$0x10000]  }
0x185: {  	v3 =	vsub.f32 v3, v5;
	v5 =	vsub.f32 v8, v11  }
0x186: {  	v4 =	vadd.f32 v4, v7  }
0x187: {  	v2 =	vadd.f32 v3, v2;
	v3 =	vmul.f32 v5, v16;
	v5 =	vmul.f32 $-4.000000060e-01, v9  }
0x188: {  	s11 =	sand.u32 $0x1F0, s15;
	v4 =	vsub.f32 v4, v6;
	v7 =	vmul.f32 $3.000000120e-01, v13;
	v11 =	vmul.f32 $3.000000120e-01, v12  }
0x189: {  	v3 =	vadd.f32 v5, v3;
	v5 =	vmov s11;
	v9 =	vshll.u32 v14, $0x9  }
0x18a: {  	s15 =	simm.s32 $0x40;
	s16 =	simm.s32 $0x0;
	v6 =	vsub.f32 v7, v11;
	v5 =	vshll.u32 v5, $0x3;
	v9 =	vand.u32 $0xFFFFF000, v9  }
0x18b: {  	s13 =	sand.u32 $0x600, s15;
	s17 =	simm.s32 $0x10;
	v5 =	vand.u32 $0xC00, v5;
	v11 =	vshll.u32 v14, $0x7;
	v9 =	vadd.s32 s16, v9  }
0x18c: {  	s13 =	sadd.s32 $0x0, s13;
	s18 =	sand.u32 $0x70, s17;
	v12 =	vor.u32 s11, v0;
	v5 =	vor.u32 v5, v9;
	v9 =	vand.u32 $0x380, v11  }
0x18d: {  	s14 =	sor.u32 s18, s13;
	v11 =	vand.u32 $0x7F, v12;
	v5 =	vor.u32 v9, v5  }
0x18e: {  	v2 =	vadd.f32 v4, v2;
	v3 =	vsub.f32 v3, v8;
	v9 =	vld [tilespmem:s14+$0x10000];
	v4 =	vor.u32 v11, v5  }
0x18f: {  	s19 =	sand.u32 $0x1F0, s17;
	v10 =	vmul.f32 $-4.000000060e-01, v10;
	v6 =	vmul.f32 v6, v17  }
0x190: {  	v2 =	vadd.f32 v3, v2;
	v3 =	vmov s19  }
0x191: {  	s11 =	scvt.s32.f32 s11;
	v3 =	vshll.u32 v3, $0x3;
	v5 =	vadd.f32 v10, v6;
	v6 =	vld [tilespmem:s12+$0x11000]  }
0x192: {  	v11 =	vand.u32 $0xC00, v3  }
0x193: {  	v5 =	vsub.f32 v5, v7;
	v7 =	vadd.f32 s11, v1;
	v8 =	vshll.u32 v9, $0x9;
	v3 =	vld.idx.msk [tilespmem:v4+s1+$0x0], $0xffff  }
0x194: {  	s15 =	simm.s32 $0x80;
	s16 =	simm.s32 $0x0;
	v10 =	vor.u32 s19, v0;
	v4 =	vand.u32 $0xFFFFF000, v8  }
0x195: {  	s17 =	simm.s32 $0x20;
	s11 =	sand.u32 $0x600, s15;
	v7 =	vmul.f32 $1.953125000e-03, v7;
	v8 =	vshll.u32 v9, $0x7;
	v4 =	vadd.s32 s16, v4  }
0x196: {  	s18 =	sand.u32 $0x70, s17;
	s11 =	sadd.s32 $0x0, s11;
	v6 =	vcvt.s32.f32 v6;
	v8 =	vand.u32 $0x380, v8;
	v4 =	vor.u32 v11, v4  }
0x197: {  	s11 =	sor.u32 s18, s11;
	v2 =	vadd.f32 v5, v2;
	v9 =	vand.u32 $0x7F, v10;
	v4 =	vor.u32 v8, v4  }
0x198: {  	v5 =	vmul.f32 $1.953125000e-03, v6;
	v8 =	vld [tilespmem:s11+$0x10000];
	v4 =	vor.u32 v9, v4;
	v6 =	vmul.f32 $1.442695020e+00, v3  }
0x199: {  	v7 =	vsub.f32 $1.000000000e+00, v7  }
0x19a: {  	(erf) = vpow2.f32 v6  }
0x19b: {  	s12 =	sand.u32 $0x1F0, s17;
	v11 =	vmul.f32 v7, v7  }
0x19c: {  	v9 =	vmov s12;
	v12 =	vmul.f32 v5, v7;
	v5 =	vmul.f32 v5, v5  }
0x19d: {  	s13 =	scvt.s32.f32 s19;
	v10 =	vshll.u32 v9, $0x3;
	v9 =	vor.u32 s12, v0;
	v6 =	vshll.u32 v8, $0x9;
	v4 =	vld.idx.msk [tilespmem:v4+s1+$0x0], $0xffff  }
0x19e: {  	v13 =	vsub.f32 v7, v12;
	v5 =	vmul.f32 v5, v11;
	v12 =	vand.u32 $0xFFFFF000, v6;
	v6 =	vld [tilespmem:s14+$0x11000]  }
0x19f: {  	s19 =	simm.s32 $0x0;
	s15 =	simm.s32 $0x4;
	v10 =	vand.u32 $0xC00, v10;
	v7 =	vadd.f32 s13, v1;
	v11 =	vshll.u32 v8, $0x7  }
0x1a0: {  	s16 =	simm.s32 $0xC0;
	s13 =	simm.s32 $0x30;
	v5 =	vmul.f32 $3.000000120e-01, v5;
	v8 =	vmul.f32 $3.000000120e-01, v13;
	s14 =	simm.s32 $0x0;
	v12 =	vadd.s32 s19, v12  }
.LBB2_10:
0x1a1: {  	p0 =	sne.s32 s15, $0x7F;
	s17 =	sand.u32 $0x600, s16;
	s18 =	sshll.u32 s14, $0x7;
	v13 =	vand.u32 $0x7F, v9;
	v10 =	vor.u32 v10, v12;
	v11 =	vand.u32 $0x380, v11  }
0x1a2: {  	s19 =	sand.u32 $0x70, s13;
	v7 =	vmul.f32 $1.953125000e-03, v7;
	s17 =	sadd.s32 s18, s17;
	v10 =	vor.u32 v11, v10;
	v8 =	vsub.f32 v5, v8  }
0x1a3: {  	s17 =	sor.u32 s19, s17;
	v11 =	vor.u32 v13, v10;
	v10 =	vmul.f32 $1.442695020e+00, v4;
	v6 =	vcvt.s32.f32 v6;
	v9 =	vpop (erf)  }
0x1a4: {  	s18 =	sand.u32 $0x1F0, s13;
	v13 =	vsub.f32 $1.000000000e+00, v7;
	v12 =	vld [tilespmem:s17+$0x10000];
	v7 =	vmul.f32 v8, v9;
	v8 =	vmul.f32 $-4.000000060e-01, v3;
	v3 =	vmovc v4  }
0x1a5: {  	v9 =	vor.u32 s18, v0;
	v4 =	vmul.f32 $1.953125000e-03, v6;
	(erf) = vpow2.f32 v10  }
0x1a6: {  	s19 =	scvt.s32.f32 s12;
	s12 =	smov.u32 s18;
	v6 =	vmov s18;
	v14 =	vmul.f32 v13, v13;
	v8 =	vadd.f32 v8, v7  }
.Ltmp4:
0x1a7: {  	v6 =	vshll.u32 v6, $0x3;
	v15 =	vmul.f32 v4, v13;
	v16 =	vmul.f32 v4, v4;
	(pc) =	sbr.rel @p0 .LBB2_10-.Ltmp4, $4  }
0x1a8: {  	v7 =	vadd.f32 s19, v1;
	v10 =	vand.u32 $0xC00, v6;
	v4 =	vld.idx.msk [tilespmem:v11+s1+$0x0], $0xffff;
	v5 =	vsub.f32 v8, v5  }
0x1a9: {  	v8 =	vshll.u32 v12, $0x9;
	v6 =	vld [tilespmem:s11+$0x11000];
	v13 =	vsub.f32 v13, v15;
	v14 =	vmul.f32 v16, v14;
	s11 =	smov.u32 s17  }
0x1aa: {  	s13 =	sadd.s32 $0x10, s13;
	s17 =	sshll.u32 s14, $0xD;
	v11 =	vshll.u32 v12, $0x7;
	v8 =	vand.u32 $0xFFFFF000, v8;
	v2 =	vadd.f32 v5, v2  }
0x1ab: {  	s16 =	sadd.s32 $0x40, s16;
	s14 =	sshrl.u32 s15, $0x5;
	s15 =	sadd.s32 $0x1, s15;
	v12 =	vadd.s32 s17, v8;
	v5 =	vmul.f32 $3.000000120e-01, v14;
	v8 =	vmul.f32 $3.000000120e-01, v13  }
0x1ac: {  	s15 =	sand.u32 $0x600, s16;
	s19 =	sshll.u32 s14, $0x7  }
0x1ad: {  	s17 =	sand.u32 $0x70, s13;
	s15 =	sadd.s32 s19, s15  }
0x1ae: {  	s15 =	sor.u32 s17, s15  }
0x1af: {  	v13 =	vld [tilespmem:s15+$0x10000];
	_ =	sdelay $0x3  }
0x1b0: {  	v9 =	vand.u32 $0x7F, v9;
	v10 =	vor.u32 v10, v12;
	s18 =	sand.u32 $0x1F0, s13  }
0x1b1: {  	v11 =	vand.u32 $0x380, v11;
	v12 =	vmov s18;
	v14 =	vshll.u32 v13, $0x9  }
0x1b2: {  	v10 =	vor.u32 v11, v10;
	s19 =	sshll.u32 s14, $0xD;
	v11 =	vshll.u32 v12, $0x3;
	v12 =	vand.u32 $0xFFFFF000, v14  }
0x1b3: {  	v11 =	vand.u32 $0xC00, v11;
	v13 =	vshll.u32 v13, $0x7;
	v12 =	vadd.s32 s19, v12  }
0x1b4: {  	v14 =	vor.u32 s18, v0;
	v11 =	vor.u32 v11, v12;
	v12 =	vand.u32 $0x380, v13  }
0x1b5: {  	v9 =	vor.u32 v9, v10;
	v10 =	vand.u32 $0x7F, v14;
	v11 =	vor.u32 v12, v11  }
0x1b6: {  	v10 =	vor.u32 v10, v11;
	_ =	sdelay $0x3  }
0x1b7: {  	v9 =	vld.idx.msk [tilespmem:v9+s1+$0x0], $0xffff  }
0x1b8: {  	v10 =	vld.idx.msk [tilespmem:v10+s1+$0x0], $0xffff;
	_ =	sdelay $0x2  }
0x1b9: {  	v11 =	vmul.f32 $1.442695020e+00, v4  }
0x1ba: {  	v7 =	vmul.f32 $1.953125000e-03, v7;
	v12 =	vmul.f32 $1.442695020e+00, v9  }
0x1bb: {  	(erf) = vpow2.f32 v11;
	v11 =	vmul.f32 $1.442695020e+00, v10  }
0x1bc: {  	v6 =	vcvt.s32.f32 v6;
	(erf) = vpow2.f32 v12  }
0x1bd: {  	v7 =	vsub.f32 $1.000000000e+00, v7;
	(erf) = vpow2.f32 v11  }
0x1be: {  	v6 =	vmul.f32 $1.953125000e-03, v6  }
0x1bf: {  	v11 =	vmul.f32 v7, v7  }
0x1c0: {  	s16 =	rddreg [dreg:$0x9];
	v12 =	vmul.f32 v6, v7;
	v6 =	vmul.f32 v6, v6  }
0x1c1: {  	s12 =	scvt.s32.f32 s12;
	s17 =	sld [smem:$0x7EC];
	v14 =	vld [tilespmem:s15+$0x11000];
	s15 =	simm.s32 $0x0  }
0x1c2: {  	v13 =	vld [tilespmem:s11+$0x11000];
	[tilespmem:s15], [sflag:$0x1] =	stream.linear.gather [hbm4b:s16+s15], $0x8000, $0x38;
	v7 =	vsub.f32 v7, v12;
	v6 =	vmul.f32 v6, v11  }
0x1c3: {  	s19 =	sld [smem:$0x7ED];
	v11 =	vpop (erf)  }
0x1c4: {  	v15 =	vadd.f32 s12, v1;
	[tilespmem:s0], [sflag:$0x1] =	stream.strided.gather [hbm4b:s17+s30], $0x800, s31, s30, $0x38;
	v7 =	vmul.f32 $3.000000120e-01, v7;
	v6 =	vmul.f32 $3.000000120e-01, v6;
	v12 =	vpop (erf);
	[tilespmem:$0x12080] =	vst v63  }
0x1c5: {  	s18 =	scvt.s32.f32 s18;
	v16 =	vpop (erf)  }
0x1c6: {  	v8 =	vsub.f32 v5, v8;
	v15 =	vmul.f32 $1.953125000e-03, v15;
	[tilespmem:s3], [sflag:$0x1] =	stream.strided.gather [hbm4b:s19+s30], $0x800, s31, s30, $0x38;
	v7 =	vsub.f32 v6, v7;
	v17 =	vpop (erf);
	[tilespmem:$0x12080] =	vst v63  }
0x1c7: {  	v18 =	vadd.f32 s18, v1;
	v13 =	vcvt.s32.f32 v13;
	_ =	swait.ge [sflag:s8], $0x8000  }
0x1c8: {  	v8 =	vmul.f32 v8, v11;
	v11 =	vsub.f32 $1.000000000e+00, v15;
	v7 =	vmul.f32 v7, v12;
	[sflag:s8] =	ssyncset.done $0x0  }
0x1c9: {  	v12 =	vmul.f32 $1.953125000e-03, v13;
	v13 =	vmul.f32 $1.953125000e-03, v18;
	[sflag:s8] =	ssyncadd.s32 $0xFFFF8000  }
0x1ca: {  	v14 =	vcvt.s32.f32 v14;
	v15 =	vmul.f32 v11, v11;
	_ =	swait.ge [sflag:s8], $0x800  }
0x1cb: {  	v62 =	vmul.f32 v12, v11;
	v12 =	vmul.f32 v12, v12;
	v13 =	vsub.f32 $1.000000000e+00, v13;
	[sflag:s8] =	ssyncset.done $0x0  }
0x1cc: {  	v3 =	vmul.f32 $-4.000000060e-01, v3;
	v14 =	vmul.f32 $1.953125000e-03, v14;
	[sflag:s8] =	ssyncadd.s32 $0xFFFFF800  }
0x1cd: {  	s13 =	sand.u32 $0x600, s15;
	v11 =	vsub.f32 v11, v62;
	v12 =	vmul.f32 v12, v15;
	v15 =	vmul.f32 v13, v13;
	_ =	swait.ge [sflag:s8], $0x800  }
0x1ce: {  	s14 =	sand.u32 $0x70, s15;
	s12 =	sadd.s32 $0x0, s13;
	v63 =	vmul.f32 v14, v13;
	v14 =	vmul.f32 v14, v14;
	[sflag:s8] =	ssyncset.done $0x0  }
0x1cf: {  	s12 =	sor.u32 s14, s12;
	v3 =	vadd.f32 v3, v8;
	v8 =	vmul.f32 $3.000000120e-01, v12;
	v11 =	vmul.f32 $3.000000120e-01, v11;
	[sflag:s8] =	ssyncadd.s32 $0xFFFFF800  }
0x1d0: {  	v4 =	vmul.f32 $-4.000000060e-01, v4;
	v12 =	vsub.f32 v13, v63;
	v13 =	vmul.f32 v14, v15;
	v14 =	vld [tilespmem:s12+$0x10800]  }
0x1d1: {  	v3 =	vsub.f32 v3, v5;
	v5 =	vsub.f32 v8, v11  }
0x1d2: {  	v4 =	vadd.f32 v4, v7  }
0x1d3: {  	v2 =	vadd.f32 v3, v2;
	v3 =	vmul.f32 v5, v16;
	v5 =	vmul.f32 $-4.000000060e-01, v9  }
0x1d4: {  	s11 =	sand.u32 $0x1F0, s15;
	v4 =	vsub.f32 v4, v6;
	v7 =	vmul.f32 $3.000000120e-01, v13;
	v11 =	vmul.f32 $3.000000120e-01, v12  }
0x1d5: {  	v3 =	vadd.f32 v5, v3;
	v5 =	vmov s11;
	v9 =	vshll.u32 v14, $0x9  }
0x1d6: {  	s15 =	simm.s32 $0x40;
	s16 =	simm.s32 $0x0;
	v6 =	vsub.f32 v7, v11;
	v5 =	vshll.u32 v5, $0x3;
	v9 =	vand.u32 $0xFFFFF000, v9  }
0x1d7: {  	s13 =	sand.u32 $0x600, s15;
	s17 =	simm.s32 $0x10;
	v5 =	vand.u32 $0xC00, v5;
	v11 =	vshll.u32 v14, $0x7;
	v9 =	vadd.s32 s16, v9  }
0x1d8: {  	s13 =	sadd.s32 $0x0, s13;
	s18 =	sand.u32 $0x70, s17;
	v12 =	vor.u32 s11, v0;
	v5 =	vor.u32 v5, v9;
	v9 =	vand.u32 $0x380, v11  }
0x1d9: {  	s14 =	sor.u32 s18, s13;
	v11 =	vand.u32 $0x7F, v12;
	v5 =	vor.u32 v9, v5  }
0x1da: {  	v2 =	vadd.f32 v4, v2;
	v3 =	vsub.f32 v3, v8;
	v9 =	vld [tilespmem:s14+$0x10800];
	v4 =	vor.u32 v11, v5  }
0x1db: {  	s19 =	sand.u32 $0x1F0, s17;
	v10 =	vmul.f32 $-4.000000060e-01, v10;
	v6 =	vmul.f32 v6, v17  }
0x1dc: {  	v2 =	vadd.f32 v3, v2;
	v3 =	vmov s19  }
0x1dd: {  	s11 =	scvt.s32.f32 s11;
	v3 =	vshll.u32 v3, $0x3;
	v5 =	vadd.f32 v10, v6;
	v6 =	vld [tilespmem:s12+$0x11800]  }
0x1de: {  	v11 =	vand.u32 $0xC00, v3  }
0x1df: {  	v5 =	vsub.f32 v5, v7;
	v7 =	vadd.f32 s11, v1;
	v8 =	vshll.u32 v9, $0x9;
	v3 =	vld.idx.msk [tilespmem:v4+s4+$0x0], $0xffff  }
0x1e0: {  	s15 =	simm.s32 $0x80;
	s16 =	simm.s32 $0x0;
	v10 =	vor.u32 s19, v0;
	v4 =	vand.u32 $0xFFFFF000, v8  }
0x1e1: {  	s17 =	simm.s32 $0x20;
	s11 =	sand.u32 $0x600, s15;
	v7 =	vmul.f32 $1.953125000e-03, v7;
	v8 =	vshll.u32 v9, $0x7;
	v4 =	vadd.s32 s16, v4  }
0x1e2: {  	s18 =	sand.u32 $0x70, s17;
	s11 =	sadd.s32 $0x0, s11;
	v6 =	vcvt.s32.f32 v6;
	v8 =	vand.u32 $0x380, v8;
	v4 =	vor.u32 v11, v4  }
0x1e3: {  	s11 =	sor.u32 s18, s11;
	v2 =	vadd.f32 v5, v2;
	v9 =	vand.u32 $0x7F, v10;
	v4 =	vor.u32 v8, v4  }
0x1e4: {  	v5 =	vmul.f32 $1.953125000e-03, v6;
	v8 =	vld [tilespmem:s11+$0x10800];
	v4 =	vor.u32 v9, v4;
	v6 =	vmul.f32 $1.442695020e+00, v3  }
0x1e5: {  	v7 =	vsub.f32 $1.000000000e+00, v7  }
0x1e6: {  	(erf) = vpow2.f32 v6  }
0x1e7: {  	s12 =	sand.u32 $0x1F0, s17;
	v11 =	vmul.f32 v7, v7  }
0x1e8: {  	v9 =	vmov s12;
	v12 =	vmul.f32 v5, v7;
	v5 =	vmul.f32 v5, v5  }
0x1e9: {  	s13 =	scvt.s32.f32 s19;
	v10 =	vshll.u32 v9, $0x3;
	v9 =	vor.u32 s12, v0;
	v6 =	vshll.u32 v8, $0x9;
	v4 =	vld.idx.msk [tilespmem:v4+s4+$0x0], $0xffff  }
0x1ea: {  	v13 =	vsub.f32 v7, v12;
	v5 =	vmul.f32 v5, v11;
	v12 =	vand.u32 $0xFFFFF000, v6;
	v6 =	vld [tilespmem:s14+$0x11800]  }
0x1eb: {  	s19 =	simm.s32 $0x0;
	s15 =	simm.s32 $0x4;
	v10 =	vand.u32 $0xC00, v10;
	v7 =	vadd.f32 s13, v1;
	v11 =	vshll.u32 v8, $0x7  }
0x1ec: {  	s16 =	simm.s32 $0xC0;
	s13 =	simm.s32 $0x30;
	v5 =	vmul.f32 $3.000000120e-01, v5;
	v8 =	vmul.f32 $3.000000120e-01, v13;
	s14 =	simm.s32 $0x0;
	v12 =	vadd.s32 s19, v12  }
.LBB2_12:
0x1ed: {  	p0 =	sne.s32 s15, $0x7F;
	s17 =	sand.u32 $0x600, s16;
	s18 =	sshll.u32 s14, $0x7;
	v13 =	vand.u32 $0x7F, v9;
	v10 =	vor.u32 v10, v12;
	v11 =	vand.u32 $0x380, v11  }
0x1ee: {  	s19 =	sand.u32 $0x70, s13;
	v7 =	vmul.f32 $1.953125000e-03, v7;
	s17 =	sadd.s32 s18, s17;
	v10 =	vor.u32 v11, v10;
	v8 =	vsub.f32 v5, v8  }
0x1ef: {  	s17 =	sor.u32 s19, s17;
	v11 =	vor.u32 v13, v10;
	v10 =	vmul.f32 $1.442695020e+00, v4;
	v6 =	vcvt.s32.f32 v6;
	v9 =	vpop (erf)  }
0x1f0: {  	s18 =	sand.u32 $0x1F0, s13;
	v13 =	vsub.f32 $1.000000000e+00, v7;
	v12 =	vld [tilespmem:s17+$0x10800];
	v7 =	vmul.f32 v8, v9;
	v8 =	vmul.f32 $-4.000000060e-01, v3;
	v3 =	vmovc v4  }
0x1f1: {  	v9 =	vor.u32 s18, v0;
	v4 =	vmul.f32 $1.953125000e-03, v6;
	(erf) = vpow2.f32 v10  }
0x1f2: {  	s19 =	scvt.s32.f32 s12;
	s12 =	smov.u32 s18;
	v6 =	vmov s18;
	v14 =	vmul.f32 v13, v13;
	v8 =	vadd.f32 v8, v7  }
.Ltmp5:
0x1f3: {  	v6 =	vshll.u32 v6, $0x3;
	v15 =	vmul.f32 v4, v13;
	v16 =	vmul.f32 v4, v4;
	(pc) =	sbr.rel @p0 .LBB2_12-.Ltmp5, $4  }
0x1f4: {  	v7 =	vadd.f32 s19, v1;
	v10 =	vand.u32 $0xC00, v6;
	v4 =	vld.idx.msk [tilespmem:v11+s4+$0x0], $0xffff;
	v5 =	vsub.f32 v8, v5  }
0x1f5: {  	v8 =	vshll.u32 v12, $0x9;
	v6 =	vld [tilespmem:s11+$0x11800];
	v13 =	vsub.f32 v13, v15;
	v14 =	vmul.f32 v16, v14;
	s11 =	smov.u32 s17  }
0x1f6: {  	s13 =	sadd.s32 $0x10, s13;
	s17 =	sshll.u32 s14, $0xD;
	v11 =	vshll.u32 v12, $0x7;
	v8 =	vand.u32 $0xFFFFF000, v8;
	v2 =	vadd.f32 v5, v2  }
0x1f7: {  	s16 =	sadd.s32 $0x40, s16;
	s14 =	sshrl.u32 s15, $0x5;
	s15 =	sadd.s32 $0x1, s15;
	v12 =	vadd.s32 s17, v8;
	v5 =	vmul.f32 $3.000000120e-01, v14;
	v8 =	vmul.f32 $3.000000120e-01, v13  }
0x1f8: {  	s15 =	sand.u32 $0x600, s16;
	s19 =	sshll.u32 s14, $0x7  }
0x1f9: {  	s17 =	sand.u32 $0x70, s13;
	s15 =	sadd.s32 s19, s15  }
0x1fa: {  	s15 =	sor.u32 s17, s15  }
0x1fb: {  	v13 =	vld [tilespmem:s15+$0x10800];
	_ =	sdelay $0x3  }
0x1fc: {  	v9 =	vand.u32 $0x7F, v9;
	v10 =	vor.u32 v10, v12;
	s18 =	sand.u32 $0x1F0, s13  }
0x1fd: {  	v11 =	vand.u32 $0x380, v11;
	v12 =	vmov s18;
	v14 =	vshll.u32 v13, $0x9  }
0x1fe: {  	v10 =	vor.u32 v11, v10;
	s19 =	sshll.u32 s14, $0xD;
	v11 =	vshll.u32 v12, $0x3;
	v12 =	vand.u32 $0xFFFFF000, v14  }
0x1ff: {  	v11 =	vand.u32 $0xC00, v11;
	v13 =	vshll.u32 v13, $0x7;
	v12 =	vadd.s32 s19, v12  }
0x200: {  	v14 =	vor.u32 s18, v0;
	v11 =	vor.u32 v11, v12;
	v12 =	vand.u32 $0x380, v13  }
0x201: {  	v9 =	vor.u32 v9, v10;
	v10 =	vand.u32 $0x7F, v14;
	v11 =	vor.u32 v12, v11  }
0x202: {  	v10 =	vor.u32 v10, v11;
	_ =	sdelay $0x3  }
0x203: {  	v9 =	vld.idx.msk [tilespmem:v9+s4+$0x0], $0xffff  }
0x204: {  	v10 =	vld.idx.msk [tilespmem:v10+s4+$0x0], $0xffff;
	_ =	sdelay $0x2  }
0x205: {  	v11 =	vmul.f32 $1.442695020e+00, v4  }
0x206: {  	v7 =	vmul.f32 $1.953125000e-03, v7;
	v12 =	vmul.f32 $1.442695020e+00, v9  }
0x207: {  	(erf) = vpow2.f32 v11;
	v11 =	vmul.f32 $1.442695020e+00, v10  }
0x208: {  	v6 =	vcvt.s32.f32 v6;
	(erf) = vpow2.f32 v12  }
0x209: {  	v7 =	vsub.f32 $1.000000000e+00, v7;
	(erf) = vpow2.f32 v11  }
0x20a: {  	v6 =	vmul.f32 $1.953125000e-03, v6  }
0x20b: {  	v11 =	vmul.f32 v7, v7  }
0x20c: {  	s16 =	rddreg [dreg:$0xa];
	v12 =	vmul.f32 v6, v7;
	v6 =	vmul.f32 v6, v6  }
0x20d: {  	s12 =	scvt.s32.f32 s12;
	s17 =	sld [smem:$0x7EE];
	v14 =	vld [tilespmem:s15+$0x11800];
	s15 =	simm.s32 $0x0  }
0x20e: {  	v13 =	vld [tilespmem:s11+$0x11800];
	[tilespmem:s4], [sflag:$0x2] =	stream.linear.gather [hbm4b:s16+s15], $0x8000, $0x38;
	v7 =	vsub.f32 v7, v12;
	v6 =	vmul.f32 v6, v11  }
0x20f: {  	s19 =	sld [smem:$0x7EF];
	v11 =	vpop (erf)  }
0x210: {  	v15 =	vadd.f32 s12, v1;
	[tilespmem:s5], [sflag:$0x2] =	stream.strided.gather [hbm4b:s17+s30], $0x800, s31, s30, $0x38;
	v7 =	vmul.f32 $3.000000120e-01, v7;
	v6 =	vmul.f32 $3.000000120e-01, v6;
	v12 =	vpop (erf);
	[tilespmem:$0x12080] =	vst v63  }
0x211: {  	s18 =	scvt.s32.f32 s18;
	v16 =	vpop (erf)  }
0x212: {  	v8 =	vsub.f32 v5, v8;
	v15 =	vmul.f32 $1.953125000e-03, v15;
	[tilespmem:s6], [sflag:$0x2] =	stream.strided.gather [hbm4b:s19+s30], $0x800, s31, s30, $0x38;
	v7 =	vsub.f32 v6, v7;
	v17 =	vpop (erf);
	[tilespmem:$0x12080] =	vst v63  }
0x213: {  	v18 =	vadd.f32 s18, v1;
	v13 =	vcvt.s32.f32 v13;
	_ =	swait.ge [sflag:s7], $0x8000  }
0x214: {  	v8 =	vmul.f32 v8, v11;
	v11 =	vsub.f32 $1.000000000e+00, v15;
	v7 =	vmul.f32 v7, v12;
	[sflag:s7] =	ssyncset.done $0x0  }
0x215: {  	v12 =	vmul.f32 $1.953125000e-03, v13;
	v13 =	vmul.f32 $1.953125000e-03, v18;
	[sflag:s7] =	ssyncadd.s32 $0xFFFF8000  }
0x216: {  	v14 =	vcvt.s32.f32 v14;
	v15 =	vmul.f32 v11, v11;
	_ =	swait.ge [sflag:s7], $0x800  }
0x217: {  	v62 =	vmul.f32 v12, v11;
	v12 =	vmul.f32 v12, v12;
	v13 =	vsub.f32 $1.000000000e+00, v13;
	[sflag:s7] =	ssyncset.done $0x0  }
0x218: {  	v3 =	vmul.f32 $-4.000000060e-01, v3;
	v14 =	vmul.f32 $1.953125000e-03, v14;
	[sflag:s7] =	ssyncadd.s32 $0xFFFFF800  }
0x219: {  	s13 =	sand.u32 $0x600, s15;
	v11 =	vsub.f32 v11, v62;
	v12 =	vmul.f32 v12, v15;
	v15 =	vmul.f32 v13, v13;
	_ =	swait.ge [sflag:s7], $0x800  }
0x21a: {  	s14 =	sand.u32 $0x70, s15;
	s12 =	sadd.s32 $0x0, s13;
	v63 =	vmul.f32 v14, v13;
	v14 =	vmul.f32 v14, v14;
	[sflag:s7] =	ssyncset.done $0x0  }
0x21b: {  	s12 =	sor.u32 s14, s12;
	v3 =	vadd.f32 v3, v8;
	v8 =	vmul.f32 $3.000000120e-01, v12;
	v11 =	vmul.f32 $3.000000120e-01, v11;
	[sflag:s7] =	ssyncadd.s32 $0xFFFFF800  }
0x21c: {  	v4 =	vmul.f32 $-4.000000060e-01, v4;
	v12 =	vsub.f32 v13, v63;
	v13 =	vmul.f32 v14, v15;
	v14 =	vld [tilespmem:s12+$0x10000]  }
0x21d: {  	v3 =	vsub.f32 v3, v5;
	v5 =	vsub.f32 v8, v11  }
0x21e: {  	v4 =	vadd.f32 v4, v7  }
0x21f: {  	v2 =	vadd.f32 v3, v2;
	v3 =	vmul.f32 v5, v16;
	v5 =	vmul.f32 $-4.000000060e-01, v9  }
0x220: {  	s11 =	sand.u32 $0x1F0, s15;
	v4 =	vsub.f32 v4, v6;
	v7 =	vmul.f32 $3.000000120e-01, v13;
	v11 =	vmul.f32 $3.000000120e-01, v12  }
0x221: {  	v3 =	vadd.f32 v5, v3;
	v5 =	vmov s11;
	v9 =	vshll.u32 v14, $0x9  }
0x222: {  	s15 =	simm.s32 $0x40;
	s16 =	simm.s32 $0x0;
	v6 =	vsub.f32 v7, v11;
	v5 =	vshll.u32 v5, $0x3;
	v9 =	vand.u32 $0xFFFFF000, v9  }
0x223: {  	s13 =	sand.u32 $0x600, s15;
	s17 =	simm.s32 $0x10;
	v5 =	vand.u32 $0xC00, v5;
	v11 =	vshll.u32 v14, $0x7;
	v9 =	vadd.s32 s16, v9  }
0x224: {  	s13 =	sadd.s32 $0x0, s13;
	s18 =	sand.u32 $0x70, s17;
	v12 =	vor.u32 s11, v0;
	v5 =	vor.u32 v5, v9;
	v9 =	vand.u32 $0x380, v11  }
0x225: {  	s14 =	sor.u32 s18, s13;
	v11 =	vand.u32 $0x7F, v12;
	v5 =	vor.u32 v9, v5  }
0x226: {  	v2 =	vadd.f32 v4, v2;
	v3 =	vsub.f32 v3, v8;
	v9 =	vld [tilespmem:s14+$0x10000];
	v4 =	vor.u32 v11, v5  }
0x227: {  	s19 =	sand.u32 $0x1F0, s17;
	v10 =	vmul.f32 $-4.000000060e-01, v10;
	v6 =	vmul.f32 v6, v17  }
0x228: {  	v2 =	vadd.f32 v3, v2;
	v3 =	vmov s19  }
0x229: {  	s11 =	scvt.s32.f32 s11;
	v3 =	vshll.u32 v3, $0x3;
	v5 =	vadd.f32 v10, v6;
	v6 =	vld [tilespmem:s12+$0x11000]  }
0x22a: {  	v11 =	vand.u32 $0xC00, v3  }
0x22b: {  	v5 =	vsub.f32 v5, v7;
	v7 =	vadd.f32 s11, v1;
	v8 =	vshll.u32 v9, $0x9;
	v3 =	vld.idx.msk [tilespmem:v4+s1+$0x0], $0xffff  }
0x22c: {  	s15 =	simm.s32 $0x80;
	s16 =	simm.s32 $0x0;
	v10 =	vor.u32 s19, v0;
	v4 =	vand.u32 $0xFFFFF000, v8  }
0x22d: {  	s17 =	simm.s32 $0x20;
	s11 =	sand.u32 $0x600, s15;
	v7 =	vmul.f32 $1.953125000e-03, v7;
	v8 =	vshll.u32 v9, $0x7;
	v4 =	vadd.s32 s16, v4  }
0x22e: {  	s18 =	sand.u32 $0x70, s17;
	s11 =	sadd.s32 $0x0, s11;
	v6 =	vcvt.s32.f32 v6;
	v8 =	vand.u32 $0x380, v8;
	v4 =	vor.u32 v11, v4  }
0x22f: {  	s11 =	sor.u32 s18, s11;
	v2 =	vadd.f32 v5, v2;
	v9 =	vand.u32 $0x7F, v10;
	v4 =	vor.u32 v8, v4  }
0x230: {  	v5 =	vmul.f32 $1.953125000e-03, v6;
	v8 =	vld [tilespmem:s11+$0x10000];
	v4 =	vor.u32 v9, v4;
	v6 =	vmul.f32 $1.442695020e+00, v3  }
0x231: {  	v7 =	vsub.f32 $1.000000000e+00, v7  }
0x232: {  	(erf) = vpow2.f32 v6  }
0x233: {  	s12 =	sand.u32 $0x1F0, s17;
	v11 =	vmul.f32 v7, v7  }
0x234: {  	v9 =	vmov s12;
	v12 =	vmul.f32 v5, v7;
	v5 =	vmul.f32 v5, v5  }
0x235: {  	s13 =	scvt.s32.f32 s19;
	v10 =	vshll.u32 v9, $0x3;
	v9 =	vor.u32 s12, v0;
	v6 =	vshll.u32 v8, $0x9;
	v4 =	vld.idx.msk [tilespmem:v4+s1+$0x0], $0xffff  }
0x236: {  	v13 =	vsub.f32 v7, v12;
	v5 =	vmul.f32 v5, v11;
	v12 =	vand.u32 $0xFFFFF000, v6;
	v6 =	vld [tilespmem:s14+$0x11000]  }
0x237: {  	s19 =	simm.s32 $0x0;
	s15 =	simm.s32 $0x4;
	v10 =	vand.u32 $0xC00, v10;
	v7 =	vadd.f32 s13, v1;
	v11 =	vshll.u32 v8, $0x7  }
0x238: {  	s16 =	simm.s32 $0xC0;
	s13 =	simm.s32 $0x30;
	v5 =	vmul.f32 $3.000000120e-01, v5;
	v8 =	vmul.f32 $3.000000120e-01, v13;
	s14 =	simm.s32 $0x0;
	v12 =	vadd.s32 s19, v12  }
.LBB2_14:
0x239: {  	p0 =	sne.s32 s15, $0x7F;
	s17 =	sand.u32 $0x600, s16;
	s18 =	sshll.u32 s14, $0x7;
	v13 =	vand.u32 $0x7F, v9;
	v10 =	vor.u32 v10, v12;
	v11 =	vand.u32 $0x380, v11  }
0x23a: {  	s19 =	sand.u32 $0x70, s13;
	v7 =	vmul.f32 $1.953125000e-03, v7;
	s17 =	sadd.s32 s18, s17;
	v10 =	vor.u32 v11, v10;
	v8 =	vsub.f32 v5, v8  }
0x23b: {  	s17 =	sor.u32 s19, s17;
	v11 =	vor.u32 v13, v10;
	v10 =	vmul.f32 $1.442695020e+00, v4;
	v6 =	vcvt.s32.f32 v6;
	v9 =	vpop (erf)  }
0x23c: {  	s18 =	sand.u32 $0x1F0, s13;
	v13 =	vsub.f32 $1.000000000e+00, v7;
	v12 =	vld [tilespmem:s17+$0x10000];
	v7 =	vmul.f32 v8, v9;
	v8 =	vmul.f32 $-4.000000060e-01, v3;
	v3 =	vmovc v4  }
0x23d: {  	v9 =	vor.u32 s18, v0;
	v4 =	vmul.f32 $1.953125000e-03, v6;
	(erf) = vpow2.f32 v10  }
0x23e: {  	s19 =	scvt.s32.f32 s12;
	s12 =	smov.u32 s18;
	v6 =	vmov s18;
	v14 =	vmul.f32 v13, v13;
	v8 =	vadd.f32 v8, v7  }
.Ltmp6:
0x23f: {  	v6 =	vshll.u32 v6, $0x3;
	v15 =	vmul.f32 v4, v13;
	v16 =	vmul.f32 v4, v4;
	(pc) =	sbr.rel @p0 .LBB2_14-.Ltmp6, $4  }
0x240: {  	v7 =	vadd.f32 s19, v1;
	v10 =	vand.u32 $0xC00, v6;
	v4 =	vld.idx.msk [tilespmem:v11+s1+$0x0], $0xffff;
	v5 =	vsub.f32 v8, v5  }
0x241: {  	v8 =	vshll.u32 v12, $0x9;
	v6 =	vld [tilespmem:s11+$0x11000];
	v13 =	vsub.f32 v13, v15;
	v14 =	vmul.f32 v16, v14;
	s11 =	smov.u32 s17  }
0x242: {  	s13 =	sadd.s32 $0x10, s13;
	s17 =	sshll.u32 s14, $0xD;
	v11 =	vshll.u32 v12, $0x7;
	v8 =	vand.u32 $0xFFFFF000, v8;
	v2 =	vadd.f32 v5, v2  }
0x243: {  	s16 =	sadd.s32 $0x40, s16;
	s14 =	sshrl.u32 s15, $0x5;
	s15 =	sadd.s32 $0x1, s15;
	v12 =	vadd.s32 s17, v8;
	v5 =	vmul.f32 $3.000000120e-01, v14;
	v8 =	vmul.f32 $3.000000120e-01, v13  }
0x244: {  	s15 =	sand.u32 $0x600, s16;
	s19 =	sshll.u32 s14, $0x7  }
0x245: {  	s17 =	sand.u32 $0x70, s13;
	s15 =	sadd.s32 s19, s15  }
0x246: {  	s15 =	sor.u32 s17, s15  }
0x247: {  	v13 =	vld [tilespmem:s15+$0x10000];
	_ =	sdelay $0x3  }
0x248: {  	v9 =	vand.u32 $0x7F, v9;
	v10 =	vor.u32 v10, v12;
	s18 =	sand.u32 $0x1F0, s13  }
0x249: {  	v11 =	vand.u32 $0x380, v11;
	v12 =	vmov s18;
	v14 =	vshll.u32 v13, $0x9  }
0x24a: {  	v10 =	vor.u32 v11, v10;
	s19 =	sshll.u32 s14, $0xD;
	v11 =	vshll.u32 v12, $0x3;
	v12 =	vand.u32 $0xFFFFF000, v14  }
0x24b: {  	v11 =	vand.u32 $0xC00, v11;
	v13 =	vshll.u32 v13, $0x7;
	v12 =	vadd.s32 s19, v12  }
0x24c: {  	v14 =	vor.u32 s18, v0;
	v11 =	vor.u32 v11, v12;
	v12 =	vand.u32 $0x380, v13  }
0x24d: {  	v9 =	vor.u32 v9, v10;
	v10 =	vand.u32 $0x7F, v14;
	v11 =	vor.u32 v12, v11  }
0x24e: {  	v10 =	vor.u32 v10, v11;
	_ =	sdelay $0x3  }
0x24f: {  	v9 =	vld.idx.msk [tilespmem:v9+s1+$0x0], $0xffff  }
0x250: {  	v10 =	vld.idx.msk [tilespmem:v10+s1+$0x0], $0xffff;
	_ =	sdelay $0x2  }
0x251: {  	v11 =	vmul.f32 $1.442695020e+00, v4  }
0x252: {  	v7 =	vmul.f32 $1.953125000e-03, v7;
	v12 =	vmul.f32 $1.442695020e+00, v9  }
0x253: {  	(erf) = vpow2.f32 v11;
	v11 =	vmul.f32 $1.442695020e+00, v10  }
0x254: {  	v6 =	vcvt.s32.f32 v6;
	(erf) = vpow2.f32 v12  }
0x255: {  	v7 =	vsub.f32 $1.000000000e+00, v7;
	(erf) = vpow2.f32 v11  }
0x256: {  	v6 =	vmul.f32 $1.953125000e-03, v6  }
0x257: {  	v11 =	vmul.f32 v7, v7  }
0x258: {  	s16 =	rddreg [dreg:$0xb];
	v12 =	vmul.f32 v6, v7;
	v6 =	vmul.f32 v6, v6  }
0x259: {  	s12 =	scvt.s32.f32 s12;
	s17 =	sld [smem:$0x7F0];
	v14 =	vld [tilespmem:s15+$0x11000];
	s15 =	simm.s32 $0x0  }
0x25a: {  	v13 =	vld [tilespmem:s11+$0x11000];
	[tilespmem:s15], [sflag:$0x1] =	stream.linear.gather [hbm4b:s16+s15], $0x8000, $0x38;
	v7 =	vsub.f32 v7, v12;
	v6 =	vmul.f32 v6, v11  }
0x25b: {  	s19 =	sld [smem:$0x7F1];
	v11 =	vpop (erf)  }
0x25c: {  	v15 =	vadd.f32 s12, v1;
	[tilespmem:s0], [sflag:$0x1] =	stream.strided.gather [hbm4b:s17+s30], $0x800, s31, s30, $0x38;
	v7 =	vmul.f32 $3.000000120e-01, v7;
	v6 =	vmul.f32 $3.000000120e-01, v6;
	v12 =	vpop (erf);
	[tilespmem:$0x12080] =	vst v63  }
0x25d: {  	s18 =	scvt.s32.f32 s18;
	v16 =	vpop (erf)  }
0x25e: {  	v8 =	vsub.f32 v5, v8;
	v15 =	vmul.f32 $1.953125000e-03, v15;
	[tilespmem:s3], [sflag:$0x1] =	stream.strided.gather [hbm4b:s19+s30], $0x800, s31, s30, $0x38;
	v7 =	vsub.f32 v6, v7;
	v17 =	vpop (erf);
	[tilespmem:$0x12080] =	vst v63  }
0x25f: {  	v18 =	vadd.f32 s18, v1;
	v13 =	vcvt.s32.f32 v13;
	_ =	swait.ge [sflag:s8], $0x8000  }
0x260: {  	v8 =	vmul.f32 v8, v11;
	v11 =	vsub.f32 $1.000000000e+00, v15;
	v7 =	vmul.f32 v7, v12;
	[sflag:s8] =	ssyncset.done $0x0  }
0x261: {  	v12 =	vmul.f32 $1.953125000e-03, v13;
	v13 =	vmul.f32 $1.953125000e-03, v18;
	[sflag:s8] =	ssyncadd.s32 $0xFFFF8000  }
0x262: {  	v14 =	vcvt.s32.f32 v14;
	v15 =	vmul.f32 v11, v11;
	_ =	swait.ge [sflag:s8], $0x800  }
0x263: {  	v62 =	vmul.f32 v12, v11;
	v12 =	vmul.f32 v12, v12;
	v13 =	vsub.f32 $1.000000000e+00, v13;
	[sflag:s8] =	ssyncset.done $0x0  }
0x264: {  	v3 =	vmul.f32 $-4.000000060e-01, v3;
	v14 =	vmul.f32 $1.953125000e-03, v14;
	[sflag:s8] =	ssyncadd.s32 $0xFFFFF800  }
0x265: {  	s13 =	sand.u32 $0x600, s15;
	v11 =	vsub.f32 v11, v62;
	v12 =	vmul.f32 v12, v15;
	v15 =	vmul.f32 v13, v13;
	_ =	swait.ge [sflag:s8], $0x800  }
0x266: {  	s14 =	sand.u32 $0x70, s15;
	s12 =	sadd.s32 $0x0, s13;
	v63 =	vmul.f32 v14, v13;
	v14 =	vmul.f32 v14, v14;
	[sflag:s8] =	ssyncset.done $0x0  }
0x267: {  	s12 =	sor.u32 s14, s12;
	v3 =	vadd.f32 v3, v8;
	v8 =	vmul.f32 $3.000000120e-01, v12;
	v11 =	vmul.f32 $3.000000120e-01, v11;
	[sflag:s8] =	ssyncadd.s32 $0xFFFFF800  }
0x268: {  	v4 =	vmul.f32 $-4.000000060e-01, v4;
	v12 =	vsub.f32 v13, v63;
	v13 =	vmul.f32 v14, v15;
	v14 =	vld [tilespmem:s12+$0x10800]  }
0x269: {  	v3 =	vsub.f32 v3, v5;
	v5 =	vsub.f32 v8, v11  }
0x26a: {  	v4 =	vadd.f32 v4, v7  }
0x26b: {  	v2 =	vadd.f32 v3, v2;
	v3 =	vmul.f32 v5, v16;
	v5 =	vmul.f32 $-4.000000060e-01, v9  }
0x26c: {  	s11 =	sand.u32 $0x1F0, s15;
	v4 =	vsub.f32 v4, v6;
	v7 =	vmul.f32 $3.000000120e-01, v13;
	v11 =	vmul.f32 $3.000000120e-01, v12  }
0x26d: {  	v3 =	vadd.f32 v5, v3;
	v5 =	vmov s11;
	v9 =	vshll.u32 v14, $0x9  }
0x26e: {  	s15 =	simm.s32 $0x40;
	s16 =	simm.s32 $0x0;
	v6 =	vsub.f32 v7, v11;
	v5 =	vshll.u32 v5, $0x3;
	v9 =	vand.u32 $0xFFFFF000, v9  }
0x26f: {  	s13 =	sand.u32 $0x600, s15;
	s17 =	simm.s32 $0x10;
	v5 =	vand.u32 $0xC00, v5;
	v11 =	vshll.u32 v14, $0x7;
	v9 =	vadd.s32 s16, v9  }
0x270: {  	s13 =	sadd.s32 $0x0, s13;
	s18 =	sand.u32 $0x70, s17;
	v12 =	vor.u32 s11, v0;
	v5 =	vor.u32 v5, v9;
	v9 =	vand.u32 $0x380, v11  }
0x271: {  	s14 =	sor.u32 s18, s13;
	v11 =	vand.u32 $0x7F, v12;
	v5 =	vor.u32 v9, v5  }
0x272: {  	v2 =	vadd.f32 v4, v2;
	v3 =	vsub.f32 v3, v8;
	v9 =	vld [tilespmem:s14+$0x10800];
	v4 =	vor.u32 v11, v5  }
0x273: {  	s19 =	sand.u32 $0x1F0, s17;
	v10 =	vmul.f32 $-4.000000060e-01, v10;
	v6 =	vmul.f32 v6, v17  }
0x274: {  	v2 =	vadd.f32 v3, v2;
	v3 =	vmov s19  }
0x275: {  	s11 =	scvt.s32.f32 s11;
	v3 =	vshll.u32 v3, $0x3;
	v5 =	vadd.f32 v10, v6;
	v6 =	vld [tilespmem:s12+$0x11800]  }
0x276: {  	v11 =	vand.u32 $0xC00, v3  }
0x277: {  	v5 =	vsub.f32 v5, v7;
	v7 =	vadd.f32 s11, v1;
	v8 =	vshll.u32 v9, $0x9;
	v3 =	vld.idx.msk [tilespmem:v4+s4+$0x0], $0xffff  }
0x278: {  	s15 =	simm.s32 $0x80;
	s16 =	simm.s32 $0x0;
	v10 =	vor.u32 s19, v0;
	v4 =	vand.u32 $0xFFFFF000, v8  }
0x279: {  	s17 =	simm.s32 $0x20;
	s11 =	sand.u32 $0x600, s15;
	v7 =	vmul.f32 $1.953125000e-03, v7;
	v8 =	vshll.u32 v9, $0x7;
	v4 =	vadd.s32 s16, v4  }
0x27a: {  	s18 =	sand.u32 $0x70, s17;
	s11 =	sadd.s32 $0x0, s11;
	v6 =	vcvt.s32.f32 v6;
	v8 =	vand.u32 $0x380, v8;
	v4 =	vor.u32 v11, v4  }
0x27b: {  	s11 =	sor.u32 s18, s11;
	v2 =	vadd.f32 v5, v2;
	v9 =	vand.u32 $0x7F, v10;
	v4 =	vor.u32 v8, v4  }
0x27c: {  	v5 =	vmul.f32 $1.953125000e-03, v6;
	v8 =	vld [tilespmem:s11+$0x10800];
	v4 =	vor.u32 v9, v4;
	v6 =	vmul.f32 $1.442695020e+00, v3  }
0x27d: {  	v7 =	vsub.f32 $1.000000000e+00, v7  }
0x27e: {  	(erf) = vpow2.f32 v6  }
0x27f: {  	s12 =	sand.u32 $0x1F0, s17;
	v11 =	vmul.f32 v7, v7  }
0x280: {  	v9 =	vmov s12;
	v12 =	vmul.f32 v5, v7;
	v5 =	vmul.f32 v5, v5  }
0x281: {  	s13 =	scvt.s32.f32 s19;
	v10 =	vshll.u32 v9, $0x3;
	v9 =	vor.u32 s12, v0;
	v6 =	vshll.u32 v8, $0x9;
	v4 =	vld.idx.msk [tilespmem:v4+s4+$0x0], $0xffff  }
0x282: {  	v13 =	vsub.f32 v7, v12;
	v5 =	vmul.f32 v5, v11;
	v12 =	vand.u32 $0xFFFFF000, v6;
	v6 =	vld [tilespmem:s14+$0x11800]  }
0x283: {  	s19 =	simm.s32 $0x0;
	s15 =	simm.s32 $0x4;
	v10 =	vand.u32 $0xC00, v10;
	v7 =	vadd.f32 s13, v1;
	v11 =	vshll.u32 v8, $0x7  }
0x284: {  	s16 =	simm.s32 $0xC0;
	s13 =	simm.s32 $0x30;
	v5 =	vmul.f32 $3.000000120e-01, v5;
	v8 =	vmul.f32 $3.000000120e-01, v13;
	s14 =	simm.s32 $0x0;
	v12 =	vadd.s32 s19, v12  }
.LBB2_16:
0x285: {  	p0 =	sne.s32 s15, $0x7F;
	s17 =	sand.u32 $0x600, s16;
	s18 =	sshll.u32 s14, $0x7;
	v13 =	vand.u32 $0x7F, v9;
	v10 =	vor.u32 v10, v12;
	v11 =	vand.u32 $0x380, v11  }
0x286: {  	s19 =	sand.u32 $0x70, s13;
	v7 =	vmul.f32 $1.953125000e-03, v7;
	s17 =	sadd.s32 s18, s17;
	v10 =	vor.u32 v11, v10;
	v8 =	vsub.f32 v5, v8  }
0x287: {  	s17 =	sor.u32 s19, s17;
	v11 =	vor.u32 v13, v10;
	v10 =	vmul.f32 $1.442695020e+00, v4;
	v6 =	vcvt.s32.f32 v6;
	v9 =	vpop (erf)  }
0x288: {  	s18 =	sand.u32 $0x1F0, s13;
	v13 =	vsub.f32 $1.000000000e+00, v7;
	v12 =	vld [tilespmem:s17+$0x10800];
	v7 =	vmul.f32 v8, v9;
	v8 =	vmul.f32 $-4.000000060e-01, v3;
	v3 =	vmovc v4  }
0x289: {  	v9 =	vor.u32 s18, v0;
	v4 =	vmul.f32 $1.953125000e-03, v6;
	(erf) = vpow2.f32 v10  }
0x28a: {  	s19 =	scvt.s32.f32 s12;
	s12 =	smov.u32 s18;
	v6 =	vmov s18;
	v14 =	vmul.f32 v13, v13;
	v8 =	vadd.f32 v8, v7  }
.Ltmp7:
0x28b: {  	v6 =	vshll.u32 v6, $0x3;
	v15 =	vmul.f32 v4, v13;
	v16 =	vmul.f32 v4, v4;
	(pc) =	sbr.rel @p0 .LBB2_16-.Ltmp7, $4  }
0x28c: {  	v7 =	vadd.f32 s19, v1;
	v10 =	vand.u32 $0xC00, v6;
	v4 =	vld.idx.msk [tilespmem:v11+s4+$0x0], $0xffff;
	v5 =	vsub.f32 v8, v5  }
0x28d: {  	v8 =	vshll.u32 v12, $0x9;
	v6 =	vld [tilespmem:s11+$0x11800];
	v13 =	vsub.f32 v13, v15;
	v14 =	vmul.f32 v16, v14;
	s11 =	smov.u32 s17  }
0x28e: {  	s13 =	sadd.s32 $0x10, s13;
	s17 =	sshll.u32 s14, $0xD;
	v11 =	vshll.u32 v12, $0x7;
	v8 =	vand.u32 $0xFFFFF000, v8;
	v2 =	vadd.f32 v5, v2  }
0x28f: {  	s16 =	sadd.s32 $0x40, s16;
	s14 =	sshrl.u32 s15, $0x5;
	s15 =	sadd.s32 $0x1, s15;
	v12 =	vadd.s32 s17, v8;
	v5 =	vmul.f32 $3.000000120e-01, v14;
	v8 =	vmul.f32 $3.000000120e-01, v13  }
0x290: {  	s15 =	sand.u32 $0x600, s16;
	s19 =	sshll.u32 s14, $0x7  }
0x291: {  	s17 =	sand.u32 $0x70, s13;
	s15 =	sadd.s32 s19, s15  }
0x292: {  	s15 =	sor.u32 s17, s15  }
0x293: {  	v13 =	vld [tilespmem:s15+$0x10800];
	_ =	sdelay $0x3  }
0x294: {  	v9 =	vand.u32 $0x7F, v9;
	v10 =	vor.u32 v10, v12;
	s18 =	sand.u32 $0x1F0, s13  }
0x295: {  	v11 =	vand.u32 $0x380, v11;
	v12 =	vmov s18;
	v14 =	vshll.u32 v13, $0x9  }
0x296: {  	v10 =	vor.u32 v11, v10;
	s19 =	sshll.u32 s14, $0xD;
	v11 =	vshll.u32 v12, $0x3;
	v12 =	vand.u32 $0xFFFFF000, v14  }
0x297: {  	v11 =	vand.u32 $0xC00, v11;
	v13 =	vshll.u32 v13, $0x7;
	v12 =	vadd.s32 s19, v12  }
0x298: {  	v14 =	vor.u32 s18, v0;
	v11 =	vor.u32 v11, v12;
	v12 =	vand.u32 $0x380, v13  }
0x299: {  	v9 =	vor.u32 v9, v10;
	v10 =	vand.u32 $0x7F, v14;
	v11 =	vor.u32 v12, v11  }
0x29a: {  	v10 =	vor.u32 v10, v11;
	_ =	sdelay $0x3  }
0x29b: {  	v9 =	vld.idx.msk [tilespmem:v9+s4+$0x0], $0xffff  }
0x29c: {  	v10 =	vld.idx.msk [tilespmem:v10+s4+$0x0], $0xffff;
	_ =	sdelay $0x2  }
0x29d: {  	v11 =	vmul.f32 $1.442695020e+00, v4  }
0x29e: {  	v7 =	vmul.f32 $1.953125000e-03, v7;
	v12 =	vmul.f32 $1.442695020e+00, v9  }
0x29f: {  	(erf) = vpow2.f32 v11;
	v11 =	vmul.f32 $1.442695020e+00, v10  }
0x2a0: {  	v6 =	vcvt.s32.f32 v6;
	(erf) = vpow2.f32 v12  }
0x2a1: {  	v7 =	vsub.f32 $1.000000000e+00, v7;
	(erf) = vpow2.f32 v11  }
0x2a2: {  	v6 =	vmul.f32 $1.953125000e-03, v6  }
0x2a3: {  	v11 =	vmul.f32 v7, v7  }
0x2a4: {  	s16 =	rddreg [dreg:$0xc];
	v12 =	vmul.f32 v6, v7;
	v6 =	vmul.f32 v6, v6  }
0x2a5: {  	s12 =	scvt.s32.f32 s12;
	s17 =	sld [smem:$0x7F2];
	v14 =	vld [tilespmem:s15+$0x11800];
	s15 =	simm.s32 $0x0  }
0x2a6: {  	v13 =	vld [tilespmem:s11+$0x11800];
	[tilespmem:s4], [sflag:$0x2] =	stream.linear.gather [hbm4b:s16+s15], $0x8000, $0x38;
	v7 =	vsub.f32 v7, v12;
	v6 =	vmul.f32 v6, v11  }
0x2a7: {  	s19 =	sld [smem:$0x7F3];
	v11 =	vpop (erf)  }
0x2a8: {  	v15 =	vadd.f32 s12, v1;
	[tilespmem:s5], [sflag:$0x2] =	stream.strided.gather [hbm4b:s17+s30], $0x800, s31, s30, $0x38;
	v7 =	vmul.f32 $3.000000120e-01, v7;
	v6 =	vmul.f32 $3.000000120e-01, v6;
	v12 =	vpop (erf);
	[tilespmem:$0x12080] =	vst v63  }
0x2a9: {  	s18 =	scvt.s32.f32 s18;
	v16 =	vpop (erf)  }
0x2aa: {  	v8 =	vsub.f32 v5, v8;
	v15 =	vmul.f32 $1.953125000e-03, v15;
	[tilespmem:s6], [sflag:$0x2] =	stream.strided.gather [hbm4b:s19+s30], $0x800, s31, s30, $0x38;
	v7 =	vsub.f32 v6, v7;
	v17 =	vpop (erf);
	[tilespmem:$0x12080] =	vst v63  }
0x2ab: {  	v18 =	vadd.f32 s18, v1;
	v13 =	vcvt.s32.f32 v13;
	_ =	swait.ge [sflag:s7], $0x8000  }
0x2ac: {  	v8 =	vmul.f32 v8, v11;
	v11 =	vsub.f32 $1.000000000e+00, v15;
	v7 =	vmul.f32 v7, v12;
	[sflag:s7] =	ssyncset.done $0x0  }
0x2ad: {  	v12 =	vmul.f32 $1.953125000e-03, v13;
	v13 =	vmul.f32 $1.953125000e-03, v18;
	[sflag:s7] =	ssyncadd.s32 $0xFFFF8000  }
0x2ae: {  	v14 =	vcvt.s32.f32 v14;
	v15 =	vmul.f32 v11, v11;
	_ =	swait.ge [sflag:s7], $0x800  }
0x2af: {  	v62 =	vmul.f32 v12, v11;
	v12 =	vmul.f32 v12, v12;
	v13 =	vsub.f32 $1.000000000e+00, v13;
	[sflag:s7] =	ssyncset.done $0x0  }
0x2b0: {  	v3 =	vmul.f32 $-4.000000060e-01, v3;
	v14 =	vmul.f32 $1.953125000e-03, v14;
	[sflag:s7] =	ssyncadd.s32 $0xFFFFF800  }
0x2b1: {  	s13 =	sand.u32 $0x600, s15;
	v11 =	vsub.f32 v11, v62;
	v12 =	vmul.f32 v12, v15;
	v15 =	vmul.f32 v13, v13;
	_ =	swait.ge [sflag:s7], $0x800  }
0x2b2: {  	s14 =	sand.u32 $0x70, s15;
	s12 =	sadd.s32 $0x0, s13;
	v63 =	vmul.f32 v14, v13;
	v14 =	vmul.f32 v14, v14;
	[sflag:s7] =	ssyncset.done $0x0  }
0x2b3: {  	s12 =	sor.u32 s14, s12;
	v3 =	vadd.f32 v3, v8;
	v8 =	vmul.f32 $3.000000120e-01, v12;
	v11 =	vmul.f32 $3.000000120e-01, v11;
	[sflag:s7] =	ssyncadd.s32 $0xFFFFF800  }
0x2b4: {  	v4 =	vmul.f32 $-4.000000060e-01, v4;
	v12 =	vsub.f32 v13, v63;
	v13 =	vmul.f32 v14, v15;
	v14 =	vld [tilespmem:s12+$0x10000]  }
0x2b5: {  	v3 =	vsub.f32 v3, v5;
	v5 =	vsub.f32 v8, v11  }
0x2b6: {  	v4 =	vadd.f32 v4, v7  }
0x2b7: {  	v2 =	vadd.f32 v3, v2;
	v3 =	vmul.f32 v5, v16;
	v5 =	vmul.f32 $-4.000000060e-01, v9  }
0x2b8: {  	s11 =	sand.u32 $0x1F0, s15;
	v4 =	vsub.f32 v4, v6;
	v7 =	vmul.f32 $3.000000120e-01, v13;
	v11 =	vmul.f32 $3.000000120e-01, v12  }
0x2b9: {  	v3 =	vadd.f32 v5, v3;
	v5 =	vmov s11;
	v9 =	vshll.u32 v14, $0x9  }
0x2ba: {  	s15 =	simm.s32 $0x40;
	s16 =	simm.s32 $0x0;
	v6 =	vsub.f32 v7, v11;
	v5 =	vshll.u32 v5, $0x3;
	v9 =	vand.u32 $0xFFFFF000, v9  }
0x2bb: {  	s13 =	sand.u32 $0x600, s15;
	s17 =	simm.s32 $0x10;
	v5 =	vand.u32 $0xC00, v5;
	v11 =	vshll.u32 v14, $0x7;
	v9 =	vadd.s32 s16, v9  }
0x2bc: {  	s13 =	sadd.s32 $0x0, s13;
	s18 =	sand.u32 $0x70, s17;
	v12 =	vor.u32 s11, v0;
	v5 =	vor.u32 v5, v9;
	v9 =	vand.u32 $0x380, v11  }
0x2bd: {  	s14 =	sor.u32 s18, s13;
	v11 =	vand.u32 $0x7F, v12;
	v5 =	vor.u32 v9, v5  }
0x2be: {  	v2 =	vadd.f32 v4, v2;
	v3 =	vsub.f32 v3, v8;
	v9 =	vld [tilespmem:s14+$0x10000];
	v4 =	vor.u32 v11, v5  }
0x2bf: {  	s19 =	sand.u32 $0x1F0, s17;
	v10 =	vmul.f32 $-4.000000060e-01, v10;
	v6 =	vmul.f32 v6, v17  }
0x2c0: {  	v2 =	vadd.f32 v3, v2;
	v3 =	vmov s19  }
0x2c1: {  	s11 =	scvt.s32.f32 s11;
	v3 =	vshll.u32 v3, $0x3;
	v5 =	vadd.f32 v10, v6;
	v6 =	vld [tilespmem:s12+$0x11000]  }
0x2c2: {  	v11 =	vand.u32 $0xC00, v3  }
0x2c3: {  	v5 =	vsub.f32 v5, v7;
	v7 =	vadd.f32 s11, v1;
	v8 =	vshll.u32 v9, $0x9;
	v3 =	vld.idx.msk [tilespmem:v4+s1+$0x0], $0xffff  }
0x2c4: {  	s15 =	simm.s32 $0x80;
	s16 =	simm.s32 $0x0;
	v10 =	vor.u32 s19, v0;
	v4 =	vand.u32 $0xFFFFF000, v8  }
0x2c5: {  	s17 =	simm.s32 $0x20;
	s11 =	sand.u32 $0x600, s15;
	v7 =	vmul.f32 $1.953125000e-03, v7;
	v8 =	vshll.u32 v9, $0x7;
	v4 =	vadd.s32 s16, v4  }
0x2c6: {  	s18 =	sand.u32 $0x70, s17;
	s11 =	sadd.s32 $0x0, s11;
	v6 =	vcvt.s32.f32 v6;
	v8 =	vand.u32 $0x380, v8;
	v4 =	vor.u32 v11, v4  }
0x2c7: {  	s11 =	sor.u32 s18, s11;
	v2 =	vadd.f32 v5, v2;
	v9 =	vand.u32 $0x7F, v10;
	v4 =	vor.u32 v8, v4  }
0x2c8: {  	v5 =	vmul.f32 $1.953125000e-03, v6;
	v8 =	vld [tilespmem:s11+$0x10000];
	v4 =	vor.u32 v9, v4;
	v6 =	vmul.f32 $1.442695020e+00, v3  }
0x2c9: {  	v7 =	vsub.f32 $1.000000000e+00, v7  }
0x2ca: {  	(erf) = vpow2.f32 v6  }
0x2cb: {  	s12 =	sand.u32 $0x1F0, s17;
	v11 =	vmul.f32 v7, v7  }
0x2cc: {  	v9 =	vmov s12;
	v12 =	vmul.f32 v5, v7;
	v5 =	vmul.f32 v5, v5  }
0x2cd: {  	s13 =	scvt.s32.f32 s19;
	v10 =	vshll.u32 v9, $0x3;
	v9 =	vor.u32 s12, v0;
	v6 =	vshll.u32 v8, $0x9;
	v4 =	vld.idx.msk [tilespmem:v4+s1+$0x0], $0xffff  }
0x2ce: {  	v13 =	vsub.f32 v7, v12;
	v5 =	vmul.f32 v5, v11;
	v12 =	vand.u32 $0xFFFFF000, v6;
	v6 =	vld [tilespmem:s14+$0x11000]  }
0x2cf: {  	s19 =	simm.s32 $0x0;
	s15 =	simm.s32 $0x4;
	v10 =	vand.u32 $0xC00, v10;
	v7 =	vadd.f32 s13, v1;
	v11 =	vshll.u32 v8, $0x7  }
0x2d0: {  	s16 =	simm.s32 $0xC0;
	s13 =	simm.s32 $0x30;
	v5 =	vmul.f32 $3.000000120e-01, v5;
	v8 =	vmul.f32 $3.000000120e-01, v13;
	s14 =	simm.s32 $0x0;
	v12 =	vadd.s32 s19, v12  }
.LBB2_18:
0x2d1: {  	p0 =	sne.s32 s15, $0x7F;
	s17 =	sand.u32 $0x600, s16;
	s18 =	sshll.u32 s14, $0x7;
	v13 =	vand.u32 $0x7F, v9;
	v10 =	vor.u32 v10, v12;
	v11 =	vand.u32 $0x380, v11  }
0x2d2: {  	s19 =	sand.u32 $0x70, s13;
	v7 =	vmul.f32 $1.953125000e-03, v7;
	s17 =	sadd.s32 s18, s17;
	v10 =	vor.u32 v11, v10;
	v8 =	vsub.f32 v5, v8  }
0x2d3: {  	s17 =	sor.u32 s19, s17;
	v11 =	vor.u32 v13, v10;
	v10 =	vmul.f32 $1.442695020e+00, v4;
	v6 =	vcvt.s32.f32 v6;
	v9 =	vpop (erf)  }
0x2d4: {  	s18 =	sand.u32 $0x1F0, s13;
	v13 =	vsub.f32 $1.000000000e+00, v7;
	v12 =	vld [tilespmem:s17+$0x10000];
	v7 =	vmul.f32 v8, v9;
	v8 =	vmul.f32 $-4.000000060e-01, v3;
	v3 =	vmovc v4  }
0x2d5: {  	v9 =	vor.u32 s18, v0;
	v4 =	vmul.f32 $1.953125000e-03, v6;
	(erf) = vpow2.f32 v10  }
0x2d6: {  	s19 =	scvt.s32.f32 s12;
	s12 =	smov.u32 s18;
	v6 =	vmov s18;
	v14 =	vmul.f32 v13, v13;
	v8 =	vadd.f32 v8, v7  }
.Ltmp8:
0x2d7: {  	v6 =	vshll.u32 v6, $0x3;
	v15 =	vmul.f32 v4, v13;
	v16 =	vmul.f32 v4, v4;
	(pc) =	sbr.rel @p0 .LBB2_18-.Ltmp8, $4  }
0x2d8: {  	v7 =	vadd.f32 s19, v1;
	v10 =	vand.u32 $0xC00, v6;
	v4 =	vld.idx.msk [tilespmem:v11+s1+$0x0], $0xffff;
	v5 =	vsub.f32 v8, v5  }
0x2d9: {  	v8 =	vshll.u32 v12, $0x9;
	v6 =	vld [tilespmem:s11+$0x11000];
	v13 =	vsub.f32 v13, v15;
	v14 =	vmul.f32 v16, v14;
	s11 =	smov.u32 s17  }
0x2da: {  	s13 =	sadd.s32 $0x10, s13;
	s17 =	sshll.u32 s14, $0xD;
	v11 =	vshll.u32 v12, $0x7;
	v8 =	vand.u32 $0xFFFFF000, v8;
	v2 =	vadd.f32 v5, v2  }
0x2db: {  	s16 =	sadd.s32 $0x40, s16;
	s14 =	sshrl.u32 s15, $0x5;
	s15 =	sadd.s32 $0x1, s15;
	v12 =	vadd.s32 s17, v8;
	v5 =	vmul.f32 $3.000000120e-01, v14;
	v8 =	vmul.f32 $3.000000120e-01, v13  }
0x2dc: {  	s15 =	sand.u32 $0x600, s16;
	s19 =	sshll.u32 s14, $0x7  }
0x2dd: {  	s17 =	sand.u32 $0x70, s13;
	s15 =	sadd.s32 s19, s15  }
0x2de: {  	s15 =	sor.u32 s17, s15  }
0x2df: {  	v13 =	vld [tilespmem:s15+$0x10000];
	_ =	sdelay $0x3  }
0x2e0: {  	v9 =	vand.u32 $0x7F, v9;
	v10 =	vor.u32 v10, v12;
	s18 =	sand.u32 $0x1F0, s13  }
0x2e1: {  	v11 =	vand.u32 $0x380, v11;
	v12 =	vmov s18;
	v14 =	vshll.u32 v13, $0x9  }
0x2e2: {  	v10 =	vor.u32 v11, v10;
	s19 =	sshll.u32 s14, $0xD;
	v11 =	vshll.u32 v12, $0x3;
	v12 =	vand.u32 $0xFFFFF000, v14  }
0x2e3: {  	v11 =	vand.u32 $0xC00, v11;
	v13 =	vshll.u32 v13, $0x7;
	v12 =	vadd.s32 s19, v12  }
0x2e4: {  	v14 =	vor.u32 s18, v0;
	v11 =	vor.u32 v11, v12;
	v12 =	vand.u32 $0x380, v13  }
0x2e5: {  	v9 =	vor.u32 v9, v10;
	v10 =	vand.u32 $0x7F, v14;
	v11 =	vor.u32 v12, v11  }
0x2e6: {  	v10 =	vor.u32 v10, v11;
	_ =	sdelay $0x3  }
0x2e7: {  	v9 =	vld.idx.msk [tilespmem:v9+s1+$0x0], $0xffff  }
0x2e8: {  	v10 =	vld.idx.msk [tilespmem:v10+s1+$0x0], $0xffff;
	_ =	sdelay $0x2  }
0x2e9: {  	v11 =	vmul.f32 $1.442695020e+00, v4  }
0x2ea: {  	v7 =	vmul.f32 $1.953125000e-03, v7;
	v12 =	vmul.f32 $1.442695020e+00, v9  }
0x2eb: {  	(erf) = vpow2.f32 v11;
	v11 =	vmul.f32 $1.442695020e+00, v10  }
0x2ec: {  	v6 =	vcvt.s32.f32 v6;
	(erf) = vpow2.f32 v12  }
0x2ed: {  	v7 =	vsub.f32 $1.000000000e+00, v7;
	(erf) = vpow2.f32 v11  }
0x2ee: {  	v6 =	vmul.f32 $1.953125000e-03, v6  }
0x2ef: {  	v11 =	vmul.f32 v7, v7  }
0x2f0: {  	s16 =	rddreg [dreg:$0xd];
	v12 =	vmul.f32 v6, v7;
	v6 =	vmul.f32 v6, v6  }
0x2f1: {  	s12 =	scvt.s32.f32 s12;
	s17 =	sld [smem:$0x7F4];
	v14 =	vld [tilespmem:s15+$0x11000];
	s15 =	simm.s32 $0x0  }
0x2f2: {  	v13 =	vld [tilespmem:s11+$0x11000];
	[tilespmem:s15], [sflag:$0x1] =	stream.linear.gather [hbm4b:s16+s15], $0x8000, $0x38;
	v7 =	vsub.f32 v7, v12;
	v6 =	vmul.f32 v6, v11  }
0x2f3: {  	s19 =	sld [smem:$0x7F5];
	v11 =	vpop (erf)  }
0x2f4: {  	v15 =	vadd.f32 s12, v1;
	[tilespmem:s0], [sflag:$0x1] =	stream.strided.gather [hbm4b:s17+s30], $0x800, s31, s30, $0x38;
	v7 =	vmul.f32 $3.000000120e-01, v7;
	v6 =	vmul.f32 $3.000000120e-01, v6;
	v12 =	vpop (erf);
	[tilespmem:$0x12080] =	vst v63  }
0x2f5: {  	s18 =	scvt.s32.f32 s18;
	v16 =	vpop (erf)  }
0x2f6: {  	v8 =	vsub.f32 v5, v8;
	v15 =	vmul.f32 $1.953125000e-03, v15;
	[tilespmem:s3], [sflag:$0x1] =	stream.strided.gather [hbm4b:s19+s30], $0x800, s31, s30, $0x38;
	v7 =	vsub.f32 v6, v7;
	v17 =	vpop (erf);
	[tilespmem:$0x12080] =	vst v63  }
0x2f7: {  	v18 =	vadd.f32 s18, v1;
	v13 =	vcvt.s32.f32 v13;
	_ =	swait.ge [sflag:s8], $0x8000  }
0x2f8: {  	v8 =	vmul.f32 v8, v11;
	v11 =	vsub.f32 $1.000000000e+00, v15;
	v7 =	vmul.f32 v7, v12;
	[sflag:s8] =	ssyncset.done $0x0  }
0x2f9: {  	v12 =	vmul.f32 $1.953125000e-03, v13;
	v13 =	vmul.f32 $1.953125000e-03, v18;
	[sflag:s8] =	ssyncadd.s32 $0xFFFF8000  }
0x2fa: {  	v14 =	vcvt.s32.f32 v14;
	v15 =	vmul.f32 v11, v11;
	_ =	swait.ge [sflag:s8], $0x800  }
0x2fb: {  	v62 =	vmul.f32 v12, v11;
	v12 =	vmul.f32 v12, v12;
	v13 =	vsub.f32 $1.000000000e+00, v13;
	[sflag:s8] =	ssyncset.done $0x0  }
0x2fc: {  	v3 =	vmul.f32 $-4.000000060e-01, v3;
	v14 =	vmul.f32 $1.953125000e-03, v14;
	[sflag:s8] =	ssyncadd.s32 $0xFFFFF800  }
0x2fd: {  	s13 =	sand.u32 $0x600, s15;
	v11 =	vsub.f32 v11, v62;
	v12 =	vmul.f32 v12, v15;
	v15 =	vmul.f32 v13, v13;
	_ =	swait.ge [sflag:s8], $0x800  }
0x2fe: {  	s14 =	sand.u32 $0x70, s15;
	s12 =	sadd.s32 $0x0, s13;
	v63 =	vmul.f32 v14, v13;
	v14 =	vmul.f32 v14, v14;
	[sflag:s8] =	ssyncset.done $0x0  }
0x2ff: {  	s12 =	sor.u32 s14, s12;
	v3 =	vadd.f32 v3, v8;
	v8 =	vmul.f32 $3.000000120e-01, v12;
	v11 =	vmul.f32 $3.000000120e-01, v11;
	[sflag:s8] =	ssyncadd.s32 $0xFFFFF800  }
0x300: {  	v4 =	vmul.f32 $-4.000000060e-01, v4;
	v12 =	vsub.f32 v13, v63;
	v13 =	vmul.f32 v14, v15;
	v14 =	vld [tilespmem:s12+$0x10800]  }
0x301: {  	v3 =	vsub.f32 v3, v5;
	v5 =	vsub.f32 v8, v11  }
0x302: {  	v4 =	vadd.f32 v4, v7  }
0x303: {  	v2 =	vadd.f32 v3, v2;
	v3 =	vmul.f32 v5, v16;
	v5 =	vmul.f32 $-4.000000060e-01, v9  }
0x304: {  	s11 =	sand.u32 $0x1F0, s15;
	v4 =	vsub.f32 v4, v6;
	v7 =	vmul.f32 $3.000000120e-01, v13;
	v11 =	vmul.f32 $3.000000120e-01, v12  }
0x305: {  	v3 =	vadd.f32 v5, v3;
	v5 =	vmov s11;
	v9 =	vshll.u32 v14, $0x9  }
0x306: {  	s15 =	simm.s32 $0x40;
	s16 =	simm.s32 $0x0;
	v6 =	vsub.f32 v7, v11;
	v5 =	vshll.u32 v5, $0x3;
	v9 =	vand.u32 $0xFFFFF000, v9  }
0x307: {  	s13 =	sand.u32 $0x600, s15;
	s17 =	simm.s32 $0x10;
	v5 =	vand.u32 $0xC00, v5;
	v11 =	vshll.u32 v14, $0x7;
	v9 =	vadd.s32 s16, v9  }
0x308: {  	s13 =	sadd.s32 $0x0, s13;
	s18 =	sand.u32 $0x70, s17;
	v12 =	vor.u32 s11, v0;
	v5 =	vor.u32 v5, v9;
	v9 =	vand.u32 $0x380, v11  }
0x309: {  	s14 =	sor.u32 s18, s13;
	v11 =	vand.u32 $0x7F, v12;
	v5 =	vor.u32 v9, v5  }
0x30a: {  	v2 =	vadd.f32 v4, v2;
	v3 =	vsub.f32 v3, v8;
	v9 =	vld [tilespmem:s14+$0x10800];
	v4 =	vor.u32 v11, v5  }
0x30b: {  	s19 =	sand.u32 $0x1F0, s17;
	v10 =	vmul.f32 $-4.000000060e-01, v10;
	v6 =	vmul.f32 v6, v17  }
0x30c: {  	v2 =	vadd.f32 v3, v2;
	v3 =	vmov s19  }
0x30d: {  	s11 =	scvt.s32.f32 s11;
	v3 =	vshll.u32 v3, $0x3;
	v5 =	vadd.f32 v10, v6;
	v6 =	vld [tilespmem:s12+$0x11800]  }
0x30e: {  	v11 =	vand.u32 $0xC00, v3  }
0x30f: {  	v5 =	vsub.f32 v5, v7;
	v7 =	vadd.f32 s11, v1;
	v8 =	vshll.u32 v9, $0x9;
	v3 =	vld.idx.msk [tilespmem:v4+s4+$0x0], $0xffff  }
0x310: {  	s15 =	simm.s32 $0x80;
	s16 =	simm.s32 $0x0;
	v10 =	vor.u32 s19, v0;
	v4 =	vand.u32 $0xFFFFF000, v8  }
0x311: {  	s17 =	simm.s32 $0x20;
	s11 =	sand.u32 $0x600, s15;
	v7 =	vmul.f32 $1.953125000e-03, v7;
	v8 =	vshll.u32 v9, $0x7;
	v4 =	vadd.s32 s16, v4  }
0x312: {  	s18 =	sand.u32 $0x70, s17;
	s11 =	sadd.s32 $0x0, s11;
	v6 =	vcvt.s32.f32 v6;
	v8 =	vand.u32 $0x380, v8;
	v4 =	vor.u32 v11, v4  }
0x313: {  	s11 =	sor.u32 s18, s11;
	v2 =	vadd.f32 v5, v2;
	v9 =	vand.u32 $0x7F, v10;
	v4 =	vor.u32 v8, v4  }
0x314: {  	v5 =	vmul.f32 $1.953125000e-03, v6;
	v8 =	vld [tilespmem:s11+$0x10800];
	v4 =	vor.u32 v9, v4;
	v6 =	vmul.f32 $1.442695020e+00, v3  }
0x315: {  	v7 =	vsub.f32 $1.000000000e+00, v7  }
0x316: {  	(erf) = vpow2.f32 v6  }
0x317: {  	s12 =	sand.u32 $0x1F0, s17;
	v11 =	vmul.f32 v7, v7  }
0x318: {  	v9 =	vmov s12;
	v12 =	vmul.f32 v5, v7;
	v5 =	vmul.f32 v5, v5  }
0x319: {  	s13 =	scvt.s32.f32 s19;
	v10 =	vshll.u32 v9, $0x3;
	v9 =	vor.u32 s12, v0;
	v6 =	vshll.u32 v8, $0x9;
	v4 =	vld.idx.msk [tilespmem:v4+s4+$0x0], $0xffff  }
0x31a: {  	v13 =	vsub.f32 v7, v12;
	v5 =	vmul.f32 v5, v11;
	v12 =	vand.u32 $0xFFFFF000, v6;
	v6 =	vld [tilespmem:s14+$0x11800]  }
0x31b: {  	s19 =	simm.s32 $0x0;
	s15 =	simm.s32 $0x4;
	v10 =	vand.u32 $0xC00, v10;
	v7 =	vadd.f32 s13, v1;
	v11 =	vshll.u32 v8, $0x7  }
0x31c: {  	s16 =	simm.s32 $0xC0;
	s13 =	simm.s32 $0x30;
	v5 =	vmul.f32 $3.000000120e-01, v5;
	v8 =	vmul.f32 $3.000000120e-01, v13;
	s14 =	simm.s32 $0x0;
	v12 =	vadd.s32 s19, v12  }
.LBB2_20:
0x31d: {  	p0 =	sne.s32 s15, $0x7F;
	s17 =	sand.u32 $0x600, s16;
	s18 =	sshll.u32 s14, $0x7;
	v13 =	vand.u32 $0x7F, v9;
	v10 =	vor.u32 v10, v12;
	v11 =	vand.u32 $0x380, v11  }
0x31e: {  	s19 =	sand.u32 $0x70, s13;
	v7 =	vmul.f32 $1.953125000e-03, v7;
	s17 =	sadd.s32 s18, s17;
	v10 =	vor.u32 v11, v10;
	v8 =	vsub.f32 v5, v8  }
0x31f: {  	s17 =	sor.u32 s19, s17;
	v11 =	vor.u32 v13, v10;
	v10 =	vmul.f32 $1.442695020e+00, v4;
	v6 =	vcvt.s32.f32 v6;
	v9 =	vpop (erf)  }
0x320: {  	s18 =	sand.u32 $0x1F0, s13;
	v13 =	vsub.f32 $1.000000000e+00, v7;
	v12 =	vld [tilespmem:s17+$0x10800];
	v7 =	vmul.f32 v8, v9;
	v8 =	vmul.f32 $-4.000000060e-01, v3;
	v3 =	vmovc v4  }
0x321: {  	v9 =	vor.u32 s18, v0;
	v4 =	vmul.f32 $1.953125000e-03, v6;
	(erf) = vpow2.f32 v10  }
0x322: {  	s19 =	scvt.s32.f32 s12;
	s12 =	smov.u32 s18;
	v6 =	vmov s18;
	v14 =	vmul.f32 v13, v13;
	v8 =	vadd.f32 v8, v7  }
.Ltmp9:
0x323: {  	v6 =	vshll.u32 v6, $0x3;
	v15 =	vmul.f32 v4, v13;
	v16 =	vmul.f32 v4, v4;
	(pc) =	sbr.rel @p0 .LBB2_20-.Ltmp9, $4  }
0x324: {  	v7 =	vadd.f32 s19, v1;
	v10 =	vand.u32 $0xC00, v6;
	v4 =	vld.idx.msk [tilespmem:v11+s4+$0x0], $0xffff;
	v5 =	vsub.f32 v8, v5  }
0x325: {  	v8 =	vshll.u32 v12, $0x9;
	v6 =	vld [tilespmem:s11+$0x11800];
	v13 =	vsub.f32 v13, v15;
	v14 =	vmul.f32 v16, v14;
	s11 =	smov.u32 s17  }
0x326: {  	s13 =	sadd.s32 $0x10, s13;
	s17 =	sshll.u32 s14, $0xD;
	v11 =	vshll.u32 v12, $0x7;
	v8 =	vand.u32 $0xFFFFF000, v8;
	v2 =	vadd.f32 v5, v2  }
0x327: {  	s16 =	sadd.s32 $0x40, s16;
	s14 =	sshrl.u32 s15, $0x5;
	s15 =	sadd.s32 $0x1, s15;
	v12 =	vadd.s32 s17, v8;
	v5 =	vmul.f32 $3.000000120e-01, v14;
	v8 =	vmul.f32 $3.000000120e-01, v13  }
0x328: {  	s15 =	sand.u32 $0x600, s16;
	s19 =	sshll.u32 s14, $0x7  }
0x329: {  	s17 =	sand.u32 $0x70, s13;
	s15 =	sadd.s32 s19, s15  }
0x32a: {  	s15 =	sor.u32 s17, s15  }
0x32b: {  	v13 =	vld [tilespmem:s15+$0x10800];
	_ =	sdelay $0x3  }
0x32c: {  	v9 =	vand.u32 $0x7F, v9;
	v10 =	vor.u32 v10, v12;
	s18 =	sand.u32 $0x1F0, s13  }
0x32d: {  	v11 =	vand.u32 $0x380, v11;
	v12 =	vmov s18;
	v14 =	vshll.u32 v13, $0x9  }
0x32e: {  	v10 =	vor.u32 v11, v10;
	s19 =	sshll.u32 s14, $0xD;
	v11 =	vshll.u32 v12, $0x3;
	v12 =	vand.u32 $0xFFFFF000, v14  }
0x32f: {  	v11 =	vand.u32 $0xC00, v11;
	v13 =	vshll.u32 v13, $0x7;
	v12 =	vadd.s32 s19, v12  }
0x330: {  	v14 =	vor.u32 s18, v0;
	v11 =	vor.u32 v11, v12;
	v12 =	vand.u32 $0x380, v13  }
0x331: {  	v9 =	vor.u32 v9, v10;
	v10 =	vand.u32 $0x7F, v14;
	v11 =	vor.u32 v12, v11  }
0x332: {  	v10 =	vor.u32 v10, v11;
	_ =	sdelay $0x3  }
0x333: {  	v9 =	vld.idx.msk [tilespmem:v9+s4+$0x0], $0xffff  }
0x334: {  	v10 =	vld.idx.msk [tilespmem:v10+s4+$0x0], $0xffff;
	_ =	sdelay $0x2  }
0x335: {  	v11 =	vmul.f32 $1.442695020e+00, v4  }
0x336: {  	v7 =	vmul.f32 $1.953125000e-03, v7;
	v12 =	vmul.f32 $1.442695020e+00, v9  }
0x337: {  	(erf) = vpow2.f32 v11;
	v11 =	vmul.f32 $1.442695020e+00, v10  }
0x338: {  	v6 =	vcvt.s32.f32 v6;
	(erf) = vpow2.f32 v12  }
0x339: {  	v7 =	vsub.f32 $1.000000000e+00, v7;
	(erf) = vpow2.f32 v11  }
0x33a: {  	v6 =	vmul.f32 $1.953125000e-03, v6  }
0x33b: {  	v11 =	vmul.f32 v7, v7  }
0x33c: {  	s16 =	rddreg [dreg:$0xe];
	v12 =	vmul.f32 v6, v7;
	v6 =	vmul.f32 v6, v6  }
0x33d: {  	s12 =	scvt.s32.f32 s12;
	s17 =	sld [smem:$0x7F6];
	v14 =	vld [tilespmem:s15+$0x11800];
	s15 =	simm.s32 $0x0  }
0x33e: {  	v13 =	vld [tilespmem:s11+$0x11800];
	[tilespmem:s4], [sflag:$0x2] =	stream.linear.gather [hbm4b:s16+s15], $0x8000, $0x38;
	v7 =	vsub.f32 v7, v12;
	v6 =	vmul.f32 v6, v11  }
0x33f: {  	s19 =	sld [smem:$0x7F7];
	v11 =	vpop (erf)  }
0x340: {  	v15 =	vadd.f32 s12, v1;
	[tilespmem:s5], [sflag:$0x2] =	stream.strided.gather [hbm4b:s17+s30], $0x800, s31, s30, $0x38;
	v7 =	vmul.f32 $3.000000120e-01, v7;
	v6 =	vmul.f32 $3.000000120e-01, v6;
	v12 =	vpop (erf);
	[tilespmem:$0x12080] =	vst v63  }
0x341: {  	s18 =	scvt.s32.f32 s18;
	v16 =	vpop (erf)  }
0x342: {  	v8 =	vsub.f32 v5, v8;
	v15 =	vmul.f32 $1.953125000e-03, v15;
	[tilespmem:s6], [sflag:$0x2] =	stream.strided.gather [hbm4b:s19+s30], $0x800, s31, s30, $0x38;
	v7 =	vsub.f32 v6, v7;
	v17 =	vpop (erf);
	[tilespmem:$0x12080] =	vst v63  }
0x343: {  	v18 =	vadd.f32 s18, v1;
	v13 =	vcvt.s32.f32 v13;
	_ =	swait.ge [sflag:s7], $0x8000  }
0x344: {  	v8 =	vmul.f32 v8, v11;
	v11 =	vsub.f32 $1.000000000e+00, v15;
	v7 =	vmul.f32 v7, v12;
	[sflag:s7] =	ssyncset.done $0x0  }
0x345: {  	v12 =	vmul.f32 $1.953125000e-03, v13;
	v13 =	vmul.f32 $1.953125000e-03, v18;
	[sflag:s7] =	ssyncadd.s32 $0xFFFF8000  }
0x346: {  	v14 =	vcvt.s32.f32 v14;
	v15 =	vmul.f32 v11, v11;
	_ =	swait.ge [sflag:s7], $0x800  }
0x347: {  	v62 =	vmul.f32 v12, v11;
	v12 =	vmul.f32 v12, v12;
	v13 =	vsub.f32 $1.000000000e+00, v13;
	[sflag:s7] =	ssyncset.done $0x0  }
0x348: {  	v3 =	vmul.f32 $-4.000000060e-01, v3;
	v14 =	vmul.f32 $1.953125000e-03, v14;
	[sflag:s7] =	ssyncadd.s32 $0xFFFFF800  }
0x349: {  	s13 =	sand.u32 $0x600, s15;
	v11 =	vsub.f32 v11, v62;
	v12 =	vmul.f32 v12, v15;
	v15 =	vmul.f32 v13, v13;
	_ =	swait.ge [sflag:s7], $0x800  }
0x34a: {  	s14 =	sand.u32 $0x70, s15;
	s12 =	sadd.s32 $0x0, s13;
	v63 =	vmul.f32 v14, v13;
	v14 =	vmul.f32 v14, v14;
	[sflag:s7] =	ssyncset.done $0x0  }
0x34b: {  	s12 =	sor.u32 s14, s12;
	v3 =	vadd.f32 v3, v8;
	v8 =	vmul.f32 $3.000000120e-01, v12;
	v11 =	vmul.f32 $3.000000120e-01, v11;
	[sflag:s7] =	ssyncadd.s32 $0xFFFFF800  }
0x34c: {  	v4 =	vmul.f32 $-4.000000060e-01, v4;
	v12 =	vsub.f32 v13, v63;
	v13 =	vmul.f32 v14, v15;
	v14 =	vld [tilespmem:s12+$0x10000]  }
0x34d: {  	v3 =	vsub.f32 v3, v5;
	v5 =	vsub.f32 v8, v11  }
0x34e: {  	v4 =	vadd.f32 v4, v7  }
0x34f: {  	v2 =	vadd.f32 v3, v2;
	v3 =	vmul.f32 v5, v16;
	v5 =	vmul.f32 $-4.000000060e-01, v9  }
0x350: {  	s11 =	sand.u32 $0x1F0, s15;
	v4 =	vsub.f32 v4, v6;
	v7 =	vmul.f32 $3.000000120e-01, v13;
	v11 =	vmul.f32 $3.000000120e-01, v12  }
0x351: {  	v3 =	vadd.f32 v5, v3;
	v5 =	vmov s11;
	v9 =	vshll.u32 v14, $0x9  }
0x352: {  	s15 =	simm.s32 $0x40;
	s16 =	simm.s32 $0x0;
	v6 =	vsub.f32 v7, v11;
	v5 =	vshll.u32 v5, $0x3;
	v9 =	vand.u32 $0xFFFFF000, v9  }
0x353: {  	s13 =	sand.u32 $0x600, s15;
	s17 =	simm.s32 $0x10;
	v5 =	vand.u32 $0xC00, v5;
	v11 =	vshll.u32 v14, $0x7;
	v9 =	vadd.s32 s16, v9  }
0x354: {  	s13 =	sadd.s32 $0x0, s13;
	s18 =	sand.u32 $0x70, s17;
	v12 =	vor.u32 s11, v0;
	v5 =	vor.u32 v5, v9;
	v9 =	vand.u32 $0x380, v11  }
0x355: {  	s14 =	sor.u32 s18, s13;
	v11 =	vand.u32 $0x7F, v12;
	v5 =	vor.u32 v9, v5  }
0x356: {  	v2 =	vadd.f32 v4, v2;
	v3 =	vsub.f32 v3, v8;
	v9 =	vld [tilespmem:s14+$0x10000];
	v4 =	vor.u32 v11, v5  }
0x357: {  	s19 =	sand.u32 $0x1F0, s17;
	v10 =	vmul.f32 $-4.000000060e-01, v10;
	v6 =	vmul.f32 v6, v17  }
0x358: {  	v2 =	vadd.f32 v3, v2;
	v3 =	vmov s19  }
0x359: {  	s11 =	scvt.s32.f32 s11;
	v3 =	vshll.u32 v3, $0x3;
	v5 =	vadd.f32 v10, v6;
	v6 =	vld [tilespmem:s12+$0x11000]  }
0x35a: {  	v11 =	vand.u32 $0xC00, v3  }
0x35b: {  	v5 =	vsub.f32 v5, v7;
	v7 =	vadd.f32 s11, v1;
	v8 =	vshll.u32 v9, $0x9;
	v3 =	vld.idx.msk [tilespmem:v4+s1+$0x0], $0xffff  }
0x35c: {  	s15 =	simm.s32 $0x80;
	s16 =	simm.s32 $0x0;
	v10 =	vor.u32 s19, v0;
	v4 =	vand.u32 $0xFFFFF000, v8  }
0x35d: {  	s17 =	simm.s32 $0x20;
	s11 =	sand.u32 $0x600, s15;
	v7 =	vmul.f32 $1.953125000e-03, v7;
	v8 =	vshll.u32 v9, $0x7;
	v4 =	vadd.s32 s16, v4  }
0x35e: {  	s18 =	sand.u32 $0x70, s17;
	s11 =	sadd.s32 $0x0, s11;
	v6 =	vcvt.s32.f32 v6;
	v8 =	vand.u32 $0x380, v8;
	v4 =	vor.u32 v11, v4  }
0x35f: {  	s11 =	sor.u32 s18, s11;
	v2 =	vadd.f32 v5, v2;
	v9 =	vand.u32 $0x7F, v10;
	v4 =	vor.u32 v8, v4  }
0x360: {  	v5 =	vmul.f32 $1.953125000e-03, v6;
	v8 =	vld [tilespmem:s11+$0x10000];
	v4 =	vor.u32 v9, v4;
	v6 =	vmul.f32 $1.442695020e+00, v3  }
0x361: {  	v7 =	vsub.f32 $1.000000000e+00, v7  }
0x362: {  	(erf) = vpow2.f32 v6  }
0x363: {  	s12 =	sand.u32 $0x1F0, s17;
	v11 =	vmul.f32 v7, v7  }
0x364: {  	v9 =	vmov s12;
	v12 =	vmul.f32 v5, v7;
	v5 =	vmul.f32 v5, v5  }
0x365: {  	s13 =	scvt.s32.f32 s19;
	v10 =	vshll.u32 v9, $0x3;
	v9 =	vor.u32 s12, v0;
	v6 =	vshll.u32 v8, $0x9;
	v4 =	vld.idx.msk [tilespmem:v4+s1+$0x0], $0xffff  }
0x366: {  	v13 =	vsub.f32 v7, v12;
	v5 =	vmul.f32 v5, v11;
	v12 =	vand.u32 $0xFFFFF000, v6;
	v6 =	vld [tilespmem:s14+$0x11000]  }
0x367: {  	s19 =	simm.s32 $0x0;
	s15 =	simm.s32 $0x4;
	v10 =	vand.u32 $0xC00, v10;
	v7 =	vadd.f32 s13, v1;
	v11 =	vshll.u32 v8, $0x7  }
0x368: {  	s16 =	simm.s32 $0xC0;
	s13 =	simm.s32 $0x30;
	v5 =	vmul.f32 $3.000000120e-01, v5;
	v8 =	vmul.f32 $3.000000120e-01, v13;
	s14 =	simm.s32 $0x0;
	v12 =	vadd.s32 s19, v12  }
.LBB2_22:
0x369: {  	p0 =	sne.s32 s15, $0x7F;
	s17 =	sand.u32 $0x600, s16;
	s18 =	sshll.u32 s14, $0x7;
	v13 =	vand.u32 $0x7F, v9;
	v10 =	vor.u32 v10, v12;
	v11 =	vand.u32 $0x380, v11  }
0x36a: {  	s19 =	sand.u32 $0x70, s13;
	v7 =	vmul.f32 $1.953125000e-03, v7;
	s17 =	sadd.s32 s18, s17;
	v10 =	vor.u32 v11, v10;
	v8 =	vsub.f32 v5, v8  }
0x36b: {  	s17 =	sor.u32 s19, s17;
	v11 =	vor.u32 v13, v10;
	v10 =	vmul.f32 $1.442695020e+00, v4;
	v6 =	vcvt.s32.f32 v6;
	v9 =	vpop (erf)  }
0x36c: {  	s18 =	sand.u32 $0x1F0, s13;
	v13 =	vsub.f32 $1.000000000e+00, v7;
	v12 =	vld [tilespmem:s17+$0x10000];
	v7 =	vmul.f32 v8, v9;
	v8 =	vmul.f32 $-4.000000060e-01, v3;
	v3 =	vmovc v4  }
0x36d: {  	v9 =	vor.u32 s18, v0;
	v4 =	vmul.f32 $1.953125000e-03, v6;
	(erf) = vpow2.f32 v10  }
0x36e: {  	s19 =	scvt.s32.f32 s12;
	s12 =	smov.u32 s18;
	v6 =	vmov s18;
	v14 =	vmul.f32 v13, v13;
	v8 =	vadd.f32 v8, v7  }
.Ltmp10:
0x36f: {  	v6 =	vshll.u32 v6, $0x3;
	v15 =	vmul.f32 v4, v13;
	v16 =	vmul.f32 v4, v4;
	(pc) =	sbr.rel @p0 .LBB2_22-.Ltmp10, $4  }
0x370: {  	v7 =	vadd.f32 s19, v1;
	v10 =	vand.u32 $0xC00, v6;
	v4 =	vld.idx.msk [tilespmem:v11+s1+$0x0], $0xffff;
	v5 =	vsub.f32 v8, v5  }
0x371: {  	v8 =	vshll.u32 v12, $0x9;
	v6 =	vld [tilespmem:s11+$0x11000];
	v13 =	vsub.f32 v13, v15;
	v14 =	vmul.f32 v16, v14;
	s11 =	smov.u32 s17  }
0x372: {  	s13 =	sadd.s32 $0x10, s13;
	s17 =	sshll.u32 s14, $0xD;
	v11 =	vshll.u32 v12, $0x7;
	v8 =	vand.u32 $0xFFFFF000, v8;
	v2 =	vadd.f32 v5, v2  }
0x373: {  	s16 =	sadd.s32 $0x40, s16;
	s14 =	sshrl.u32 s15, $0x5;
	s15 =	sadd.s32 $0x1, s15;
	v12 =	vadd.s32 s17, v8;
	v5 =	vmul.f32 $3.000000120e-01, v14;
	v8 =	vmul.f32 $3.000000120e-01, v13  }
0x374: {  	s15 =	sand.u32 $0x600, s16;
	s19 =	sshll.u32 s14, $0x7  }
0x375: {  	s17 =	sand.u32 $0x70, s13;
	s15 =	sadd.s32 s19, s15  }
0x376: {  	s15 =	sor.u32 s17, s15  }
0x377: {  	v13 =	vld [tilespmem:s15+$0x10000];
	_ =	sdelay $0x3  }
0x378: {  	v9 =	vand.u32 $0x7F, v9;
	v10 =	vor.u32 v10, v12;
	s18 =	sand.u32 $0x1F0, s13  }
0x379: {  	v11 =	vand.u32 $0x380, v11;
	v12 =	vmov s18;
	v14 =	vshll.u32 v13, $0x9  }
0x37a: {  	v10 =	vor.u32 v11, v10;
	s19 =	sshll.u32 s14, $0xD;
	v11 =	vshll.u32 v12, $0x3;
	v12 =	vand.u32 $0xFFFFF000, v14  }
0x37b: {  	v11 =	vand.u32 $0xC00, v11;
	v13 =	vshll.u32 v13, $0x7;
	v12 =	vadd.s32 s19, v12  }
0x37c: {  	v14 =	vor.u32 s18, v0;
	v11 =	vor.u32 v11, v12;
	v12 =	vand.u32 $0x380, v13  }
0x37d: {  	v9 =	vor.u32 v9, v10;
	v10 =	vand.u32 $0x7F, v14;
	v11 =	vor.u32 v12, v11  }
0x37e: {  	v10 =	vor.u32 v10, v11;
	_ =	sdelay $0x3  }
0x37f: {  	v9 =	vld.idx.msk [tilespmem:v9+s1+$0x0], $0xffff  }
0x380: {  	v10 =	vld.idx.msk [tilespmem:v10+s1+$0x0], $0xffff;
	_ =	sdelay $0x2  }
0x381: {  	v11 =	vmul.f32 $1.442695020e+00, v4  }
0x382: {  	v7 =	vmul.f32 $1.953125000e-03, v7;
	v12 =	vmul.f32 $1.442695020e+00, v9  }
0x383: {  	(erf) = vpow2.f32 v11;
	v11 =	vmul.f32 $1.442695020e+00, v10  }
0x384: {  	v6 =	vcvt.s32.f32 v6;
	(erf) = vpow2.f32 v12  }
0x385: {  	v7 =	vsub.f32 $1.000000000e+00, v7;
	(erf) = vpow2.f32 v11  }
0x386: {  	v6 =	vmul.f32 $1.953125000e-03, v6  }
0x387: {  	v11 =	vmul.f32 v7, v7  }
0x388: {  	s16 =	rddreg [dreg:$0xf];
	v12 =	vmul.f32 v6, v7;
	v6 =	vmul.f32 v6, v6  }
0x389: {  	s12 =	scvt.s32.f32 s12;
	s17 =	sld [smem:$0x7F8];
	v14 =	vld [tilespmem:s15+$0x11000];
	s15 =	simm.s32 $0x0  }
0x38a: {  	v13 =	vld [tilespmem:s11+$0x11000];
	[tilespmem:s15], [sflag:$0x1] =	stream.linear.gather [hbm4b:s16+s15], $0x8000, $0x38;
	v7 =	vsub.f32 v7, v12;
	v6 =	vmul.f32 v6, v11  }
0x38b: {  	s19 =	sld [smem:$0x7F9];
	v11 =	vpop (erf)  }
0x38c: {  	v15 =	vadd.f32 s12, v1;
	[tilespmem:s0], [sflag:$0x1] =	stream.strided.gather [hbm4b:s17+s30], $0x800, s31, s30, $0x38;
	v7 =	vmul.f32 $3.000000120e-01, v7;
	v6 =	vmul.f32 $3.000000120e-01, v6;
	v12 =	vpop (erf);
	[tilespmem:$0x12080] =	vst v63  }
0x38d: {  	s18 =	scvt.s32.f32 s18;
	v16 =	vpop (erf)  }
0x38e: {  	v8 =	vsub.f32 v5, v8;
	v15 =	vmul.f32 $1.953125000e-03, v15;
	[tilespmem:s3], [sflag:$0x1] =	stream.strided.gather [hbm4b:s19+s30], $0x800, s31, s30, $0x38;
	v7 =	vsub.f32 v6, v7;
	v17 =	vpop (erf);
	[tilespmem:$0x12080] =	vst v63  }
0x38f: {  	v18 =	vadd.f32 s18, v1;
	v13 =	vcvt.s32.f32 v13;
	_ =	swait.ge [sflag:s8], $0x8000  }
0x390: {  	v8 =	vmul.f32 v8, v11;
	v11 =	vsub.f32 $1.000000000e+00, v15;
	v7 =	vmul.f32 v7, v12;
	[sflag:s8] =	ssyncset.done $0x0  }
0x391: {  	v12 =	vmul.f32 $1.953125000e-03, v13;
	v13 =	vmul.f32 $1.953125000e-03, v18;
	[sflag:s8] =	ssyncadd.s32 $0xFFFF8000  }
0x392: {  	v14 =	vcvt.s32.f32 v14;
	v15 =	vmul.f32 v11, v11;
	_ =	swait.ge [sflag:s8], $0x800  }
0x393: {  	v62 =	vmul.f32 v12, v11;
	v12 =	vmul.f32 v12, v12;
	v13 =	vsub.f32 $1.000000000e+00, v13;
	[sflag:s8] =	ssyncset.done $0x0  }
0x394: {  	v3 =	vmul.f32 $-4.000000060e-01, v3;
	v14 =	vmul.f32 $1.953125000e-03, v14;
	[sflag:s8] =	ssyncadd.s32 $0xFFFFF800  }
0x395: {  	s13 =	sand.u32 $0x600, s15;
	v11 =	vsub.f32 v11, v62;
	v12 =	vmul.f32 v12, v15;
	v15 =	vmul.f32 v13, v13;
	_ =	swait.ge [sflag:s8], $0x800  }
0x396: {  	s14 =	sand.u32 $0x70, s15;
	s12 =	sadd.s32 $0x0, s13;
	v63 =	vmul.f32 v14, v13;
	v14 =	vmul.f32 v14, v14;
	[sflag:s8] =	ssyncset.done $0x0  }
0x397: {  	s12 =	sor.u32 s14, s12;
	v3 =	vadd.f32 v3, v8;
	v8 =	vmul.f32 $3.000000120e-01, v12;
	v11 =	vmul.f32 $3.000000120e-01, v11;
	[sflag:s8] =	ssyncadd.s32 $0xFFFFF800  }
0x398: {  	v4 =	vmul.f32 $-4.000000060e-01, v4;
	v12 =	vsub.f32 v13, v63;
	v13 =	vmul.f32 v14, v15;
	v14 =	vld [tilespmem:s12+$0x10800]  }
0x399: {  	v3 =	vsub.f32 v3, v5;
	v5 =	vsub.f32 v8, v11  }
0x39a: {  	v4 =	vadd.f32 v4, v7  }
0x39b: {  	v2 =	vadd.f32 v3, v2;
	v3 =	vmul.f32 v5, v16;
	v5 =	vmul.f32 $-4.000000060e-01, v9  }
0x39c: {  	s11 =	sand.u32 $0x1F0, s15;
	v4 =	vsub.f32 v4, v6;
	v7 =	vmul.f32 $3.000000120e-01, v13;
	v11 =	vmul.f32 $3.000000120e-01, v12  }
0x39d: {  	v3 =	vadd.f32 v5, v3;
	v5 =	vmov s11;
	v9 =	vshll.u32 v14, $0x9  }
0x39e: {  	s15 =	simm.s32 $0x40;
	s16 =	simm.s32 $0x0;
	v6 =	vsub.f32 v7, v11;
	v5 =	vshll.u32 v5, $0x3;
	v9 =	vand.u32 $0xFFFFF000, v9  }
0x39f: {  	s13 =	sand.u32 $0x600, s15;
	s17 =	simm.s32 $0x10;
	v5 =	vand.u32 $0xC00, v5;
	v11 =	vshll.u32 v14, $0x7;
	v9 =	vadd.s32 s16, v9  }
0x3a0: {  	s13 =	sadd.s32 $0x0, s13;
	s18 =	sand.u32 $0x70, s17;
	v12 =	vor.u32 s11, v0;
	v5 =	vor.u32 v5, v9;
	v9 =	vand.u32 $0x380, v11  }
0x3a1: {  	s14 =	sor.u32 s18, s13;
	v11 =	vand.u32 $0x7F, v12;
	v5 =	vor.u32 v9, v5  }
0x3a2: {  	v2 =	vadd.f32 v4, v2;
	v3 =	vsub.f32 v3, v8;
	v9 =	vld [tilespmem:s14+$0x10800];
	v4 =	vor.u32 v11, v5  }
0x3a3: {  	s19 =	sand.u32 $0x1F0, s17;
	v10 =	vmul.f32 $-4.000000060e-01, v10;
	v6 =	vmul.f32 v6, v17  }
0x3a4: {  	v2 =	vadd.f32 v3, v2;
	v3 =	vmov s19  }
0x3a5: {  	s11 =	scvt.s32.f32 s11;
	v3 =	vshll.u32 v3, $0x3;
	v5 =	vadd.f32 v10, v6;
	v6 =	vld [tilespmem:s12+$0x11800]  }
0x3a6: {  	v11 =	vand.u32 $0xC00, v3  }
0x3a7: {  	v5 =	vsub.f32 v5, v7;
	v7 =	vadd.f32 s11, v1;
	v8 =	vshll.u32 v9, $0x9;
	v3 =	vld.idx.msk [tilespmem:v4+s4+$0x0], $0xffff  }
0x3a8: {  	s15 =	simm.s32 $0x80;
	s16 =	simm.s32 $0x0;
	v10 =	vor.u32 s19, v0;
	v4 =	vand.u32 $0xFFFFF000, v8  }
0x3a9: {  	s17 =	simm.s32 $0x20;
	s11 =	sand.u32 $0x600, s15;
	v7 =	vmul.f32 $1.953125000e-03, v7;
	v8 =	vshll.u32 v9, $0x7;
	v4 =	vadd.s32 s16, v4  }
0x3aa: {  	s18 =	sand.u32 $0x70, s17;
	s11 =	sadd.s32 $0x0, s11;
	v6 =	vcvt.s32.f32 v6;
	v8 =	vand.u32 $0x380, v8;
	v4 =	vor.u32 v11, v4  }
0x3ab: {  	s11 =	sor.u32 s18, s11;
	v2 =	vadd.f32 v5, v2;
	v9 =	vand.u32 $0x7F, v10;
	v4 =	vor.u32 v8, v4  }
0x3ac: {  	v5 =	vmul.f32 $1.953125000e-03, v6;
	v8 =	vld [tilespmem:s11+$0x10800];
	v4 =	vor.u32 v9, v4;
	v6 =	vmul.f32 $1.442695020e+00, v3  }
0x3ad: {  	v7 =	vsub.f32 $1.000000000e+00, v7  }
0x3ae: {  	(erf) = vpow2.f32 v6  }
0x3af: {  	s12 =	sand.u32 $0x1F0, s17;
	v11 =	vmul.f32 v7, v7  }
0x3b0: {  	v9 =	vmov s12;
	v12 =	vmul.f32 v5, v7;
	v5 =	vmul.f32 v5, v5  }
0x3b1: {  	s13 =	scvt.s32.f32 s19;
	v10 =	vshll.u32 v9, $0x3;
	v9 =	vor.u32 s12, v0;
	v6 =	vshll.u32 v8, $0x9;
	v4 =	vld.idx.msk [tilespmem:v4+s4+$0x0], $0xffff  }
0x3b2: {  	v13 =	vsub.f32 v7, v12;
	v5 =	vmul.f32 v5, v11;
	v12 =	vand.u32 $0xFFFFF000, v6;
	v6 =	vld [tilespmem:s14+$0x11800]  }
0x3b3: {  	s19 =	simm.s32 $0x0;
	s15 =	simm.s32 $0x4;
	v10 =	vand.u32 $0xC00, v10;
	v7 =	vadd.f32 s13, v1;
	v11 =	vshll.u32 v8, $0x7  }
0x3b4: {  	s16 =	simm.s32 $0xC0;
	s13 =	simm.s32 $0x30;
	v5 =	vmul.f32 $3.000000120e-01, v5;
	v8 =	vmul.f32 $3.000000120e-01, v13;
	s14 =	simm.s32 $0x0;
	v12 =	vadd.s32 s19, v12  }
.LBB2_24:
0x3b5: {  	p0 =	sne.s32 s15, $0x7F;
	s17 =	sand.u32 $0x600, s16;
	s18 =	sshll.u32 s14, $0x7;
	v13 =	vand.u32 $0x7F, v9;
	v10 =	vor.u32 v10, v12;
	v11 =	vand.u32 $0x380, v11  }
0x3b6: {  	s19 =	sand.u32 $0x70, s13;
	v7 =	vmul.f32 $1.953125000e-03, v7;
	s17 =	sadd.s32 s18, s17;
	v10 =	vor.u32 v11, v10;
	v8 =	vsub.f32 v5, v8  }
0x3b7: {  	s17 =	sor.u32 s19, s17;
	v11 =	vor.u32 v13, v10;
	v10 =	vmul.f32 $1.442695020e+00, v4;
	v6 =	vcvt.s32.f32 v6;
	v9 =	vpop (erf)  }
0x3b8: {  	s18 =	sand.u32 $0x1F0, s13;
	v13 =	vsub.f32 $1.000000000e+00, v7;
	v12 =	vld [tilespmem:s17+$0x10800];
	v7 =	vmul.f32 v8, v9;
	v8 =	vmul.f32 $-4.000000060e-01, v3;
	v3 =	vmovc v4  }
0x3b9: {  	v9 =	vor.u32 s18, v0;
	v4 =	vmul.f32 $1.953125000e-03, v6;
	(erf) = vpow2.f32 v10  }
0x3ba: {  	s19 =	scvt.s32.f32 s12;
	s12 =	smov.u32 s18;
	v6 =	vmov s18;
	v14 =	vmul.f32 v13, v13;
	v8 =	vadd.f32 v8, v7  }
.Ltmp11:
0x3bb: {  	v6 =	vshll.u32 v6, $0x3;
	v15 =	vmul.f32 v4, v13;
	v16 =	vmul.f32 v4, v4;
	(pc) =	sbr.rel @p0 .LBB2_24-.Ltmp11, $4  }
0x3bc: {  	v7 =	vadd.f32 s19, v1;
	v10 =	vand.u32 $0xC00, v6;
	v4 =	vld.idx.msk [tilespmem:v11+s4+$0x0], $0xffff;
	v5 =	vsub.f32 v8, v5  }
0x3bd: {  	v8 =	vshll.u32 v12, $0x9;
	v6 =	vld [tilespmem:s11+$0x11800];
	v13 =	vsub.f32 v13, v15;
	v14 =	vmul.f32 v16, v14;
	s11 =	smov.u32 s17  }
0x3be: {  	s13 =	sadd.s32 $0x10, s13;
	s17 =	sshll.u32 s14, $0xD;
	v11 =	vshll.u32 v12, $0x7;
	v8 =	vand.u32 $0xFFFFF000, v8;
	v2 =	vadd.f32 v5, v2  }
0x3bf: {  	s16 =	sadd.s32 $0x40, s16;
	s14 =	sshrl.u32 s15, $0x5;
	s15 =	sadd.s32 $0x1, s15;
	v12 =	vadd.s32 s17, v8;
	v5 =	vmul.f32 $3.000000120e-01, v14;
	v8 =	vmul.f32 $3.000000120e-01, v13  }
0x3c0: {  	s15 =	sand.u32 $0x600, s16;
	s19 =	sshll.u32 s14, $0x7  }
0x3c1: {  	s17 =	sand.u32 $0x70, s13;
	s15 =	sadd.s32 s19, s15  }
0x3c2: {  	s15 =	sor.u32 s17, s15  }
0x3c3: {  	v13 =	vld [tilespmem:s15+$0x10800];
	_ =	sdelay $0x3  }
0x3c4: {  	v9 =	vand.u32 $0x7F, v9;
	v10 =	vor.u32 v10, v12;
	s18 =	sand.u32 $0x1F0, s13  }
0x3c5: {  	v11 =	vand.u32 $0x380, v11;
	v12 =	vmov s18;
	v14 =	vshll.u32 v13, $0x9  }
0x3c6: {  	v10 =	vor.u32 v11, v10;
	s19 =	sshll.u32 s14, $0xD;
	v11 =	vshll.u32 v12, $0x3;
	v12 =	vand.u32 $0xFFFFF000, v14  }
0x3c7: {  	v11 =	vand.u32 $0xC00, v11;
	v13 =	vshll.u32 v13, $0x7;
	v12 =	vadd.s32 s19, v12  }
0x3c8: {  	v14 =	vor.u32 s18, v0;
	v11 =	vor.u32 v11, v12;
	v12 =	vand.u32 $0x380, v13  }
0x3c9: {  	v9 =	vor.u32 v9, v10;
	v10 =	vand.u32 $0x7F, v14;
	v11 =	vor.u32 v12, v11  }
0x3ca: {  	v10 =	vor.u32 v10, v11;
	_ =	sdelay $0x3  }
0x3cb: {  	v9 =	vld.idx.msk [tilespmem:v9+s4+$0x0], $0xffff  }
0x3cc: {  	v10 =	vld.idx.msk [tilespmem:v10+s4+$0x0], $0xffff;
	_ =	sdelay $0x2  }
0x3cd: {  	v11 =	vmul.f32 $1.442695020e+00, v4  }
0x3ce: {  	v7 =	vmul.f32 $1.953125000e-03, v7;
	v12 =	vmul.f32 $1.442695020e+00, v9  }
0x3cf: {  	(erf) = vpow2.f32 v11;
	v11 =	vmul.f32 $1.442695020e+00, v10  }
0x3d0: {  	v6 =	vcvt.s32.f32 v6;
	(erf) = vpow2.f32 v12  }
0x3d1: {  	v7 =	vsub.f32 $1.000000000e+00, v7;
	(erf) = vpow2.f32 v11  }
0x3d2: {  	v6 =	vmul.f32 $1.953125000e-03, v6  }
0x3d3: {  	v11 =	vmul.f32 v7, v7  }
0x3d4: {  	s16 =	rddreg [dreg:$0x10];
	v12 =	vmul.f32 v6, v7;
	v6 =	vmul.f32 v6, v6  }
0x3d5: {  	s12 =	scvt.s32.f32 s12;
	s17 =	sld [smem:$0x7FA];
	v14 =	vld [tilespmem:s15+$0x11800];
	s15 =	simm.s32 $0x0  }
0x3d6: {  	v13 =	vld [tilespmem:s11+$0x11800];
	[tilespmem:s4], [sflag:$0x2] =	stream.linear.gather [hbm4b:s16+s15], $0x8000, $0x38;
	v7 =	vsub.f32 v7, v12;
	v6 =	vmul.f32 v6, v11  }
0x3d7: {  	s19 =	sld [smem:$0x7FB];
	v11 =	vpop (erf)  }
0x3d8: {  	v15 =	vadd.f32 s12, v1;
	[tilespmem:s5], [sflag:$0x2] =	stream.strided.gather [hbm4b:s17+s30], $0x800, s31, s30, $0x38;
	v7 =	vmul.f32 $3.000000120e-01, v7;
	v6 =	vmul.f32 $3.000000120e-01, v6;
	v12 =	vpop (erf);
	[tilespmem:$0x12080] =	vst v63  }
0x3d9: {  	s18 =	scvt.s32.f32 s18;
	v16 =	vpop (erf)  }
0x3da: {  	v8 =	vsub.f32 v5, v8;
	v15 =	vmul.f32 $1.953125000e-03, v15;
	[tilespmem:s6], [sflag:$0x2] =	stream.strided.gather [hbm4b:s19+s30], $0x800, s31, s30, $0x38;
	v7 =	vsub.f32 v6, v7;
	v17 =	vpop (erf);
	[tilespmem:$0x12080] =	vst v63  }
0x3db: {  	v18 =	vadd.f32 s18, v1;
	v13 =	vcvt.s32.f32 v13;
	_ =	swait.ge [sflag:s7], $0x8000  }
0x3dc: {  	v8 =	vmul.f32 v8, v11;
	v11 =	vsub.f32 $1.000000000e+00, v15;
	v7 =	vmul.f32 v7, v12;
	[sflag:s7] =	ssyncset.done $0x0  }
0x3dd: {  	v12 =	vmul.f32 $1.953125000e-03, v13;
	v13 =	vmul.f32 $1.953125000e-03, v18;
	[sflag:s7] =	ssyncadd.s32 $0xFFFF8000  }
0x3de: {  	v14 =	vcvt.s32.f32 v14;
	v15 =	vmul.f32 v11, v11;
	_ =	swait.ge [sflag:s7], $0x800  }
0x3df: {  	v62 =	vmul.f32 v12, v11;
	v12 =	vmul.f32 v12, v12;
	v13 =	vsub.f32 $1.000000000e+00, v13;
	[sflag:s7] =	ssyncset.done $0x0  }
0x3e0: {  	v3 =	vmul.f32 $-4.000000060e-01, v3;
	v14 =	vmul.f32 $1.953125000e-03, v14;
	[sflag:s7] =	ssyncadd.s32 $0xFFFFF800  }
0x3e1: {  	s13 =	sand.u32 $0x600, s15;
	v11 =	vsub.f32 v11, v62;
	v12 =	vmul.f32 v12, v15;
	v15 =	vmul.f32 v13, v13;
	_ =	swait.ge [sflag:s7], $0x800  }
0x3e2: {  	s14 =	sand.u32 $0x70, s15;
	s12 =	sadd.s32 $0x0, s13;
	v63 =	vmul.f32 v14, v13;
	v14 =	vmul.f32 v14, v14;
	[sflag:s7] =	ssyncset.done $0x0  }
0x3e3: {  	s12 =	sor.u32 s14, s12;
	v3 =	vadd.f32 v3, v8;
	v8 =	vmul.f32 $3.000000120e-01, v12;
	v11 =	vmul.f32 $3.000000120e-01, v11;
	[sflag:s7] =	ssyncadd.s32 $0xFFFFF800  }
0x3e4: {  	v4 =	vmul.f32 $-4.000000060e-01, v4;
	v12 =	vsub.f32 v13, v63;
	v13 =	vmul.f32 v14, v15;
	v14 =	vld [tilespmem:s12+$0x10000]  }
0x3e5: {  	v3 =	vsub.f32 v3, v5;
	v5 =	vsub.f32 v8, v11  }
0x3e6: {  	v4 =	vadd.f32 v4, v7  }
0x3e7: {  	v2 =	vadd.f32 v3, v2;
	v3 =	vmul.f32 v5, v16;
	v5 =	vmul.f32 $-4.000000060e-01, v9  }
0x3e8: {  	s11 =	sand.u32 $0x1F0, s15;
	v4 =	vsub.f32 v4, v6;
	v7 =	vmul.f32 $3.000000120e-01, v13;
	v11 =	vmul.f32 $3.000000120e-01, v12  }
0x3e9: {  	v3 =	vadd.f32 v5, v3;
	v5 =	vmov s11;
	v9 =	vshll.u32 v14, $0x9  }
0x3ea: {  	s15 =	simm.s32 $0x40;
	s16 =	simm.s32 $0x0;
	v6 =	vsub.f32 v7, v11;
	v5 =	vshll.u32 v5, $0x3;
	v9 =	vand.u32 $0xFFFFF000, v9  }
0x3eb: {  	s13 =	sand.u32 $0x600, s15;
	s17 =	simm.s32 $0x10;
	v5 =	vand.u32 $0xC00, v5;
	v11 =	vshll.u32 v14, $0x7;
	v9 =	vadd.s32 s16, v9  }
0x3ec: {  	s13 =	sadd.s32 $0x0, s13;
	s18 =	sand.u32 $0x70, s17;
	v12 =	vor.u32 s11, v0;
	v5 =	vor.u32 v5, v9;
	v9 =	vand.u32 $0x380, v11  }
0x3ed: {  	s14 =	sor.u32 s18, s13;
	v11 =	vand.u32 $0x7F, v12;
	v5 =	vor.u32 v9, v5  }
0x3ee: {  	v2 =	vadd.f32 v4, v2;
	v3 =	vsub.f32 v3, v8;
	v9 =	vld [tilespmem:s14+$0x10000];
	v4 =	vor.u32 v11, v5  }
0x3ef: {  	s19 =	sand.u32 $0x1F0, s17;
	v10 =	vmul.f32 $-4.000000060e-01, v10;
	v6 =	vmul.f32 v6, v17  }
0x3f0: {  	v2 =	vadd.f32 v3, v2;
	v3 =	vmov s19  }
0x3f1: {  	s11 =	scvt.s32.f32 s11;
	v3 =	vshll.u32 v3, $0x3;
	v5 =	vadd.f32 v10, v6;
	v6 =	vld [tilespmem:s12+$0x11000]  }
0x3f2: {  	v11 =	vand.u32 $0xC00, v3  }
0x3f3: {  	v5 =	vsub.f32 v5, v7;
	v7 =	vadd.f32 s11, v1;
	v8 =	vshll.u32 v9, $0x9;
	v3 =	vld.idx.msk [tilespmem:v4+s1+$0x0], $0xffff  }
0x3f4: {  	s15 =	simm.s32 $0x80;
	s16 =	simm.s32 $0x0;
	v10 =	vor.u32 s19, v0;
	v4 =	vand.u32 $0xFFFFF000, v8  }
0x3f5: {  	s17 =	simm.s32 $0x20;
	s11 =	sand.u32 $0x600, s15;
	v7 =	vmul.f32 $1.953125000e-03, v7;
	v8 =	vshll.u32 v9, $0x7;
	v4 =	vadd.s32 s16, v4  }
0x3f6: {  	s18 =	sand.u32 $0x70, s17;
	s11 =	sadd.s32 $0x0, s11;
	v6 =	vcvt.s32.f32 v6;
	v8 =	vand.u32 $0x380, v8;
	v4 =	vor.u32 v11, v4  }
0x3f7: {  	s11 =	sor.u32 s18, s11;
	v2 =	vadd.f32 v5, v2;
	v9 =	vand.u32 $0x7F, v10;
	v4 =	vor.u32 v8, v4  }
0x3f8: {  	v5 =	vmul.f32 $1.953125000e-03, v6;
	v8 =	vld [tilespmem:s11+$0x10000];
	v4 =	vor.u32 v9, v4;
	v6 =	vmul.f32 $1.442695020e+00, v3  }
0x3f9: {  	v7 =	vsub.f32 $1.000000000e+00, v7  }
0x3fa: {  	(erf) = vpow2.f32 v6  }
0x3fb: {  	s12 =	sand.u32 $0x1F0, s17;
	v11 =	vmul.f32 v7, v7  }
0x3fc: {  	v9 =	vmov s12;
	v12 =	vmul.f32 v5, v7;
	v5 =	vmul.f32 v5, v5  }
0x3fd: {  	s13 =	scvt.s32.f32 s19;
	v10 =	vshll.u32 v9, $0x3;
	v9 =	vor.u32 s12, v0;
	v6 =	vshll.u32 v8, $0x9;
	v4 =	vld.idx.msk [tilespmem:v4+s1+$0x0], $0xffff  }
0x3fe: {  	v13 =	vsub.f32 v7, v12;
	v5 =	vmul.f32 v5, v11;
	v12 =	vand.u32 $0xFFFFF000, v6;
	v6 =	vld [tilespmem:s14+$0x11000]  }
0x3ff: {  	s19 =	simm.s32 $0x0;
	s15 =	simm.s32 $0x4;
	v10 =	vand.u32 $0xC00, v10;
	v7 =	vadd.f32 s13, v1;
	v11 =	vshll.u32 v8, $0x7  }
0x400: {  	s16 =	simm.s32 $0xC0;
	s13 =	simm.s32 $0x30;
	v5 =	vmul.f32 $3.000000120e-01, v5;
	v8 =	vmul.f32 $3.000000120e-01, v13;
	s14 =	simm.s32 $0x0;
	v12 =	vadd.s32 s19, v12  }
.LBB2_26:
0x401: {  	p0 =	sne.s32 s15, $0x7F;
	s17 =	sand.u32 $0x600, s16;
	s18 =	sshll.u32 s14, $0x7;
	v13 =	vand.u32 $0x7F, v9;
	v10 =	vor.u32 v10, v12;
	v11 =	vand.u32 $0x380, v11  }
0x402: {  	s19 =	sand.u32 $0x70, s13;
	v7 =	vmul.f32 $1.953125000e-03, v7;
	s17 =	sadd.s32 s18, s17;
	v10 =	vor.u32 v11, v10;
	v8 =	vsub.f32 v5, v8  }
0x403: {  	s17 =	sor.u32 s19, s17;
	v11 =	vor.u32 v13, v10;
	v10 =	vmul.f32 $1.442695020e+00, v4;
	v6 =	vcvt.s32.f32 v6;
	v9 =	vpop (erf)  }
0x404: {  	s18 =	sand.u32 $0x1F0, s13;
	v13 =	vsub.f32 $1.000000000e+00, v7;
	v12 =	vld [tilespmem:s17+$0x10000];
	v7 =	vmul.f32 v8, v9;
	v8 =	vmul.f32 $-4.000000060e-01, v3;
	v3 =	vmovc v4  }
0x405: {  	v9 =	vor.u32 s18, v0;
	v4 =	vmul.f32 $1.953125000e-03, v6;
	(erf) = vpow2.f32 v10  }
0x406: {  	s19 =	scvt.s32.f32 s12;
	s12 =	smov.u32 s18;
	v6 =	vmov s18;
	v14 =	vmul.f32 v13, v13;
	v8 =	vadd.f32 v8, v7  }
.Ltmp12:
0x407: {  	v6 =	vshll.u32 v6, $0x3;
	v15 =	vmul.f32 v4, v13;
	v16 =	vmul.f32 v4, v4;
	(pc) =	sbr.rel @p0 .LBB2_26-.Ltmp12, $4  }
0x408: {  	v7 =	vadd.f32 s19, v1;
	v10 =	vand.u32 $0xC00, v6;
	v4 =	vld.idx.msk [tilespmem:v11+s1+$0x0], $0xffff;
	v5 =	vsub.f32 v8, v5  }
0x409: {  	v8 =	vshll.u32 v12, $0x9;
	v6 =	vld [tilespmem:s11+$0x11000];
	v13 =	vsub.f32 v13, v15;
	v14 =	vmul.f32 v16, v14;
	s11 =	smov.u32 s17  }
0x40a: {  	s13 =	sadd.s32 $0x10, s13;
	s17 =	sshll.u32 s14, $0xD;
	v11 =	vshll.u32 v12, $0x7;
	v8 =	vand.u32 $0xFFFFF000, v8;
	v2 =	vadd.f32 v5, v2  }
0x40b: {  	s16 =	sadd.s32 $0x40, s16;
	s14 =	sshrl.u32 s15, $0x5;
	s15 =	sadd.s32 $0x1, s15;
	v12 =	vadd.s32 s17, v8;
	v5 =	vmul.f32 $3.000000120e-01, v14;
	v8 =	vmul.f32 $3.000000120e-01, v13  }
0x40c: {  	s15 =	sand.u32 $0x600, s16;
	s19 =	sshll.u32 s14, $0x7  }
0x40d: {  	s17 =	sand.u32 $0x70, s13;
	s15 =	sadd.s32 s19, s15  }
0x40e: {  	s15 =	sor.u32 s17, s15  }
0x40f: {  	v13 =	vld [tilespmem:s15+$0x10000];
	_ =	sdelay $0x3  }
0x410: {  	v9 =	vand.u32 $0x7F, v9;
	v10 =	vor.u32 v10, v12;
	s18 =	sand.u32 $0x1F0, s13  }
0x411: {  	v11 =	vand.u32 $0x380, v11;
	v12 =	vmov s18;
	v14 =	vshll.u32 v13, $0x9  }
0x412: {  	v10 =	vor.u32 v11, v10;
	s19 =	sshll.u32 s14, $0xD;
	v11 =	vshll.u32 v12, $0x3;
	v12 =	vand.u32 $0xFFFFF000, v14  }
0x413: {  	v11 =	vand.u32 $0xC00, v11;
	v13 =	vshll.u32 v13, $0x7;
	v12 =	vadd.s32 s19, v12  }
0x414: {  	v14 =	vor.u32 s18, v0;
	v11 =	vor.u32 v11, v12;
	v12 =	vand.u32 $0x380, v13  }
0x415: {  	v9 =	vor.u32 v9, v10;
	v10 =	vand.u32 $0x7F, v14;
	v11 =	vor.u32 v12, v11  }
0x416: {  	v10 =	vor.u32 v10, v11;
	_ =	sdelay $0x3  }
0x417: {  	v9 =	vld.idx.msk [tilespmem:v9+s1+$0x0], $0xffff  }
0x418: {  	v10 =	vld.idx.msk [tilespmem:v10+s1+$0x0], $0xffff;
	_ =	sdelay $0x2  }
0x419: {  	v11 =	vmul.f32 $1.442695020e+00, v4  }
0x41a: {  	v7 =	vmul.f32 $1.953125000e-03, v7;
	v12 =	vmul.f32 $1.442695020e+00, v9  }
0x41b: {  	(erf) = vpow2.f32 v11;
	v11 =	vmul.f32 $1.442695020e+00, v10  }
0x41c: {  	v6 =	vcvt.s32.f32 v6;
	(erf) = vpow2.f32 v12  }
0x41d: {  	v7 =	vsub.f32 $1.000000000e+00, v7;
	(erf) = vpow2.f32 v11  }
0x41e: {  	v6 =	vmul.f32 $1.953125000e-03, v6  }
0x41f: {  	v11 =	vmul.f32 v7, v7  }
0x420: {  	s16 =	rddreg [dreg:$0x11];
	v12 =	vmul.f32 v6, v7;
	v6 =	vmul.f32 v6, v6  }
0x421: {  	s12 =	scvt.s32.f32 s12;
	s17 =	sld [smem:$0x7FC];
	v14 =	vld [tilespmem:s15+$0x11000];
	s15 =	simm.s32 $0x0  }
0x422: {  	v13 =	vld [tilespmem:s11+$0x11000];
	[tilespmem:s15], [sflag:$0x1] =	stream.linear.gather [hbm4b:s16+s15], $0x8000, $0x38;
	v7 =	vsub.f32 v7, v12;
	v6 =	vmul.f32 v6, v11  }
0x423: {  	s19 =	sld [smem:$0x7FD];
	v11 =	vpop (erf)  }
0x424: {  	v15 =	vadd.f32 s12, v1;
	[tilespmem:s0], [sflag:$0x1] =	stream.strided.gather [hbm4b:s17+s30], $0x800, s31, s30, $0x38;
	v7 =	vmul.f32 $3.000000120e-01, v7;
	v6 =	vmul.f32 $3.000000120e-01, v6;
	v12 =	vpop (erf);
	[tilespmem:$0x12080] =	vst v63  }
0x425: {  	s18 =	scvt.s32.f32 s18;
	v16 =	vpop (erf)  }
0x426: {  	v8 =	vsub.f32 v5, v8;
	v15 =	vmul.f32 $1.953125000e-03, v15;
	[tilespmem:s3], [sflag:$0x1] =	stream.strided.gather [hbm4b:s19+s30], $0x800, s31, s30, $0x38;
	v7 =	vsub.f32 v6, v7;
	v17 =	vpop (erf);
	[tilespmem:$0x12080] =	vst v63  }
0x427: {  	v18 =	vadd.f32 s18, v1;
	v13 =	vcvt.s32.f32 v13;
	_ =	swait.ge [sflag:s8], $0x8000  }
0x428: {  	v8 =	vmul.f32 v8, v11;
	v11 =	vsub.f32 $1.000000000e+00, v15;
	v7 =	vmul.f32 v7, v12;
	[sflag:s8] =	ssyncset.done $0x0  }
0x429: {  	v12 =	vmul.f32 $1.953125000e-03, v13;
	v13 =	vmul.f32 $1.953125000e-03, v18;
	[sflag:s8] =	ssyncadd.s32 $0xFFFF8000  }
0x42a: {  	v14 =	vcvt.s32.f32 v14;
	v15 =	vmul.f32 v11, v11;
	_ =	swait.ge [sflag:s8], $0x800  }
0x42b: {  	v62 =	vmul.f32 v12, v11;
	v12 =	vmul.f32 v12, v12;
	v13 =	vsub.f32 $1.000000000e+00, v13;
	[sflag:s8] =	ssyncset.done $0x0  }
0x42c: {  	v3 =	vmul.f32 $-4.000000060e-01, v3;
	v14 =	vmul.f32 $1.953125000e-03, v14;
	[sflag:s8] =	ssyncadd.s32 $0xFFFFF800  }
0x42d: {  	s13 =	sand.u32 $0x600, s15;
	v11 =	vsub.f32 v11, v62;
	v12 =	vmul.f32 v12, v15;
	v15 =	vmul.f32 v13, v13;
	_ =	swait.ge [sflag:s8], $0x800  }
0x42e: {  	s14 =	sand.u32 $0x70, s15;
	s12 =	sadd.s32 $0x0, s13;
	v63 =	vmul.f32 v14, v13;
	v14 =	vmul.f32 v14, v14;
	[sflag:s8] =	ssyncset.done $0x0  }
0x42f: {  	s12 =	sor.u32 s14, s12;
	v3 =	vadd.f32 v3, v8;
	v8 =	vmul.f32 $3.000000120e-01, v12;
	v11 =	vmul.f32 $3.000000120e-01, v11;
	[sflag:s8] =	ssyncadd.s32 $0xFFFFF800  }
0x430: {  	v4 =	vmul.f32 $-4.000000060e-01, v4;
	v12 =	vsub.f32 v13, v63;
	v13 =	vmul.f32 v14, v15;
	v14 =	vld [tilespmem:s12+$0x10800]  }
0x431: {  	v3 =	vsub.f32 v3, v5;
	v5 =	vsub.f32 v8, v11  }
0x432: {  	v4 =	vadd.f32 v4, v7  }
0x433: {  	v2 =	vadd.f32 v3, v2;
	v3 =	vmul.f32 v5, v16;
	v5 =	vmul.f32 $-4.000000060e-01, v9  }
0x434: {  	s11 =	sand.u32 $0x1F0, s15;
	v4 =	vsub.f32 v4, v6;
	v7 =	vmul.f32 $3.000000120e-01, v13;
	v11 =	vmul.f32 $3.000000120e-01, v12  }
0x435: {  	v3 =	vadd.f32 v5, v3;
	v5 =	vmov s11;
	v9 =	vshll.u32 v14, $0x9  }
0x436: {  	s15 =	simm.s32 $0x40;
	s16 =	simm.s32 $0x0;
	v6 =	vsub.f32 v7, v11;
	v5 =	vshll.u32 v5, $0x3;
	v9 =	vand.u32 $0xFFFFF000, v9  }
0x437: {  	s13 =	sand.u32 $0x600, s15;
	s17 =	simm.s32 $0x10;
	v5 =	vand.u32 $0xC00, v5;
	v11 =	vshll.u32 v14, $0x7;
	v9 =	vadd.s32 s16, v9  }
0x438: {  	s13 =	sadd.s32 $0x0, s13;
	s18 =	sand.u32 $0x70, s17;
	v12 =	vor.u32 s11, v0;
	v5 =	vor.u32 v5, v9;
	v9 =	vand.u32 $0x380, v11  }
0x439: {  	s14 =	sor.u32 s18, s13;
	v11 =	vand.u32 $0x7F, v12;
	v5 =	vor.u32 v9, v5  }
0x43a: {  	v2 =	vadd.f32 v4, v2;
	v3 =	vsub.f32 v3, v8;
	v9 =	vld [tilespmem:s14+$0x10800];
	v4 =	vor.u32 v11, v5  }
0x43b: {  	s19 =	sand.u32 $0x1F0, s17;
	v10 =	vmul.f32 $-4.000000060e-01, v10;
	v6 =	vmul.f32 v6, v17  }
0x43c: {  	v2 =	vadd.f32 v3, v2;
	v3 =	vmov s19  }
0x43d: {  	s11 =	scvt.s32.f32 s11;
	v3 =	vshll.u32 v3, $0x3;
	v5 =	vadd.f32 v10, v6;
	v6 =	vld [tilespmem:s12+$0x11800]  }
0x43e: {  	v11 =	vand.u32 $0xC00, v3  }
0x43f: {  	v5 =	vsub.f32 v5, v7;
	v7 =	vadd.f32 s11, v1;
	v8 =	vshll.u32 v9, $0x9;
	v3 =	vld.idx.msk [tilespmem:v4+s4+$0x0], $0xffff  }
0x440: {  	s15 =	simm.s32 $0x80;
	s16 =	simm.s32 $0x0;
	v10 =	vor.u32 s19, v0;
	v4 =	vand.u32 $0xFFFFF000, v8  }
0x441: {  	s17 =	simm.s32 $0x20;
	s11 =	sand.u32 $0x600, s15;
	v7 =	vmul.f32 $1.953125000e-03, v7;
	v8 =	vshll.u32 v9, $0x7;
	v4 =	vadd.s32 s16, v4  }
0x442: {  	s18 =	sand.u32 $0x70, s17;
	s11 =	sadd.s32 $0x0, s11;
	v6 =	vcvt.s32.f32 v6;
	v8 =	vand.u32 $0x380, v8;
	v4 =	vor.u32 v11, v4  }
0x443: {  	s11 =	sor.u32 s18, s11;
	v2 =	vadd.f32 v5, v2;
	v9 =	vand.u32 $0x7F, v10;
	v4 =	vor.u32 v8, v4  }
0x444: {  	v5 =	vmul.f32 $1.953125000e-03, v6;
	v8 =	vld [tilespmem:s11+$0x10800];
	v4 =	vor.u32 v9, v4;
	v6 =	vmul.f32 $1.442695020e+00, v3  }
0x445: {  	v7 =	vsub.f32 $1.000000000e+00, v7  }
0x446: {  	(erf) = vpow2.f32 v6  }
0x447: {  	s12 =	sand.u32 $0x1F0, s17;
	v11 =	vmul.f32 v7, v7  }
0x448: {  	v9 =	vmov s12;
	v12 =	vmul.f32 v5, v7;
	v5 =	vmul.f32 v5, v5  }
0x449: {  	s13 =	scvt.s32.f32 s19;
	v10 =	vshll.u32 v9, $0x3;
	v9 =	vor.u32 s12, v0;
	v6 =	vshll.u32 v8, $0x9;
	v4 =	vld.idx.msk [tilespmem:v4+s4+$0x0], $0xffff  }
0x44a: {  	v13 =	vsub.f32 v7, v12;
	v5 =	vmul.f32 v5, v11;
	v12 =	vand.u32 $0xFFFFF000, v6;
	v6 =	vld [tilespmem:s14+$0x11800]  }
0x44b: {  	s19 =	simm.s32 $0x0;
	s15 =	simm.s32 $0x4;
	v10 =	vand.u32 $0xC00, v10;
	v7 =	vadd.f32 s13, v1;
	v11 =	vshll.u32 v8, $0x7  }
0x44c: {  	s16 =	simm.s32 $0xC0;
	s13 =	simm.s32 $0x30;
	v5 =	vmul.f32 $3.000000120e-01, v5;
	v8 =	vmul.f32 $3.000000120e-01, v13;
	s14 =	simm.s32 $0x0;
	v12 =	vadd.s32 s19, v12  }
.LBB2_28:
0x44d: {  	p0 =	sne.s32 s15, $0x7F;
	s17 =	sand.u32 $0x600, s16;
	s18 =	sshll.u32 s14, $0x7;
	v13 =	vand.u32 $0x7F, v9;
	v10 =	vor.u32 v10, v12;
	v11 =	vand.u32 $0x380, v11  }
0x44e: {  	s19 =	sand.u32 $0x70, s13;
	v7 =	vmul.f32 $1.953125000e-03, v7;
	s17 =	sadd.s32 s18, s17;
	v10 =	vor.u32 v11, v10;
	v8 =	vsub.f32 v5, v8  }
0x44f: {  	s17 =	sor.u32 s19, s17;
	v11 =	vor.u32 v13, v10;
	v10 =	vmul.f32 $1.442695020e+00, v4;
	v6 =	vcvt.s32.f32 v6;
	v9 =	vpop (erf)  }
0x450: {  	s18 =	sand.u32 $0x1F0, s13;
	v13 =	vsub.f32 $1.000000000e+00, v7;
	v12 =	vld [tilespmem:s17+$0x10800];
	v7 =	vmul.f32 v8, v9;
	v8 =	vmul.f32 $-4.000000060e-01, v3;
	v3 =	vmovc v4  }
0x451: {  	v9 =	vor.u32 s18, v0;
	v4 =	vmul.f32 $1.953125000e-03, v6;
	(erf) = vpow2.f32 v10  }
0x452: {  	s19 =	scvt.s32.f32 s12;
	s12 =	smov.u32 s18;
	v6 =	vmov s18;
	v14 =	vmul.f32 v13, v13;
	v8 =	vadd.f32 v8, v7  }
.Ltmp13:
0x453: {  	v6 =	vshll.u32 v6, $0x3;
	v15 =	vmul.f32 v4, v13;
	v16 =	vmul.f32 v4, v4;
	(pc) =	sbr.rel @p0 .LBB2_28-.Ltmp13, $4  }
0x454: {  	v7 =	vadd.f32 s19, v1;
	v10 =	vand.u32 $0xC00, v6;
	v4 =	vld.idx.msk [tilespmem:v11+s4+$0x0], $0xffff;
	v5 =	vsub.f32 v8, v5  }
0x455: {  	v8 =	vshll.u32 v12, $0x9;
	v6 =	vld [tilespmem:s11+$0x11800];
	v13 =	vsub.f32 v13, v15;
	v14 =	vmul.f32 v16, v14;
	s11 =	smov.u32 s17  }
0x456: {  	s13 =	sadd.s32 $0x10, s13;
	s17 =	sshll.u32 s14, $0xD;
	v11 =	vshll.u32 v12, $0x7;
	v8 =	vand.u32 $0xFFFFF000, v8;
	v2 =	vadd.f32 v5, v2  }
0x457: {  	s16 =	sadd.s32 $0x40, s16;
	s14 =	sshrl.u32 s15, $0x5;
	s15 =	sadd.s32 $0x1, s15;
	v12 =	vadd.s32 s17, v8;
	v5 =	vmul.f32 $3.000000120e-01, v14;
	v8 =	vmul.f32 $3.000000120e-01, v13  }
0x458: {  	s15 =	sand.u32 $0x600, s16;
	s18 =	sshll.u32 s14, $0x7  }
0x459: {  	s17 =	sand.u32 $0x70, s13;
	s15 =	sadd.s32 s18, s15  }
0x45a: {  	s15 =	sor.u32 s17, s15  }
0x45b: {  	v13 =	vld [tilespmem:s15+$0x10800];
	_ =	sdelay $0x3  }
0x45c: {  	v9 =	vand.u32 $0x7F, v9;
	v10 =	vor.u32 v10, v12;
	s19 =	sand.u32 $0x1F0, s13  }
0x45d: {  	v11 =	vand.u32 $0x380, v11;
	v12 =	vmov s19;
	v14 =	vshll.u32 v13, $0x9  }
0x45e: {  	s16 =	sshll.u32 s14, $0xD;
	v10 =	vor.u32 v11, v10;
	v11 =	vshll.u32 v12, $0x3;
	v12 =	vand.u32 $0xFFFFF000, v14  }
0x45f: {  	v11 =	vand.u32 $0xC00, v11;
	v13 =	vshll.u32 v13, $0x7;
	v12 =	vadd.s32 s16, v12  }
0x460: {  	v14 =	vor.u32 s19, v0;
	v11 =	vor.u32 v11, v12;
	v12 =	vand.u32 $0x380, v13  }
0x461: {  	v9 =	vor.u32 v9, v10;
	v10 =	vand.u32 $0x7F, v14;
	v11 =	vor.u32 v12, v11  }
0x462: {  	v10 =	vor.u32 v10, v11;
	_ =	sdelay $0x3  }
0x463: {  	v9 =	vld.idx.msk [tilespmem:v9+s4+$0x0], $0xffff  }
0x464: {  	v10 =	vld.idx.msk [tilespmem:v10+s4+$0x0], $0xffff;
	_ =	sdelay $0x2  }
0x465: {  	v11 =	vmul.f32 $1.442695020e+00, v4  }
0x466: {  	v7 =	vmul.f32 $1.953125000e-03, v7;
	v12 =	vmul.f32 $1.442695020e+00, v9  }
0x467: {  	(erf) = vpow2.f32 v11;
	v11 =	vmul.f32 $1.442695020e+00, v10  }
0x468: {  	v6 =	vcvt.s32.f32 v6;
	(erf) = vpow2.f32 v12  }
0x469: {  	v7 =	vsub.f32 $1.000000000e+00, v7;
	(erf) = vpow2.f32 v11  }
0x46a: {  	v6 =	vmul.f32 $1.953125000e-03, v6  }
0x46b: {  	v11 =	vmul.f32 v7, v7  }
0x46c: {  	v12 =	vmul.f32 v6, v7;
	v6 =	vmul.f32 v6, v6  }
0x46d: {  	s12 =	scvt.s32.f32 s12;
	s18 =	rddreg [dreg:$0x12];
	s17 =	simm.s32 $0x0;
	v14 =	vld [tilespmem:s15+$0x11800]  }
0x46e: {  	v13 =	vld [tilespmem:s11+$0x11800];
	[tilespmem:s4], [sflag:$0x2] =	stream.linear.gather [hbm4b:s18+s17], $0x8000, $0x38;
	v7 =	vsub.f32 v7, v12;
	v6 =	vmul.f32 v6, v11  }
0x46f: {  	v11 =	vpop (erf)  }
0x470: {  	v15 =	vadd.f32 s12, v1;
	[tilespmem:s5], [sflag:$0x2] =	stream.strided.gather [hbm4b:s20+s30], $0x800, s31, s30, $0x38;
	v7 =	vmul.f32 $3.000000120e-01, v7;
	v6 =	vmul.f32 $3.000000120e-01, v6;
	v12 =	vpop (erf);
	[tilespmem:$0x12080] =	vst v63  }
0x471: {  	s19 =	scvt.s32.f32 s19;
	v16 =	vpop (erf)  }
0x472: {  	v8 =	vsub.f32 v5, v8;
	v15 =	vmul.f32 $1.953125000e-03, v15;
	[tilespmem:s6], [sflag:$0x2] =	stream.strided.gather [hbm4b:s21+s30], $0x800, s31, s30, $0x38;
	v7 =	vsub.f32 v6, v7;
	v17 =	vpop (erf);
	[tilespmem:$0x12080] =	vst v63  }
0x473: {  	v18 =	vadd.f32 s19, v1;
	v13 =	vcvt.s32.f32 v13;
	_ =	swait.ge [sflag:s7], $0x8000  }
0x474: {  	v8 =	vmul.f32 v8, v11;
	v11 =	vsub.f32 $1.000000000e+00, v15;
	v7 =	vmul.f32 v7, v12;
	[sflag:s7] =	ssyncset.done $0x0  }
0x475: {  	v12 =	vmul.f32 $1.953125000e-03, v13;
	v13 =	vmul.f32 $1.953125000e-03, v18;
	[sflag:s7] =	ssyncadd.s32 $0xFFFF8000  }
0x476: {  	v14 =	vcvt.s32.f32 v14;
	v15 =	vmul.f32 v11, v11;
	_ =	swait.ge [sflag:s7], $0x800  }
0x477: {  	v62 =	vmul.f32 v12, v11;
	v12 =	vmul.f32 v12, v12;
	v13 =	vsub.f32 $1.000000000e+00, v13;
	[sflag:s7] =	ssyncset.done $0x0  }
0x478: {  	v3 =	vmul.f32 $-4.000000060e-01, v3;
	v14 =	vmul.f32 $1.953125000e-03, v14;
	[sflag:s7] =	ssyncadd.s32 $0xFFFFF800  }
0x479: {  	s13 =	sand.u32 $0x600, s17;
	v11 =	vsub.f32 v11, v62;
	v12 =	vmul.f32 v12, v15;
	v15 =	vmul.f32 v13, v13;
	_ =	swait.ge [sflag:s7], $0x800  }
0x47a: {  	s14 =	sand.u32 $0x70, s17;
	s12 =	sadd.s32 $0x0, s13;
	v63 =	vmul.f32 v14, v13;
	v14 =	vmul.f32 v14, v14;
	[sflag:s7] =	ssyncset.done $0x0  }
0x47b: {  	s12 =	sor.u32 s14, s12;
	v3 =	vadd.f32 v3, v8;
	v8 =	vmul.f32 $3.000000120e-01, v12;
	v11 =	vmul.f32 $3.000000120e-01, v11;
	[sflag:s7] =	ssyncadd.s32 $0xFFFFF800  }
0x47c: {  	v4 =	vmul.f32 $-4.000000060e-01, v4;
	v12 =	vsub.f32 v13, v63;
	v13 =	vmul.f32 v14, v15;
	v14 =	vld [tilespmem:s12+$0x10000]  }
0x47d: {  	v3 =	vsub.f32 v3, v5;
	v5 =	vsub.f32 v8, v11  }
0x47e: {  	v4 =	vadd.f32 v4, v7  }
0x47f: {  	v2 =	vadd.f32 v3, v2;
	v3 =	vmul.f32 v5, v16;
	v5 =	vmul.f32 $-4.000000060e-01, v9  }
0x480: {  	s11 =	sand.u32 $0x1F0, s17;
	v4 =	vsub.f32 v4, v6;
	v7 =	vmul.f32 $3.000000120e-01, v13;
	v11 =	vmul.f32 $3.000000120e-01, v12  }
0x481: {  	v3 =	vadd.f32 v5, v3;
	v5 =	vmov s11;
	v9 =	vshll.u32 v14, $0x9  }
0x482: {  	s15 =	simm.s32 $0x40;
	s16 =	simm.s32 $0x0;
	v6 =	vsub.f32 v7, v11;
	v5 =	vshll.u32 v5, $0x3;
	v9 =	vand.u32 $0xFFFFF000, v9  }
0x483: {  	s13 =	sand.u32 $0x600, s15;
	s17 =	simm.s32 $0x10;
	v5 =	vand.u32 $0xC00, v5;
	v11 =	vshll.u32 v14, $0x7;
	v9 =	vadd.s32 s16, v9  }
0x484: {  	s13 =	sadd.s32 $0x0, s13;
	s18 =	sand.u32 $0x70, s17;
	v12 =	vor.u32 s11, v0;
	v5 =	vor.u32 v5, v9;
	v9 =	vand.u32 $0x380, v11  }
0x485: {  	s14 =	sor.u32 s18, s13;
	v11 =	vand.u32 $0x7F, v12;
	v5 =	vor.u32 v9, v5  }
0x486: {  	v2 =	vadd.f32 v4, v2;
	v3 =	vsub.f32 v3, v8;
	v9 =	vld [tilespmem:s14+$0x10000];
	v4 =	vor.u32 v11, v5  }
0x487: {  	s19 =	sand.u32 $0x1F0, s17;
	v10 =	vmul.f32 $-4.000000060e-01, v10;
	v6 =	vmul.f32 v6, v17  }
0x488: {  	v2 =	vadd.f32 v3, v2;
	v3 =	vmov s19  }
0x489: {  	s11 =	scvt.s32.f32 s11;
	v3 =	vshll.u32 v3, $0x3;
	v5 =	vadd.f32 v10, v6;
	v6 =	vld [tilespmem:s12+$0x11000]  }
0x48a: {  	v11 =	vand.u32 $0xC00, v3  }
0x48b: {  	v5 =	vsub.f32 v5, v7;
	v7 =	vadd.f32 s11, v1;
	v8 =	vshll.u32 v9, $0x9;
	v3 =	vld.idx.msk [tilespmem:v4+s1+$0x0], $0xffff  }
0x48c: {  	s15 =	simm.s32 $0x80;
	s16 =	simm.s32 $0x0;
	v10 =	vor.u32 s19, v0;
	v4 =	vand.u32 $0xFFFFF000, v8  }
0x48d: {  	s17 =	simm.s32 $0x20;
	s11 =	sand.u32 $0x600, s15;
	v7 =	vmul.f32 $1.953125000e-03, v7;
	v8 =	vshll.u32 v9, $0x7;
	v4 =	vadd.s32 s16, v4  }
0x48e: {  	s18 =	sand.u32 $0x70, s17;
	s11 =	sadd.s32 $0x0, s11;
	v6 =	vcvt.s32.f32 v6;
	v8 =	vand.u32 $0x380, v8;
	v4 =	vor.u32 v11, v4  }
0x48f: {  	s11 =	sor.u32 s18, s11;
	v2 =	vadd.f32 v5, v2;
	v9 =	vand.u32 $0x7F, v10;
	v4 =	vor.u32 v8, v4  }
0x490: {  	v5 =	vmul.f32 $1.953125000e-03, v6;
	v8 =	vld [tilespmem:s11+$0x10000];
	v4 =	vor.u32 v9, v4;
	v6 =	vmul.f32 $1.442695020e+00, v3  }
0x491: {  	v7 =	vsub.f32 $1.000000000e+00, v7  }
0x492: {  	(erf) = vpow2.f32 v6  }
0x493: {  	s12 =	sand.u32 $0x1F0, s17;
	v11 =	vmul.f32 v7, v7  }
0x494: {  	v9 =	vmov s12;
	v12 =	vmul.f32 v5, v7;
	v5 =	vmul.f32 v5, v5  }
0x495: {  	s13 =	scvt.s32.f32 s19;
	v10 =	vshll.u32 v9, $0x3;
	v9 =	vor.u32 s12, v0;
	v6 =	vshll.u32 v8, $0x9;
	v4 =	vld.idx.msk [tilespmem:v4+s1+$0x0], $0xffff  }
0x496: {  	v13 =	vsub.f32 v7, v12;
	v5 =	vmul.f32 v5, v11;
	v12 =	vand.u32 $0xFFFFF000, v6;
	v6 =	vld [tilespmem:s14+$0x11000]  }
0x497: {  	s19 =	simm.s32 $0x0;
	s15 =	simm.s32 $0x4;
	v10 =	vand.u32 $0xC00, v10;
	v7 =	vadd.f32 s13, v1;
	v11 =	vshll.u32 v8, $0x7  }
0x498: {  	s16 =	simm.s32 $0xC0;
	s13 =	simm.s32 $0x30;
	v5 =	vmul.f32 $3.000000120e-01, v5;
	v8 =	vmul.f32 $3.000000120e-01, v13;
	s14 =	simm.s32 $0x0;
	v12 =	vadd.s32 s19, v12  }
.LBB2_30:
0x499: {  	p0 =	sne.s32 s15, $0x7F;
	s17 =	sand.u32 $0x600, s16;
	s18 =	sshll.u32 s14, $0x7;
	v13 =	vand.u32 $0x7F, v9;
	v10 =	vor.u32 v10, v12;
	v11 =	vand.u32 $0x380, v11  }
0x49a: {  	s19 =	sand.u32 $0x70, s13;
	v7 =	vmul.f32 $1.953125000e-03, v7;
	s17 =	sadd.s32 s18, s17;
	v10 =	vor.u32 v11, v10;
	v8 =	vsub.f32 v5, v8  }
0x49b: {  	s17 =	sor.u32 s19, s17;
	v11 =	vor.u32 v13, v10;
	v10 =	vmul.f32 $1.442695020e+00, v4;
	v6 =	vcvt.s32.f32 v6;
	v9 =	vpop (erf)  }
0x49c: {  	s18 =	sand.u32 $0x1F0, s13;
	v13 =	vsub.f32 $1.000000000e+00, v7;
	v12 =	vld [tilespmem:s17+$0x10000];
	v7 =	vmul.f32 v8, v9;
	v8 =	vmul.f32 $-4.000000060e-01, v3;
	v3 =	vmovc v4  }
0x49d: {  	v9 =	vor.u32 s18, v0;
	v4 =	vmul.f32 $1.953125000e-03, v6;
	(erf) = vpow2.f32 v10  }
0x49e: {  	s19 =	scvt.s32.f32 s12;
	s12 =	smov.u32 s18;
	v6 =	vmov s18;
	v14 =	vmul.f32 v13, v13;
	v8 =	vadd.f32 v8, v7  }
.Ltmp14:
0x49f: {  	v6 =	vshll.u32 v6, $0x3;
	v15 =	vmul.f32 v4, v13;
	v16 =	vmul.f32 v4, v4;
	(pc) =	sbr.rel @p0 .LBB2_30-.Ltmp14, $4  }
0x4a0: {  	v7 =	vadd.f32 s19, v1;
	v10 =	vand.u32 $0xC00, v6;
	v4 =	vld.idx.msk [tilespmem:v11+s1+$0x0], $0xffff;
	v5 =	vsub.f32 v8, v5  }
0x4a1: {  	v8 =	vshll.u32 v12, $0x9;
	v6 =	vld [tilespmem:s11+$0x11000];
	v13 =	vsub.f32 v13, v15;
	v14 =	vmul.f32 v16, v14;
	s11 =	smov.u32 s17  }
0x4a2: {  	s13 =	sadd.s32 $0x10, s13;
	s17 =	sshll.u32 s14, $0xD;
	v11 =	vshll.u32 v12, $0x7;
	v8 =	vand.u32 $0xFFFFF000, v8;
	v2 =	vadd.f32 v5, v2  }
0x4a3: {  	s16 =	sadd.s32 $0x40, s16;
	s14 =	sshrl.u32 s15, $0x5;
	s15 =	sadd.s32 $0x1, s15;
	v12 =	vadd.s32 s17, v8;
	v5 =	vmul.f32 $3.000000120e-01, v14;
	v8 =	vmul.f32 $3.000000120e-01, v13  }
0x4a4: {  	s15 =	sand.u32 $0x600, s16;
	s18 =	sshll.u32 s14, $0x7  }
0x4a5: {  	s17 =	sand.u32 $0x70, s13;
	s15 =	sadd.s32 s18, s15  }
0x4a6: {  	s15 =	sor.u32 s17, s15  }
0x4a7: {  	v13 =	vld [tilespmem:s15+$0x10000];
	_ =	sdelay $0x3  }
0x4a8: {  	v9 =	vand.u32 $0x7F, v9;
	v10 =	vor.u32 v10, v12;
	s19 =	sand.u32 $0x1F0, s13  }
0x4a9: {  	v11 =	vand.u32 $0x380, v11;
	v12 =	vmov s19;
	v14 =	vshll.u32 v13, $0x9  }
0x4aa: {  	s16 =	sshll.u32 s14, $0xD;
	v10 =	vor.u32 v11, v10;
	v11 =	vshll.u32 v12, $0x3;
	v12 =	vand.u32 $0xFFFFF000, v14  }
0x4ab: {  	v11 =	vand.u32 $0xC00, v11;
	v13 =	vshll.u32 v13, $0x7;
	v12 =	vadd.s32 s16, v12  }
0x4ac: {  	v14 =	vor.u32 s19, v0;
	v11 =	vor.u32 v11, v12;
	v12 =	vand.u32 $0x380, v13  }
0x4ad: {  	v9 =	vor.u32 v9, v10;
	v10 =	vand.u32 $0x7F, v14;
	v11 =	vor.u32 v12, v11  }
0x4ae: {  	v10 =	vor.u32 v10, v11;
	_ =	sdelay $0x3  }
0x4af: {  	v9 =	vld.idx.msk [tilespmem:v9+s1+$0x0], $0xffff  }
0x4b0: {  	v10 =	vld.idx.msk [tilespmem:v10+s1+$0x0], $0xffff;
	_ =	sdelay $0x2  }
0x4b1: {  	v11 =	vmul.f32 $1.442695020e+00, v4  }
0x4b2: {  	v7 =	vmul.f32 $1.953125000e-03, v7;
	v12 =	vmul.f32 $1.442695020e+00, v9  }
0x4b3: {  	(erf) = vpow2.f32 v11;
	v11 =	vmul.f32 $1.442695020e+00, v10  }
0x4b4: {  	v6 =	vcvt.s32.f32 v6;
	(erf) = vpow2.f32 v12  }
0x4b5: {  	v7 =	vsub.f32 $1.000000000e+00, v7;
	(erf) = vpow2.f32 v11  }
0x4b6: {  	v6 =	vmul.f32 $1.953125000e-03, v6  }
0x4b7: {  	v11 =	vmul.f32 v7, v7  }
0x4b8: {  	v12 =	vmul.f32 v6, v7;
	v6 =	vmul.f32 v6, v6  }
0x4b9: {  	s12 =	scvt.s32.f32 s12;
	s18 =	rddreg [dreg:$0x13];
	s17 =	simm.s32 $0x0;
	v14 =	vld [tilespmem:s15+$0x11000]  }
0x4ba: {  	v13 =	vld [tilespmem:s11+$0x11000];
	[tilespmem:s17], [sflag:$0x1] =	stream.linear.gather [hbm4b:s18+s17], $0x8000, $0x38;
	v7 =	vsub.f32 v7, v12;
	v6 =	vmul.f32 v6, v11  }
0x4bb: {  	v11 =	vpop (erf)  }
0x4bc: {  	v15 =	vadd.f32 s12, v1;
	[tilespmem:s0], [sflag:$0x1] =	stream.strided.gather [hbm4b:s22+s30], $0x800, s31, s30, $0x38;
	v7 =	vmul.f32 $3.000000120e-01, v7;
	v6 =	vmul.f32 $3.000000120e-01, v6;
	v12 =	vpop (erf);
	[tilespmem:$0x12080] =	vst v63  }
0x4bd: {  	s19 =	scvt.s32.f32 s19;
	v16 =	vpop (erf)  }
0x4be: {  	v8 =	vsub.f32 v5, v8;
	v15 =	vmul.f32 $1.953125000e-03, v15;
	[tilespmem:s3], [sflag:$0x1] =	stream.strided.gather [hbm4b:s23+s30], $0x800, s31, s30, $0x38;
	v7 =	vsub.f32 v6, v7;
	v17 =	vpop (erf);
	[tilespmem:$0x12080] =	vst v63  }
0x4bf: {  	v18 =	vadd.f32 s19, v1;
	v13 =	vcvt.s32.f32 v13;
	_ =	swait.ge [sflag:s8], $0x8000  }
0x4c0: {  	v8 =	vmul.f32 v8, v11;
	v11 =	vsub.f32 $1.000000000e+00, v15;
	v7 =	vmul.f32 v7, v12;
	[sflag:s8] =	ssyncset.done $0x0  }
0x4c1: {  	v12 =	vmul.f32 $1.953125000e-03, v13;
	v13 =	vmul.f32 $1.953125000e-03, v18;
	[sflag:s8] =	ssyncadd.s32 $0xFFFF8000  }
0x4c2: {  	v14 =	vcvt.s32.f32 v14;
	v15 =	vmul.f32 v11, v11;
	_ =	swait.ge [sflag:s8], $0x800  }
0x4c3: {  	v62 =	vmul.f32 v12, v11;
	v12 =	vmul.f32 v12, v12;
	v13 =	vsub.f32 $1.000000000e+00, v13;
	[sflag:s8] =	ssyncset.done $0x0  }
0x4c4: {  	v3 =	vmul.f32 $-4.000000060e-01, v3;
	v14 =	vmul.f32 $1.953125000e-03, v14;
	[sflag:s8] =	ssyncadd.s32 $0xFFFFF800  }
0x4c5: {  	s13 =	sand.u32 $0x600, s17;
	v11 =	vsub.f32 v11, v62;
	v12 =	vmul.f32 v12, v15;
	v15 =	vmul.f32 v13, v13;
	_ =	swait.ge [sflag:s8], $0x800  }
0x4c6: {  	s14 =	sand.u32 $0x70, s17;
	s12 =	sadd.s32 $0x0, s13;
	v63 =	vmul.f32 v14, v13;
	v14 =	vmul.f32 v14, v14;
	[sflag:s8] =	ssyncset.done $0x0  }
0x4c7: {  	s12 =	sor.u32 s14, s12;
	v3 =	vadd.f32 v3, v8;
	v8 =	vmul.f32 $3.000000120e-01, v12;
	v11 =	vmul.f32 $3.000000120e-01, v11;
	[sflag:s8] =	ssyncadd.s32 $0xFFFFF800  }
0x4c8: {  	v4 =	vmul.f32 $-4.000000060e-01, v4;
	v12 =	vsub.f32 v13, v63;
	v13 =	vmul.f32 v14, v15;
	v14 =	vld [tilespmem:s12+$0x10800]  }
0x4c9: {  	v3 =	vsub.f32 v3, v5;
	v5 =	vsub.f32 v8, v11  }
0x4ca: {  	v4 =	vadd.f32 v4, v7  }
0x4cb: {  	v2 =	vadd.f32 v3, v2;
	v3 =	vmul.f32 v5, v16;
	v5 =	vmul.f32 $-4.000000060e-01, v9  }
0x4cc: {  	s11 =	sand.u32 $0x1F0, s17;
	v4 =	vsub.f32 v4, v6;
	v7 =	vmul.f32 $3.000000120e-01, v13;
	v11 =	vmul.f32 $3.000000120e-01, v12  }
0x4cd: {  	v3 =	vadd.f32 v5, v3;
	v5 =	vmov s11;
	v9 =	vshll.u32 v14, $0x9  }
0x4ce: {  	s15 =	simm.s32 $0x40;
	s16 =	simm.s32 $0x0;
	v6 =	vsub.f32 v7, v11;
	v5 =	vshll.u32 v5, $0x3;
	v9 =	vand.u32 $0xFFFFF000, v9  }
0x4cf: {  	s13 =	sand.u32 $0x600, s15;
	s17 =	simm.s32 $0x10;
	v5 =	vand.u32 $0xC00, v5;
	v11 =	vshll.u32 v14, $0x7;
	v9 =	vadd.s32 s16, v9  }
0x4d0: {  	s13 =	sadd.s32 $0x0, s13;
	s18 =	sand.u32 $0x70, s17;
	v12 =	vor.u32 s11, v0;
	v5 =	vor.u32 v5, v9;
	v9 =	vand.u32 $0x380, v11  }
0x4d1: {  	s14 =	sor.u32 s18, s13;
	v11 =	vand.u32 $0x7F, v12;
	v5 =	vor.u32 v9, v5  }
0x4d2: {  	v2 =	vadd.f32 v4, v2;
	v3 =	vsub.f32 v3, v8;
	v9 =	vld [tilespmem:s14+$0x10800];
	v4 =	vor.u32 v11, v5  }
0x4d3: {  	s19 =	sand.u32 $0x1F0, s17;
	v10 =	vmul.f32 $-4.000000060e-01, v10;
	v6 =	vmul.f32 v6, v17  }
0x4d4: {  	v2 =	vadd.f32 v3, v2;
	v3 =	vmov s19  }
0x4d5: {  	s11 =	scvt.s32.f32 s11;
	v3 =	vshll.u32 v3, $0x3;
	v5 =	vadd.f32 v10, v6;
	v6 =	vld [tilespmem:s12+$0x11800]  }
0x4d6: {  	v11 =	vand.u32 $0xC00, v3  }
0x4d7: {  	v5 =	vsub.f32 v5, v7;
	v7 =	vadd.f32 s11, v1;
	v8 =	vshll.u32 v9, $0x9;
	v3 =	vld.idx.msk [tilespmem:v4+s4+$0x0], $0xffff  }
0x4d8: {  	s15 =	simm.s32 $0x80;
	s16 =	simm.s32 $0x0;
	v10 =	vor.u32 s19, v0;
	v4 =	vand.u32 $0xFFFFF000, v8  }
0x4d9: {  	s17 =	simm.s32 $0x20;
	s11 =	sand.u32 $0x600, s15;
	v7 =	vmul.f32 $1.953125000e-03, v7;
	v8 =	vshll.u32 v9, $0x7;
	v4 =	vadd.s32 s16, v4  }
0x4da: {  	s18 =	sand.u32 $0x70, s17;
	s11 =	sadd.s32 $0x0, s11;
	v6 =	vcvt.s32.f32 v6;
	v8 =	vand.u32 $0x380, v8;
	v4 =	vor.u32 v11, v4  }
0x4db: {  	s11 =	sor.u32 s18, s11;
	v2 =	vadd.f32 v5, v2;
	v9 =	vand.u32 $0x7F, v10;
	v4 =	vor.u32 v8, v4  }
0x4dc: {  	v5 =	vmul.f32 $1.953125000e-03, v6;
	v8 =	vld [tilespmem:s11+$0x10800];
	v4 =	vor.u32 v9, v4;
	v6 =	vmul.f32 $1.442695020e+00, v3  }
0x4dd: {  	v7 =	vsub.f32 $1.000000000e+00, v7  }
0x4de: {  	(erf) = vpow2.f32 v6  }
0x4df: {  	s12 =	sand.u32 $0x1F0, s17;
	v11 =	vmul.f32 v7, v7  }
0x4e0: {  	v9 =	vmov s12;
	v12 =	vmul.f32 v5, v7;
	v5 =	vmul.f32 v5, v5  }
0x4e1: {  	s13 =	scvt.s32.f32 s19;
	v10 =	vshll.u32 v9, $0x3;
	v9 =	vor.u32 s12, v0;
	v6 =	vshll.u32 v8, $0x9;
	v4 =	vld.idx.msk [tilespmem:v4+s4+$0x0], $0xffff  }
0x4e2: {  	v13 =	vsub.f32 v7, v12;
	v5 =	vmul.f32 v5, v11;
	v12 =	vand.u32 $0xFFFFF000, v6;
	v6 =	vld [tilespmem:s14+$0x11800]  }
0x4e3: {  	s19 =	simm.s32 $0x0;
	s15 =	simm.s32 $0x4;
	v10 =	vand.u32 $0xC00, v10;
	v7 =	vadd.f32 s13, v1;
	v11 =	vshll.u32 v8, $0x7  }
0x4e4: {  	s16 =	simm.s32 $0xC0;
	s13 =	simm.s32 $0x30;
	v5 =	vmul.f32 $3.000000120e-01, v5;
	v8 =	vmul.f32 $3.000000120e-01, v13;
	s14 =	simm.s32 $0x0;
	v12 =	vadd.s32 s19, v12  }
.LBB2_32:
0x4e5: {  	p0 =	sne.s32 s15, $0x7F;
	s17 =	sand.u32 $0x600, s16;
	s18 =	sshll.u32 s14, $0x7;
	v13 =	vand.u32 $0x7F, v9;
	v10 =	vor.u32 v10, v12;
	v11 =	vand.u32 $0x380, v11  }
0x4e6: {  	s19 =	sand.u32 $0x70, s13;
	v7 =	vmul.f32 $1.953125000e-03, v7;
	s17 =	sadd.s32 s18, s17;
	v10 =	vor.u32 v11, v10;
	v8 =	vsub.f32 v5, v8  }
0x4e7: {  	s17 =	sor.u32 s19, s17;
	v11 =	vor.u32 v13, v10;
	v10 =	vmul.f32 $1.442695020e+00, v4;
	v6 =	vcvt.s32.f32 v6;
	v9 =	vpop (erf)  }
0x4e8: {  	s18 =	sand.u32 $0x1F0, s13;
	v13 =	vsub.f32 $1.000000000e+00, v7;
	v12 =	vld [tilespmem:s17+$0x10800];
	v7 =	vmul.f32 v8, v9;
	v8 =	vmul.f32 $-4.000000060e-01, v3;
	v3 =	vmovc v4  }
0x4e9: {  	v9 =	vor.u32 s18, v0;
	v4 =	vmul.f32 $1.953125000e-03, v6;
	(erf) = vpow2.f32 v10  }
0x4ea: {  	s19 =	scvt.s32.f32 s12;
	s12 =	smov.u32 s18;
	v6 =	vmov s18;
	v14 =	vmul.f32 v13, v13;
	v8 =	vadd.f32 v8, v7  }
.Ltmp15:
0x4eb: {  	v6 =	vshll.u32 v6, $0x3;
	v15 =	vmul.f32 v4, v13;
	v16 =	vmul.f32 v4, v4;
	(pc) =	sbr.rel @p0 .LBB2_32-.Ltmp15, $4  }
0x4ec: {  	v7 =	vadd.f32 s19, v1;
	v10 =	vand.u32 $0xC00, v6;
	v4 =	vld.idx.msk [tilespmem:v11+s4+$0x0], $0xffff;
	v5 =	vsub.f32 v8, v5  }
0x4ed: {  	v8 =	vshll.u32 v12, $0x9;
	v6 =	vld [tilespmem:s11+$0x11800];
	v13 =	vsub.f32 v13, v15;
	v14 =	vmul.f32 v16, v14;
	s11 =	smov.u32 s17  }
0x4ee: {  	s13 =	sadd.s32 $0x10, s13;
	s17 =	sshll.u32 s14, $0xD;
	v11 =	vshll.u32 v12, $0x7;
	v8 =	vand.u32 $0xFFFFF000, v8;
	v2 =	vadd.f32 v5, v2  }
0x4ef: {  	s16 =	sadd.s32 $0x40, s16;
	s14 =	sshrl.u32 s15, $0x5;
	s15 =	sadd.s32 $0x1, s15;
	v12 =	vadd.s32 s17, v8;
	v5 =	vmul.f32 $3.000000120e-01, v14;
	v8 =	vmul.f32 $3.000000120e-01, v13  }
0x4f0: {  	s15 =	sand.u32 $0x600, s16;
	s18 =	sshll.u32 s14, $0x7  }
0x4f1: {  	s17 =	sand.u32 $0x70, s13;
	s15 =	sadd.s32 s18, s15  }
0x4f2: {  	s15 =	sor.u32 s17, s15  }
0x4f3: {  	v13 =	vld [tilespmem:s15+$0x10800];
	_ =	sdelay $0x3  }
0x4f4: {  	v9 =	vand.u32 $0x7F, v9;
	v10 =	vor.u32 v10, v12;
	s19 =	sand.u32 $0x1F0, s13  }
0x4f5: {  	v11 =	vand.u32 $0x380, v11;
	v12 =	vmov s19;
	v14 =	vshll.u32 v13, $0x9  }
0x4f6: {  	s16 =	sshll.u32 s14, $0xD;
	v10 =	vor.u32 v11, v10;
	v11 =	vshll.u32 v12, $0x3;
	v12 =	vand.u32 $0xFFFFF000, v14  }
0x4f7: {  	v11 =	vand.u32 $0xC00, v11;
	v13 =	vshll.u32 v13, $0x7;
	v12 =	vadd.s32 s16, v12  }
0x4f8: {  	v14 =	vor.u32 s19, v0;
	v11 =	vor.u32 v11, v12;
	v12 =	vand.u32 $0x380, v13  }
0x4f9: {  	v9 =	vor.u32 v9, v10;
	v10 =	vand.u32 $0x7F, v14;
	v11 =	vor.u32 v12, v11  }
0x4fa: {  	v10 =	vor.u32 v10, v11;
	_ =	sdelay $0x3  }
0x4fb: {  	v9 =	vld.idx.msk [tilespmem:v9+s4+$0x0], $0xffff  }
0x4fc: {  	v10 =	vld.idx.msk [tilespmem:v10+s4+$0x0], $0xffff;
	_ =	sdelay $0x2  }
0x4fd: {  	v11 =	vmul.f32 $1.442695020e+00, v4  }
0x4fe: {  	v7 =	vmul.f32 $1.953125000e-03, v7;
	v12 =	vmul.f32 $1.442695020e+00, v9  }
0x4ff: {  	(erf) = vpow2.f32 v11;
	v11 =	vmul.f32 $1.442695020e+00, v10  }
0x500: {  	v6 =	vcvt.s32.f32 v6;
	(erf) = vpow2.f32 v12  }
0x501: {  	v7 =	vsub.f32 $1.000000000e+00, v7;
	(erf) = vpow2.f32 v11  }
0x502: {  	v6 =	vmul.f32 $1.953125000e-03, v6  }
0x503: {  	v11 =	vmul.f32 v7, v7  }
0x504: {  	v12 =	vmul.f32 v6, v7;
	v6 =	vmul.f32 v6, v6  }
0x505: {  	s12 =	scvt.s32.f32 s12;
	s18 =	rddreg [dreg:$0x14];
	s17 =	simm.s32 $0x0;
	v14 =	vld [tilespmem:s15+$0x11800]  }
0x506: {  	v13 =	vld [tilespmem:s11+$0x11800];
	[tilespmem:s4], [sflag:$0x2] =	stream.linear.gather [hbm4b:s18+s17], $0x8000, $0x38;
	v7 =	vsub.f32 v7, v12;
	v6 =	vmul.f32 v6, v11  }
0x507: {  	v11 =	vpop (erf)  }
0x508: {  	v15 =	vadd.f32 s12, v1;
	[tilespmem:s5], [sflag:$0x2] =	stream.strided.gather [hbm4b:s24+s30], $0x800, s31, s30, $0x38;
	v7 =	vmul.f32 $3.000000120e-01, v7;
	v6 =	vmul.f32 $3.000000120e-01, v6;
	v12 =	vpop (erf);
	[tilespmem:$0x12080] =	vst v63  }
0x509: {  	s19 =	scvt.s32.f32 s19;
	v16 =	vpop (erf)  }
0x50a: {  	v8 =	vsub.f32 v5, v8;
	v15 =	vmul.f32 $1.953125000e-03, v15;
	[tilespmem:s6], [sflag:$0x2] =	stream.strided.gather [hbm4b:s25+s30], $0x800, s31, s30, $0x38;
	v7 =	vsub.f32 v6, v7;
	v17 =	vpop (erf);
	[tilespmem:$0x12080] =	vst v63  }
0x50b: {  	v18 =	vadd.f32 s19, v1;
	v13 =	vcvt.s32.f32 v13;
	_ =	swait.ge [sflag:s7], $0x8000  }
0x50c: {  	v8 =	vmul.f32 v8, v11;
	v11 =	vsub.f32 $1.000000000e+00, v15;
	v7 =	vmul.f32 v7, v12;
	[sflag:s7] =	ssyncset.done $0x0  }
0x50d: {  	v12 =	vmul.f32 $1.953125000e-03, v13;
	v13 =	vmul.f32 $1.953125000e-03, v18;
	[sflag:s7] =	ssyncadd.s32 $0xFFFF8000  }
0x50e: {  	v14 =	vcvt.s32.f32 v14;
	v15 =	vmul.f32 v11, v11;
	_ =	swait.ge [sflag:s7], $0x800  }
0x50f: {  	v62 =	vmul.f32 v12, v11;
	v12 =	vmul.f32 v12, v12;
	v13 =	vsub.f32 $1.000000000e+00, v13;
	[sflag:s7] =	ssyncset.done $0x0  }
0x510: {  	v3 =	vmul.f32 $-4.000000060e-01, v3;
	v14 =	vmul.f32 $1.953125000e-03, v14;
	[sflag:s7] =	ssyncadd.s32 $0xFFFFF800  }
0x511: {  	s13 =	sand.u32 $0x600, s17;
	v11 =	vsub.f32 v11, v62;
	v12 =	vmul.f32 v12, v15;
	v15 =	vmul.f32 v13, v13;
	_ =	swait.ge [sflag:s7], $0x800  }
0x512: {  	s14 =	sand.u32 $0x70, s17;
	s12 =	sadd.s32 $0x0, s13;
	v63 =	vmul.f32 v14, v13;
	v14 =	vmul.f32 v14, v14;
	[sflag:s7] =	ssyncset.done $0x0  }
0x513: {  	s12 =	sor.u32 s14, s12;
	v3 =	vadd.f32 v3, v8;
	v8 =	vmul.f32 $3.000000120e-01, v12;
	v11 =	vmul.f32 $3.000000120e-01, v11;
	[sflag:s7] =	ssyncadd.s32 $0xFFFFF800  }
0x514: {  	v4 =	vmul.f32 $-4.000000060e-01, v4;
	v12 =	vsub.f32 v13, v63;
	v13 =	vmul.f32 v14, v15;
	v14 =	vld [tilespmem:s12+$0x10000]  }
0x515: {  	v3 =	vsub.f32 v3, v5;
	v5 =	vsub.f32 v8, v11  }
0x516: {  	v4 =	vadd.f32 v4, v7  }
0x517: {  	v2 =	vadd.f32 v3, v2;
	v3 =	vmul.f32 v5, v16;
	v5 =	vmul.f32 $-4.000000060e-01, v9  }
0x518: {  	s11 =	sand.u32 $0x1F0, s17;
	v4 =	vsub.f32 v4, v6;
	v7 =	vmul.f32 $3.000000120e-01, v13;
	v11 =	vmul.f32 $3.000000120e-01, v12  }
0x519: {  	v3 =	vadd.f32 v5, v3;
	v5 =	vmov s11;
	v9 =	vshll.u32 v14, $0x9  }
0x51a: {  	s16 =	simm.s32 $0x0;
	v6 =	vsub.f32 v7, v11;
	v5 =	vshll.u32 v5, $0x3;
	v9 =	vand.u32 $0xFFFFF000, v9  }
0x51b: {  	s15 =	simm.s32 $0x40;
	v5 =	vand.u32 $0xC00, v5;
	v11 =	vshll.u32 v14, $0x7;
	v9 =	vadd.s32 s16, v9  }
0x51c: {  	s13 =	sand.u32 $0x600, s15;
	s17 =	simm.s32 $0x10;
	v12 =	vor.u32 s11, v0;
	v5 =	vor.u32 v5, v9;
	v9 =	vand.u32 $0x380, v11  }
0x51d: {  	s13 =	sadd.s32 $0x0, s13;
	s18 =	sand.u32 $0x70, s17;
	v10 =	vmul.f32 $-4.000000060e-01, v10;
	v11 =	vand.u32 $0x7F, v12;
	v5 =	vor.u32 v9, v5  }
0x51e: {  	s14 =	sor.u32 s18, s13;
	v2 =	vadd.f32 v4, v2;
	v6 =	vmul.f32 v6, v17;
	v4 =	vor.u32 v11, v5  }
0x51f: {  	v3 =	vsub.f32 v3, v8;
	v9 =	vld [tilespmem:s14+$0x10000]  }
0x520: {  	s19 =	sand.u32 $0x1F0, s17;
	s11 =	scvt.s32.f32 s11;
	v5 =	vadd.f32 v10, v6  }
0x521: {  	v2 =	vadd.f32 v3, v2;
	v3 =	vmov s19;
	v6 =	vld [tilespmem:s12+$0x11000]  }
0x522: {  	v3 =	vshll.u32 v3, $0x3;
	v5 =	vsub.f32 v5, v7;
	v7 =	vadd.f32 s11, v1  }
0x523: {  	s15 =	simm.s32 $0x80;
	v11 =	vand.u32 $0xC00, v3;
	v3 =	vld.idx.msk [tilespmem:v4+s1+$0x0], $0xffff  }
0x524: {  	s17 =	simm.s32 $0x20;
	v10 =	vor.u32 s19, v0;
	s11 =	sand.u32 $0x600, s15;
	v8 =	vshll.u32 v9, $0x9;
	v7 =	vmul.f32 $1.953125000e-03, v7  }
0x525: {  	s18 =	sand.u32 $0x70, s17;
	s16 =	simm.s32 $0x0;
	s11 =	sadd.s32 $0x0, s11;
	v2 =	vadd.f32 v5, v2;
	v4 =	vand.u32 $0xFFFFF000, v8;
	v8 =	vshll.u32 v9, $0x7  }
0x526: {  	s11 =	sor.u32 s18, s11;
	v6 =	vcvt.s32.f32 v6;
	v9 =	vand.u32 $0x7F, v10;
	v4 =	vadd.s32 s16, v4  }
0x527: {  	v8 =	vand.u32 $0x380, v8;
	v7 =	vsub.f32 $1.000000000e+00, v7;
	v4 =	vor.u32 v11, v4;
	v11 =	vld [tilespmem:s11+$0x10000]  }
0x528: {  	v5 =	vmul.f32 $1.953125000e-03, v6;
	v4 =	vor.u32 v8, v4;
	v6 =	vmul.f32 $1.442695020e+00, v3  }
0x529: {  	v4 =	vor.u32 v9, v4  }
0x52a: {  	v9 =	vmul.f32 v7, v7;
	(erf) = vpow2.f32 v6  }
0x52b: {  	v12 =	vmul.f32 v5, v7;
	v5 =	vmul.f32 v5, v5  }
0x52c: {  	s12 =	sand.u32 $0x1F0, s17;
	v6 =	vshll.u32 v11, $0x9  }
0x52d: {  	s13 =	scvt.s32.f32 s19;
	v8 =	vmov s12;
	v5 =	vmul.f32 v5, v9;
	v9 =	vand.u32 $0xFFFFF000, v6;
	v6 =	vld [tilespmem:s14+$0x11000]  }
0x52e: {  	v10 =	vshll.u32 v8, $0x3;
	v8 =	vor.u32 s12, v0;
	v13 =	vsub.f32 v7, v12;
	v4 =	vld.idx.msk [tilespmem:v4+s1+$0x0], $0xffff  }
0x52f: {  	s19 =	simm.s32 $0x0;
	s15 =	simm.s32 $0x4;
	v10 =	vand.u32 $0xC00, v10;
	v7 =	vadd.f32 s13, v1;
	v11 =	vshll.u32 v11, $0x7  }
0x530: {  	s16 =	simm.s32 $0xC0;
	s13 =	simm.s32 $0x30;
	s14 =	simm.s32 $0x0;
	v5 =	vmul.f32 $3.000000120e-01, v5;
	v12 =	vadd.s32 s19, v9;
	v9 =	vmul.f32 $3.000000120e-01, v13  }
.LBB2_34:
0x531: {  	p0 =	sne.s32 s15, $0x7F;
	s17 =	sand.u32 $0x600, s16;
	s18 =	sshll.u32 s14, $0x7;
	v13 =	vand.u32 $0x7F, v8;
	v10 =	vor.u32 v10, v12;
	v11 =	vand.u32 $0x380, v11  }
0x532: {  	s19 =	sand.u32 $0x70, s13;
	v7 =	vmul.f32 $1.953125000e-03, v7;
	s17 =	sadd.s32 s18, s17;
	v10 =	vor.u32 v11, v10;
	v9 =	vsub.f32 v5, v9  }
0x533: {  	s17 =	sor.u32 s19, s17;
	v11 =	vor.u32 v13, v10;
	v10 =	vmul.f32 $1.442695020e+00, v4;
	v6 =	vcvt.s32.f32 v6;
	v8 =	vpop (erf)  }
0x534: {  	s18 =	sand.u32 $0x1F0, s13;
	v13 =	vsub.f32 $1.000000000e+00, v7;
	v12 =	vld [tilespmem:s17+$0x10000];
	v7 =	vmul.f32 v9, v8;
	v9 =	vmul.f32 $-4.000000060e-01, v3;
	v3 =	vmovc v4  }
0x535: {  	v8 =	vor.u32 s18, v0;
	v4 =	vmul.f32 $1.953125000e-03, v6;
	(erf) = vpow2.f32 v10  }
0x536: {  	s19 =	scvt.s32.f32 s12;
	s12 =	smov.u32 s18;
	v6 =	vmov s18;
	v14 =	vmul.f32 v13, v13;
	v9 =	vadd.f32 v9, v7  }
.Ltmp16:
0x537: {  	v6 =	vshll.u32 v6, $0x3;
	v15 =	vmul.f32 v4, v13;
	v16 =	vmul.f32 v4, v4;
	(pc) =	sbr.rel @p0 .LBB2_34-.Ltmp16, $4  }
0x538: {  	v7 =	vadd.f32 s19, v1;
	v10 =	vand.u32 $0xC00, v6;
	v4 =	vld.idx.msk [tilespmem:v11+s1+$0x0], $0xffff;
	v5 =	vsub.f32 v9, v5  }
0x539: {  	v9 =	vshll.u32 v12, $0x9;
	v6 =	vld [tilespmem:s11+$0x11000];
	v13 =	vsub.f32 v13, v15;
	v14 =	vmul.f32 v16, v14;
	s11 =	smov.u32 s17  }
0x53a: {  	s13 =	sadd.s32 $0x10, s13;
	s17 =	sshll.u32 s14, $0xD;
	v11 =	vshll.u32 v12, $0x7;
	v9 =	vand.u32 $0xFFFFF000, v9;
	v2 =	vadd.f32 v5, v2  }
0x53b: {  	s16 =	sadd.s32 $0x40, s16;
	s14 =	sshrl.u32 s15, $0x5;
	s15 =	sadd.s32 $0x1, s15;
	v12 =	vadd.s32 s17, v9;
	v5 =	vmul.f32 $3.000000120e-01, v14;
	v9 =	vmul.f32 $3.000000120e-01, v13  }
0x53c: {  	s15 =	sand.u32 $0x600, s16;
	s19 =	sshll.u32 s14, $0x7  }
0x53d: {  	s17 =	sand.u32 $0x70, s13;
	s15 =	sadd.s32 s19, s15  }
0x53e: {  	s15 =	sor.u32 s17, s15  }
0x53f: {  	v13 =	vld [tilespmem:s15+$0x10000];
	_ =	sdelay $0x3  }
0x540: {  	v8 =	vand.u32 $0x7F, v8;
	v10 =	vor.u32 v10, v12;
	s16 =	sand.u32 $0x1F0, s13  }
0x541: {  	v11 =	vand.u32 $0x380, v11;
	v12 =	vmov s16;
	v14 =	vshll.u32 v13, $0x9  }
0x542: {  	v10 =	vor.u32 v11, v10;
	v11 =	vshll.u32 v12, $0x3;
	s17 =	sshll.u32 s14, $0xD;
	v12 =	vand.u32 $0xFFFFF000, v14  }
0x543: {  	v11 =	vand.u32 $0xC00, v11;
	v13 =	vshll.u32 v13, $0x7;
	v12 =	vadd.s32 s17, v12  }
0x544: {  	v14 =	vor.u32 s16, v0;
	v11 =	vor.u32 v11, v12;
	v12 =	vand.u32 $0x380, v13  }
0x545: {  	v8 =	vor.u32 v8, v10;
	v10 =	vand.u32 $0x7F, v14;
	v11 =	vor.u32 v12, v11  }
0x546: {  	v10 =	vor.u32 v10, v11;
	_ =	sdelay $0x3  }
0x547: {  	v8 =	vld.idx.msk [tilespmem:v8+s1+$0x0], $0xffff  }
0x548: {  	v10 =	vld.idx.msk [tilespmem:v10+s1+$0x0], $0xffff;
	_ =	sdelay $0x2  }
0x549: {  	v11 =	vmul.f32 $1.442695020e+00, v4  }
0x54a: {  	v7 =	vmul.f32 $1.953125000e-03, v7;
	v12 =	vmul.f32 $1.442695020e+00, v8  }
0x54b: {  	(erf) = vpow2.f32 v11;
	v11 =	vmul.f32 $1.442695020e+00, v10  }
0x54c: {  	v6 =	vcvt.s32.f32 v6;
	(erf) = vpow2.f32 v12  }
0x54d: {  	v7 =	vsub.f32 $1.000000000e+00, v7;
	(erf) = vpow2.f32 v11  }
0x54e: {  	v6 =	vmul.f32 $1.953125000e-03, v6  }
0x54f: {  	v11 =	vmul.f32 v7, v7  }
0x550: {  	v12 =	vmul.f32 v6, v7;
	v6 =	vmul.f32 v6, v6;
	_ =	sdelay $0x1  }
0x551: {  	s12 =	scvt.s32.f32 s12;
	v13 =	vld [tilespmem:s11+$0x11000];
	v7 =	vsub.f32 v7, v12;
	v6 =	vmul.f32 v6, v11  }
0x552: {  	v11 =	vpop (erf)  }
0x553: {  	v14 =	vadd.f32 s12, v1;
	v7 =	vmul.f32 $3.000000120e-01, v7;
	v6 =	vmul.f32 $3.000000120e-01, v6;
	v12 =	vpop (erf)  }
0x554: {  	s18 =	scvt.s32.f32 s16;
	v16 =	vld [tilespmem:s15+$0x11000];
	v15 =	vpop (erf)  }
0x555: {  	v9 =	vsub.f32 v5, v9;
	v14 =	vmul.f32 $1.953125000e-03, v14;
	v7 =	vsub.f32 v6, v7;
	v17 =	vpop (erf)  }
0x556: {  	v18 =	vadd.f32 s18, v1;
	v13 =	vcvt.s32.f32 v13;
	_ =	swait.ge [sflag:s8], $0x8000  }
0x557: {  	v9 =	vmul.f32 v9, v11;
	v11 =	vsub.f32 $1.000000000e+00, v14;
	v7 =	vmul.f32 v7, v12;
	[sflag:s8] =	ssyncset.done $0x0  }
0x558: {  	v12 =	vmul.f32 $1.953125000e-03, v13;
	v13 =	vmul.f32 $1.953125000e-03, v18;
	[sflag:s8] =	ssyncadd.s32 $0xFFFF8000  }
0x559: {  	v16 =	vcvt.s32.f32 v16;
	v14 =	vmul.f32 v11, v11;
	_ =	swait.ge [sflag:s8], $0x800  }
0x55a: {  	v62 =	vmul.f32 v12, v11;
	v12 =	vmul.f32 v12, v12;
	v13 =	vsub.f32 $1.000000000e+00, v13;
	[sflag:s8] =	ssyncset.done $0x0  }
0x55b: {  	v3 =	vmul.f32 $-4.000000060e-01, v3;
	s19 =	simm.s32 $0x0;
	v16 =	vmul.f32 $1.953125000e-03, v16;
	[sflag:s8] =	ssyncadd.s32 $0xFFFFF800  }
0x55c: {  	s13 =	sand.u32 $0x600, s19;
	v11 =	vsub.f32 v11, v62;
	v12 =	vmul.f32 v12, v14;
	v14 =	vmul.f32 v13, v13;
	_ =	swait.ge [sflag:s8], $0x800  }
0x55d: {  	s14 =	sand.u32 $0x70, s19;
	s12 =	sadd.s32 $0x0, s13;
	v63 =	vmul.f32 v16, v13;
	v16 =	vmul.f32 v16, v16;
	[sflag:s8] =	ssyncset.done $0x0  }
0x55e: {  	s12 =	sor.u32 s14, s12;
	v3 =	vadd.f32 v3, v9;
	v9 =	vmul.f32 $3.000000120e-01, v12;
	v11 =	vmul.f32 $3.000000120e-01, v11;
	[sflag:s8] =	ssyncadd.s32 $0xFFFFF800  }
0x55f: {  	v4 =	vmul.f32 $-4.000000060e-01, v4;
	v12 =	vsub.f32 v13, v63;
	v13 =	vmul.f32 v16, v14;
	v14 =	vld [tilespmem:s12+$0x10800]  }
0x560: {  	v3 =	vsub.f32 v3, v5;
	v5 =	vsub.f32 v9, v11  }
0x561: {  	v4 =	vadd.f32 v4, v7  }
0x562: {  	v2 =	vadd.f32 v3, v2;
	v3 =	vmul.f32 v5, v15;
	v5 =	vmul.f32 $-4.000000060e-01, v8  }
0x563: {  	s11 =	sand.u32 $0x1F0, s19;
	v4 =	vsub.f32 v4, v6;
	v7 =	vmul.f32 $3.000000120e-01, v13;
	v11 =	vmul.f32 $3.000000120e-01, v12  }
0x564: {  	v3 =	vadd.f32 v5, v3;
	v5 =	vmov s11;
	v8 =	vshll.u32 v14, $0x9  }
0x565: {  	s16 =	simm.s32 $0x0;
	v6 =	vsub.f32 v7, v11;
	v5 =	vshll.u32 v5, $0x3;
	v8 =	vand.u32 $0xFFFFF000, v8  }
0x566: {  	s15 =	simm.s32 $0x40;
	v5 =	vand.u32 $0xC00, v5;
	v11 =	vshll.u32 v14, $0x7;
	v8 =	vadd.s32 s16, v8  }
0x567: {  	s17 =	simm.s32 $0x10;
	s13 =	sand.u32 $0x600, s15;
	v12 =	vor.u32 s11, v0;
	v5 =	vor.u32 v5, v8;
	v8 =	vand.u32 $0x380, v11  }
0x568: {  	s18 =	sand.u32 $0x70, s17;
	s13 =	sadd.s32 $0x0, s13;
	v11 =	vand.u32 $0x7F, v12;
	v5 =	vor.u32 v8, v5  }
0x569: {  	s14 =	sor.u32 s18, s13;
	v2 =	vadd.f32 v4, v2;
	v4 =	vor.u32 v11, v5  }
0x56a: {  	v3 =	vsub.f32 v3, v9;
	v8 =	vld [tilespmem:s14+$0x10800]  }
0x56b: {  	s19 =	sand.u32 $0x1F0, s17;
	v10 =	vmul.f32 $-4.000000060e-01, v10;
	v6 =	vmul.f32 v6, v17  }
0x56c: {  	v2 =	vadd.f32 v3, v2;
	v3 =	vmov s19  }
0x56d: {  	s11 =	scvt.s32.f32 s11;
	v3 =	vshll.u32 v3, $0x3;
	v5 =	vadd.f32 v10, v6;
	v6 =	vld [tilespmem:s12+$0x11800]  }
0x56e: {  	v11 =	vand.u32 $0xC00, v3;
	v3 =	vld.idx.msk [tilespmem:v4+s4+$0x0], $0xffff  }
0x56f: {  	v5 =	vsub.f32 v5, v7;
	v7 =	vadd.f32 s11, v1;
	v9 =	vshll.u32 v8, $0x9  }
0x570: {  	s15 =	simm.s32 $0x80;
	s16 =	simm.s32 $0x0;
	v10 =	vor.u32 s19, v0;
	v8 =	vshll.u32 v8, $0x7;
	v4 =	vand.u32 $0xFFFFF000, v9  }
0x571: {  	s17 =	simm.s32 $0x20;
	s11 =	sand.u32 $0x600, s15;
	v7 =	vmul.f32 $1.953125000e-03, v7;
	v2 =	vadd.f32 v5, v2;
	v4 =	vadd.s32 s16, v4  }
0x572: {  	s18 =	sand.u32 $0x70, s17;
	s11 =	sadd.s32 $0x0, s11;
	v8 =	vand.u32 $0x380, v8;
	v6 =	vcvt.s32.f32 v6;
	v4 =	vor.u32 v11, v4  }
0x573: {  	s11 =	sor.u32 s18, s11;
	v9 =	vand.u32 $0x7F, v10;
	v4 =	vor.u32 v8, v4;
	v8 =	vmul.f32 $1.442695020e+00, v3  }
0x574: {  	v10 =	vld [tilespmem:s11+$0x10800];
	v7 =	vsub.f32 $1.000000000e+00, v7;
	v5 =	vmul.f32 $1.953125000e-03, v6;
	v4 =	vor.u32 v9, v4  }
0x575: {  	(erf) = vpow2.f32 v8  }
0x576: {  	s12 =	sand.u32 $0x1F0, s17;
	v12 =	vmul.f32 v5, v7  }
0x577: {  	v6 =	vmov s12;
	v11 =	vmul.f32 v7, v7;
	v5 =	vmul.f32 v5, v5  }
0x578: {  	s13 =	scvt.s32.f32 s19;
	v9 =	vshll.u32 v6, $0x3;
	v6 =	vor.u32 s12, v0;
	v14 =	vsub.f32 v7, v12;
	v7 =	vld [tilespmem:s14+$0x11800]  }
0x579: {  	v9 =	vand.u32 $0xC00, v9;
	v13 =	vshll.u32 v10, $0x9;
	v5 =	vmul.f32 v5, v11;
	v4 =	vld.idx.msk [tilespmem:v4+s4+$0x0], $0xffff  }
0x57a: {  	s19 =	simm.s32 $0x0;
	s15 =	simm.s32 $0x4;
	v12 =	vand.u32 $0xFFFFF000, v13;
	v11 =	vshll.u32 v10, $0x7;
	v8 =	vadd.f32 s13, v1  }
0x57b: {  	s16 =	simm.s32 $0xC0;
	s14 =	simm.s32 $0x0;
	s13 =	simm.s32 $0x30;
	v12 =	vadd.s32 s19, v12;
	v5 =	vmul.f32 $3.000000120e-01, v5;
	v10 =	vmul.f32 $3.000000120e-01, v14  }
.LBB2_36:
0x57c: {  	p0 =	sne.s32 s15, $0x7F;
	s17 =	sand.u32 $0x600, s16;
	s18 =	sshll.u32 s14, $0x7;
	v13 =	vand.u32 $0x7F, v6;
	v9 =	vor.u32 v9, v12;
	v11 =	vand.u32 $0x380, v11  }
0x57d: {  	s19 =	sand.u32 $0x70, s13;
	v8 =	vmul.f32 $1.953125000e-03, v8;
	s17 =	sadd.s32 s18, s17;
	v9 =	vor.u32 v11, v9;
	v10 =	vsub.f32 v5, v10  }
0x57e: {  	s17 =	sor.u32 s19, s17;
	v11 =	vor.u32 v13, v9;
	v9 =	vmul.f32 $1.442695020e+00, v4;
	v7 =	vcvt.s32.f32 v7;
	v6 =	vpop (erf)  }
0x57f: {  	s18 =	sand.u32 $0x1F0, s13;
	v13 =	vsub.f32 $1.000000000e+00, v8;
	v12 =	vld [tilespmem:s17+$0x10800];
	v8 =	vmul.f32 v10, v6;
	v10 =	vmul.f32 $-4.000000060e-01, v3;
	v3 =	vmovc v4  }
0x580: {  	v6 =	vor.u32 s18, v0;
	v4 =	vmul.f32 $1.953125000e-03, v7;
	(erf) = vpow2.f32 v9  }
0x581: {  	s19 =	scvt.s32.f32 s12;
	s12 =	smov.u32 s18;
	v7 =	vmov s18;
	v14 =	vmul.f32 v13, v13;
	v10 =	vadd.f32 v10, v8  }
.Ltmp17:
0x582: {  	v7 =	vshll.u32 v7, $0x3;
	v15 =	vmul.f32 v4, v13;
	v16 =	vmul.f32 v4, v4;
	(pc) =	sbr.rel @p0 .LBB2_36-.Ltmp17, $4  }
0x583: {  	v8 =	vadd.f32 s19, v1;
	v9 =	vand.u32 $0xC00, v7;
	v4 =	vld.idx.msk [tilespmem:v11+s4+$0x0], $0xffff;
	v5 =	vsub.f32 v10, v5  }
0x584: {  	v10 =	vshll.u32 v12, $0x9;
	v7 =	vld [tilespmem:s11+$0x11800];
	v13 =	vsub.f32 v13, v15;
	v14 =	vmul.f32 v16, v14;
	s11 =	smov.u32 s17  }
0x585: {  	s13 =	sadd.s32 $0x10, s13;
	s17 =	sshll.u32 s14, $0xD;
	v11 =	vshll.u32 v12, $0x7;
	v10 =	vand.u32 $0xFFFFF000, v10;
	v2 =	vadd.f32 v5, v2  }
0x586: {  	s16 =	sadd.s32 $0x40, s16;
	s14 =	sshrl.u32 s15, $0x5;
	s15 =	sadd.s32 $0x1, s15;
	v12 =	vadd.s32 s17, v10;
	v5 =	vmul.f32 $3.000000120e-01, v14;
	v10 =	vmul.f32 $3.000000120e-01, v13  }
0x587: {  	s15 =	sand.u32 $0x600, s16;
	s19 =	sshll.u32 s14, $0x7  }
0x588: {  	s17 =	sand.u32 $0x70, s13;
	s15 =	sadd.s32 s19, s15  }
0x589: {  	s15 =	sor.u32 s17, s15  }
0x58a: {  	v13 =	vld [tilespmem:s15+$0x10800];
	_ =	sdelay $0x3  }
0x58b: {  	v9 =	vor.u32 v9, v12;
	v11 =	vand.u32 $0x380, v11;
	v6 =	vand.u32 $0x7F, v6;
	s16 =	sand.u32 $0x1F0, s13  }
0x58c: {  	v9 =	vor.u32 v11, v9;
	v37 =	vmov s16;
	v38 =	vshll.u32 v13, $0x9  }
0x58d: {  	v6 =	vor.u32 v6, v9;
	v9 =	vshll.u32 v37, $0x3;
	s17 =	sshll.u32 s14, $0xD;
	v11 =	vand.u32 $0xFFFFF000, v38  }
0x58e: {  	v9 =	vand.u32 $0xC00, v9;
	v39 =	vshll.u32 v13, $0x7;
	v11 =	vadd.s32 s17, v11  }
0x58f: {  	v40 =	vor.u32 s16, v0;
	v41 =	vand.u32 $0x380, v39;
	v9 =	vor.u32 v9, v11  }
0x590: {  	v8 =	vmul.f32 $1.953125000e-03, v8;
	s18 =	scvt.s32.f32 s16;
	v42 =	vand.u32 $0x7F, v40;
	v9 =	vor.u32 v41, v9  }
0x591: {  	v10 =	vsub.f32 v5, v10;
	v7 =	vcvt.s32.f32 v7;
	v9 =	vor.u32 v42, v9  }
0x592: {  	s12 =	scvt.s32.f32 s12;
	v44 =	vmul.f32 $1.442695020e+00, v4;
	v8 =	vsub.f32 $1.000000000e+00, v8;
	v14 =	vpop (erf);
	v46 =	vld [tilespmem:s15+$0x11800];
	v49 =	vadd.f32 s18, v1  }
0x593: {  	v43 =	vld [tilespmem:s11+$0x11800];
	v10 =	vmul.f32 v10, v14;
	v7 =	vmul.f32 $1.953125000e-03, v7  }
0x594: {  	v16 =	vadd.f32 s12, v1;
	v45 =	vmul.f32 v8, v8;
	v50 =	vmul.f32 $1.953125000e-03, v49;
	v6 =	vld.idx.msk [tilespmem:v6+s4+$0x0], $0xffff  }
0x595: {  	v15 =	vmul.f32 v7, v8;
	v7 =	vmul.f32 v7, v7  }
0x596: {  	(erf) = vpow2.f32 v44;
	v47 =	vmul.f32 $1.953125000e-03, v16;
	v14 =	vsub.f32 $1.000000000e+00, v50;
	v9 =	vld.idx.msk [tilespmem:v9+s4+$0x0], $0xffff  }
0x597: {  	v7 =	vmul.f32 v7, v45;
	v12 =	vcvt.s32.f32 v46  }
0x598: {  	v13 =	vsub.f32 $1.000000000e+00, v47;
	v53 =	vmul.f32 v14, v14;
	v11 =	vcvt.s32.f32 v43  }
0x599: {  	v7 =	vmul.f32 $3.000000120e-01, v7;
	v48 =	vmul.f32 $1.442695020e+00, v6  }
0x59a: {  	v51 =	vmul.f32 v13, v13;
	v11 =	vmul.f32 $1.953125000e-03, v11  }
0x59b: {  	(erf) = vpow2.f32 v48;
	v52 =	vmul.f32 $1.442695020e+00, v9  }
0x59c: {  	v8 =	vsub.f32 v8, v15;
	v12 =	vmul.f32 $1.953125000e-03, v12;
	v17 =	vmul.f32 v11, v13  }
0x59d: {  	v11 =	vmul.f32 v11, v11;
	(erf) = vpow2.f32 v52  }
0x59e: {  	v8 =	vmul.f32 $3.000000120e-01, v8;
	v18 =	vmul.f32 v12, v12  }
0x59f: {  	v12 =	vmul.f32 v12, v14;
	v13 =	vsub.f32 v13, v17;
	v11 =	vmul.f32 v11, v51  }
0x5a0: {  	v3 =	vmul.f32 $-4.000000060e-01, v3;
	v8 =	vsub.f32 v7, v8;
	v54 =	vmul.f32 v18, v53  }
0x5a1: {  	v55 =	vpop (erf);
	v12 =	vsub.f32 v14, v12;
	v11 =	vmul.f32 $3.000000120e-01, v11;
	v13 =	vmul.f32 $3.000000120e-01, v13  }
0x5a2: {  	v56 =	vmul.f32 $-4.000000060e-01, v4;
	v3 =	vadd.f32 v3, v10;
	v8 =	vmul.f32 v8, v55  }
0x5a3: {  	v58 =	vmul.f32 $3.000000120e-01, v54;
	v12 =	vmul.f32 $3.000000120e-01, v12;
	v57 =	vsub.f32 v11, v13  }
0x5a4: {  	v3 =	vsub.f32 v3, v5;
	v4 =	vadd.f32 v56, v8;
	v59 =	vpop (erf)  }
0x5a5: {  	v6 =	vmul.f32 $-4.000000060e-01, v6;
	v61 =	vsub.f32 v58, v12;
	v60 =	vmul.f32 v57, v59  }
0x5a6: {  	v2 =	vadd.f32 v3, v2;
	v3 =	vsub.f32 v4, v7;
	v62 =	vpop (erf)  }
0x5a7: {  	v63 =	vmul.f32 $-4.000000060e-01, v9;
	v5 =	vadd.f32 v6, v60;
	v4 =	vmul.f32 v61, v62  }
0x5a8: {  	v2 =	vadd.f32 v3, v2  }
0x5a9: {  	v3 =	vsub.f32 v5, v11;
	v4 =	vadd.f32 v63, v4;
	_ =	sdelay $0x1  }
0x5aa: {  	v2 =	vadd.f32 v3, v2;
	v3 =	vsub.f32 v4, v58;
	_ =	sdelay $0x1  }
0x5ab: {  	s10 =	sadd.s32 $0x1, s10;
	v2 =	vadd.f32 v3, v2  }
0x5ac: {  	p0 =	sne.s32 s10, s28  }
.Ltmp18:
0x5ad: {  	s19 =	simm.s32 $0x12000;
	[tilespmem:$0x12000] =	vst v2;
	(pc) =	sbr.rel @p0 .LBB2_1-.Ltmp18, $4  }
0x5ae: {  	[hbm4b:s26+s1] =	stream.linear.scatter [tilespmem:s19], [sflag:$0x3], $0x80, $0x38;
	[tilespmem:$0x12080] =	vst v63  }
0x5af: {  	_ =	swait.ge [sflag:s9], $0x80  }
0x5b0: {  	[sflag:s9] =	ssyncset.done $0x0  }
0x5b1: {  	[sflag:s9] =	ssyncadd.s32 $0xFFFFFF80  }
0x5b2: {  	_ =	sfence.sel $0x180000  }
0x5b3: {  	[bflag:$0x0] =	sbarrier.arrive $0xFFFF  }
0x5b4: {  	_ =	strace $0x90000047  }
0x5b5: {  	s0 =	stileid.u32;
	[bflag:$0x2] =	sbarrier.arrive $0xFFFF  }
0x5b6: {  	p0 =	sne.s32 s0, $0x0;
	s0 =	rddreg [dreg:$0x4]  }
0x5b7: {  	s0 =	sadd.s32 @!p0 $0x100000, s0  }
0x5b8: {  	[sflag:s0] =	ssyncadd.tile.s32 @!p0 $0x1;
	_ =	shalt  }
.Lfunc_end2:
_tile_overlayer_lowered:
.L_overlay_start_2:
0x5b9: {  	(tag) =	ssettag $0x2  }
0x5ba: {  	s0 =	rddreg [dreg:$0x0];
	s2 =	stileid.u32  }
0x5bb: {  	s1 =	rddreg [dreg:$0x1];
	p0 =	sne.s32 s2, $0x0  }
0x5bc: {  	s3 =	rddreg [dreg:$0x2];
	[bflag:$0x3] =	sbarrier.arrive $0xFFFF;
	s2 =	simm.s32 @!p0 $0x1C03  }
0x5bd: {  	[timem:s3], [sflag:s2] =	dma.local @!p0 [hbm:s0], s1  }
0x5be: {  	s0 =	simm.s32 @!p0 $0x3  }
0x5bf: {  	_ =	swait.ge @!p0 [sflag:s0], s1  }
0x5c0: {  	s1 =	ssub.s32 @!p0 $0x0, s1;
	[sflag:s0] =	ssyncset.done @!p0 $0x0  }
0x5c1: {  	[sflag:s0] =	ssyncadd.s32 @!p0 s1  }
0x5c2: {  	[bflag:$0x3] =	sbarrier.arrive $0xFFFF  }
0x5c3: {  	_ =	shalt  }

</sc_bundles>
